<compile_context>
chip_gen: v7x
topology: tpu7x:2x2x1
jax: 0.10.2.dev20260603
libtpu: 0.0.44.dev20260713+nightly
codegen_flags: <defaults>
</compile_context>

<pallas_src>
import functools

import numpy as np

import jax
import jax.numpy as jnp
from jax import lax
from jax.experimental import pallas as pl
from jax.experimental.pallas import tpu as pltpu
from jax.experimental.pallas import tpu_sc as plsc

N = 10000
E = 320000
D = 128
ED = 16
NP = 10240
NC = 2
NS = 16
NW = NC * NS
EPW = E // NW
EB = 80
NB = EPW // EB
RPT = NP // NS
ZR = 16
F32 = jnp.float32

_mesh = plsc.VectorSubcoreMesh(core_axis_name="c", subcore_axis_name="s")

_IDXL = np.array([32 * (j // 16) + (j % 16) for j in range(D // 2)],
                 dtype=np.int32)
_IDXH = _IDXL + 16


@functools.partial(
    pl.kernel,
    out_type=jax.ShapeDtypeStruct((NC, 1, NP), F32),
    mesh=_mesh,
    scratch_types=[
        pltpu.VMEM_SHARED((NP,), F32),
        pltpu.VMEM((NB, EB), jnp.int32),
        pltpu.VMEM((EB,), F32),
        pltpu.VMEM((RPT,), F32),
        pltpu.SemaphoreType.DMA,
    ],
)
def _deg_sc(col_hbm, deg_hbm, acc, colb, ones, zbuf, si):
    cid = lax.axis_index("c")
    sid = lax.axis_index("s")
    wid = sid * NC + cid
    pltpu.async_copy(col_hbm.at[wid], colb, si)
    for k in range(RPT // 16):
        zbuf[pl.ds(k * 16, 16)] = jnp.zeros((16,), F32)
    for k in range(EB // 16):
        ones[pl.ds(k * 16, 16)] = jnp.full((16,), 1.0, F32)
    pltpu.sync_copy(zbuf, acc.at[pl.ds(sid * RPT, RPT)])
    pltpu.make_async_copy(col_hbm.at[wid], colb, si).wait()
    plsc.subcore_barrier()

    def blk(i, _):
        pltpu.sync_copy(ones, acc.at[colb.at[i]], add=True)
        return 0

    lax.fori_loop(0, NB, blk, 0)
    plsc.subcore_barrier()
    s = pl.ds(sid * RPT, RPT)
    pltpu.sync_copy(acc.at[s], zbuf)
    pltpu.sync_copy(zbuf, deg_hbm.at[cid, 0, s])


@functools.partial(
    pl.kernel,
    out_type=jax.ShapeDtypeStruct((NC, NP, D), F32),
    mesh=_mesh,
    scratch_types=[
        pltpu.VMEM_SHARED((NP, D), F32),
        [pltpu.VMEM((EB,), jnp.int32)] * 2,
        [pltpu.VMEM((EB,), jnp.int32)] * 2,
        [pltpu.VMEM((EB, D), F32)] * 2,
        [pltpu.VMEM((EB, D // 2), jnp.int32)] * 2,
        pltpu.VMEM((ZR, D), F32),
        [pltpu.SemaphoreType.DMA] * 2,
        [pltpu.SemaphoreType.DMA] * 2,
        [pltpu.SemaphoreType.DMA] * 2,
    ],
)
def _mp_sc(h_hbm, m_hbm, row_hbm, col_hbm, out_hbm, acc, rowv, colv, rows, mv,
           zb, sg, sm, si):
    cid = lax.axis_index("c")
    sid = lax.axis_index("s")
    wid = sid * NC + cid
    base = wid * EPW

    def zrow(r, _):
        for c in range(D // 16):
            zb[r, pl.ds(c * 16, 16)] = jnp.zeros((16,), F32)
        return 0

    lax.fori_loop(0, ZR, zrow, 0)

    def zcopy(k, _):
        pltpu.sync_copy(zb, acc.at[pl.ds(sid * RPT + k * ZR, ZR)])
        return 0

    lax.fori_loop(0, RPT // ZR, zcopy, 0)
    plsc.subcore_barrier()

    def idx_copies(i, t):
        sl = pl.ds(base + i * EB, EB)
        return (pltpu.make_async_copy(row_hbm.at[sl], rowv[t], si[t]),
                pltpu.make_async_copy(col_hbm.at[sl], colv[t], si[t]))

    def g_copy(t):
        return pltpu.make_async_copy(h_hbm.at[rowv[t]], rows[t], sg[t])

    def m_copy(i, t):
        return pltpu.make_async_copy(m_hbm.at[wid * NB + i], mv[t], sm[t])

    for c in idx_copies(0, 0):
        c.start()
        c.wait()
    g_copy(0).start()
    m_copy(0, 0).start()
    for c in idx_copies(1, 1):
        c.start()

    def slot(i, s, t):
        g_copy(s).wait()
        m_copy(i, s).wait()

        @pl.when(i + 1 < NB)
        def _():
            for c in idx_copies(i + 1, t):
                c.wait()
            g_copy(t).start()
            m_copy(i + 1, t).start()

        def mul(b, _):
            for g in range(D // 32):
                w = mv[s][b, pl.ds(16 * g, 16)]
                lo = lax.bitcast_convert_type(w << 16, F32)
                hi = lax.bitcast_convert_type(w & jnp.int32(-65536), F32)
                sl = pl.ds(32 * g, 16)
                sh = pl.ds(32 * g + 16, 16)
                rows[s][b, sl] = rows[s][b, sl] * lo
                rows[s][b, sh] = rows[s][b, sh] * hi
            return 0

        lax.fori_loop(0, EB, mul, 0)
        pltpu.sync_copy(rows[s], acc.at[colv[s]], add=True)

        @pl.when(i + 2 < NB)
        def _():
            for c in idx_copies(i + 2, s):
                c.start()

    def ring(k, _):
        i0 = 2 * k
        slot(i0, 0, 1)

        @pl.when(i0 + 1 < NB)
        def _():
            slot(i0 + 1, 1, 0)

        return 0

    lax.fori_loop(0, (NB + 1) // 2, ring, 0)
    plsc.subcore_barrier()

    def wb(k, _):
        s = pl.ds(sid * RPT + k * ZR, ZR)
        pltpu.sync_copy(acc.at[s], zb)
        pltpu.sync_copy(zb, out_hbm.at[cid, s])
        return 0

    lax.fori_loop(0, RPT // ZR, wb, 0)


def _dis_of(deg_ref):
    deg = deg_ref[0, :] + deg_ref[1, :]
    return jnp.where(deg > 0, lax.rsqrt(deg), 0.0)


def _bf16_bits_rne(x):
    b = lax.bitcast_convert_type(x, jnp.uint32)
    return (b + jnp.uint32(0x7FFF) + ((b >> 16) & jnp.uint32(1))) >> 16


def _m_body(ea_ref, we_ref, be_ref, ewl_ref, ebl_ref, ewh_ref, ebh_ref,
            o_ref):
    ef = lax.dot_general(ea_ref[...], we_ref[...], (((1,), (0,)), ((), ())),
                         preferred_element_type=F32)
    ef = ef + be_ref[...][None, :]
    mlo = lax.dot_general(ef, ewl_ref[...], (((1,), (1,)), ((), ())),
                          preferred_element_type=F32) + ebl_ref[...][None, :]
    mhi = lax.dot_general(ef, ewh_ref[...], (((1,), (1,)), ((), ())),
                          preferred_element_type=F32) + ebh_ref[...][None, :]
    w = _bf16_bits_rne(mlo) | (_bf16_bits_rne(mhi) << 16)
    o_ref[...] = lax.bitcast_convert_type(w, jnp.int32)


def _h0_body(x_ref, lw_ref, lb_ref, deg_ref, o_ref):
    h = lax.dot_general(x_ref[...], lw_ref[...], (((1,), (1,)), ((), ())),
                        preferred_element_type=F32)
    h = h + lb_ref[...][None, :]
    o_ref[...] = h * _dis_of(deg_ref)[:, None]


def _hmid_body(p_ref, deg_ref, g_ref, b_ref, lw_ref, lb_ref, o_ref):
    dis = _dis_of(deg_ref)
    y = (p_ref[0] + p_ref[1]) * dis[:, None]
    y = jnp.maximum(y, 0.0)
    mu = jnp.mean(y, axis=-1, keepdims=True)
    var = jnp.mean((y - mu) ** 2, axis=-1, keepdims=True)
    z = (y - mu) / jnp.sqrt(var + 1e-5) * g_ref[...][None, :] + b_ref[...][None, :]
    h = lax.dot_general(z, lw_ref[...], (((1,), (1,)), ((), ())),
                        preferred_element_type=F32)
    h = h + lb_ref[...][None, :]
    o_ref[...] = h * dis[:, None]


def _out_body(p_ref, deg_ref, o_ref):
    o_ref[...] = (p_ref[0] + p_ref[1]) * _dis_of(deg_ref)[:, None]


_BE = 2000
_BN = 1024

_full = lambda shape: pl.BlockSpec(shape, lambda i: (0,) * len(shape))


def _m_tc(ea, we, be, ew, eb):
    return pl.pallas_call(
        _m_body,
        grid=(E // _BE,),
        in_specs=[
            pl.BlockSpec((_BE, ED), lambda i: (i, 0)),
            _full((ED, ED)), _full((ED,)),
            _full((D // 2, ED)), _full((D // 2,)),
            _full((D // 2, ED)), _full((D // 2,)),
        ],
        out_specs=pl.BlockSpec((_BE, D // 2), lambda i: (i, 0)),
        out_shape=jax.ShapeDtypeStruct((E, D // 2), jnp.int32),
    )(ea, we, be, ew[_IDXL], eb[_IDXL], ew[_IDXH], eb[_IDXH])


def _h0_tc(x, lw, lb, degp):
    return pl.pallas_call(
        _h0_body,
        grid=(NP // _BN,),
        in_specs=[
            pl.BlockSpec((_BN, D), lambda i: (i, 0)),
            _full((D, D)), _full((D,)),
            pl.BlockSpec((NC, _BN), lambda i: (0, i)),
        ],
        out_specs=pl.BlockSpec((_BN, D), lambda i: (i, 0)),
        out_shape=jax.ShapeDtypeStruct((NP, D), F32),
    )(x, lw, lb, degp)


def _hmid_tc(part, degp, g, b, lw, lb):
    return pl.pallas_call(
        _hmid_body,
        grid=(NP // _BN,),
        in_specs=[
            pl.BlockSpec((NC, _BN, D), lambda i: (0, i, 0)),
            pl.BlockSpec((NC, _BN), lambda i: (0, i)),
            _full((D,)), _full((D,)), _full((D, D)), _full((D,)),
        ],
        out_specs=pl.BlockSpec((_BN, D), lambda i: (i, 0)),
        out_shape=jax.ShapeDtypeStruct((NP, D), F32),
    )(part, degp, g, b, lw, lb)


def _out_tc(part, degp):
    return pl.pallas_call(
        _out_body,
        grid=(NP // _BN,),
        in_specs=[
            pl.BlockSpec((NC, _BN, D), lambda i: (0, i, 0)),
            pl.BlockSpec((NC, _BN), lambda i: (0, i)),
        ],
        out_specs=pl.BlockSpec((_BN, D), lambda i: (i, 0)),
        out_shape=jax.ShapeDtypeStruct((NP, D), F32),
    )(part, degp)


def kernel(x, edge_index, edge_attr, edge_weight, edge_bias,
           lin_w0, lin_b0, et_w0, et_b0,
           lin_w1, lin_b1, et_w1, et_b1,
           lin_w2, lin_b2, et_w2, et_b2,
           ln_g0, ln_b0, ln_g1, ln_b1):
    row = edge_index[0]
    col = edge_index[1]
    x_pad = jnp.pad(x, ((0, NP - N), (0, 0)))
    degp = _deg_sc(col.reshape(NW, NB, EB)).reshape(NC, NP)
    h = _h0_tc(x_pad, lin_w0, lin_b0, degp)
    ews = [et_w0, et_w1, et_w2]
    ebs = [et_b0, et_b1, et_b2]
    lws = [lin_w1, lin_w2]
    lbs = [lin_b1, lin_b2]
    lgs = [ln_g0, ln_g1]
    lnb = [ln_b0, ln_b1]
    part = None
    for i in range(3):
        m32 = _m_tc(edge_attr, edge_weight, edge_bias, ews[i], ebs[i])
        part = _mp_sc(h, m32.reshape(E // EB, EB, D // 2), row, col)
        if i < 2:
            h = _hmid_tc(part, degp, lgs[i], lnb[i], lws[i], lbs[i])
    return _out_tc(part, degp)[:N]

# --- scband reference (transcript-rebuilt; emitter-appended) ---
"""Pipeline reference for scband-edge-gcn-3453153706429 (READ-ONLY COPY).

The authoritative reference and input builder live on the scoring server;
editing this copy changes nothing except your own understanding.
"""

import jax, jax.numpy as jnp
import numpy as np

N = 10000
E = 320000
D = 128
ED = 16
L = 3


def setup_inputs(seed: int = 0) -> dict:
    key = jax.random.key(seed)
    ks = jax.random.split(key, 24)
    inp = {}
    inp["x"] = jax.random.normal(ks[0], (N, D), dtype=jnp.float32)
    inp["edge_index"] = jax.random.randint(ks[1], (2, E), 0, N, dtype=jnp.int32)
    inp["edge_attr"] = jax.random.normal(ks[2], (E, ED), dtype=jnp.float32)
    # EdgeGCN top-level edge params
    inp["edge_weight"] = jax.random.normal(ks[3], (ED, ED), dtype=jnp.float32) * 0.25
    inp["edge_bias"] = jnp.zeros((ED,), dtype=jnp.float32)
    # per-layer params (torch nn.Linear convention: weight [out, in])
    for i in range(L):
        inp[f"lin_w{i}"] = jax.random.normal(ks[4 + 4 * i], (D, D), dtype=jnp.float32) * 0.05
        inp[f"lin_b{i}"] = jnp.zeros((D,), dtype=jnp.float32)
        inp[f"et_w{i}"] = jax.random.normal(ks[5 + 4 * i], (D, ED), dtype=jnp.float32) * 0.1
        inp[f"et_b{i}"] = jnp.zeros((D,), dtype=jnp.float32)
    for i in range(L - 1):
        inp[f"ln_g{i}"] = jnp.ones((D,), dtype=jnp.float32)
        inp[f"ln_b{i}"] = jnp.zeros((D,), dtype=jnp.float32)
    return inp


def _layer(x, edge_index, edge_features, lw, lb, ew, eb):
    x = x @ lw.T + lb
    ef = edge_features @ ew.T + eb
    row, col = edge_index[0], edge_index[1]
    deg = jnp.zeros((x.shape[0],), dtype=x.dtype).at[col].add(1.0)
    deg_inv_sqrt = jnp.where(deg > 0, deg ** -0.5, 0.0)
    norm = deg_inv_sqrt[row] * deg_inv_sqrt[col]
    messages = x[row] * ef
    messages = norm[:, None] * messages
    out = jnp.zeros_like(x).at[col].add(messages)
    return out


def _layernorm(x, g, b, eps=1e-5):
    m = jnp.mean(x, axis=-1, keepdims=True)
    v = jnp.var(x, axis=-1, keepdims=True)
    return (x - m) / jnp.sqrt(v + eps) * g + b


def reference(x, edge_index, edge_attr, edge_weight, edge_bias,
              lin_w0, lin_b0, et_w0, et_b0,
              lin_w1, lin_b1, et_w1, et_b1,
              lin_w2, lin_b2, et_w2, et_b2,
              ln_g0, ln_b0, ln_g1, ln_b1):
    edge_features = edge_attr @ edge_weight + edge_bias
    lws = [lin_w0, lin_w1, lin_w2]
    lbs = [lin_b0, lin_b1, lin_b2]
    ews = [et_w0, et_w1, et_w2]
    ebs = [et_b0, et_b1, et_b2]
    lgs = [ln_g0, ln_g1]
    lnb = [ln_b0, ln_b1]
    for i in range(L):
        x = _layer(x, edge_index, edge_features, lws[i], lbs[i], ews[i], ebs[i])
        if i < L - 1:
            x = jax.nn.relu(x)
            x = _layernorm(x, lgs[i], lnb[i])
            # dropout is identity in eval mode
    return x

if __name__ == "__main__":
    import jax
    _d = setup_inputs()
    print(jax.jit(kernel)(*tuple(_d.values())))

</pallas_src>

<mosaic_0001>
#map = affine_map<(d0, d1) -> (0, 0)>
#map1 = affine_map<(d0, d1) -> (0, 0, 0)>
#map2 = affine_map<(d0, d1) -> (0)>
module attributes {stable_mosaic.version = 14 : i64} {
  func.func @_mp_sc(%arg0: i32, %arg1: i32, %arg2: memref<10240x128xf32, #tpu.memory_space<hbm>>, %arg3: memref<4000x80x64xi32, #tpu.memory_space<hbm>>, %arg4: memref<320000xi32, #tpu.memory_space<hbm>>, %arg5: memref<320000xi32, #tpu.memory_space<hbm>>, %arg6: memref<2x10240x128xf32, #tpu.memory_space<hbm>>, %arg7: memref<10240x128xf32, #tpu.memory_space<vmem_shared>>, %arg8: memref<80xi32, #tpu.memory_space<vmem>>, %arg9: memref<80xi32, #tpu.memory_space<vmem>>, %arg10: memref<80xi32, #tpu.memory_space<vmem>>, %arg11: memref<80xi32, #tpu.memory_space<vmem>>, %arg12: memref<80x128xf32, #tpu.memory_space<vmem>>, %arg13: memref<80x128xf32, #tpu.memory_space<vmem>>, %arg14: memref<80x64xi32, #tpu.memory_space<vmem>>, %arg15: memref<80x64xi32, #tpu.memory_space<vmem>>, %arg16: memref<16x128xf32, #tpu.memory_space<vmem>>, %arg17: memref<!tpu.dma_semaphore, #tpu.memory_space<semaphore_mem>>, %arg18: memref<!tpu.dma_semaphore, #tpu.memory_space<semaphore_mem>>, %arg19: memref<!tpu.dma_semaphore, #tpu.memory_space<semaphore_mem>>, %arg20: memref<!tpu.dma_semaphore, #tpu.memory_space<semaphore_mem>>, %arg21: memref<!tpu.dma_semaphore, #tpu.memory_space<semaphore_mem>>, %arg22: memref<!tpu.dma_semaphore, #tpu.memory_space<semaphore_mem>>) attributes {dimension_semantics = [#tpu.dimension_semantics<core_parallel>, #tpu.dimension_semantics<subcore_parallel>], iteration_bounds = array<i64: 2, 16>, scalar_prefetch = 0 : i64, scratch_operands = 16 : i64, tpu.core_type = #tpu.core_type<sc_vector_subcore>, window_params = [{transform_indices = #map}, {transform_indices = #map1}, {transform_indices = #map2}, {transform_indices = #map2}, {transform_indices = #map1}]} {
    %mul3A = arith.constant 2 : i32
    %mul3A_0 = arith.muli %arg1, %mul3A : i32
    %add3A = arith.addi %mul3A_0, %arg0 : i32
    %mul3A_1 = arith.constant 10000 : i32
    %mul3A_2 = arith.muli %add3A, %mul3A_1 : i32
    %scan3A = arith.constant 0 : i32
    %scan3A_3 = arith.constant 0 : i32
    %scan3A_4 = arith.constant 16 : i32
    %scan3A_5 = arith.addi %scan3A_3, %scan3A_4 : i32
    %scan3A_6 = arith.constant 1 : i32
    %scan3A_7 = scf.for %scan3A_60 = %scan3A_3 to %scan3A_5 step %scan3A_6 iter_args(%scan3A_61 = %scan3A) -> (i32)  : i32 {
      %broadcast_in_dim3A = arith.constant 0.000000e+00 : f32
      %broadcast_in_dim3A_62 = vector.broadcast %broadcast_in_dim3A : f32 to vector<16xf32>
      %swap3A = arith.index_cast %scan3A_60 : i32 to index
      %swap3A_63 = arith.constant 0 : index
      %swap3A_64 = tpu.vector_load %arg16[%swap3A, %swap3A_63] {strides = array<i32>} : memref<16x128xf32, #tpu.memory_space<vmem>>, vector<1x16xf32>,
      %swap3A_65 = vector.shape_cast %swap3A_64 : vector<1x16xf32> to vector<16xf32>
      %swap3A_66 = vector.shape_cast %broadcast_in_dim3A_62 : vector<16xf32> to vector<1x16xf32>
      tpu.vector_store %arg16[%swap3A, %swap3A_63], %swap3A_66 {strides = array<i32>} : memref<16x128xf32, #tpu.memory_space<vmem>>, vector<1x16xf32>,
      %broadcast_in_dim3A_67 = arith.constant 0.000000e+00 : f32
      %broadcast_in_dim3A_68 = vector.broadcast %broadcast_in_dim3A_67 : f32 to vector<16xf32>
      %swap3A_69 = arith.index_cast %scan3A_60 : i32 to index
      %swap3A_70 = arith.constant 16 : index
      %swap3A_71 = tpu.vector_load %arg16[%swap3A_69, %swap3A_70] {strides = array<i32>} : memref<16x128xf32, #tpu.memory_space<vmem>>, vector<1x16xf32>,
      %swap3A_72 = vector.shape_cast %swap3A_71 : vector<1x16xf32> to vector<16xf32>
      %swap3A_73 = vector.shape_cast %broadcast_in_dim3A_68 : vector<16xf32> to vector<1x16xf32>
      tpu.vector_store %arg16[%swap3A_69, %swap3A_70], %swap3A_73 {strides = array<i32>} : memref<16x128xf32, #tpu.memory_space<vmem>>, vector<1x16xf32>,
      %broadcast_in_dim3A_74 = arith.constant 0.000000e+00 : f32
      %broadcast_in_dim3A_75 = vector.broadcast %broadcast_in_dim3A_74 : f32 to vector<16xf32>
      %swap3A_76 = arith.index_cast %scan3A_60 : i32 to index
      %swap3A_77 = arith.constant 32 : index
      %swap3A_78 = tpu.vector_load %arg16[%swap3A_76, %swap3A_77] {strides = array<i32>} : memref<16x128xf32, #tpu.memory_space<vmem>>, vector<1x16xf32>,
      %swap3A_79 = vector.shape_cast %swap3A_78 : vector<1x16xf32> to vector<16xf32>
      %swap3A_80 = vector.shape_cast %broadcast_in_dim3A_75 : vector<16xf32> to vector<1x16xf32>
      tpu.vector_store %arg16[%swap3A_76, %swap3A_77], %swap3A_80 {strides = array<i32>} : memref<16x128xf32, #tpu.memory_space<vmem>>, vector<1x16xf32>,
      %broadcast_in_dim3A_81 = arith.constant 0.000000e+00 : f32
      %broadcast_in_dim3A_82 = vector.broadcast %broadcast_in_dim3A_81 : f32 to vector<16xf32>
      %swap3A_83 = arith.index_cast %scan3A_60 : i32 to index
      %swap3A_84 = arith.constant 48 : index
      %swap3A_85 = tpu.vector_load %arg16[%swap3A_83, %swap3A_84] {strides = array<i32>} : memref<16x128xf32, #tpu.memory_space<vmem>>, vector<1x16xf32>,
      %swap3A_86 = vector.shape_cast %swap3A_85 : vector<1x16xf32> to vector<16xf32>
      %swap3A_87 = vector.shape_cast %broadcast_in_dim3A_82 : vector<16xf32> to vector<1x16xf32>
      tpu.vector_store %arg16[%swap3A_83, %swap3A_84], %swap3A_87 {strides = array<i32>} : memref<16x128xf32, #tpu.memory_space<vmem>>, vector<1x16xf32>,
      %broadcast_in_dim3A_88 = arith.constant 0.000000e+00 : f32
      %broadcast_in_dim3A_89 = vector.broadcast %broadcast_in_dim3A_88 : f32 to vector<16xf32>
      %swap3A_90 = arith.index_cast %scan3A_60 : i32 to index
      %swap3A_91 = arith.constant 64 : index
      %swap3A_92 = tpu.vector_load %arg16[%swap3A_90, %swap3A_91] {strides = array<i32>} : memref<16x128xf32, #tpu.memory_space<vmem>>, vector<1x16xf32>,
      %swap3A_93 = vector.shape_cast %swap3A_92 : vector<1x16xf32> to vector<16xf32>
      %swap3A_94 = vector.shape_cast %broadcast_in_dim3A_89 : vector<16xf32> to vector<1x16xf32>
      tpu.vector_store %arg16[%swap3A_90, %swap3A_91], %swap3A_94 {strides = array<i32>} : memref<16x128xf32, #tpu.memory_space<vmem>>, vector<1x16xf32>,
      %broadcast_in_dim3A_95 = arith.constant 0.000000e+00 : f32
      %broadcast_in_dim3A_96 = vector.broadcast %broadcast_in_dim3A_95 : f32 to vector<16xf32>
      %swap3A_97 = arith.index_cast %scan3A_60 : i32 to index
      %swap3A_98 = arith.constant 80 : index
      %swap3A_99 = tpu.vector_load %arg16[%swap3A_97, %swap3A_98] {strides = array<i32>} : memref<16x128xf32, #tpu.memory_space<vmem>>, vector<1x16xf32>,
      %swap3A_100 = vector.shape_cast %swap3A_99 : vector<1x16xf32> to vector<16xf32>
      %swap3A_101 = vector.shape_cast %broadcast_in_dim3A_96 : vector<16xf32> to vector<1x16xf32>
      tpu.vector_store %arg16[%swap3A_97, %swap3A_98], %swap3A_101 {strides = array<i32>} : memref<16x128xf32, #tpu.memory_space<vmem>>, vector<1x16xf32>,
      %broadcast_in_dim3A_102 = arith.constant 0.000000e+00 : f32
      %broadcast_in_dim3A_103 = vector.broadcast %broadcast_in_dim3A_102 : f32 to vector<16xf32>
      %swap3A_104 = arith.index_cast %scan3A_60 : i32 to index
      %swap3A_105 = arith.constant 96 : index
      %swap3A_106 = tpu.vector_load %arg16[%swap3A_104, %swap3A_105] {strides = array<i32>} : memref<16x128xf32, #tpu.memory_space<vmem>>, vector<1x16xf32>,
      %swap3A_107 = vector.shape_cast %swap3A_106 : vector<1x16xf32> to vector<16xf32>
      %swap3A_108 = vector.shape_cast %broadcast_in_dim3A_103 : vector<16xf32> to vector<1x16xf32>
      tpu.vector_store %arg16[%swap3A_104, %swap3A_105], %swap3A_108 {strides = array<i32>} : memref<16x128xf32, #tpu.memory_space<vmem>>, vector<1x16xf32>,
      %broadcast_in_dim3A_109 = arith.constant 0.000000e+00 : f32
      %broadcast_in_dim3A_110 = vector.broadcast %broadcast_in_dim3A_109 : f32 to vector<16xf32>
      %swap3A_111 = arith.index_cast %scan3A_60 : i32 to index
      %swap3A_112 = arith.constant 112 : index
      %swap3A_113 = tpu.vector_load %arg16[%swap3A_111, %swap3A_112] {strides = array<i32>} : memref<16x128xf32, #tpu.memory_space<vmem>>, vector<1x16xf32>,
      %swap3A_114 = vector.shape_cast %swap3A_113 : vector<1x16xf32> to vector<16xf32>
      %swap3A_115 = vector.shape_cast %broadcast_in_dim3A_110 : vector<16xf32> to vector<1x16xf32>
      tpu.vector_store %arg16[%swap3A_111, %swap3A_112], %swap3A_115 {strides = array<i32>} : memref<16x128xf32, #tpu.memory_space<vmem>>, vector<1x16xf32>,
      %scan3A_116 = arith.constant 0 : i32
      scf.yield %scan3A_116 : i32
    }
    %scan3A_8 = arith.constant 16 : i32
    %scan3A_9 = arith.constant 0 : i32
    %scan3A_10 = arith.constant 0 : i32
    %scan3A_11 = arith.constant 40 : i32
    %scan3A_12 = arith.addi %scan3A_10, %scan3A_11 : i32
    %scan3A_13 = arith.constant 1 : i32
    %scan3A_14 = scf.for %scan3A_60 = %scan3A_10 to %scan3A_12 step %scan3A_13 iter_args(%scan3A_61 = %scan3A_9) -> (i32)  : i32 {
      %mul3A_62 = arith.constant 640 : i32
      %mul3A_63 = arith.muli %arg1, %mul3A_62 : i32
      %mul3A_64 = arith.constant 16 : i32
      %mul3A_65 = arith.muli %scan3A_60, %mul3A_64 : i32
      %add3A_66 = arith.addi %mul3A_63, %mul3A_65 : i32
      "tpu.region"() ({
        %run_scoped3A = tpu.sem_alloc : memref<!tpu.dma_semaphore, #tpu.memory_space<semaphore_mem>>
        %dma_start3A_68 = arith.constant 0 : i32
        %dma_start3A_69 = tpu.memref_slice %arg7[%add3A_66, %dma_start3A_68] : memref<10240x128xf32, #tpu.memory_space<vmem_shared>> -> memref<16x128xf32, #tpu.memory_space<vmem_shared>>
        %dma_start3A_70 = arith.constant 0 : i32
        %dma_start3A_71 = tpu.memref_slice %arg7[%add3A_66, %dma_start3A_70] : memref<10240x128xf32, #tpu.memory_space<vmem_shared>> -> memref<16x128xf32, #tpu.memory_space<vmem_shared>>
        tpu.enqueue_dma source(%arg16 : memref<16x128xf32, #tpu.memory_space<vmem>>) target(%dma_start3A_71 : memref<16x128xf32, #tpu.memory_space<vmem_shared>>) target_semaphore(%run_scoped3A : memref<!tpu.dma_semaphore, #tpu.memory_space<semaphore_mem>>)
        %dma_wait3A_72 = arith.constant 0 : i32
        %dma_wait3A_73 = tpu.memref_slice %arg7[%add3A_66, %dma_wait3A_72] : memref<10240x128xf32, #tpu.memory_space<vmem_shared>> -> memref<16x128xf32, #tpu.memory_space<vmem_shared>>
        %dma_wait3A_74 = arith.constant 0 : i32
        %dma_wait3A_75 = tpu.memref_slice %arg7[%add3A_66, %dma_wait3A_74] : memref<10240x128xf32, #tpu.memory_space<vmem_shared>> -> memref<16x128xf32, #tpu.memory_space<vmem_shared>>
        tpu.wait_dma2 semaphore(%run_scoped3A : memref<!tpu.dma_semaphore, #tpu.memory_space<semaphore_mem>>) src(%arg16 : memref<16x128xf32, #tpu.memory_space<vmem>>) dst(%dma_wait3A_75 : memref<16x128xf32, #tpu.memory_space<vmem_shared>>)
        tpu.yield
      }) : () -> ()
      %scan3A_67 = arith.constant 0 : i32
      scf.yield %scan3A_67 : i32
    }
    %scan3A_15 = arith.constant 40 : i32
    %barrier3A = arith.constant 0 : index
    tpu.barrier barrier_id(%barrier3A)
    %add3A_16 = arith.constant 0 : i32
    %add3A_17 = arith.addi %mul3A_2, %add3A_16 : i32
    %dma_start3A = tpu.memref_slice %arg4[%add3A_17] : memref<320000xi32, #tpu.memory_space<hbm>> -> memref<80xi32, #tpu.memory_space<hbm>>
    %dma_start3A_18 = tpu.memref_slice %arg4[%add3A_17] : memref<320000xi32, #tpu.memory_space<hbm>> -> memref<80xi32, #tpu.memory_space<hbm>>
    tpu.enqueue_dma source(%dma_start3A_18 : memref<80xi32, #tpu.memory_space<hbm>>) target(%arg8 : memref<80xi32, #tpu.memory_space<vmem>>) target_semaphore(%arg21 : memref<!tpu.dma_semaphore, #tpu.memory_space<semaphore_mem>>)
    %dma_wait3A = tpu.memref_slice %arg4[%add3A_17] : memref<320000xi32, #tpu.memory_space<hbm>> -> memref<80xi32, #tpu.memory_space<hbm>>
    %dma_wait3A_19 = tpu.memref_slice %arg4[%add3A_17] : memref<320000xi32, #tpu.memory_space<hbm>> -> memref<80xi32, #tpu.memory_space<hbm>>
    tpu.wait_dma2 semaphore(%arg21 : memref<!tpu.dma_semaphore, #tpu.memory_space<semaphore_mem>>) src(%dma_wait3A_19 : memref<80xi32, #tpu.memory_space<hbm>>) dst(%arg8 : memref<80xi32, #tpu.memory_space<vmem>>)
    %dma_start3A_20 = tpu.memref_slice %arg5[%add3A_17] : memref<320000xi32, #tpu.memory_space<hbm>> -> memref<80xi32, #tpu.memory_space<hbm>>
    %dma_start3A_21 = tpu.memref_slice %arg5[%add3A_17] : memref<320000xi32, #tpu.memory_space<hbm>> -> memref<80xi32, #tpu.memory_space<hbm>>
    tpu.enqueue_dma source(%dma_start3A_21 : memref<80xi32, #tpu.memory_space<hbm>>) target(%arg10 : memref<80xi32, #tpu.memory_space<vmem>>) target_semaphore(%arg21 : memref<!tpu.dma_semaphore, #tpu.memory_space<semaphore_mem>>)
    %dma_wait3A_22 = tpu.memref_slice %arg5[%add3A_17] : memref<320000xi32, #tpu.memory_space<hbm>> -> memref<80xi32, #tpu.memory_space<hbm>>
    %dma_wait3A_23 = tpu.memref_slice %arg5[%add3A_17] : memref<320000xi32, #tpu.memory_space<hbm>> -> memref<80xi32, #tpu.memory_space<hbm>>
    tpu.wait_dma2 semaphore(%arg21 : memref<!tpu.dma_semaphore, #tpu.memory_space<semaphore_mem>>) src(%dma_wait3A_23 : memref<80xi32, #tpu.memory_space<hbm>>) dst(%arg10 : memref<80xi32, #tpu.memory_space<vmem>>)
    %dma_start3A_24 = arith.constant 0 : i32
    %dma_start3A_25 = arith.constant 0 : i32
    %dma_start3A_26 = tpu.memref_slice %arg2[%dma_start3A_24, %dma_start3A_25] : memref<10240x128xf32, #tpu.memory_space<hbm>> -> memref<10240x128xf32, #tpu.memory_space<hbm>>
    tpu.enqueue_indirect_dma source(%dma_start3A_26 : memref<10240x128xf32, #tpu.memory_space<hbm>>) target(%arg12 : memref<80x128xf32, #tpu.memory_space<vmem>>) offsets(%arg8 : memref<80xi32, #tpu.memory_space<vmem>>) semaphore(%arg17 : memref<!tpu.dma_semaphore, #tpu.memory_space<semaphore_mem>>)
    %mul3A_27 = arith.constant 125 : i32
    %mul3A_28 = arith.muli %add3A, %mul3A_27 : i32
    %add3A_29 = arith.constant 0 : i32
    %add3A_30 = arith.addi %mul3A_28, %add3A_29 : i32
    %dma_start3A_31 = arith.constant 0 : i32
    %dma_start3A_32 = arith.constant 0 : i32
    %dma_start3A_33 = tpu.memref_slice %arg3[%add3A_30, %dma_start3A_31, %dma_start3A_32] : memref<4000x80x64xi32, #tpu.memory_space<hbm>> -> memref<1x80x64xi32, #tpu.memory_space<hbm>>
    %dma_start3A_34 = tpu.memref_squeeze %dma_start3A_33 : memref<1x80x64xi32, #tpu.memory_space<hbm>> -> memref<80x64xi32, #tpu.memory_space<hbm>>
    %dma_start3A_35 = arith.constant 0 : i32
    %dma_start3A_36 = arith.constant 0 : i32
    %dma_start3A_37 = tpu.memref_slice %arg3[%add3A_30, %dma_start3A_35, %dma_start3A_36] : memref<4000x80x64xi32, #tpu.memory_space<hbm>> -> memref<1x80x64xi32, #tpu.memory_space<hbm>>
    %dma_start3A_38 = tpu.memref_squeeze %dma_start3A_37 : memref<1x80x64xi32, #tpu.memory_space<hbm>> -> memref<80x64xi32, #tpu.memory_space<hbm>>
    tpu.enqueue_dma source(%dma_start3A_38 : memref<80x64xi32, #tpu.memory_space<hbm>>) target(%arg14 : memref<80x64xi32, #tpu.memory_space<vmem>>) target_semaphore(%arg19 : memref<!tpu.dma_semaphore, #tpu.memory_space<semaphore_mem>>)
    %add3A_39 = arith.constant 80 : i32
    %add3A_40 = arith.addi %mul3A_2, %add3A_39 : i32
    %dma_start3A_41 = tpu.memref_slice %arg4[%add3A_40] : memref<320000xi32, #tpu.memory_space<hbm>> -> memref<80xi32, #tpu.memory_space<hbm>>
    %dma_start3A_42 = tpu.memref_slice %arg4[%add3A_40] : memref<320000xi32, #tpu.memory_space<hbm>> -> memref<80xi32, #tpu.memory_space<hbm>>
    tpu.enqueue_dma source(%dma_start3A_42 : memref<80xi32, #tpu.memory_space<hbm>>) target(%arg9 : memref<80xi32, #tpu.memory_space<vmem>>) target_semaphore(%arg22 : memref<!tpu.dma_semaphore, #tpu.memory_space<semaphore_mem>>)
    %dma_start3A_43 = tpu.memref_slice %arg5[%add3A_40] : memref<320000xi32, #tpu.memory_space<hbm>> -> memref<80xi32, #tpu.memory_space<hbm>>
    %dma_start3A_44 = tpu.memref_slice %arg5[%add3A_40] : memref<320000xi32, #tpu.memory_space<hbm>> -> memref<80xi32, #tpu.memory_space<hbm>>
    tpu.enqueue_dma source(%dma_start3A_44 : memref<80xi32, #tpu.memory_space<hbm>>) target(%arg11 : memref<80xi32, #tpu.memory_space<vmem>>) target_semaphore(%arg22 : memref<!tpu.dma_semaphore, #tpu.memory_space<semaphore_mem>>)
    %scan3A_45 = arith.constant 0 : i32
    %scan3A_46 = arith.constant 0 : i32
    %scan3A_47 = arith.constant 63 : i32
    %scan3A_48 = arith.addi %scan3A_46, %scan3A_47 : i32
    %scan3A_49 = arith.constant 1 : i32
    %scan3A_50 = scf.for %scan3A_60 = %scan3A_46 to %scan3A_48 step %scan3A_49 iter_args(%scan3A_61 = %scan3A_45) -> (i32)  : i32 {
      %mul3A_62 = arith.constant 2 : i32
      %mul3A_63 = arith.muli %mul3A_62, %scan3A_60 : i32
      %dma_wait3A_64 = arith.constant 0 : i32
      %dma_wait3A_65 = arith.constant 0 : i32
      %dma_wait3A_66 = tpu.memref_slice %arg2[%dma_wait3A_64, %dma_wait3A_65] : memref<10240x128xf32, #tpu.memory_space<hbm>> -> memref<10240x128xf32, #tpu.memory_space<hbm>>
      tpu.wait_indirect_dma semaphore(%arg17 : memref<!tpu.dma_semaphore, #tpu.memory_space<semaphore_mem>>) src(%dma_wait3A_66 : memref<10240x128xf32, #tpu.memory_space<hbm>>) dst(%arg12 : memref<80x128xf32, #tpu.memory_space<vmem>>)
      %mul3A_67 = arith.constant 125 : i32
      %mul3A_68 = arith.muli %add3A, %mul3A_67 : i32
      %add3A_69 = arith.addi %mul3A_68, %mul3A_63 : i32
      %dma_wait3A_70 = arith.constant 0 : i32
      %dma_wait3A_71 = arith.constant 0 : i32
      %dma_wait3A_72 = tpu.memref_slice %arg3[%add3A_69, %dma_wait3A_70, %dma_wait3A_71] : memref<4000x80x64xi32, #tpu.memory_space<hbm>> -> memref<1x80x64xi32, #tpu.memory_space<hbm>>
      %dma_wait3A_73 = tpu.memref_squeeze %dma_wait3A_72 : memref<1x80x64xi32, #tpu.memory_space<hbm>> -> memref<80x64xi32, #tpu.memory_space<hbm>>
      %dma_wait3A_74 = arith.constant 0 : i32
      %dma_wait3A_75 = arith.constant 0 : i32
      %dma_wait3A_76 = tpu.memref_slice %arg3[%add3A_69, %dma_wait3A_74, %dma_wait3A_75] : memref<4000x80x64xi32, #tpu.memory_space<hbm>> -> memref<1x80x64xi32, #tpu.memory_space<hbm>>
      %dma_wait3A_77 = tpu.memref_squeeze %dma_wait3A_76 : memref<1x80x64xi32, #tpu.memory_space<hbm>> -> memref<80x64xi32, #tpu.memory_space<hbm>>
      tpu.wait_dma2 semaphore(%arg19 : memref<!tpu.dma_semaphore, #tpu.memory_space<semaphore_mem>>) src(%dma_wait3A_77 : memref<80x64xi32, #tpu.memory_space<hbm>>) dst(%arg14 : memref<80x64xi32, #tpu.memory_space<vmem>>)
      %add3A_78 = arith.constant 1 : i32
      %add3A_79 = arith.addi %mul3A_63, %add3A_78 : i32
      %lt3A = arith.constant 125 : i32
      %lt3A_80 = arith.cmpi slt, %add3A_79, %lt3A : i32
      %convert_element_type3A = arith.extui %lt3A_80 : i1 to i32
      %cond3A = arith.constant 0 : i32
      %cond3A_81 = arith.cmpi ne, %convert_element_type3A, %cond3A : i32
      scf.if %cond3A_81 {
        %add3A_104 = arith.constant 1 : i32
        %add3A_105 = arith.addi %mul3A_63, %add3A_104 : i32
        %mul3A_106 = arith.constant 80 : i32
        %mul3A_107 = arith.muli %add3A_105, %mul3A_106 : i32
        %add3A_108 = arith.addi %mul3A_2, %mul3A_107 : i32
        %dma_wait3A_109 = tpu.memref_slice %arg4[%add3A_108] : memref<320000xi32, #tpu.memory_space<hbm>> -> memref<80xi32, #tpu.memory_space<hbm>>
        %dma_wait3A_110 = tpu.memref_slice %arg4[%add3A_108] : memref<320000xi32, #tpu.memory_space<hbm>> -> memref<80xi32, #tpu.memory_space<hbm>>
        tpu.wait_dma2 semaphore(%arg22 : memref<!tpu.dma_semaphore, #tpu.memory_space<semaphore_mem>>) src(%dma_wait3A_110 : memref<80xi32, #tpu.memory_space<hbm>>) dst(%arg9 : memref<80xi32, #tpu.memory_space<vmem>>)
        %dma_wait3A_111 = tpu.memref_slice %arg5[%add3A_108] : memref<320000xi32, #tpu.memory_space<hbm>> -> memref<80xi32, #tpu.memory_space<hbm>>
        %dma_wait3A_112 = tpu.memref_slice %arg5[%add3A_108] : memref<320000xi32, #tpu.memory_space<hbm>> -> memref<80xi32, #tpu.memory_space<hbm>>
        tpu.wait_dma2 semaphore(%arg22 : memref<!tpu.dma_semaphore, #tpu.memory_space<semaphore_mem>>) src(%dma_wait3A_112 : memref<80xi32, #tpu.memory_space<hbm>>) dst(%arg11 : memref<80xi32, #tpu.memory_space<vmem>>)
        %dma_start3A_113 = arith.constant 0 : i32
        %dma_start3A_114 = arith.constant 0 : i32
        %dma_start3A_115 = tpu.memref_slice %arg2[%dma_start3A_113, %dma_start3A_114] : memref<10240x128xf32, #tpu.memory_space<hbm>> -> memref<10240x128xf32, #tpu.memory_space<hbm>>
        tpu.enqueue_indirect_dma source(%dma_start3A_115 : memref<10240x128xf32, #tpu.memory_space<hbm>>) target(%arg13 : memref<80x128xf32, #tpu.memory_space<vmem>>) offsets(%arg9 : memref<80xi32, #tpu.memory_space<vmem>>) semaphore(%arg18 : memref<!tpu.dma_semaphore, #tpu.memory_space<semaphore_mem>>)
        %add3A_116 = arith.constant 1 : i32
        %add3A_117 = arith.addi %mul3A_63, %add3A_116 : i32
        %mul3A_118 = arith.constant 125 : i32
        %mul3A_119 = arith.muli %add3A, %mul3A_118 : i32
        %add3A_120 = arith.addi %mul3A_119, %add3A_117 : i32
        %dma_start3A_121 = arith.constant 0 : i32
        %dma_start3A_122 = arith.constant 0 : i32
        %dma_start3A_123 = tpu.memref_slice %arg3[%add3A_120, %dma_start3A_121, %dma_start3A_122] : memref<4000x80x64xi32, #tpu.memory_space<hbm>> -> memref<1x80x64xi32, #tpu.memory_space<hbm>>
        %dma_start3A_124 = tpu.memref_squeeze %dma_start3A_123 : memref<1x80x64xi32, #tpu.memory_space<hbm>> -> memref<80x64xi32, #tpu.memory_space<hbm>>
        %dma_start3A_125 = arith.constant 0 : i32
        %dma_start3A_126 = arith.constant 0 : i32
        %dma_start3A_127 = tpu.memref_slice %arg3[%add3A_120, %dma_start3A_125, %dma_start3A_126] : memref<4000x80x64xi32, #tpu.memory_space<hbm>> -> memref<1x80x64xi32, #tpu.memory_space<hbm>>
        %dma_start3A_128 = tpu.memref_squeeze %dma_start3A_127 : memref<1x80x64xi32, #tpu.memory_space<hbm>> -> memref<80x64xi32, #tpu.memory_space<hbm>>
        tpu.enqueue_dma source(%dma_start3A_128 : memref<80x64xi32, #tpu.memory_space<hbm>>) target(%arg15 : memref<80x64xi32, #tpu.memory_space<vmem>>) target_semaphore(%arg20 : memref<!tpu.dma_semaphore, #tpu.memory_space<semaphore_mem>>)
      } else {
      }
      %scan3A_82 = arith.constant 0 : i32
      %scan3A_83 = arith.constant 0 : i32
      %scan3A_84 = arith.constant 80 : i32
      %scan3A_85 = arith.addi %scan3A_83, %scan3A_84 : i32
      %scan3A_86 = arith.constant 1 : i32
      %scan3A_87 = scf.for %scan3A_104 = %scan3A_83 to %scan3A_85 step %scan3A_86 iter_args(%scan3A_105 = %scan3A_82) -> (i32)  : i32 {
        %get3A = arith.index_cast %scan3A_104 : i32 to index
        %get3A_106 = arith.constant 0 : index
        %get3A_107 = tpu.vector_load %arg14[%get3A, %get3A_106] {strides = array<i32>} : memref<80x64xi32, #tpu.memory_space<vmem>>, vector<1x16xi32>,
        %get3A_108 = vector.shape_cast %get3A_107 : vector<1x16xi32> to vector<16xi32>
        %shift_left3A = arith.constant 16 : i32
        %shift_left3A_109 = vector.broadcast %shift_left3A : i32 to vector<16xi32>
        %shift_left3A_110 = arith.shli %get3A_108, %shift_left3A_109 : vector<16xi32>
        %bitcast_convert_type3A = tpu.bitcast %shift_left3A_110 : vector<16xi32> -> vector<16xf32>
        %and3A = arith.constant -65536 : i32
        %and3A_111 = vector.broadcast %and3A : i32 to vector<16xi32>
        %and3A_112 = arith.andi %get3A_108, %and3A_111 : vector<16xi32>
        %bitcast_convert_type3A_113 = tpu.bitcast %and3A_112 : vector<16xi32> -> vector<16xf32>
        %get3A_114 = arith.index_cast %scan3A_104 : i32 to index
        %get3A_115 = arith.constant 0 : index
        %get3A_116 = tpu.vector_load %arg12[%get3A_114, %get3A_115] {strides = array<i32>} : memref<80x128xf32, #tpu.memory_space<vmem>>, vector<1x16xf32>,
        %get3A_117 = vector.shape_cast %get3A_116 : vector<1x16xf32> to vector<16xf32>
        %mul3A_118 = arith.mulf %get3A_117, %bitcast_convert_type3A : vector<16xf32>
        %swap3A = arith.index_cast %scan3A_104 : i32 to index
        %swap3A_119 = arith.constant 0 : index
        %swap3A_120 = tpu.vector_load %arg12[%swap3A, %swap3A_119] {strides = array<i32>} : memref<80x128xf32, #tpu.memory_space<vmem>>, vector<1x16xf32>,
        %swap3A_121 = vector.shape_cast %swap3A_120 : vector<1x16xf32> to vector<16xf32>
        %swap3A_122 = vector.shape_cast %mul3A_118 : vector<16xf32> to vector<1x16xf32>
        tpu.vector_store %arg12[%swap3A, %swap3A_119], %swap3A_122 {strides = array<i32>} : memref<80x128xf32, #tpu.memory_space<vmem>>, vector<1x16xf32>,
        %get3A_123 = arith.index_cast %scan3A_104 : i32 to index
        %get3A_124 = arith.constant 16 : index
        %get3A_125 = tpu.vector_load %arg12[%get3A_123, %get3A_124] {strides = array<i32>} : memref<80x128xf32, #tpu.memory_space<vmem>>, vector<1x16xf32>,
        %get3A_126 = vector.shape_cast %get3A_125 : vector<1x16xf32> to vector<16xf32>
        %mul3A_127 = arith.mulf %get3A_126, %bitcast_convert_type3A_113 : vector<16xf32>
        %swap3A_128 = arith.index_cast %scan3A_104 : i32 to index
        %swap3A_129 = arith.constant 16 : index
        %swap3A_130 = tpu.vector_load %arg12[%swap3A_128, %swap3A_129] {strides = array<i32>} : memref<80x128xf32, #tpu.memory_space<vmem>>, vector<1x16xf32>,
        %swap3A_131 = vector.shape_cast %swap3A_130 : vector<1x16xf32> to vector<16xf32>
        %swap3A_132 = vector.shape_cast %mul3A_127 : vector<16xf32> to vector<1x16xf32>
        tpu.vector_store %arg12[%swap3A_128, %swap3A_129], %swap3A_132 {strides = array<i32>} : memref<80x128xf32, #tpu.memory_space<vmem>>, vector<1x16xf32>,
        %get3A_133 = arith.index_cast %scan3A_104 : i32 to index
        %get3A_134 = arith.constant 16 : index
        %get3A_135 = tpu.vector_load %arg14[%get3A_133, %get3A_134] {strides = array<i32>} : memref<80x64xi32, #tpu.memory_space<vmem>>, vector<1x16xi32>,
        %get3A_136 = vector.shape_cast %get3A_135 : vector<1x16xi32> to vector<16xi32>
        %shift_left3A_137 = arith.constant 16 : i32
        %shift_left3A_138 = vector.broadcast %shift_left3A_137 : i32 to vector<16xi32>
        %shift_left3A_139 = arith.shli %get3A_136, %shift_left3A_138 : vector<16xi32>
        %bitcast_convert_type3A_140 = tpu.bitcast %shift_left3A_139 : vector<16xi32> -> vector<16xf32>
        %and3A_141 = arith.constant -65536 : i32
        %and3A_142 = vector.broadcast %and3A_141 : i32 to vector<16xi32>
        %and3A_143 = arith.andi %get3A_136, %and3A_142 : vector<16xi32>
        %bitcast_convert_type3A_144 = tpu.bitcast %and3A_143 : vector<16xi32> -> vector<16xf32>
        %get3A_145 = arith.index_cast %scan3A_104 : i32 to index
        %get3A_146 = arith.constant 32 : index
        %get3A_147 = tpu.vector_load %arg12[%get3A_145, %get3A_146] {strides = array<i32>} : memref<80x128xf32, #tpu.memory_space<vmem>>, vector<1x16xf32>,
        %get3A_148 = vector.shape_cast %get3A_147 : vector<1x16xf32> to vector<16xf32>
        %mul3A_149 = arith.mulf %get3A_148, %bitcast_convert_type3A_140 : vector<16xf32>
        %swap3A_150 = arith.index_cast %scan3A_104 : i32 to index
        %swap3A_151 = arith.constant 32 : index
        %swap3A_152 = tpu.vector_load %arg12[%swap3A_150, %swap3A_151] {strides = array<i32>} : memref<80x128xf32, #tpu.memory_space<vmem>>, vector<1x16xf32>,
        %swap3A_153 = vector.shape_cast %swap3A_152 : vector<1x16xf32> to vector<16xf32>
        %swap3A_154 = vector.shape_cast %mul3A_149 : vector<16xf32> to vector<1x16xf32>
        tpu.vector_store %arg12[%swap3A_150, %swap3A_151], %swap3A_154 {strides = array<i32>} : memref<80x128xf32, #tpu.memory_space<vmem>>, vector<1x16xf32>,
        %get3A_155 = arith.index_cast %scan3A_104 : i32 to index
        %get3A_156 = arith.constant 48 : index
        %get3A_157 = tpu.vector_load %arg12[%get3A_155, %get3A_156] {strides = array<i32>} : memref<80x128xf32, #tpu.memory_space<vmem>>, vector<1x16xf32>,
        %get3A_158 = vector.shape_cast %get3A_157 : vector<1x16xf32> to vector<16xf32>
        %mul3A_159 = arith.mulf %get3A_158, %bitcast_convert_type3A_144 : vector<16xf32>
        %swap3A_160 = arith.index_cast %scan3A_104 : i32 to index
        %swap3A_161 = arith.constant 48 : index
        %swap3A_162 = tpu.vector_load %arg12[%swap3A_160, %swap3A_161] {strides = array<i32>} : memref<80x128xf32, #tpu.memory_space<vmem>>, vector<1x16xf32>,
        %swap3A_163 = vector.shape_cast %swap3A_162 : vector<1x16xf32> to vector<16xf32>
        %swap3A_164 = vector.shape_cast %mul3A_159 : vector<16xf32> to vector<1x16xf32>
        tpu.vector_store %arg12[%swap3A_160, %swap3A_161], %swap3A_164 {strides = array<i32>} : memref<80x128xf32, #tpu.memory_space<vmem>>, vector<1x16xf32>,
        %get3A_165 = arith.index_cast %scan3A_104 : i32 to index
        %get3A_166 = arith.constant 32 : index
        %get3A_167 = tpu.vector_load %arg14[%get3A_165, %get3A_166] {strides = array<i32>} : memref<80x64xi32, #tpu.memory_space<vmem>>, vector<1x16xi32>,
        %get3A_168 = vector.shape_cast %get3A_167 : vector<1x16xi32> to vector<16xi32>
        %shift_left3A_169 = arith.constant 16 : i32
        %shift_left3A_170 = vector.broadcast %shift_left3A_169 : i32 to vector<16xi32>
        %shift_left3A_171 = arith.shli %get3A_168, %shift_left3A_170 : vector<16xi32>
        %bitcast_convert_type3A_172 = tpu.bitcast %shift_left3A_171 : vector<16xi32> -> vector<16xf32>
        %and3A_173 = arith.constant -65536 : i32
        %and3A_174 = vector.broadcast %and3A_173 : i32 to vector<16xi32>
        %and3A_175 = arith.andi %get3A_168, %and3A_174 : vector<16xi32>
        %bitcast_convert_type3A_176 = tpu.bitcast %and3A_175 : vector<16xi32> -> vector<16xf32>
        %get3A_177 = arith.index_cast %scan3A_104 : i32 to index
        %get3A_178 = arith.constant 64 : index
        %get3A_179 = tpu.vector_load %arg12[%get3A_177, %get3A_178] {strides = array<i32>} : memref<80x128xf32, #tpu.memory_space<vmem>>, vector<1x16xf32>,
        %get3A_180 = vector.shape_cast %get3A_179 : vector<1x16xf32> to vector<16xf32>
        %mul3A_181 = arith.mulf %get3A_180, %bitcast_convert_type3A_172 : vector<16xf32>
        %swap3A_182 = arith.index_cast %scan3A_104 : i32 to index
        %swap3A_183 = arith.constant 64 : index
        %swap3A_184 = tpu.vector_load %arg12[%swap3A_182, %swap3A_183] {strides = array<i32>} : memref<80x128xf32, #tpu.memory_space<vmem>>, vector<1x16xf32>,
        %swap3A_185 = vector.shape_cast %swap3A_184 : vector<1x16xf32> to vector<16xf32>
        %swap3A_186 = vector.shape_cast %mul3A_181 : vector<16xf32> to vector<1x16xf32>
        tpu.vector_store %arg12[%swap3A_182, %swap3A_183], %swap3A_186 {strides = array<i32>} : memref<80x128xf32, #tpu.memory_space<vmem>>, vector<1x16xf32>,
        %get3A_187 = arith.index_cast %scan3A_104 : i32 to index
        %get3A_188 = arith.constant 80 : index
        %get3A_189 = tpu.vector_load %arg12[%get3A_187, %get3A_188] {strides = array<i32>} : memref<80x128xf32, #tpu.memory_space<vmem>>, vector<1x16xf32>,
        %get3A_190 = vector.shape_cast %get3A_189 : vector<1x16xf32> to vector<16xf32>
        %mul3A_191 = arith.mulf %get3A_190, %bitcast_convert_type3A_176 : vector<16xf32>
        %swap3A_192 = arith.index_cast %scan3A_104 : i32 to index
        %swap3A_193 = arith.constant 80 : index
        %swap3A_194 = tpu.vector_load %arg12[%swap3A_192, %swap3A_193] {strides = array<i32>} : memref<80x128xf32, #tpu.memory_space<vmem>>, vector<1x16xf32>,
        %swap3A_195 = vector.shape_cast %swap3A_194 : vector<1x16xf32> to vector<16xf32>
        %swap3A_196 = vector.shape_cast %mul3A_191 : vector<16xf32> to vector<1x16xf32>
        tpu.vector_store %arg12[%swap3A_192, %swap3A_193], %swap3A_196 {strides = array<i32>} : memref<80x128xf32, #tpu.memory_space<vmem>>, vector<1x16xf32>,
        %get3A_197 = arith.index_cast %scan3A_104 : i32 to index
        %get3A_198 = arith.constant 48 : index
        %get3A_199 = tpu.vector_load %arg14[%get3A_197, %get3A_198] {strides = array<i32>} : memref<80x64xi32, #tpu.memory_space<vmem>>, vector<1x16xi32>,
        %get3A_200 = vector.shape_cast %get3A_199 : vector<1x16xi32> to vector<16xi32>
        %shift_left3A_201 = arith.constant 16 : i32
        %shift_left3A_202 = vector.broadcast %shift_left3A_201 : i32 to vector<16xi32>
        %shift_left3A_203 = arith.shli %get3A_200, %shift_left3A_202 : vector<16xi32>
        %bitcast_convert_type3A_204 = tpu.bitcast %shift_left3A_203 : vector<16xi32> -> vector<16xf32>
        %and3A_205 = arith.constant -65536 : i32
        %and3A_206 = vector.broadcast %and3A_205 : i32 to vector<16xi32>
        %and3A_207 = arith.andi %get3A_200, %and3A_206 : vector<16xi32>
        %bitcast_convert_type3A_208 = tpu.bitcast %and3A_207 : vector<16xi32> -> vector<16xf32>
        %get3A_209 = arith.index_cast %scan3A_104 : i32 to index
        %get3A_210 = arith.constant 96 : index
        %get3A_211 = tpu.vector_load %arg12[%get3A_209, %get3A_210] {strides = array<i32>} : memref<80x128xf32, #tpu.memory_space<vmem>>, vector<1x16xf32>,
        %get3A_212 = vector.shape_cast %get3A_211 : vector<1x16xf32> to vector<16xf32>
        %mul3A_213 = arith.mulf %get3A_212, %bitcast_convert_type3A_204 : vector<16xf32>
        %swap3A_214 = arith.index_cast %scan3A_104 : i32 to index
        %swap3A_215 = arith.constant 96 : index
        %swap3A_216 = tpu.vector_load %arg12[%swap3A_214, %swap3A_215] {strides = array<i32>} : memref<80x128xf32, #tpu.memory_space<vmem>>, vector<1x16xf32>,
        %swap3A_217 = vector.shape_cast %swap3A_216 : vector<1x16xf32> to vector<16xf32>
        %swap3A_218 = vector.shape_cast %mul3A_213 : vector<16xf32> to vector<1x16xf32>
        tpu.vector_store %arg12[%swap3A_214, %swap3A_215], %swap3A_218 {strides = array<i32>} : memref<80x128xf32, #tpu.memory_space<vmem>>, vector<1x16xf32>,
        %get3A_219 = arith.index_cast %scan3A_104 : i32 to index
        %get3A_220 = arith.constant 112 : index
        %get3A_221 = tpu.vector_load %arg12[%get3A_219, %get3A_220] {strides = array<i32>} : memref<80x128xf32, #tpu.memory_space<vmem>>, vector<1x16xf32>,
        %get3A_222 = vector.shape_cast %get3A_221 : vector<1x16xf32> to vector<16xf32>
        %mul3A_223 = arith.mulf %get3A_222, %bitcast_convert_type3A_208 : vector<16xf32>
        %swap3A_224 = arith.index_cast %scan3A_104 : i32 to index
        %swap3A_225 = arith.constant 112 : index
        %swap3A_226 = tpu.vector_load %arg12[%swap3A_224, %swap3A_225] {strides = array<i32>} : memref<80x128xf32, #tpu.memory_space<vmem>>, vector<1x16xf32>,
        %swap3A_227 = vector.shape_cast %swap3A_226 : vector<1x16xf32> to vector<16xf32>
        %swap3A_228 = vector.shape_cast %mul3A_223 : vector<16xf32> to vector<1x16xf32>
        tpu.vector_store %arg12[%swap3A_224, %swap3A_225], %swap3A_228 {strides = array<i32>} : memref<80x128xf32, #tpu.memory_space<vmem>>, vector<1x16xf32>,
        %scan3A_229 = arith.constant 0 : i32
        scf.yield %scan3A_229 : i32
      }
      %scan3A_88 = arith.constant 80 : i32
      "tpu.region"() ({
        %run_scoped3A = tpu.sem_alloc : memref<!tpu.dma_semaphore, #tpu.memory_space<semaphore_mem>>
        %dma_start3A_104 = arith.constant 0 : i32
        %dma_start3A_105 = arith.constant 0 : i32
        %dma_start3A_106 = tpu.memref_slice %arg7[%dma_start3A_104, %dma_start3A_105] : memref<10240x128xf32, #tpu.memory_space<vmem_shared>> -> memref<10240x128xf32, #tpu.memory_space<vmem_shared>>
        tpu.enqueue_indirect_dma source(%arg12 : memref<80x128xf32, #tpu.memory_space<vmem>>) target(%dma_start3A_106 : memref<10240x128xf32, #tpu.memory_space<vmem_shared>>) offsets(%arg10 : memref<80xi32, #tpu.memory_space<vmem>>) semaphore(%run_scoped3A : memref<!tpu.dma_semaphore, #tpu.memory_space<semaphore_mem>>) {add = true}
        %dma_wait3A_107 = arith.constant 0 : i32
        %dma_wait3A_108 = arith.constant 0 : i32
        %dma_wait3A_109 = tpu.memref_slice %arg7[%dma_wait3A_107, %dma_wait3A_108] : memref<10240x128xf32, #tpu.memory_space<vmem_shared>> -> memref<10240x128xf32, #tpu.memory_space<vmem_shared>>
        tpu.wait_indirect_dma semaphore(%run_scoped3A : memref<!tpu.dma_semaphore, #tpu.memory_space<semaphore_mem>>) src(%arg12 : memref<80x128xf32, #tpu.memory_space<vmem>>) dst(%dma_wait3A_109 : memref<10240x128xf32, #tpu.memory_space<vmem_shared>>)
        tpu.yield
      }) : () -> ()
      %add3A_89 = arith.constant 2 : i32
      %add3A_90 = arith.addi %mul3A_63, %add3A_89 : i32
      %lt3A_91 = arith.constant 125 : i32
      %lt3A_92 = arith.cmpi slt, %add3A_90, %lt3A_91 : i32
      %convert_element_type3A_93 = arith.extui %lt3A_92 : i1 to i32
      %cond3A_94 = arith.constant 0 : i32
      %cond3A_95 = arith.cmpi ne, %convert_element_type3A_93, %cond3A_94 : i32
      scf.if %cond3A_95 {
        %add3A_104 = arith.constant 2 : i32
        %add3A_105 = arith.addi %mul3A_63, %add3A_104 : i32
        %mul3A_106 = arith.constant 80 : i32
        %mul3A_107 = arith.muli %add3A_105, %mul3A_106 : i32
        %add3A_108 = arith.addi %mul3A_2, %mul3A_107 : i32
        %dma_start3A_109 = tpu.memref_slice %arg4[%add3A_108] : memref<320000xi32, #tpu.memory_space<hbm>> -> memref<80xi32, #tpu.memory_space<hbm>>
        %dma_start3A_110 = tpu.memref_slice %arg4[%add3A_108] : memref<320000xi32, #tpu.memory_space<hbm>> -> memref<80xi32, #tpu.memory_space<hbm>>
        tpu.enqueue_dma source(%dma_start3A_110 : memref<80xi32, #tpu.memory_space<hbm>>) target(%arg8 : memref<80xi32, #tpu.memory_space<vmem>>) target_semaphore(%arg21 : memref<!tpu.dma_semaphore, #tpu.memory_space<semaphore_mem>>)
        %dma_start3A_111 = tpu.memref_slice %arg5[%add3A_108] : memref<320000xi32, #tpu.memory_space<hbm>> -> memref<80xi32, #tpu.memory_space<hbm>>
        %dma_start3A_112 = tpu.memref_slice %arg5[%add3A_108] : memref<320000xi32, #tpu.memory_space<hbm>> -> memref<80xi32, #tpu.memory_space<hbm>>
        tpu.enqueue_dma source(%dma_start3A_112 : memref<80xi32, #tpu.memory_space<hbm>>) target(%arg10 : memref<80xi32, #tpu.memory_space<vmem>>) target_semaphore(%arg21 : memref<!tpu.dma_semaphore, #tpu.memory_space<semaphore_mem>>)
      } else {
      }
      %add3A_96 = arith.constant 1 : i32
      %add3A_97 = arith.addi %mul3A_63, %add3A_96 : i32
      %lt3A_98 = arith.constant 125 : i32
      %lt3A_99 = arith.cmpi slt, %add3A_97, %lt3A_98 : i32
      %convert_element_type3A_100 = arith.extui %lt3A_99 : i1 to i32
      %cond3A_101 = arith.constant 0 : i32
      %cond3A_102 = arith.cmpi ne, %convert_element_type3A_100, %cond3A_101 : i32
      scf.if %cond3A_102 {
        %add3A_104 = arith.constant 1 : i32
        %add3A_105 = arith.addi %mul3A_63, %add3A_104 : i32
        %dma_wait3A_106 = arith.constant 0 : i32
        %dma_wait3A_107 = arith.constant 0 : i32
        %dma_wait3A_108 = tpu.memref_slice %arg2[%dma_wait3A_106, %dma_wait3A_107] : memref<10240x128xf32, #tpu.memory_space<hbm>> -> memref<10240x128xf32, #tpu.memory_space<hbm>>
        tpu.wait_indirect_dma semaphore(%arg18 : memref<!tpu.dma_semaphore, #tpu.memory_space<semaphore_mem>>) src(%dma_wait3A_108 : memref<10240x128xf32, #tpu.memory_space<hbm>>) dst(%arg13 : memref<80x128xf32, #tpu.memory_space<vmem>>)
        %mul3A_109 = arith.constant 125 : i32
        %mul3A_110 = arith.muli %add3A, %mul3A_109 : i32
        %add3A_111 = arith.addi %mul3A_110, %add3A_105 : i32
        %dma_wait3A_112 = arith.constant 0 : i32
        %dma_wait3A_113 = arith.constant 0 : i32
        %dma_wait3A_114 = tpu.memref_slice %arg3[%add3A_111, %dma_wait3A_112, %dma_wait3A_113] : memref<4000x80x64xi32, #tpu.memory_space<hbm>> -> memref<1x80x64xi32, #tpu.memory_space<hbm>>
        %dma_wait3A_115 = tpu.memref_squeeze %dma_wait3A_114 : memref<1x80x64xi32, #tpu.memory_space<hbm>> -> memref<80x64xi32, #tpu.memory_space<hbm>>
        %dma_wait3A_116 = arith.constant 0 : i32
        %dma_wait3A_117 = arith.constant 0 : i32
        %dma_wait3A_118 = tpu.memref_slice %arg3[%add3A_111, %dma_wait3A_116, %dma_wait3A_117] : memref<4000x80x64xi32, #tpu.memory_space<hbm>> -> memref<1x80x64xi32, #tpu.memory_space<hbm>>
        %dma_wait3A_119 = tpu.memref_squeeze %dma_wait3A_118 : memref<1x80x64xi32, #tpu.memory_space<hbm>> -> memref<80x64xi32, #tpu.memory_space<hbm>>
        tpu.wait_dma2 semaphore(%arg20 : memref<!tpu.dma_semaphore, #tpu.memory_space<semaphore_mem>>) src(%dma_wait3A_119 : memref<80x64xi32, #tpu.memory_space<hbm>>) dst(%arg15 : memref<80x64xi32, #tpu.memory_space<vmem>>)
        %add3A_120 = arith.constant 1 : i32
        %add3A_121 = arith.addi %add3A_105, %add3A_120 : i32
        %lt3A_122 = arith.constant 125 : i32
        %lt3A_123 = arith.cmpi slt, %add3A_121, %lt3A_122 : i32
        %convert_element_type3A_124 = arith.extui %lt3A_123 : i1 to i32
        %cond3A_125 = arith.constant 0 : i32
        %cond3A_126 = arith.cmpi ne, %convert_element_type3A_124, %cond3A_125 : i32
        scf.if %cond3A_126 {
          %add3A_141 = arith.constant 1 : i32
          %add3A_142 = arith.addi %add3A_105, %add3A_141 : i32
          %mul3A_143 = arith.constant 80 : i32
          %mul3A_144 = arith.muli %add3A_142, %mul3A_143 : i32
          %add3A_145 = arith.addi %mul3A_2, %mul3A_144 : i32
          %dma_wait3A_146 = tpu.memref_slice %arg4[%add3A_145] : memref<320000xi32, #tpu.memory_space<hbm>> -> memref<80xi32, #tpu.memory_space<hbm>>
          %dma_wait3A_147 = tpu.memref_slice %arg4[%add3A_145] : memref<320000xi32, #tpu.memory_space<hbm>> -> memref<80xi32, #tpu.memory_space<hbm>>
          tpu.wait_dma2 semaphore(%arg21 : memref<!tpu.dma_semaphore, #tpu.memory_space<semaphore_mem>>) src(%dma_wait3A_147 : memref<80xi32, #tpu.memory_space<hbm>>) dst(%arg8 : memref<80xi32, #tpu.memory_space<vmem>>)
          %dma_wait3A_148 = tpu.memref_slice %arg5[%add3A_145] : memref<320000xi32, #tpu.memory_space<hbm>> -> memref<80xi32, #tpu.memory_space<hbm>>
          %dma_wait3A_149 = tpu.memref_slice %arg5[%add3A_145] : memref<320000xi32, #tpu.memory_space<hbm>> -> memref<80xi32, #tpu.memory_space<hbm>>
          tpu.wait_dma2 semaphore(%arg21 : memref<!tpu.dma_semaphore, #tpu.memory_space<semaphore_mem>>) src(%dma_wait3A_149 : memref<80xi32, #tpu.memory_space<hbm>>) dst(%arg10 : memref<80xi32, #tpu.memory_space<vmem>>)
          %dma_start3A_150 = arith.constant 0 : i32
          %dma_start3A_151 = arith.constant 0 : i32
          %dma_start3A_152 = tpu.memref_slice %arg2[%dma_start3A_150, %dma_start3A_151] : memref<10240x128xf32, #tpu.memory_space<hbm>> -> memref<10240x128xf32, #tpu.memory_space<hbm>>
          tpu.enqueue_indirect_dma source(%dma_start3A_152 : memref<10240x128xf32, #tpu.memory_space<hbm>>) target(%arg12 : memref<80x128xf32, #tpu.memory_space<vmem>>) offsets(%arg8 : memref<80xi32, #tpu.memory_space<vmem>>) semaphore(%arg17 : memref<!tpu.dma_semaphore, #tpu.memory_space<semaphore_mem>>)
          %add3A_153 = arith.constant 1 : i32
          %add3A_154 = arith.addi %add3A_105, %add3A_153 : i32
          %mul3A_155 = arith.constant 125 : i32
          %mul3A_156 = arith.muli %add3A, %mul3A_155 : i32
          %add3A_157 = arith.addi %mul3A_156, %add3A_154 : i32
          %dma_start3A_158 = arith.constant 0 : i32
          %dma_start3A_159 = arith.constant 0 : i32
          %dma_start3A_160 = tpu.memref_slice %arg3[%add3A_157, %dma_start3A_158, %dma_start3A_159] : memref<4000x80x64xi32, #tpu.memory_space<hbm>> -> memref<1x80x64xi32, #tpu.memory_space<hbm>>
          %dma_start3A_161 = tpu.memref_squeeze %dma_start3A_160 : memref<1x80x64xi32, #tpu.memory_space<hbm>> -> memref<80x64xi32, #tpu.memory_space<hbm>>
          %dma_start3A_162 = arith.constant 0 : i32
          %dma_start3A_163 = arith.constant 0 : i32
          %dma_start3A_164 = tpu.memref_slice %arg3[%add3A_157, %dma_start3A_162, %dma_start3A_163] : memref<4000x80x64xi32, #tpu.memory_space<hbm>> -> memref<1x80x64xi32, #tpu.memory_space<hbm>>
          %dma_start3A_165 = tpu.memref_squeeze %dma_start3A_164 : memref<1x80x64xi32, #tpu.memory_space<hbm>> -> memref<80x64xi32, #tpu.memory_space<hbm>>
          tpu.enqueue_dma source(%dma_start3A_165 : memref<80x64xi32, #tpu.memory_space<hbm>>) target(%arg14 : memref<80x64xi32, #tpu.memory_space<vmem>>) target_semaphore(%arg19 : memref<!tpu.dma_semaphore, #tpu.memory_space<semaphore_mem>>)
        } else {
        }
        %scan3A_127 = arith.constant 0 : i32
        %scan3A_128 = arith.constant 0 : i32
        %scan3A_129 = arith.constant 80 : i32
        %scan3A_130 = arith.addi %scan3A_128, %scan3A_129 : i32
        %scan3A_131 = arith.constant 1 : i32
        %scan3A_132 = scf.for %scan3A_141 = %scan3A_128 to %scan3A_130 step %scan3A_131 iter_args(%scan3A_142 = %scan3A_127) -> (i32)  : i32 {
          %get3A = arith.index_cast %scan3A_141 : i32 to index
          %get3A_143 = arith.constant 0 : index
          %get3A_144 = tpu.vector_load %arg15[%get3A, %get3A_143] {strides = array<i32>} : memref<80x64xi32, #tpu.memory_space<vmem>>, vector<1x16xi32>,
          %get3A_145 = vector.shape_cast %get3A_144 : vector<1x16xi32> to vector<16xi32>
          %shift_left3A = arith.constant 16 : i32
          %shift_left3A_146 = vector.broadcast %shift_left3A : i32 to vector<16xi32>
          %shift_left3A_147 = arith.shli %get3A_145, %shift_left3A_146 : vector<16xi32>
          %bitcast_convert_type3A = tpu.bitcast %shift_left3A_147 : vector<16xi32> -> vector<16xf32>
          %and3A = arith.constant -65536 : i32
          %and3A_148 = vector.broadcast %and3A : i32 to vector<16xi32>
          %and3A_149 = arith.andi %get3A_145, %and3A_148 : vector<16xi32>
          %bitcast_convert_type3A_150 = tpu.bitcast %and3A_149 : vector<16xi32> -> vector<16xf32>
          %get3A_151 = arith.index_cast %scan3A_141 : i32 to index
          %get3A_152 = arith.constant 0 : index
          %get3A_153 = tpu.vector_load %arg13[%get3A_151, %get3A_152] {strides = array<i32>} : memref<80x128xf32, #tpu.memory_space<vmem>>, vector<1x16xf32>,
          %get3A_154 = vector.shape_cast %get3A_153 : vector<1x16xf32> to vector<16xf32>
          %mul3A_155 = arith.mulf %get3A_154, %bitcast_convert_type3A : vector<16xf32>
          %swap3A = arith.index_cast %scan3A_141 : i32 to index
          %swap3A_156 = arith.constant 0 : index
          %swap3A_157 = tpu.vector_load %arg13[%swap3A, %swap3A_156] {strides = array<i32>} : memref<80x128xf32, #tpu.memory_space<vmem>>, vector<1x16xf32>,
          %swap3A_158 = vector.shape_cast %swap3A_157 : vector<1x16xf32> to vector<16xf32>
          %swap3A_159 = vector.shape_cast %mul3A_155 : vector<16xf32> to vector<1x16xf32>
          tpu.vector_store %arg13[%swap3A, %swap3A_156], %swap3A_159 {strides = array<i32>} : memref<80x128xf32, #tpu.memory_space<vmem>>, vector<1x16xf32>,
          %get3A_160 = arith.index_cast %scan3A_141 : i32 to index
          %get3A_161 = arith.constant 16 : index
          %get3A_162 = tpu.vector_load %arg13[%get3A_160, %get3A_161] {strides = array<i32>} : memref<80x128xf32, #tpu.memory_space<vmem>>, vector<1x16xf32>,
          %get3A_163 = vector.shape_cast %get3A_162 : vector<1x16xf32> to vector<16xf32>
          %mul3A_164 = arith.mulf %get3A_163, %bitcast_convert_type3A_150 : vector<16xf32>
          %swap3A_165 = arith.index_cast %scan3A_141 : i32 to index
          %swap3A_166 = arith.constant 16 : index
          %swap3A_167 = tpu.vector_load %arg13[%swap3A_165, %swap3A_166] {strides = array<i32>} : memref<80x128xf32, #tpu.memory_space<vmem>>, vector<1x16xf32>,
          %swap3A_168 = vector.shape_cast %swap3A_167 : vector<1x16xf32> to vector<16xf32>
          %swap3A_169 = vector.shape_cast %mul3A_164 : vector<16xf32> to vector<1x16xf32>
          tpu.vector_store %arg13[%swap3A_165, %swap3A_166], %swap3A_169 {strides = array<i32>} : memref<80x128xf32, #tpu.memory_space<vmem>>, vector<1x16xf32>,
          %get3A_170 = arith.index_cast %scan3A_141 : i32 to index
          %get3A_171 = arith.constant 16 : index
          %get3A_172 = tpu.vector_load %arg15[%get3A_170, %get3A_171] {strides = array<i32>} : memref<80x64xi32, #tpu.memory_space<vmem>>, vector<1x16xi32>,
          %get3A_173 = vector.shape_cast %get3A_172 : vector<1x16xi32> to vector<16xi32>
          %shift_left3A_174 = arith.constant 16 : i32
          %shift_left3A_175 = vector.broadcast %shift_left3A_174 : i32 to vector<16xi32>
          %shift_left3A_176 = arith.shli %get3A_173, %shift_left3A_175 : vector<16xi32>
          %bitcast_convert_type3A_177 = tpu.bitcast %shift_left3A_176 : vector<16xi32> -> vector<16xf32>
          %and3A_178 = arith.constant -65536 : i32
          %and3A_179 = vector.broadcast %and3A_178 : i32 to vector<16xi32>
          %and3A_180 = arith.andi %get3A_173, %and3A_179 : vector<16xi32>
          %bitcast_convert_type3A_181 = tpu.bitcast %and3A_180 : vector<16xi32> -> vector<16xf32>
          %get3A_182 = arith.index_cast %scan3A_141 : i32 to index
          %get3A_183 = arith.constant 32 : index
          %get3A_184 = tpu.vector_load %arg13[%get3A_182, %get3A_183] {strides = array<i32>} : memref<80x128xf32, #tpu.memory_space<vmem>>, vector<1x16xf32>,
          %get3A_185 = vector.shape_cast %get3A_184 : vector<1x16xf32> to vector<16xf32>
          %mul3A_186 = arith.mulf %get3A_185, %bitcast_convert_type3A_177 : vector<16xf32>
          %swap3A_187 = arith.index_cast %scan3A_141 : i32 to index
          %swap3A_188 = arith.constant 32 : index
          %swap3A_189 = tpu.vector_load %arg13[%swap3A_187, %swap3A_188] {strides = array<i32>} : memref<80x128xf32, #tpu.memory_space<vmem>>, vector<1x16xf32>,
          %swap3A_190 = vector.shape_cast %swap3A_189 : vector<1x16xf32> to vector<16xf32>
          %swap3A_191 = vector.shape_cast %mul3A_186 : vector<16xf32> to vector<1x16xf32>
          tpu.vector_store %arg13[%swap3A_187, %swap3A_188], %swap3A_191 {strides = array<i32>} : memref<80x128xf32, #tpu.memory_space<vmem>>, vector<1x16xf32>,
          %get3A_192 = arith.index_cast %scan3A_141 : i32 to index
          %get3A_193 = arith.constant 48 : index
          %get3A_194 = tpu.vector_load %arg13[%get3A_192, %get3A_193] {strides = array<i32>} : memref<80x128xf32, #tpu.memory_space<vmem>>, vector<1x16xf32>,
          %get3A_195 = vector.shape_cast %get3A_194 : vector<1x16xf32> to vector<16xf32>
          %mul3A_196 = arith.mulf %get3A_195, %bitcast_convert_type3A_181 : vector<16xf32>
          %swap3A_197 = arith.index_cast %scan3A_141 : i32 to index
          %swap3A_198 = arith.constant 48 : index
          %swap3A_199 = tpu.vector_load %arg13[%swap3A_197, %swap3A_198] {strides = array<i32>} : memref<80x128xf32, #tpu.memory_space<vmem>>, vector<1x16xf32>,
          %swap3A_200 = vector.shape_cast %swap3A_199 : vector<1x16xf32> to vector<16xf32>
          %swap3A_201 = vector.shape_cast %mul3A_196 : vector<16xf32> to vector<1x16xf32>
          tpu.vector_store %arg13[%swap3A_197, %swap3A_198], %swap3A_201 {strides = array<i32>} : memref<80x128xf32, #tpu.memory_space<vmem>>, vector<1x16xf32>,
          %get3A_202 = arith.index_cast %scan3A_141 : i32 to index
          %get3A_203 = arith.constant 32 : index
          %get3A_204 = tpu.vector_load %arg15[%get3A_202, %get3A_203] {strides = array<i32>} : memref<80x64xi32, #tpu.memory_space<vmem>>, vector<1x16xi32>,
          %get3A_205 = vector.shape_cast %get3A_204 : vector<1x16xi32> to vector<16xi32>
          %shift_left3A_206 = arith.constant 16 : i32
          %shift_left3A_207 = vector.broadcast %shift_left3A_206 : i32 to vector<16xi32>
          %shift_left3A_208 = arith.shli %get3A_205, %shift_left3A_207 : vector<16xi32>
          %bitcast_convert_type3A_209 = tpu.bitcast %shift_left3A_208 : vector<16xi32> -> vector<16xf32>
          %and3A_210 = arith.constant -65536 : i32
          %and3A_211 = vector.broadcast %and3A_210 : i32 to vector<16xi32>
          %and3A_212 = arith.andi %get3A_205, %and3A_211 : vector<16xi32>
          %bitcast_convert_type3A_213 = tpu.bitcast %and3A_212 : vector<16xi32> -> vector<16xf32>
          %get3A_214 = arith.index_cast %scan3A_141 : i32 to index
          %get3A_215 = arith.constant 64 : index
          %get3A_216 = tpu.vector_load %arg13[%get3A_214, %get3A_215] {strides = array<i32>} : memref<80x128xf32, #tpu.memory_space<vmem>>, vector<1x16xf32>,
          %get3A_217 = vector.shape_cast %get3A_216 : vector<1x16xf32> to vector<16xf32>
          %mul3A_218 = arith.mulf %get3A_217, %bitcast_convert_type3A_209 : vector<16xf32>
          %swap3A_219 = arith.index_cast %scan3A_141 : i32 to index
          %swap3A_220 = arith.constant 64 : index
          %swap3A_221 = tpu.vector_load %arg13[%swap3A_219, %swap3A_220] {strides = array<i32>} : memref<80x128xf32, #tpu.memory_space<vmem>>, vector<1x16xf32>,
          %swap3A_222 = vector.shape_cast %swap3A_221 : vector<1x16xf32> to vector<16xf32>
          %swap3A_223 = vector.shape_cast %mul3A_218 : vector<16xf32> to vector<1x16xf32>
          tpu.vector_store %arg13[%swap3A_219, %swap3A_220], %swap3A_223 {strides = array<i32>} : memref<80x128xf32, #tpu.memory_space<vmem>>, vector<1x16xf32>,
          %get3A_224 = arith.index_cast %scan3A_141 : i32 to index
          %get3A_225 = arith.constant 80 : index
          %get3A_226 = tpu.vector_load %arg13[%get3A_224, %get3A_225] {strides = array<i32>} : memref<80x128xf32, #tpu.memory_space<vmem>>, vector<1x16xf32>,
          %get3A_227 = vector.shape_cast %get3A_226 : vector<1x16xf32> to vector<16xf32>
          %mul3A_228 = arith.mulf %get3A_227, %bitcast_convert_type3A_213 : vector<16xf32>
          %swap3A_229 = arith.index_cast %scan3A_141 : i32 to index
          %swap3A_230 = arith.constant 80 : index
          %swap3A_231 = tpu.vector_load %arg13[%swap3A_229, %swap3A_230] {strides = array<i32>} : memref<80x128xf32, #tpu.memory_space<vmem>>, vector<1x16xf32>,
          %swap3A_232 = vector.shape_cast %swap3A_231 : vector<1x16xf32> to vector<16xf32>
          %swap3A_233 = vector.shape_cast %mul3A_228 : vector<16xf32> to vector<1x16xf32>
          tpu.vector_store %arg13[%swap3A_229, %swap3A_230], %swap3A_233 {strides = array<i32>} : memref<80x128xf32, #tpu.memory_space<vmem>>, vector<1x16xf32>,
          %get3A_234 = arith.index_cast %scan3A_141 : i32 to index
          %get3A_235 = arith.constant 48 : index
          %get3A_236 = tpu.vector_load %arg15[%get3A_234, %get3A_235] {strides = array<i32>} : memref<80x64xi32, #tpu.memory_space<vmem>>, vector<1x16xi32>,
          %get3A_237 = vector.shape_cast %get3A_236 : vector<1x16xi32> to vector<16xi32>
          %shift_left3A_238 = arith.constant 16 : i32
          %shift_left3A_239 = vector.broadcast %shift_left3A_238 : i32 to vector<16xi32>
          %shift_left3A_240 = arith.shli %get3A_237, %shift_left3A_239 : vector<16xi32>
          %bitcast_convert_type3A_241 = tpu.bitcast %shift_left3A_240 : vector<16xi32> -> vector<16xf32>
          %and3A_242 = arith.constant -65536 : i32
          %and3A_243 = vector.broadcast %and3A_242 : i32 to vector<16xi32>
          %and3A_244 = arith.andi %get3A_237, %and3A_243 : vector<16xi32>
          %bitcast_convert_type3A_245 = tpu.bitcast %and3A_244 : vector<16xi32> -> vector<16xf32>
          %get3A_246 = arith.index_cast %scan3A_141 : i32 to index
          %get3A_247 = arith.constant 96 : index
          %get3A_248 = tpu.vector_load %arg13[%get3A_246, %get3A_247] {strides = array<i32>} : memref<80x128xf32, #tpu.memory_space<vmem>>, vector<1x16xf32>,
          %get3A_249 = vector.shape_cast %get3A_248 : vector<1x16xf32> to vector<16xf32>
          %mul3A_250 = arith.mulf %get3A_249, %bitcast_convert_type3A_241 : vector<16xf32>
          %swap3A_251 = arith.index_cast %scan3A_141 : i32 to index
          %swap3A_252 = arith.constant 96 : index
          %swap3A_253 = tpu.vector_load %arg13[%swap3A_251, %swap3A_252] {strides = array<i32>} : memref<80x128xf32, #tpu.memory_space<vmem>>, vector<1x16xf32>,
          %swap3A_254 = vector.shape_cast %swap3A_253 : vector<1x16xf32> to vector<16xf32>
          %swap3A_255 = vector.shape_cast %mul3A_250 : vector<16xf32> to vector<1x16xf32>
          tpu.vector_store %arg13[%swap3A_251, %swap3A_252], %swap3A_255 {strides = array<i32>} : memref<80x128xf32, #tpu.memory_space<vmem>>, vector<1x16xf32>,
          %get3A_256 = arith.index_cast %scan3A_141 : i32 to index
          %get3A_257 = arith.constant 112 : index
          %get3A_258 = tpu.vector_load %arg13[%get3A_256, %get3A_257] {strides = array<i32>} : memref<80x128xf32, #tpu.memory_space<vmem>>, vector<1x16xf32>,
          %get3A_259 = vector.shape_cast %get3A_258 : vector<1x16xf32> to vector<16xf32>
          %mul3A_260 = arith.mulf %get3A_259, %bitcast_convert_type3A_245 : vector<16xf32>
          %swap3A_261 = arith.index_cast %scan3A_141 : i32 to index
          %swap3A_262 = arith.constant 112 : index
          %swap3A_263 = tpu.vector_load %arg13[%swap3A_261, %swap3A_262] {strides = array<i32>} : memref<80x128xf32, #tpu.memory_space<vmem>>, vector<1x16xf32>,
          %swap3A_264 = vector.shape_cast %swap3A_263 : vector<1x16xf32> to vector<16xf32>
          %swap3A_265 = vector.shape_cast %mul3A_260 : vector<16xf32> to vector<1x16xf32>
          tpu.vector_store %arg13[%swap3A_261, %swap3A_262], %swap3A_265 {strides = array<i32>} : memref<80x128xf32, #tpu.memory_space<vmem>>, vector<1x16xf32>,
          %scan3A_266 = arith.constant 0 : i32
          scf.yield %scan3A_266 : i32
        }
        %scan3A_133 = arith.constant 80 : i32
        "tpu.region"() ({
          %run_scoped3A = tpu.sem_alloc : memref<!tpu.dma_semaphore, #tpu.memory_space<semaphore_mem>>
          %dma_start3A_141 = arith.constant 0 : i32
          %dma_start3A_142 = arith.constant 0 : i32
          %dma_start3A_143 = tpu.memref_slice %arg7[%dma_start3A_141, %dma_start3A_142] : memref<10240x128xf32, #tpu.memory_space<vmem_shared>> -> memref<10240x128xf32, #tpu.memory_space<vmem_shared>>
          tpu.enqueue_indirect_dma source(%arg13 : memref<80x128xf32, #tpu.memory_space<vmem>>) target(%dma_start3A_143 : memref<10240x128xf32, #tpu.memory_space<vmem_shared>>) offsets(%arg11 : memref<80xi32, #tpu.memory_space<vmem>>) semaphore(%run_scoped3A : memref<!tpu.dma_semaphore, #tpu.memory_space<semaphore_mem>>) {add = true}
          %dma_wait3A_144 = arith.constant 0 : i32
          %dma_wait3A_145 = arith.constant 0 : i32
          %dma_wait3A_146 = tpu.memref_slice %arg7[%dma_wait3A_144, %dma_wait3A_145] : memref<10240x128xf32, #tpu.memory_space<vmem_shared>> -> memref<10240x128xf32, #tpu.memory_space<vmem_shared>>
          tpu.wait_indirect_dma semaphore(%run_scoped3A : memref<!tpu.dma_semaphore, #tpu.memory_space<semaphore_mem>>) src(%arg13 : memref<80x128xf32, #tpu.memory_space<vmem>>) dst(%dma_wait3A_146 : memref<10240x128xf32, #tpu.memory_space<vmem_shared>>)
          tpu.yield
        }) : () -> ()
        %add3A_134 = arith.constant 2 : i32
        %add3A_135 = arith.addi %add3A_105, %add3A_134 : i32
        %lt3A_136 = arith.constant 125 : i32
        %lt3A_137 = arith.cmpi slt, %add3A_135, %lt3A_136 : i32
        %convert_element_type3A_138 = arith.extui %lt3A_137 : i1 to i32
        %cond3A_139 = arith.constant 0 : i32
        %cond3A_140 = arith.cmpi ne, %convert_element_type3A_138, %cond3A_139 : i32
        scf.if %cond3A_140 {
          %add3A_141 = arith.constant 2 : i32
          %add3A_142 = arith.addi %add3A_105, %add3A_141 : i32
          %mul3A_143 = arith.constant 80 : i32
          %mul3A_144 = arith.muli %add3A_142, %mul3A_143 : i32
          %add3A_145 = arith.addi %mul3A_2, %mul3A_144 : i32
          %dma_start3A_146 = tpu.memref_slice %arg4[%add3A_145] : memref<320000xi32, #tpu.memory_space<hbm>> -> memref<80xi32, #tpu.memory_space<hbm>>
          %dma_start3A_147 = tpu.memref_slice %arg4[%add3A_145] : memref<320000xi32, #tpu.memory_space<hbm>> -> memref<80xi32, #tpu.memory_space<hbm>>
          tpu.enqueue_dma source(%dma_start3A_147 : memref<80xi32, #tpu.memory_space<hbm>>) target(%arg9 : memref<80xi32, #tpu.memory_space<vmem>>) target_semaphore(%arg22 : memref<!tpu.dma_semaphore, #tpu.memory_space<semaphore_mem>>)
          %dma_start3A_148 = tpu.memref_slice %arg5[%add3A_145] : memref<320000xi32, #tpu.memory_space<hbm>> -> memref<80xi32, #tpu.memory_space<hbm>>
          %dma_start3A_149 = tpu.memref_slice %arg5[%add3A_145] : memref<320000xi32, #tpu.memory_space<hbm>> -> memref<80xi32, #tpu.memory_space<hbm>>
          tpu.enqueue_dma source(%dma_start3A_149 : memref<80xi32, #tpu.memory_space<hbm>>) target(%arg11 : memref<80xi32, #tpu.memory_space<vmem>>) target_semaphore(%arg22 : memref<!tpu.dma_semaphore, #tpu.memory_space<semaphore_mem>>)
        } else {
        }
      } else {
      }
      %scan3A_103 = arith.constant 0 : i32
      scf.yield %scan3A_103 : i32
    }
    %scan3A_51 = arith.constant 63 : i32
    %barrier3A_52 = arith.constant 0 : index
    tpu.barrier barrier_id(%barrier3A_52)
    %scan3A_53 = arith.constant 0 : i32
    %scan3A_54 = arith.constant 0 : i32
    %scan3A_55 = arith.constant 40 : i32
    %scan3A_56 = arith.addi %scan3A_54, %scan3A_55 : i32
    %scan3A_57 = arith.constant 1 : i32
    %scan3A_58 = scf.for %scan3A_60 = %scan3A_54 to %scan3A_56 step %scan3A_57 iter_args(%scan3A_61 = %scan3A_53) -> (i32)  : i32 {
      %mul3A_62 = arith.constant 640 : i32
      %mul3A_63 = arith.muli %arg1, %mul3A_62 : i32
      %mul3A_64 = arith.constant 16 : i32
      %mul3A_65 = arith.muli %scan3A_60, %mul3A_64 : i32
      %add3A_66 = arith.addi %mul3A_63, %mul3A_65 : i32
      "tpu.region"() ({
        %run_scoped3A = tpu.sem_alloc : memref<!tpu.dma_semaphore, #tpu.memory_space<semaphore_mem>>
        %dma_start3A_68 = arith.constant 0 : i32
        %dma_start3A_69 = tpu.memref_slice %arg7[%add3A_66, %dma_start3A_68] : memref<10240x128xf32, #tpu.memory_space<vmem_shared>> -> memref<16x128xf32, #tpu.memory_space<vmem_shared>>
        %dma_start3A_70 = arith.constant 0 : i32
        %dma_start3A_71 = tpu.memref_slice %arg7[%add3A_66, %dma_start3A_70] : memref<10240x128xf32, #tpu.memory_space<vmem_shared>> -> memref<16x128xf32, #tpu.memory_space<vmem_shared>>
        tpu.enqueue_dma source(%dma_start3A_71 : memref<16x128xf32, #tpu.memory_space<vmem_shared>>) target(%arg16 : memref<16x128xf32, #tpu.memory_space<vmem>>) target_semaphore(%run_scoped3A : memref<!tpu.dma_semaphore, #tpu.memory_space<semaphore_mem>>)
        %dma_wait3A_72 = arith.constant 0 : i32
        %dma_wait3A_73 = tpu.memref_slice %arg7[%add3A_66, %dma_wait3A_72] : memref<10240x128xf32, #tpu.memory_space<vmem_shared>> -> memref<16x128xf32, #tpu.memory_space<vmem_shared>>
        %dma_wait3A_74 = arith.constant 0 : i32
        %dma_wait3A_75 = tpu.memref_slice %arg7[%add3A_66, %dma_wait3A_74] : memref<10240x128xf32, #tpu.memory_space<vmem_shared>> -> memref<16x128xf32, #tpu.memory_space<vmem_shared>>
        tpu.wait_dma2 semaphore(%run_scoped3A : memref<!tpu.dma_semaphore, #tpu.memory_space<semaphore_mem>>) src(%dma_wait3A_75 : memref<16x128xf32, #tpu.memory_space<vmem_shared>>) dst(%arg16 : memref<16x128xf32, #tpu.memory_space<vmem>>)
        tpu.yield
      }) : () -> ()
      "tpu.region"() ({
        %run_scoped3A = tpu.sem_alloc : memref<!tpu.dma_semaphore, #tpu.memory_space<semaphore_mem>>
        %dma_start3A_68 = arith.constant 0 : i32
        %dma_start3A_69 = tpu.memref_slice %arg6[%arg0, %add3A_66, %dma_start3A_68] : memref<2x10240x128xf32, #tpu.memory_space<hbm>> -> memref<1x16x128xf32, #tpu.memory_space<hbm>>
        %dma_start3A_70 = tpu.memref_squeeze %dma_start3A_69 : memref<1x16x128xf32, #tpu.memory_space<hbm>> -> memref<16x128xf32, #tpu.memory_space<hbm>>
        %dma_start3A_71 = arith.constant 0 : i32
        %dma_start3A_72 = tpu.memref_slice %arg6[%arg0, %add3A_66, %dma_start3A_71] : memref<2x10240x128xf32, #tpu.memory_space<hbm>> -> memref<1x16x128xf32, #tpu.memory_space<hbm>>
        %dma_start3A_73 = tpu.memref_squeeze %dma_start3A_72 : memref<1x16x128xf32, #tpu.memory_space<hbm>> -> memref<16x128xf32, #tpu.memory_space<hbm>>
        tpu.enqueue_dma source(%arg16 : memref<16x128xf32, #tpu.memory_space<vmem>>) target(%dma_start3A_73 : memref<16x128xf32, #tpu.memory_space<hbm>>) target_semaphore(%run_scoped3A : memref<!tpu.dma_semaphore, #tpu.memory_space<semaphore_mem>>)
        %dma_wait3A_74 = arith.constant 0 : i32
        %dma_wait3A_75 = tpu.memref_slice %arg6[%arg0, %add3A_66, %dma_wait3A_74] : memref<2x10240x128xf32, #tpu.memory_space<hbm>> -> memref<1x16x128xf32, #tpu.memory_space<hbm>>
        %dma_wait3A_76 = tpu.memref_squeeze %dma_wait3A_75 : memref<1x16x128xf32, #tpu.memory_space<hbm>> -> memref<16x128xf32, #tpu.memory_space<hbm>>
        %dma_wait3A_77 = arith.constant 0 : i32
        %dma_wait3A_78 = tpu.memref_slice %arg6[%arg0, %add3A_66, %dma_wait3A_77] : memref<2x10240x128xf32, #tpu.memory_space<hbm>> -> memref<1x16x128xf32, #tpu.memory_space<hbm>>
        %dma_wait3A_79 = tpu.memref_squeeze %dma_wait3A_78 : memref<1x16x128xf32, #tpu.memory_space<hbm>> -> memref<16x128xf32, #tpu.memory_space<hbm>>
        tpu.wait_dma2 semaphore(%run_scoped3A : memref<!tpu.dma_semaphore, #tpu.memory_space<semaphore_mem>>) src(%arg16 : memref<16x128xf32, #tpu.memory_space<vmem>>) dst(%dma_wait3A_79 : memref<16x128xf32, #tpu.memory_space<hbm>>)
        tpu.yield
      }) : () -> ()
      %scan3A_67 = arith.constant 0 : i32
      scf.yield %scan3A_67 : i32
    }
    %scan3A_59 = arith.constant 40 : i32
    return
  }
}

#map = affine_map<(d0, d1) -> (0, 0)>
#map1 = affine_map<(d0, d1) -> (0, 0, 0)>
#map2 = affine_map<(d0, d1) -> (0)>
module attributes {stable_mosaic.version = 14 : i64} {
  func.func @_mp_sc(%arg0: i32, %arg1: i32, %arg2: memref<10240x128xf32, #tpu.memory_space<hbm>>, %arg3: memref<4000x80x64xi32, #tpu.memory_space<hbm>>, %arg4: memref<320000xi32, #tpu.memory_space<hbm>>, %arg5: memref<320000xi32, #tpu.memory_space<hbm>>, %arg6: memref<2x10240x128xf32, #tpu.memory_space<hbm>>, %arg7: memref<10240x128xf32, #tpu.memory_space<vmem_shared>>, %arg8: memref<80xi32, #tpu.memory_space<vmem>>, %arg9: memref<80xi32, #tpu.memory_space<vmem>>, %arg10: memref<80xi32, #tpu.memory_space<vmem>>, %arg11: memref<80xi32, #tpu.memory_space<vmem>>, %arg12: memref<80x128xf32, #tpu.memory_space<vmem>>, %arg13: memref<80x128xf32, #tpu.memory_space<vmem>>, %arg14: memref<80x64xi32, #tpu.memory_space<vmem>>, %arg15: memref<80x64xi32, #tpu.memory_space<vmem>>, %arg16: memref<16x128xf32, #tpu.memory_space<vmem>>, %arg17: memref<!tpu.dma_semaphore, #tpu.memory_space<semaphore_mem>>, %arg18: memref<!tpu.dma_semaphore, #tpu.memory_space<semaphore_mem>>, %arg19: memref<!tpu.dma_semaphore, #tpu.memory_space<semaphore_mem>>, %arg20: memref<!tpu.dma_semaphore, #tpu.memory_space<semaphore_mem>>, %arg21: memref<!tpu.dma_semaphore, #tpu.memory_space<semaphore_mem>>, %arg22: memref<!tpu.dma_semaphore, #tpu.memory_space<semaphore_mem>>) attributes {dimension_semantics = [#tpu.dimension_semantics<core_parallel>, #tpu.dimension_semantics<subcore_parallel>], iteration_bounds = array<i64: 2, 16>, scalar_prefetch = 0 : i64, scratch_operands = 16 : i64, tpu.core_type = #tpu.core_type<sc_vector_subcore>, window_params = [{transform_indices = #map}, {transform_indices = #map1}, {transform_indices = #map2}, {transform_indices = #map2}, {transform_indices = #map1}]} {
    %mul3A = arith.constant 2 : i32
    %mul3A_0 = arith.muli %arg1, %mul3A : i32
    %add3A = arith.addi %mul3A_0, %arg0 : i32
    %mul3A_1 = arith.constant 10000 : i32
    %mul3A_2 = arith.muli %add3A, %mul3A_1 : i32
    %scan3A = arith.constant 0 : i32
    %scan3A_3 = arith.constant 0 : i32
    %scan3A_4 = arith.constant 16 : i32
    %scan3A_5 = arith.addi %scan3A_3, %scan3A_4 : i32
    %scan3A_6 = arith.constant 1 : i32
    %scan3A_7 = scf.for %scan3A_60 = %scan3A_3 to %scan3A_5 step %scan3A_6 iter_args(%scan3A_61 = %scan3A) -> (i32)  : i32 {
      %broadcast_in_dim3A = arith.constant 0.000000e+00 : f32
      %broadcast_in_dim3A_62 = vector.broadcast %broadcast_in_dim3A : f32 to vector<16xf32>
      %swap3A = arith.index_cast %scan3A_60 : i32 to index
      %swap3A_63 = arith.constant 0 : index
      %swap3A_64 = tpu.vector_load %arg16[%swap3A, %swap3A_63] {strides = array<i32>} : memref<16x128xf32, #tpu.memory_space<vmem>>, vector<1x16xf32>,
      %swap3A_65 = vector.shape_cast %swap3A_64 : vector<1x16xf32> to vector<16xf32>
      %swap3A_66 = vector.shape_cast %broadcast_in_dim3A_62 : vector<16xf32> to vector<1x16xf32>
      tpu.vector_store %arg16[%swap3A, %swap3A_63], %swap3A_66 {strides = array<i32>} : memref<16x128xf32, #tpu.memory_space<vmem>>, vector<1x16xf32>,
      %broadcast_in_dim3A_67 = arith.constant 0.000000e+00 : f32
      %broadcast_in_dim3A_68 = vector.broadcast %broadcast_in_dim3A_67 : f32 to vector<16xf32>
      %swap3A_69 = arith.index_cast %scan3A_60 : i32 to index
      %swap3A_70 = arith.constant 16 : index
      %swap3A_71 = tpu.vector_load %arg16[%swap3A_69, %swap3A_70] {strides = array<i32>} : memref<16x128xf32, #tpu.memory_space<vmem>>, vector<1x16xf32>,
      %swap3A_72 = vector.shape_cast %swap3A_71 : vector<1x16xf32> to vector<16xf32>
      %swap3A_73 = vector.shape_cast %broadcast_in_dim3A_68 : vector<16xf32> to vector<1x16xf32>
      tpu.vector_store %arg16[%swap3A_69, %swap3A_70], %swap3A_73 {strides = array<i32>} : memref<16x128xf32, #tpu.memory_space<vmem>>, vector<1x16xf32>,
      %broadcast_in_dim3A_74 = arith.constant 0.000000e+00 : f32
      %broadcast_in_dim3A_75 = vector.broadcast %broadcast_in_dim3A_74 : f32 to vector<16xf32>
      %swap3A_76 = arith.index_cast %scan3A_60 : i32 to index
      %swap3A_77 = arith.constant 32 : index
      %swap3A_78 = tpu.vector_load %arg16[%swap3A_76, %swap3A_77] {strides = array<i32>} : memref<16x128xf32, #tpu.memory_space<vmem>>, vector<1x16xf32>,
      %swap3A_79 = vector.shape_cast %swap3A_78 : vector<1x16xf32> to vector<16xf32>
      %swap3A_80 = vector.shape_cast %broadcast_in_dim3A_75 : vector<16xf32> to vector<1x16xf32>
      tpu.vector_store %arg16[%swap3A_76, %swap3A_77], %swap3A_80 {strides = array<i32>} : memref<16x128xf32, #tpu.memory_space<vmem>>, vector<1x16xf32>,
      %broadcast_in_dim3A_81 = arith.constant 0.000000e+00 : f32
      %broadcast_in_dim3A_82 = vector.broadcast %broadcast_in_dim3A_81 : f32 to vector<16xf32>
      %swap3A_83 = arith.index_cast %scan3A_60 : i32 to index
      %swap3A_84 = arith.constant 48 : index
      %swap3A_85 = tpu.vector_load %arg16[%swap3A_83, %swap3A_84] {strides = array<i32>} : memref<16x128xf32, #tpu.memory_space<vmem>>, vector<1x16xf32>,
      %swap3A_86 = vector.shape_cast %swap3A_85 : vector<1x16xf32> to vector<16xf32>
      %swap3A_87 = vector.shape_cast %broadcast_in_dim3A_82 : vector<16xf32> to vector<1x16xf32>
      tpu.vector_store %arg16[%swap3A_83, %swap3A_84], %swap3A_87 {strides = array<i32>} : memref<16x128xf32, #tpu.memory_space<vmem>>, vector<1x16xf32>,
      %broadcast_in_dim3A_88 = arith.constant 0.000000e+00 : f32
      %broadcast_in_dim3A_89 = vector.broadcast %broadcast_in_dim3A_88 : f32 to vector<16xf32>
      %swap3A_90 = arith.index_cast %scan3A_60 : i32 to index
      %swap3A_91 = arith.constant 64 : index
      %swap3A_92 = tpu.vector_load %arg16[%swap3A_90, %swap3A_91] {strides = array<i32>} : memref<16x128xf32, #tpu.memory_space<vmem>>, vector<1x16xf32>,
      %swap3A_93 = vector.shape_cast %swap3A_92 : vector<1x16xf32> to vector<16xf32>
      %swap3A_94 = vector.shape_cast %broadcast_in_dim3A_89 : vector<16xf32> to vector<1x16xf32>
      tpu.vector_store %arg16[%swap3A_90, %swap3A_91], %swap3A_94 {strides = array<i32>} : memref<16x128xf32, #tpu.memory_space<vmem>>, vector<1x16xf32>,
      %broadcast_in_dim3A_95 = arith.constant 0.000000e+00 : f32
      %broadcast_in_dim3A_96 = vector.broadcast %broadcast_in_dim3A_95 : f32 to vector<16xf32>
      %swap3A_97 = arith.index_cast %scan3A_60 : i32 to index
      %swap3A_98 = arith.constant 80 : index
      %swap3A_99 = tpu.vector_load %arg16[%swap3A_97, %swap3A_98] {strides = array<i32>} : memref<16x128xf32, #tpu.memory_space<vmem>>, vector<1x16xf32>,
      %swap3A_100 = vector.shape_cast %swap3A_99 : vector<1x16xf32> to vector<16xf32>
      %swap3A_101 = vector.shape_cast %broadcast_in_dim3A_96 : vector<16xf32> to vector<1x16xf32>
      tpu.vector_store %arg16[%swap3A_97, %swap3A_98], %swap3A_101 {strides = array<i32>} : memref<16x128xf32, #tpu.memory_space<vmem>>, vector<1x16xf32>,
      %broadcast_in_dim3A_102 = arith.constant 0.000000e+00 : f32
      %broadcast_in_dim3A_103 = vector.broadcast %broadcast_in_dim3A_102 : f32 to vector<16xf32>
      %swap3A_104 = arith.index_cast %scan3A_60 : i32 to index
      %swap3A_105 = arith.constant 96 : index
      %swap3A_106 = tpu.vector_load %arg16[%swap3A_104, %swap3A_105] {strides = array<i32>} : memref<16x128xf32, #tpu.memory_space<vmem>>, vector<1x16xf32>,
      %swap3A_107 = vector.shape_cast %swap3A_106 : vector<1x16xf32> to vector<16xf32>
      %swap3A_108 = vector.shape_cast %broadcast_in_dim3A_103 : vector<16xf32> to vector<1x16xf32>
      tpu.vector_store %arg16[%swap3A_104, %swap3A_105], %swap3A_108 {strides = array<i32>} : memref<16x128xf32, #tpu.memory_space<vmem>>, vector<1x16xf32>,
      %broadcast_in_dim3A_109 = arith.constant 0.000000e+00 : f32
      %broadcast_in_dim3A_110 = vector.broadcast %broadcast_in_dim3A_109 : f32 to vector<16xf32>
      %swap3A_111 = arith.index_cast %scan3A_60 : i32 to index
      %swap3A_112 = arith.constant 112 : index
      %swap3A_113 = tpu.vector_load %arg16[%swap3A_111, %swap3A_112] {strides = array<i32>} : memref<16x128xf32, #tpu.memory_space<vmem>>, vector<1x16xf32>,
      %swap3A_114 = vector.shape_cast %swap3A_113 : vector<1x16xf32> to vector<16xf32>
      %swap3A_115 = vector.shape_cast %broadcast_in_dim3A_110 : vector<16xf32> to vector<1x16xf32>
      tpu.vector_store %arg16[%swap3A_111, %swap3A_112], %swap3A_115 {strides = array<i32>} : memref<16x128xf32, #tpu.memory_space<vmem>>, vector<1x16xf32>,
      %scan3A_116 = arith.constant 0 : i32
      scf.yield %scan3A_116 : i32
    }
    %scan3A_8 = arith.constant 16 : i32
    %scan3A_9 = arith.constant 0 : i32
    %scan3A_10 = arith.constant 0 : i32
    %scan3A_11 = arith.constant 40 : i32
    %scan3A_12 = arith.addi %scan3A_10, %scan3A_11 : i32
    %scan3A_13 = arith.constant 1 : i32
    %scan3A_14 = scf.for %scan3A_60 = %scan3A_10 to %scan3A_12 step %scan3A_13 iter_args(%scan3A_61 = %scan3A_9) -> (i32)  : i32 {
      %mul3A_62 = arith.constant 640 : i32
      %mul3A_63 = arith.muli %arg1, %mul3A_62 : i32
      %mul3A_64 = arith.constant 16 : i32
      %mul3A_65 = arith.muli %scan3A_60, %mul3A_64 : i32
      %add3A_66 = arith.addi %mul3A_63, %mul3A_65 : i32
      "tpu.region"() ({
        %run_scoped3A = tpu.sem_alloc : memref<!tpu.dma_semaphore, #tpu.memory_space<semaphore_mem>>
        %dma_start3A_68 = arith.constant 0 : i32
        %dma_start3A_69 = tpu.memref_slice %arg7[%add3A_66, %dma_start3A_68] : memref<10240x128xf32, #tpu.memory_space<vmem_shared>> -> memref<16x128xf32, #tpu.memory_space<vmem_shared>>
        %dma_start3A_70 = arith.constant 0 : i32
        %dma_start3A_71 = tpu.memref_slice %arg7[%add3A_66, %dma_start3A_70] : memref<10240x128xf32, #tpu.memory_space<vmem_shared>> -> memref<16x128xf32, #tpu.memory_space<vmem_shared>>
        tpu.enqueue_dma source(%arg16 : memref<16x128xf32, #tpu.memory_space<vmem>>) target(%dma_start3A_71 : memref<16x128xf32, #tpu.memory_space<vmem_shared>>) target_semaphore(%run_scoped3A : memref<!tpu.dma_semaphore, #tpu.memory_space<semaphore_mem>>)
        %dma_wait3A_72 = arith.constant 0 : i32
        %dma_wait3A_73 = tpu.memref_slice %arg7[%add3A_66, %dma_wait3A_72] : memref<10240x128xf32, #tpu.memory_space<vmem_shared>> -> memref<16x128xf32, #tpu.memory_space<vmem_shared>>
        %dma_wait3A_74 = arith.constant 0 : i32
        %dma_wait3A_75 = tpu.memref_slice %arg7[%add3A_66, %dma_wait3A_74] : memref<10240x128xf32, #tpu.memory_space<vmem_shared>> -> memref<16x128xf32, #tpu.memory_space<vmem_shared>>
        tpu.wait_dma2 semaphore(%run_scoped3A : memref<!tpu.dma_semaphore, #tpu.memory_space<semaphore_mem>>) src(%arg16 : memref<16x128xf32, #tpu.memory_space<vmem>>) dst(%dma_wait3A_75 : memref<16x128xf32, #tpu.memory_space<vmem_shared>>)
        tpu.yield
      }) : () -> ()
      %scan3A_67 = arith.constant 0 : i32
      scf.yield %scan3A_67 : i32
    }
    %scan3A_15 = arith.constant 40 : i32
    %barrier3A = arith.constant 0 : index
    tpu.barrier barrier_id(%barrier3A)
    %add3A_16 = arith.constant 0 : i32
    %add3A_17 = arith.addi %mul3A_2, %add3A_16 : i32
    %dma_start3A = tpu.memref_slice %arg4[%add3A_17] : memref<320000xi32, #tpu.memory_space<hbm>> -> memref<80xi32, #tpu.memory_space<hbm>>
    %dma_start3A_18 = tpu.memref_slice %arg4[%add3A_17] : memref<320000xi32, #tpu.memory_space<hbm>> -> memref<80xi32, #tpu.memory_space<hbm>>
    tpu.enqueue_dma source(%dma_start3A_18 : memref<80xi32, #tpu.memory_space<hbm>>) target(%arg8 : memref<80xi32, #tpu.memory_space<vmem>>) target_semaphore(%arg21 : memref<!tpu.dma_semaphore, #tpu.memory_space<semaphore_mem>>)
    %dma_wait3A = tpu.memref_slice %arg4[%add3A_17] : memref<320000xi32, #tpu.memory_space<hbm>> -> memref<80xi32, #tpu.memory_space<hbm>>
    %dma_wait3A_19 = tpu.memref_slice %arg4[%add3A_17] : memref<320000xi32, #tpu.memory_space<hbm>> -> memref<80xi32, #tpu.memory_space<hbm>>
    tpu.wait_dma2 semaphore(%arg21 : memref<!tpu.dma_semaphore, #tpu.memory_space<semaphore_mem>>) src(%dma_wait3A_19 : memref<80xi32, #tpu.memory_space<hbm>>) dst(%arg8 : memref<80xi32, #tpu.memory_space<vmem>>)
    %dma_start3A_20 = tpu.memref_slice %arg5[%add3A_17] : memref<320000xi32, #tpu.memory_space<hbm>> -> memref<80xi32, #tpu.memory_space<hbm>>
    %dma_start3A_21 = tpu.memref_slice %arg5[%add3A_17] : memref<320000xi32, #tpu.memory_space<hbm>> -> memref<80xi32, #tpu.memory_space<hbm>>
    tpu.enqueue_dma source(%dma_start3A_21 : memref<80xi32, #tpu.memory_space<hbm>>) target(%arg10 : memref<80xi32, #tpu.memory_space<vmem>>) target_semaphore(%arg21 : memref<!tpu.dma_semaphore, #tpu.memory_space<semaphore_mem>>)
    %dma_wait3A_22 = tpu.memref_slice %arg5[%add3A_17] : memref<320000xi32, #tpu.memory_space<hbm>> -> memref<80xi32, #tpu.memory_space<hbm>>
    %dma_wait3A_23 = tpu.memref_slice %arg5[%add3A_17] : memref<320000xi32, #tpu.memory_space<hbm>> -> memref<80xi32, #tpu.memory_space<hbm>>
    tpu.wait_dma2 semaphore(%arg21 : memref<!tpu.dma_semaphore, #tpu.memory_space<semaphore_mem>>) src(%dma_wait3A_23 : memref<80xi32, #tpu.memory_space<hbm>>) dst(%arg10 : memref<80xi32, #tpu.memory_space<vmem>>)
    %dma_start3A_24 = arith.constant 0 : i32
    %dma_start3A_25 = arith.constant 0 : i32
    %dma_start3A_26 = tpu.memref_slice %arg2[%dma_start3A_24, %dma_start3A_25] : memref<10240x128xf32, #tpu.memory_space<hbm>> -> memref<10240x128xf32, #tpu.memory_space<hbm>>
    tpu.enqueue_indirect_dma source(%dma_start3A_26 : memref<10240x128xf32, #tpu.memory_space<hbm>>) target(%arg12 : memref<80x128xf32, #tpu.memory_space<vmem>>) offsets(%arg8 : memref<80xi32, #tpu.memory_space<vmem>>) semaphore(%arg17 : memref<!tpu.dma_semaphore, #tpu.memory_space<semaphore_mem>>)
    %mul3A_27 = arith.constant 125 : i32
    %mul3A_28 = arith.muli %add3A, %mul3A_27 : i32
    %add3A_29 = arith.constant 0 : i32
    %add3A_30 = arith.addi %mul3A_28, %add3A_29 : i32
    %dma_start3A_31 = arith.constant 0 : i32
    %dma_start3A_32 = arith.constant 0 : i32
    %dma_start3A_33 = tpu.memref_slice %arg3[%add3A_30, %dma_start3A_31, %dma_start3A_32] : memref<4000x80x64xi32, #tpu.memory_space<hbm>> -> memref<1x80x64xi32, #tpu.memory_space<hbm>>
    %dma_start3A_34 = tpu.memref_squeeze %dma_start3A_33 : memref<1x80x64xi32, #tpu.memory_space<hbm>> -> memref<80x64xi32, #tpu.memory_space<hbm>>
    %dma_start3A_35 = arith.constant 0 : i32
    %dma_start3A_36 = arith.constant 0 : i32
    %dma_start3A_37 = tpu.memref_slice %arg3[%add3A_30, %dma_start3A_35, %dma_start3A_36] : memref<4000x80x64xi32, #tpu.memory_space<hbm>> -> memref<1x80x64xi32, #tpu.memory_space<hbm>>
    %dma_start3A_38 = tpu.memref_squeeze %dma_start3A_37 : memref<1x80x64xi32, #tpu.memory_space<hbm>> -> memref<80x64xi32, #tpu.memory_space<hbm>>
    tpu.enqueue_dma source(%dma_start3A_38 : memref<80x64xi32, #tpu.memory_space<hbm>>) target(%arg14 : memref<80x64xi32, #tpu.memory_space<vmem>>) target_semaphore(%arg19 : memref<!tpu.dma_semaphore, #tpu.memory_space<semaphore_mem>>)
    %add3A_39 = arith.constant 80 : i32
    %add3A_40 = arith.addi %mul3A_2, %add3A_39 : i32
    %dma_start3A_41 = tpu.memref_slice %arg4[%add3A_40] : memref<320000xi32, #tpu.memory_space<hbm>> -> memref<80xi32, #tpu.memory_space<hbm>>
    %dma_start3A_42 = tpu.memref_slice %arg4[%add3A_40] : memref<320000xi32, #tpu.memory_space<hbm>> -> memref<80xi32, #tpu.memory_space<hbm>>
    tpu.enqueue_dma source(%dma_start3A_42 : memref<80xi32, #tpu.memory_space<hbm>>) target(%arg9 : memref<80xi32, #tpu.memory_space<vmem>>) target_semaphore(%arg22 : memref<!tpu.dma_semaphore, #tpu.memory_space<semaphore_mem>>)
    %dma_start3A_43 = tpu.memref_slice %arg5[%add3A_40] : memref<320000xi32, #tpu.memory_space<hbm>> -> memref<80xi32, #tpu.memory_space<hbm>>
    %dma_start3A_44 = tpu.memref_slice %arg5[%add3A_40] : memref<320000xi32, #tpu.memory_space<hbm>> -> memref<80xi32, #tpu.memory_space<hbm>>
    tpu.enqueue_dma source(%dma_start3A_44 : memref<80xi32, #tpu.memory_space<hbm>>) target(%arg11 : memref<80xi32, #tpu.memory_space<vmem>>) target_semaphore(%arg22 : memref<!tpu.dma_semaphore, #tpu.memory_space<semaphore_mem>>)
    %scan3A_45 = arith.constant 0 : i32
    %scan3A_46 = arith.constant 0 : i32
    %scan3A_47 = arith.constant 63 : i32
    %scan3A_48 = arith.addi %scan3A_46, %scan3A_47 : i32
    %scan3A_49 = arith.constant 1 : i32
    %scan3A_50 = scf.for %scan3A_60 = %scan3A_46 to %scan3A_48 step %scan3A_49 iter_args(%scan3A_61 = %scan3A_45) -> (i32)  : i32 {
      %mul3A_62 = arith.constant 2 : i32
      %mul3A_63 = arith.muli %mul3A_62, %scan3A_60 : i32
      %dma_wait3A_64 = arith.constant 0 : i32
      %dma_wait3A_65 = arith.constant 0 : i32
      %dma_wait3A_66 = tpu.memref_slice %arg2[%dma_wait3A_64, %dma_wait3A_65] : memref<10240x128xf32, #tpu.memory_space<hbm>> -> memref<10240x128xf32, #tpu.memory_space<hbm>>
      tpu.wait_indirect_dma semaphore(%arg17 : memref<!tpu.dma_semaphore, #tpu.memory_space<semaphore_mem>>) src(%dma_wait3A_66 : memref<10240x128xf32, #tpu.memory_space<hbm>>) dst(%arg12 : memref<80x128xf32, #tpu.memory_space<vmem>>)
      %mul3A_67 = arith.constant 125 : i32
      %mul3A_68 = arith.muli %add3A, %mul3A_67 : i32
      %add3A_69 = arith.addi %mul3A_68, %mul3A_63 : i32
      %dma_wait3A_70 = arith.constant 0 : i32
      %dma_wait3A_71 = arith.constant 0 : i32
      %dma_wait3A_72 = tpu.memref_slice %arg3[%add3A_69, %dma_wait3A_70, %dma_wait3A_71] : memref<4000x80x64xi32, #tpu.memory_space<hbm>> -> memref<1x80x64xi32, #tpu.memory_space<hbm>>
      %dma_wait3A_73 = tpu.memref_squeeze %dma_wait3A_72 : memref<1x80x64xi32, #tpu.memory_space<hbm>> -> memref<80x64xi32, #tpu.memory_space<hbm>>
      %dma_wait3A_74 = arith.constant 0 : i32
      %dma_wait3A_75 = arith.constant 0 : i32
      %dma_wait3A_76 = tpu.memref_slice %arg3[%add3A_69, %dma_wait3A_74, %dma_wait3A_75] : memref<4000x80x64xi32, #tpu.memory_space<hbm>> -> memref<1x80x64xi32, #tpu.memory_space<hbm>>
      %dma_wait3A_77 = tpu.memref_squeeze %dma_wait3A_76 : memref<1x80x64xi32, #tpu.memory_space<hbm>> -> memref<80x64xi32, #tpu.memory_space<hbm>>
      tpu.wait_dma2 semaphore(%arg19 : memref<!tpu.dma_semaphore, #tpu.memory_space<semaphore_mem>>) src(%dma_wait3A_77 : memref<80x64xi32, #tpu.memory_space<hbm>>) dst(%arg14 : memref<80x64xi32, #tpu.memory_space<vmem>>)
      %add3A_78 = arith.constant 1 : i32
      %add3A_79 = arith.addi %mul3A_63, %add3A_78 : i32
      %lt3A = arith.constant 125 : i32
      %lt3A_80 = arith.cmpi slt, %add3A_79, %lt3A : i32
      %convert_element_type3A = arith.extui %lt3A_80 : i1 to i32
      %cond3A = arith.constant 0 : i32
      %cond3A_81 = arith.cmpi ne, %convert_element_type3A, %cond3A : i32
      scf.if %cond3A_81 {
        %add3A_104 = arith.constant 1 : i32
        %add3A_105 = arith.addi %mul3A_63, %add3A_104 : i32
        %mul3A_106 = arith.constant 80 : i32
        %mul3A_107 = arith.muli %add3A_105, %mul3A_106 : i32
        %add3A_108 = arith.addi %mul3A_2, %mul3A_107 : i32
        %dma_wait3A_109 = tpu.memref_slice %arg4[%add3A_108] : memref<320000xi32, #tpu.memory_space<hbm>> -> memref<80xi32, #tpu.memory_space<hbm>>
        %dma_wait3A_110 = tpu.memref_slice %arg4[%add3A_108] : memref<320000xi32, #tpu.memory_space<hbm>> -> memref<80xi32, #tpu.memory_space<hbm>>
        tpu.wait_dma2 semaphore(%arg22 : memref<!tpu.dma_semaphore, #tpu.memory_space<semaphore_mem>>) src(%dma_wait3A_110 : memref<80xi32, #tpu.memory_space<hbm>>) dst(%arg9 : memref<80xi32, #tpu.memory_space<vmem>>)
        %dma_wait3A_111 = tpu.memref_slice %arg5[%add3A_108] : memref<320000xi32, #tpu.memory_space<hbm>> -> memref<80xi32, #tpu.memory_space<hbm>>
        %dma_wait3A_112 = tpu.memref_slice %arg5[%add3A_108] : memref<320000xi32, #tpu.memory_space<hbm>> -> memref<80xi32, #tpu.memory_space<hbm>>
        tpu.wait_dma2 semaphore(%arg22 : memref<!tpu.dma_semaphore, #tpu.memory_space<semaphore_mem>>) src(%dma_wait3A_112 : memref<80xi32, #tpu.memory_space<hbm>>) dst(%arg11 : memref<80xi32, #tpu.memory_space<vmem>>)
        %dma_start3A_113 = arith.constant 0 : i32
        %dma_start3A_114 = arith.constant 0 : i32
        %dma_start3A_115 = tpu.memref_slice %arg2[%dma_start3A_113, %dma_start3A_114] : memref<10240x128xf32, #tpu.memory_space<hbm>> -> memref<10240x128xf32, #tpu.memory_space<hbm>>
        tpu.enqueue_indirect_dma source(%dma_start3A_115 : memref<10240x128xf32, #tpu.memory_space<hbm>>) target(%arg13 : memref<80x128xf32, #tpu.memory_space<vmem>>) offsets(%arg9 : memref<80xi32, #tpu.memory_space<vmem>>) semaphore(%arg18 : memref<!tpu.dma_semaphore, #tpu.memory_space<semaphore_mem>>)
        %add3A_116 = arith.constant 1 : i32
        %add3A_117 = arith.addi %mul3A_63, %add3A_116 : i32
        %mul3A_118 = arith.constant 125 : i32
        %mul3A_119 = arith.muli %add3A, %mul3A_118 : i32
        %add3A_120 = arith.addi %mul3A_119, %add3A_117 : i32
        %dma_start3A_121 = arith.constant 0 : i32
        %dma_start3A_122 = arith.constant 0 : i32
        %dma_start3A_123 = tpu.memref_slice %arg3[%add3A_120, %dma_start3A_121, %dma_start3A_122] : memref<4000x80x64xi32, #tpu.memory_space<hbm>> -> memref<1x80x64xi32, #tpu.memory_space<hbm>>
        %dma_start3A_124 = tpu.memref_squeeze %dma_start3A_123 : memref<1x80x64xi32, #tpu.memory_space<hbm>> -> memref<80x64xi32, #tpu.memory_space<hbm>>
        %dma_start3A_125 = arith.constant 0 : i32
        %dma_start3A_126 = arith.constant 0 : i32
        %dma_start3A_127 = tpu.memref_slice %arg3[%add3A_120, %dma_start3A_125, %dma_start3A_126] : memref<4000x80x64xi32, #tpu.memory_space<hbm>> -> memref<1x80x64xi32, #tpu.memory_space<hbm>>
        %dma_start3A_128 = tpu.memref_squeeze %dma_start3A_127 : memref<1x80x64xi32, #tpu.memory_space<hbm>> -> memref<80x64xi32, #tpu.memory_space<hbm>>
        tpu.enqueue_dma source(%dma_start3A_128 : memref<80x64xi32, #tpu.memory_space<hbm>>) target(%arg15 : memref<80x64xi32, #tpu.memory_space<vmem>>) target_semaphore(%arg20 : memref<!tpu.dma_semaphore, #tpu.memory_space<semaphore_mem>>)
      } else {
      }
      %scan3A_82 = arith.constant 0 : i32
      %scan3A_83 = arith.constant 0 : i32
      %scan3A_84 = arith.constant 80 : i32
      %scan3A_85 = arith.addi %scan3A_83, %scan3A_84 : i32
      %scan3A_86 = arith.constant 1 : i32
      %scan3A_87 = scf.for %scan3A_104 = %scan3A_83 to %scan3A_85 step %scan3A_86 iter_args(%scan3A_105 = %scan3A_82) -> (i32)  : i32 {
        %get3A = arith.index_cast %scan3A_104 : i32 to index
        %get3A_106 = arith.constant 0 : index
        %get3A_107 = tpu.vector_load %arg14[%get3A, %get3A_106] {strides = array<i32>} : memref<80x64xi32, #tpu.memory_space<vmem>>, vector<1x16xi32>,
        %get3A_108 = vector.shape_cast %get3A_107 : vector<1x16xi32> to vector<16xi32>
        %shift_left3A = arith.constant 16 : i32
        %shift_left3A_109 = vector.broadcast %shift_left3A : i32 to vector<16xi32>
        %shift_left3A_110 = arith.shli %get3A_108, %shift_left3A_109 : vector<16xi32>
        %bitcast_convert_type3A = tpu.bitcast %shift_left3A_110 : vector<16xi32> -> vector<16xf32>
        %and3A = arith.constant -65536 : i32
        %and3A_111 = vector.broadcast %and3A : i32 to vector<16xi32>
        %and3A_112 = arith.andi %get3A_108, %and3A_111 : vector<16xi32>
        %bitcast_convert_type3A_113 = tpu.bitcast %and3A_112 : vector<16xi32> -> vector<16xf32>
        %get3A_114 = arith.index_cast %scan3A_104 : i32 to index
        %get3A_115 = arith.constant 0 : index
        %get3A_116 = tpu.vector_load %arg12[%get3A_114, %get3A_115] {strides = array<i32>} : memref<80x128xf32, #tpu.memory_space<vmem>>, vector<1x16xf32>,
        %get3A_117 = vector.shape_cast %get3A_116 : vector<1x16xf32> to vector<16xf32>
        %mul3A_118 = arith.mulf %get3A_117, %bitcast_convert_type3A : vector<16xf32>
        %swap3A = arith.index_cast %scan3A_104 : i32 to index
        %swap3A_119 = arith.constant 0 : index
        %swap3A_120 = tpu.vector_load %arg12[%swap3A, %swap3A_119] {strides = array<i32>} : memref<80x128xf32, #tpu.memory_space<vmem>>, vector<1x16xf32>,
        %swap3A_121 = vector.shape_cast %swap3A_120 : vector<1x16xf32> to vector<16xf32>
        %swap3A_122 = vector.shape_cast %mul3A_118 : vector<16xf32> to vector<1x16xf32>
        tpu.vector_store %arg12[%swap3A, %swap3A_119], %swap3A_122 {strides = array<i32>} : memref<80x128xf32, #tpu.memory_space<vmem>>, vector<1x16xf32>,
        %get3A_123 = arith.index_cast %scan3A_104 : i32 to index
        %get3A_124 = arith.constant 16 : index
        %get3A_125 = tpu.vector_load %arg12[%get3A_123, %get3A_124] {strides = array<i32>} : memref<80x128xf32, #tpu.memory_space<vmem>>, vector<1x16xf32>,
        %get3A_126 = vector.shape_cast %get3A_125 : vector<1x16xf32> to vector<16xf32>
        %mul3A_127 = arith.mulf %get3A_126, %bitcast_convert_type3A_113 : vector<16xf32>
        %swap3A_128 = arith.index_cast %scan3A_104 : i32 to index
        %swap3A_129 = arith.constant 16 : index
        %swap3A_130 = tpu.vector_load %arg12[%swap3A_128, %swap3A_129] {strides = array<i32>} : memref<80x128xf32, #tpu.memory_space<vmem>>, vector<1x16xf32>,
        %swap3A_131 = vector.shape_cast %swap3A_130 : vector<1x16xf32> to vector<16xf32>
        %swap3A_132 = vector.shape_cast %mul3A_127 : vector<16xf32> to vector<1x16xf32>
        tpu.vector_store %arg12[%swap3A_128, %swap3A_129], %swap3A_132 {strides = array<i32>} : memref<80x128xf32, #tpu.memory_space<vmem>>, vector<1x16xf32>,
        %get3A_133 = arith.index_cast %scan3A_104 : i32 to index
        %get3A_134 = arith.constant 16 : index
        %get3A_135 = tpu.vector_load %arg14[%get3A_133, %get3A_134] {strides = array<i32>} : memref<80x64xi32, #tpu.memory_space<vmem>>, vector<1x16xi32>,
        %get3A_136 = vector.shape_cast %get3A_135 : vector<1x16xi32> to vector<16xi32>
        %shift_left3A_137 = arith.constant 16 : i32
        %shift_left3A_138 = vector.broadcast %shift_left3A_137 : i32 to vector<16xi32>
        %shift_left3A_139 = arith.shli %get3A_136, %shift_left3A_138 : vector<16xi32>
        %bitcast_convert_type3A_140 = tpu.bitcast %shift_left3A_139 : vector<16xi32> -> vector<16xf32>
        %and3A_141 = arith.constant -65536 : i32
        %and3A_142 = vector.broadcast %and3A_141 : i32 to vector<16xi32>
        %and3A_143 = arith.andi %get3A_136, %and3A_142 : vector<16xi32>
        %bitcast_convert_type3A_144 = tpu.bitcast %and3A_143 : vector<16xi32> -> vector<16xf32>
        %get3A_145 = arith.index_cast %scan3A_104 : i32 to index
        %get3A_146 = arith.constant 32 : index
        %get3A_147 = tpu.vector_load %arg12[%get3A_145, %get3A_146] {strides = array<i32>} : memref<80x128xf32, #tpu.memory_space<vmem>>, vector<1x16xf32>,
        %get3A_148 = vector.shape_cast %get3A_147 : vector<1x16xf32> to vector<16xf32>
        %mul3A_149 = arith.mulf %get3A_148, %bitcast_convert_type3A_140 : vector<16xf32>
        %swap3A_150 = arith.index_cast %scan3A_104 : i32 to index
        %swap3A_151 = arith.constant 32 : index
        %swap3A_152 = tpu.vector_load %arg12[%swap3A_150, %swap3A_151] {strides = array<i32>} : memref<80x128xf32, #tpu.memory_space<vmem>>, vector<1x16xf32>,
        %swap3A_153 = vector.shape_cast %swap3A_152 : vector<1x16xf32> to vector<16xf32>
        %swap3A_154 = vector.shape_cast %mul3A_149 : vector<16xf32> to vector<1x16xf32>
        tpu.vector_store %arg12[%swap3A_150, %swap3A_151], %swap3A_154 {strides = array<i32>} : memref<80x128xf32, #tpu.memory_space<vmem>>, vector<1x16xf32>,
        %get3A_155 = arith.index_cast %scan3A_104 : i32 to index
        %get3A_156 = arith.constant 48 : index
        %get3A_157 = tpu.vector_load %arg12[%get3A_155, %get3A_156] {strides = array<i32>} : memref<80x128xf32, #tpu.memory_space<vmem>>, vector<1x16xf32>,
        %get3A_158 = vector.shape_cast %get3A_157 : vector<1x16xf32> to vector<16xf32>
        %mul3A_159 = arith.mulf %get3A_158, %bitcast_convert_type3A_144 : vector<16xf32>
        %swap3A_160 = arith.index_cast %scan3A_104 : i32 to index
        %swap3A_161 = arith.constant 48 : index
        %swap3A_162 = tpu.vector_load %arg12[%swap3A_160, %swap3A_161] {strides = array<i32>} : memref<80x128xf32, #tpu.memory_space<vmem>>, vector<1x16xf32>,
        %swap3A_163 = vector.shape_cast %swap3A_162 : vector<1x16xf32> to vector<16xf32>
        %swap3A_164 = vector.shape_cast %mul3A_159 : vector<16xf32> to vector<1x16xf32>
        tpu.vector_store %arg12[%swap3A_160, %swap3A_161], %swap3A_164 {strides = array<i32>} : memref<80x128xf32, #tpu.memory_space<vmem>>, vector<1x16xf32>,
        %get3A_165 = arith.index_cast %scan3A_104 : i32 to index
        %get3A_166 = arith.constant 32 : index
        %get3A_167 = tpu.vector_load %arg14[%get3A_165, %get3A_166] {strides = array<i32>} : memref<80x64xi32, #tpu.memory_space<vmem>>, vector<1x16xi32>,
        %get3A_168 = vector.shape_cast %get3A_167 : vector<1x16xi32> to vector<16xi32>
        %shift_left3A_169 = arith.constant 16 : i32
        %shift_left3A_170 = vector.broadcast %shift_left3A_169 : i32 to vector<16xi32>
        %shift_left3A_171 = arith.shli %get3A_168, %shift_left3A_170 : vector<16xi32>
        %bitcast_convert_type3A_172 = tpu.bitcast %shift_left3A_171 : vector<16xi32> -> vector<16xf32>
        %and3A_173 = arith.constant -65536 : i32
        %and3A_174 = vector.broadcast %and3A_173 : i32 to vector<16xi32>
        %and3A_175 = arith.andi %get3A_168, %and3A_174 : vector<16xi32>
        %bitcast_convert_type3A_176 = tpu.bitcast %and3A_175 : vector<16xi32> -> vector<16xf32>
        %get3A_177 = arith.index_cast %scan3A_104 : i32 to index
        %get3A_178 = arith.constant 64 : index
        %get3A_179 = tpu.vector_load %arg12[%get3A_177, %get3A_178] {strides = array<i32>} : memref<80x128xf32, #tpu.memory_space<vmem>>, vector<1x16xf32>,
        %get3A_180 = vector.shape_cast %get3A_179 : vector<1x16xf32> to vector<16xf32>
        %mul3A_181 = arith.mulf %get3A_180, %bitcast_convert_type3A_172 : vector<16xf32>
        %swap3A_182 = arith.index_cast %scan3A_104 : i32 to index
        %swap3A_183 = arith.constant 64 : index
        %swap3A_184 = tpu.vector_load %arg12[%swap3A_182, %swap3A_183] {strides = array<i32>} : memref<80x128xf32, #tpu.memory_space<vmem>>, vector<1x16xf32>,
        %swap3A_185 = vector.shape_cast %swap3A_184 : vector<1x16xf32> to vector<16xf32>
        %swap3A_186 = vector.shape_cast %mul3A_181 : vector<16xf32> to vector<1x16xf32>
        tpu.vector_store %arg12[%swap3A_182, %swap3A_183], %swap3A_186 {strides = array<i32>} : memref<80x128xf32, #tpu.memory_space<vmem>>, vector<1x16xf32>,
        %get3A_187 = arith.index_cast %scan3A_104 : i32 to index
        %get3A_188 = arith.constant 80 : index
        %get3A_189 = tpu.vector_load %arg12[%get3A_187, %get3A_188] {strides = array<i32>} : memref<80x128xf32, #tpu.memory_space<vmem>>, vector<1x16xf32>,
        %get3A_190 = vector.shape_cast %get3A_189 : vector<1x16xf32> to vector<16xf32>
        %mul3A_191 = arith.mulf %get3A_190, %bitcast_convert_type3A_176 : vector<16xf32>
        %swap3A_192 = arith.index_cast %scan3A_104 : i32 to index
        %swap3A_193 = arith.constant 80 : index
        %swap3A_194 = tpu.vector_load %arg12[%swap3A_192, %swap3A_193] {strides = array<i32>} : memref<80x128xf32, #tpu.memory_space<vmem>>, vector<1x16xf32>,
        %swap3A_195 = vector.shape_cast %swap3A_194 : vector<1x16xf32> to vector<16xf32>
        %swap3A_196 = vector.shape_cast %mul3A_191 : vector<16xf32> to vector<1x16xf32>
        tpu.vector_store %arg12[%swap3A_192, %swap3A_193], %swap3A_196 {strides = array<i32>} : memref<80x128xf32, #tpu.memory_space<vmem>>, vector<1x16xf32>,
        %get3A_197 = arith.index_cast %scan3A_104 : i32 to index
        %get3A_198 = arith.constant 48 : index
        %get3A_199 = tpu.vector_load %arg14[%get3A_197, %get3A_198] {strides = array<i32>} : memref<80x64xi32, #tpu.memory_space<vmem>>, vector<1x16xi32>,
        %get3A_200 = vector.shape_cast %get3A_199 : vector<1x16xi32> to vector<16xi32>
        %shift_left3A_201 = arith.constant 16 : i32
        %shift_left3A_202 = vector.broadcast %shift_left3A_201 : i32 to vector<16xi32>
        %shift_left3A_203 = arith.shli %get3A_200, %shift_left3A_202 : vector<16xi32>
        %bitcast_convert_type3A_204 = tpu.bitcast %shift_left3A_203 : vector<16xi32> -> vector<16xf32>
        %and3A_205 = arith.constant -65536 : i32
        %and3A_206 = vector.broadcast %and3A_205 : i32 to vector<16xi32>
        %and3A_207 = arith.andi %get3A_200, %and3A_206 : vector<16xi32>
        %bitcast_convert_type3A_208 = tpu.bitcast %and3A_207 : vector<16xi32> -> vector<16xf32>
        %get3A_209 = arith.index_cast %scan3A_104 : i32 to index
        %get3A_210 = arith.constant 96 : index
        %get3A_211 = tpu.vector_load %arg12[%get3A_209, %get3A_210] {strides = array<i32>} : memref<80x128xf32, #tpu.memory_space<vmem>>, vector<1x16xf32>,
        %get3A_212 = vector.shape_cast %get3A_211 : vector<1x16xf32> to vector<16xf32>
        %mul3A_213 = arith.mulf %get3A_212, %bitcast_convert_type3A_204 : vector<16xf32>
        %swap3A_214 = arith.index_cast %scan3A_104 : i32 to index
        %swap3A_215 = arith.constant 96 : index
        %swap3A_216 = tpu.vector_load %arg12[%swap3A_214, %swap3A_215] {strides = array<i32>} : memref<80x128xf32, #tpu.memory_space<vmem>>, vector<1x16xf32>,
        %swap3A_217 = vector.shape_cast %swap3A_216 : vector<1x16xf32> to vector<16xf32>
        %swap3A_218 = vector.shape_cast %mul3A_213 : vector<16xf32> to vector<1x16xf32>
        tpu.vector_store %arg12[%swap3A_214, %swap3A_215], %swap3A_218 {strides = array<i32>} : memref<80x128xf32, #tpu.memory_space<vmem>>, vector<1x16xf32>,
        %get3A_219 = arith.index_cast %scan3A_104 : i32 to index
        %get3A_220 = arith.constant 112 : index
        %get3A_221 = tpu.vector_load %arg12[%get3A_219, %get3A_220] {strides = array<i32>} : memref<80x128xf32, #tpu.memory_space<vmem>>, vector<1x16xf32>,
        %get3A_222 = vector.shape_cast %get3A_221 : vector<1x16xf32> to vector<16xf32>
        %mul3A_223 = arith.mulf %get3A_222, %bitcast_convert_type3A_208 : vector<16xf32>
        %swap3A_224 = arith.index_cast %scan3A_104 : i32 to index
        %swap3A_225 = arith.constant 112 : index
        %swap3A_226 = tpu.vector_load %arg12[%swap3A_224, %swap3A_225] {strides = array<i32>} : memref<80x128xf32, #tpu.memory_space<vmem>>, vector<1x16xf32>,
        %swap3A_227 = vector.shape_cast %swap3A_226 : vector<1x16xf32> to vector<16xf32>
        %swap3A_228 = vector.shape_cast %mul3A_223 : vector<16xf32> to vector<1x16xf32>
        tpu.vector_store %arg12[%swap3A_224, %swap3A_225], %swap3A_228 {strides = array<i32>} : memref<80x128xf32, #tpu.memory_space<vmem>>, vector<1x16xf32>,
        %scan3A_229 = arith.constant 0 : i32
        scf.yield %scan3A_229 : i32
      }
      %scan3A_88 = arith.constant 80 : i32
      "tpu.region"() ({
        %run_scoped3A = tpu.sem_alloc : memref<!tpu.dma_semaphore, #tpu.memory_space<semaphore_mem>>
        %dma_start3A_104 = arith.constant 0 : i32
        %dma_start3A_105 = arith.constant 0 : i32
        %dma_start3A_106 = tpu.memref_slice %arg7[%dma_start3A_104, %dma_start3A_105] : memref<10240x128xf32, #tpu.memory_space<vmem_shared>> -> memref<10240x128xf32, #tpu.memory_space<vmem_shared>>
        tpu.enqueue_indirect_dma source(%arg12 : memref<80x128xf32, #tpu.memory_space<vmem>>) target(%dma_start3A_106 : memref<10240x128xf32, #tpu.memory_space<vmem_shared>>) offsets(%arg10 : memref<80xi32, #tpu.memory_space<vmem>>) semaphore(%run_scoped3A : memref<!tpu.dma_semaphore, #tpu.memory_space<semaphore_mem>>) {add = true}
        %dma_wait3A_107 = arith.constant 0 : i32
        %dma_wait3A_108 = arith.constant 0 : i32
        %dma_wait3A_109 = tpu.memref_slice %arg7[%dma_wait3A_107, %dma_wait3A_108] : memref<10240x128xf32, #tpu.memory_space<vmem_shared>> -> memref<10240x128xf32, #tpu.memory_space<vmem_shared>>
        tpu.wait_indirect_dma semaphore(%run_scoped3A : memref<!tpu.dma_semaphore, #tpu.memory_space<semaphore_mem>>) src(%arg12 : memref<80x128xf32, #tpu.memory_space<vmem>>) dst(%dma_wait3A_109 : memref<10240x128xf32, #tpu.memory_space<vmem_shared>>)
        tpu.yield
      }) : () -> ()
      %add3A_89 = arith.constant 2 : i32
      %add3A_90 = arith.addi %mul3A_63, %add3A_89 : i32
      %lt3A_91 = arith.constant 125 : i32
      %lt3A_92 = arith.cmpi slt, %add3A_90, %lt3A_91 : i32
      %convert_element_type3A_93 = arith.extui %lt3A_92 : i1 to i32
      %cond3A_94 = arith.constant 0 : i32
      %cond3A_95 = arith.cmpi ne, %convert_element_type3A_93, %cond3A_94 : i32
      scf.if %cond3A_95 {
        %add3A_104 = arith.constant 2 : i32
        %add3A_105 = arith.addi %mul3A_63, %add3A_104 : i32
        %mul3A_106 = arith.constant 80 : i32
        %mul3A_107 = arith.muli %add3A_105, %mul3A_106 : i32
        %add3A_108 = arith.addi %mul3A_2, %mul3A_107 : i32
        %dma_start3A_109 = tpu.memref_slice %arg4[%add3A_108] : memref<320000xi32, #tpu.memory_space<hbm>> -> memref<80xi32, #tpu.memory_space<hbm>>
        %dma_start3A_110 = tpu.memref_slice %arg4[%add3A_108] : memref<320000xi32, #tpu.memory_space<hbm>> -> memref<80xi32, #tpu.memory_space<hbm>>
        tpu.enqueue_dma source(%dma_start3A_110 : memref<80xi32, #tpu.memory_space<hbm>>) target(%arg8 : memref<80xi32, #tpu.memory_space<vmem>>) target_semaphore(%arg21 : memref<!tpu.dma_semaphore, #tpu.memory_space<semaphore_mem>>)
        %dma_start3A_111 = tpu.memref_slice %arg5[%add3A_108] : memref<320000xi32, #tpu.memory_space<hbm>> -> memref<80xi32, #tpu.memory_space<hbm>>
        %dma_start3A_112 = tpu.memref_slice %arg5[%add3A_108] : memref<320000xi32, #tpu.memory_space<hbm>> -> memref<80xi32, #tpu.memory_space<hbm>>
        tpu.enqueue_dma source(%dma_start3A_112 : memref<80xi32, #tpu.memory_space<hbm>>) target(%arg10 : memref<80xi32, #tpu.memory_space<vmem>>) target_semaphore(%arg21 : memref<!tpu.dma_semaphore, #tpu.memory_space<semaphore_mem>>)
      } else {
      }
      %add3A_96 = arith.constant 1 : i32
      %add3A_97 = arith.addi %mul3A_63, %add3A_96 : i32
      %lt3A_98 = arith.constant 125 : i32
      %lt3A_99 = arith.cmpi slt, %add3A_97, %lt3A_98 : i32
      %convert_element_type3A_100 = arith.extui %lt3A_99 : i1 to i32
      %cond3A_101 = arith.constant 0 : i32
      %cond3A_102 = arith.cmpi ne, %convert_element_type3A_100, %cond3A_101 : i32
      scf.if %cond3A_102 {
        %add3A_104 = arith.constant 1 : i32
        %add3A_105 = arith.addi %mul3A_63, %add3A_104 : i32
        %dma_wait3A_106 = arith.constant 0 : i32
        %dma_wait3A_107 = arith.constant 0 : i32
        %dma_wait3A_108 = tpu.memref_slice %arg2[%dma_wait3A_106, %dma_wait3A_107] : memref<10240x128xf32, #tpu.memory_space<hbm>> -> memref<10240x128xf32, #tpu.memory_space<hbm>>
        tpu.wait_indirect_dma semaphore(%arg18 : memref<!tpu.dma_semaphore, #tpu.memory_space<semaphore_mem>>) src(%dma_wait3A_108 : memref<10240x128xf32, #tpu.memory_space<hbm>>) dst(%arg13 : memref<80x128xf32, #tpu.memory_space<vmem>>)
        %mul3A_109 = arith.constant 125 : i32
        %mul3A_110 = arith.muli %add3A, %mul3A_109 : i32
        %add3A_111 = arith.addi %mul3A_110, %add3A_105 : i32
        %dma_wait3A_112 = arith.constant 0 : i32
        %dma_wait3A_113 = arith.constant 0 : i32
        %dma_wait3A_114 = tpu.memref_slice %arg3[%add3A_111, %dma_wait3A_112, %dma_wait3A_113] : memref<4000x80x64xi32, #tpu.memory_space<hbm>> -> memref<1x80x64xi32, #tpu.memory_space<hbm>>
        %dma_wait3A_115 = tpu.memref_squeeze %dma_wait3A_114 : memref<1x80x64xi32, #tpu.memory_space<hbm>> -> memref<80x64xi32, #tpu.memory_space<hbm>>
        %dma_wait3A_116 = arith.constant 0 : i32
        %dma_wait3A_117 = arith.constant 0 : i32
        %dma_wait3A_118 = tpu.memref_slice %arg3[%add3A_111, %dma_wait3A_116, %dma_wait3A_117] : memref<4000x80x64xi32, #tpu.memory_space<hbm>> -> memref<1x80x64xi32, #tpu.memory_space<hbm>>
        %dma_wait3A_119 = tpu.memref_squeeze %dma_wait3A_118 : memref<1x80x64xi32, #tpu.memory_space<hbm>> -> memref<80x64xi32, #tpu.memory_space<hbm>>
        tpu.wait_dma2 semaphore(%arg20 : memref<!tpu.dma_semaphore, #tpu.memory_space<semaphore_mem>>) src(%dma_wait3A_119 : memref<80x64xi32, #tpu.memory_space<hbm>>) dst(%arg15 : memref<80x64xi32, #tpu.memory_space<vmem>>)
        %add3A_120 = arith.constant 1 : i32
        %add3A_121 = arith.addi %add3A_105, %add3A_120 : i32
        %lt3A_122 = arith.constant 125 : i32
        %lt3A_123 = arith.cmpi slt, %add3A_121, %lt3A_122 : i32
        %convert_element_type3A_124 = arith.extui %lt3A_123 : i1 to i32
        %cond3A_125 = arith.constant 0 : i32
        %cond3A_126 = arith.cmpi ne, %convert_element_type3A_124, %cond3A_125 : i32
        scf.if %cond3A_126 {
          %add3A_141 = arith.constant 1 : i32
          %add3A_142 = arith.addi %add3A_105, %add3A_141 : i32
          %mul3A_143 = arith.constant 80 : i32
          %mul3A_144 = arith.muli %add3A_142, %mul3A_143 : i32
          %add3A_145 = arith.addi %mul3A_2, %mul3A_144 : i32
          %dma_wait3A_146 = tpu.memref_slice %arg4[%add3A_145] : memref<320000xi32, #tpu.memory_space<hbm>> -> memref<80xi32, #tpu.memory_space<hbm>>
          %dma_wait3A_147 = tpu.memref_slice %arg4[%add3A_145] : memref<320000xi32, #tpu.memory_space<hbm>> -> memref<80xi32, #tpu.memory_space<hbm>>
          tpu.wait_dma2 semaphore(%arg21 : memref<!tpu.dma_semaphore, #tpu.memory_space<semaphore_mem>>) src(%dma_wait3A_147 : memref<80xi32, #tpu.memory_space<hbm>>) dst(%arg8 : memref<80xi32, #tpu.memory_space<vmem>>)
          %dma_wait3A_148 = tpu.memref_slice %arg5[%add3A_145] : memref<320000xi32, #tpu.memory_space<hbm>> -> memref<80xi32, #tpu.memory_space<hbm>>
          %dma_wait3A_149 = tpu.memref_slice %arg5[%add3A_145] : memref<320000xi32, #tpu.memory_space<hbm>> -> memref<80xi32, #tpu.memory_space<hbm>>
          tpu.wait_dma2 semaphore(%arg21 : memref<!tpu.dma_semaphore, #tpu.memory_space<semaphore_mem>>) src(%dma_wait3A_149 : memref<80xi32, #tpu.memory_space<hbm>>) dst(%arg10 : memref<80xi32, #tpu.memory_space<vmem>>)
          %dma_start3A_150 = arith.constant 0 : i32
          %dma_start3A_151 = arith.constant 0 : i32
          %dma_start3A_152 = tpu.memref_slice %arg2[%dma_start3A_150, %dma_start3A_151] : memref<10240x128xf32, #tpu.memory_space<hbm>> -> memref<10240x128xf32, #tpu.memory_space<hbm>>
          tpu.enqueue_indirect_dma source(%dma_start3A_152 : memref<10240x128xf32, #tpu.memory_space<hbm>>) target(%arg12 : memref<80x128xf32, #tpu.memory_space<vmem>>) offsets(%arg8 : memref<80xi32, #tpu.memory_space<vmem>>) semaphore(%arg17 : memref<!tpu.dma_semaphore, #tpu.memory_space<semaphore_mem>>)
          %add3A_153 = arith.constant 1 : i32
          %add3A_154 = arith.addi %add3A_105, %add3A_153 : i32
          %mul3A_155 = arith.constant 125 : i32
          %mul3A_156 = arith.muli %add3A, %mul3A_155 : i32
          %add3A_157 = arith.addi %mul3A_156, %add3A_154 : i32
          %dma_start3A_158 = arith.constant 0 : i32
          %dma_start3A_159 = arith.constant 0 : i32
          %dma_start3A_160 = tpu.memref_slice %arg3[%add3A_157, %dma_start3A_158, %dma_start3A_159] : memref<4000x80x64xi32, #tpu.memory_space<hbm>> -> memref<1x80x64xi32, #tpu.memory_space<hbm>>
          %dma_start3A_161 = tpu.memref_squeeze %dma_start3A_160 : memref<1x80x64xi32, #tpu.memory_space<hbm>> -> memref<80x64xi32, #tpu.memory_space<hbm>>
          %dma_start3A_162 = arith.constant 0 : i32
          %dma_start3A_163 = arith.constant 0 : i32
          %dma_start3A_164 = tpu.memref_slice %arg3[%add3A_157, %dma_start3A_162, %dma_start3A_163] : memref<4000x80x64xi32, #tpu.memory_space<hbm>> -> memref<1x80x64xi32, #tpu.memory_space<hbm>>
          %dma_start3A_165 = tpu.memref_squeeze %dma_start3A_164 : memref<1x80x64xi32, #tpu.memory_space<hbm>> -> memref<80x64xi32, #tpu.memory_space<hbm>>
          tpu.enqueue_dma source(%dma_start3A_165 : memref<80x64xi32, #tpu.memory_space<hbm>>) target(%arg14 : memref<80x64xi32, #tpu.memory_space<vmem>>) target_semaphore(%arg19 : memref<!tpu.dma_semaphore, #tpu.memory_space<semaphore_mem>>)
        } else {
        }
        %scan3A_127 = arith.constant 0 : i32
        %scan3A_128 = arith.constant 0 : i32
        %scan3A_129 = arith.constant 80 : i32
        %scan3A_130 = arith.addi %scan3A_128, %scan3A_129 : i32
        %scan3A_131 = arith.constant 1 : i32
        %scan3A_132 = scf.for %scan3A_141 = %scan3A_128 to %scan3A_130 step %scan3A_131 iter_args(%scan3A_142 = %scan3A_127) -> (i32)  : i32 {
          %get3A = arith.index_cast %scan3A_141 : i32 to index
          %get3A_143 = arith.constant 0 : index
          %get3A_144 = tpu.vector_load %arg15[%get3A, %get3A_143] {strides = array<i32>} : memref<80x64xi32, #tpu.memory_space<vmem>>, vector<1x16xi32>,
          %get3A_145 = vector.shape_cast %get3A_144 : vector<1x16xi32> to vector<16xi32>
          %shift_left3A = arith.constant 16 : i32
          %shift_left3A_146 = vector.broadcast %shift_left3A : i32 to vector<16xi32>
          %shift_left3A_147 = arith.shli %get3A_145, %shift_left3A_146 : vector<16xi32>
          %bitcast_convert_type3A = tpu.bitcast %shift_left3A_147 : vector<16xi32> -> vector<16xf32>
          %and3A = arith.constant -65536 : i32
          %and3A_148 = vector.broadcast %and3A : i32 to vector<16xi32>
          %and3A_149 = arith.andi %get3A_145, %and3A_148 : vector<16xi32>
          %bitcast_convert_type3A_150 = tpu.bitcast %and3A_149 : vector<16xi32> -> vector<16xf32>
          %get3A_151 = arith.index_cast %scan3A_141 : i32 to index
          %get3A_152 = arith.constant 0 : index
          %get3A_153 = tpu.vector_load %arg13[%get3A_151, %get3A_152] {strides = array<i32>} : memref<80x128xf32, #tpu.memory_space<vmem>>, vector<1x16xf32>,
          %get3A_154 = vector.shape_cast %get3A_153 : vector<1x16xf32> to vector<16xf32>
          %mul3A_155 = arith.mulf %get3A_154, %bitcast_convert_type3A : vector<16xf32>
          %swap3A = arith.index_cast %scan3A_141 : i32 to index
          %swap3A_156 = arith.constant 0 : index
          %swap3A_157 = tpu.vector_load %arg13[%swap3A, %swap3A_156] {strides = array<i32>} : memref<80x128xf32, #tpu.memory_space<vmem>>, vector<1x16xf32>,
          %swap3A_158 = vector.shape_cast %swap3A_157 : vector<1x16xf32> to vector<16xf32>
          %swap3A_159 = vector.shape_cast %mul3A_155 : vector<16xf32> to vector<1x16xf32>
          tpu.vector_store %arg13[%swap3A, %swap3A_156], %swap3A_159 {strides = array<i32>} : memref<80x128xf32, #tpu.memory_space<vmem>>, vector<1x16xf32>,
          %get3A_160 = arith.index_cast %scan3A_141 : i32 to index
          %get3A_161 = arith.constant 16 : index
          %get3A_162 = tpu.vector_load %arg13[%get3A_160, %get3A_161] {strides = array<i32>} : memref<80x128xf32, #tpu.memory_space<vmem>>, vector<1x16xf32>,
          %get3A_163 = vector.shape_cast %get3A_162 : vector<1x16xf32> to vector<16xf32>
          %mul3A_164 = arith.mulf %get3A_163, %bitcast_convert_type3A_150 : vector<16xf32>
          %swap3A_165 = arith.index_cast %scan3A_141 : i32 to index
          %swap3A_166 = arith.constant 16 : index
          %swap3A_167 = tpu.vector_load %arg13[%swap3A_165, %swap3A_166] {strides = array<i32>} : memref<80x128xf32, #tpu.memory_space<vmem>>, vector<1x16xf32>,
          %swap3A_168 = vector.shape_cast %swap3A_167 : vector<1x16xf32> to vector<16xf32>
          %swap3A_169 = vector.shape_cast %mul3A_164 : vector<16xf32> to vector<1x16xf32>
          tpu.vector_store %arg13[%swap3A_165, %swap3A_166], %swap3A_169 {strides = array<i32>} : memref<80x128xf32, #tpu.memory_space<vmem>>, vector<1x16xf32>,
          %get3A_170 = arith.index_cast %scan3A_141 : i32 to index
          %get3A_171 = arith.constant 16 : index
          %get3A_172 = tpu.vector_load %arg15[%get3A_170, %get3A_171] {strides = array<i32>} : memref<80x64xi32, #tpu.memory_space<vmem>>, vector<1x16xi32>,
          %get3A_173 = vector.shape_cast %get3A_172 : vector<1x16xi32> to vector<16xi32>
          %shift_left3A_174 = arith.constant 16 : i32
          %shift_left3A_175 = vector.broadcast %shift_left3A_174 : i32 to vector<16xi32>
          %shift_left3A_176 = arith.shli %get3A_173, %shift_left3A_175 : vector<16xi32>
          %bitcast_convert_type3A_177 = tpu.bitcast %shift_left3A_176 : vector<16xi32> -> vector<16xf32>
          %and3A_178 = arith.constant -65536 : i32
          %and3A_179 = vector.broadcast %and3A_178 : i32 to vector<16xi32>
          %and3A_180 = arith.andi %get3A_173, %and3A_179 : vector<16xi32>
          %bitcast_convert_type3A_181 = tpu.bitcast %and3A_180 : vector<16xi32> -> vector<16xf32>
          %get3A_182 = arith.index_cast %scan3A_141 : i32 to index
          %get3A_183 = arith.constant 32 : index
          %get3A_184 = tpu.vector_load %arg13[%get3A_182, %get3A_183] {strides = array<i32>} : memref<80x128xf32, #tpu.memory_space<vmem>>, vector<1x16xf32>,
          %get3A_185 = vector.shape_cast %get3A_184 : vector<1x16xf32> to vector<16xf32>
          %mul3A_186 = arith.mulf %get3A_185, %bitcast_convert_type3A_177 : vector<16xf32>
          %swap3A_187 = arith.index_cast %scan3A_141 : i32 to index
          %swap3A_188 = arith.constant 32 : index
          %swap3A_189 = tpu.vector_load %arg13[%swap3A_187, %swap3A_188] {strides = array<i32>} : memref<80x128xf32, #tpu.memory_space<vmem>>, vector<1x16xf32>,
          %swap3A_190 = vector.shape_cast %swap3A_189 : vector<1x16xf32> to vector<16xf32>
          %swap3A_191 = vector.shape_cast %mul3A_186 : vector<16xf32> to vector<1x16xf32>
          tpu.vector_store %arg13[%swap3A_187, %swap3A_188], %swap3A_191 {strides = array<i32>} : memref<80x128xf32, #tpu.memory_space<vmem>>, vector<1x16xf32>,
          %get3A_192 = arith.index_cast %scan3A_141 : i32 to index
          %get3A_193 = arith.constant 48 : index
          %get3A_194 = tpu.vector_load %arg13[%get3A_192, %get3A_193] {strides = array<i32>} : memref<80x128xf32, #tpu.memory_space<vmem>>, vector<1x16xf32>,
          %get3A_195 = vector.shape_cast %get3A_194 : vector<1x16xf32> to vector<16xf32>
          %mul3A_196 = arith.mulf %get3A_195, %bitcast_convert_type3A_181 : vector<16xf32>
          %swap3A_197 = arith.index_cast %scan3A_141 : i32 to index
          %swap3A_198 = arith.constant 48 : index
          %swap3A_199 = tpu.vector_load %arg13[%swap3A_197, %swap3A_198] {strides = array<i32>} : memref<80x128xf32, #tpu.memory_space<vmem>>, vector<1x16xf32>,
          %swap3A_200 = vector.shape_cast %swap3A_199 : vector<1x16xf32> to vector<16xf32>
          %swap3A_201 = vector.shape_cast %mul3A_196 : vector<16xf32> to vector<1x16xf32>
          tpu.vector_store %arg13[%swap3A_197, %swap3A_198], %swap3A_201 {strides = array<i32>} : memref<80x128xf32, #tpu.memory_space<vmem>>, vector<1x16xf32>,
          %get3A_202 = arith.index_cast %scan3A_141 : i32 to index
          %get3A_203 = arith.constant 32 : index
          %get3A_204 = tpu.vector_load %arg15[%get3A_202, %get3A_203] {strides = array<i32>} : memref<80x64xi32, #tpu.memory_space<vmem>>, vector<1x16xi32>,
          %get3A_205 = vector.shape_cast %get3A_204 : vector<1x16xi32> to vector<16xi32>
          %shift_left3A_206 = arith.constant 16 : i32
          %shift_left3A_207 = vector.broadcast %shift_left3A_206 : i32 to vector<16xi32>
          %shift_left3A_208 = arith.shli %get3A_205, %shift_left3A_207 : vector<16xi32>
          %bitcast_convert_type3A_209 = tpu.bitcast %shift_left3A_208 : vector<16xi32> -> vector<16xf32>
          %and3A_210 = arith.constant -65536 : i32
          %and3A_211 = vector.broadcast %and3A_210 : i32 to vector<16xi32>
          %and3A_212 = arith.andi %get3A_205, %and3A_211 : vector<16xi32>
          %bitcast_convert_type3A_213 = tpu.bitcast %and3A_212 : vector<16xi32> -> vector<16xf32>
          %get3A_214 = arith.index_cast %scan3A_141 : i32 to index
          %get3A_215 = arith.constant 64 : index
          %get3A_216 = tpu.vector_load %arg13[%get3A_214, %get3A_215] {strides = array<i32>} : memref<80x128xf32, #tpu.memory_space<vmem>>, vector<1x16xf32>,
          %get3A_217 = vector.shape_cast %get3A_216 : vector<1x16xf32> to vector<16xf32>
          %mul3A_218 = arith.mulf %get3A_217, %bitcast_convert_type3A_209 : vector<16xf32>
          %swap3A_219 = arith.index_cast %scan3A_141 : i32 to index
          %swap3A_220 = arith.constant 64 : index
          %swap3A_221 = tpu.vector_load %arg13[%swap3A_219, %swap3A_220] {strides = array<i32>} : memref<80x128xf32, #tpu.memory_space<vmem>>, vector<1x16xf32>,
          %swap3A_222 = vector.shape_cast %swap3A_221 : vector<1x16xf32> to vector<16xf32>
          %swap3A_223 = vector.shape_cast %mul3A_218 : vector<16xf32> to vector<1x16xf32>
          tpu.vector_store %arg13[%swap3A_219, %swap3A_220], %swap3A_223 {strides = array<i32>} : memref<80x128xf32, #tpu.memory_space<vmem>>, vector<1x16xf32>,
          %get3A_224 = arith.index_cast %scan3A_141 : i32 to index
          %get3A_225 = arith.constant 80 : index
          %get3A_226 = tpu.vector_load %arg13[%get3A_224, %get3A_225] {strides = array<i32>} : memref<80x128xf32, #tpu.memory_space<vmem>>, vector<1x16xf32>,
          %get3A_227 = vector.shape_cast %get3A_226 : vector<1x16xf32> to vector<16xf32>
          %mul3A_228 = arith.mulf %get3A_227, %bitcast_convert_type3A_213 : vector<16xf32>
          %swap3A_229 = arith.index_cast %scan3A_141 : i32 to index
          %swap3A_230 = arith.constant 80 : index
          %swap3A_231 = tpu.vector_load %arg13[%swap3A_229, %swap3A_230] {strides = array<i32>} : memref<80x128xf32, #tpu.memory_space<vmem>>, vector<1x16xf32>,
          %swap3A_232 = vector.shape_cast %swap3A_231 : vector<1x16xf32> to vector<16xf32>
          %swap3A_233 = vector.shape_cast %mul3A_228 : vector<16xf32> to vector<1x16xf32>
          tpu.vector_store %arg13[%swap3A_229, %swap3A_230], %swap3A_233 {strides = array<i32>} : memref<80x128xf32, #tpu.memory_space<vmem>>, vector<1x16xf32>,
          %get3A_234 = arith.index_cast %scan3A_141 : i32 to index
          %get3A_235 = arith.constant 48 : index
          %get3A_236 = tpu.vector_load %arg15[%get3A_234, %get3A_235] {strides = array<i32>} : memref<80x64xi32, #tpu.memory_space<vmem>>, vector<1x16xi32>,
          %get3A_237 = vector.shape_cast %get3A_236 : vector<1x16xi32> to vector<16xi32>
          %shift_left3A_238 = arith.constant 16 : i32
          %shift_left3A_239 = vector.broadcast %shift_left3A_238 : i32 to vector<16xi32>
          %shift_left3A_240 = arith.shli %get3A_237, %shift_left3A_239 : vector<16xi32>
          %bitcast_convert_type3A_241 = tpu.bitcast %shift_left3A_240 : vector<16xi32> -> vector<16xf32>
          %and3A_242 = arith.constant -65536 : i32
          %and3A_243 = vector.broadcast %and3A_242 : i32 to vector<16xi32>
          %and3A_244 = arith.andi %get3A_237, %and3A_243 : vector<16xi32>
          %bitcast_convert_type3A_245 = tpu.bitcast %and3A_244 : vector<16xi32> -> vector<16xf32>
          %get3A_246 = arith.index_cast %scan3A_141 : i32 to index
          %get3A_247 = arith.constant 96 : index
          %get3A_248 = tpu.vector_load %arg13[%get3A_246, %get3A_247] {strides = array<i32>} : memref<80x128xf32, #tpu.memory_space<vmem>>, vector<1x16xf32>,
          %get3A_249 = vector.shape_cast %get3A_248 : vector<1x16xf32> to vector<16xf32>
          %mul3A_250 = arith.mulf %get3A_249, %bitcast_convert_type3A_241 : vector<16xf32>
          %swap3A_251 = arith.index_cast %scan3A_141 : i32 to index
          %swap3A_252 = arith.constant 96 : index
          %swap3A_253 = tpu.vector_load %arg13[%swap3A_251, %swap3A_252] {strides = array<i32>} : memref<80x128xf32, #tpu.memory_space<vmem>>, vector<1x16xf32>,
          %swap3A_254 = vector.shape_cast %swap3A_253 : vector<1x16xf32> to vector<16xf32>
          %swap3A_255 = vector.shape_cast %mul3A_250 : vector<16xf32> to vector<1x16xf32>
          tpu.vector_store %arg13[%swap3A_251, %swap3A_252], %swap3A_255 {strides = array<i32>} : memref<80x128xf32, #tpu.memory_space<vmem>>, vector<1x16xf32>,
          %get3A_256 = arith.index_cast %scan3A_141 : i32 to index
          %get3A_257 = arith.constant 112 : index
          %get3A_258 = tpu.vector_load %arg13[%get3A_256, %get3A_257] {strides = array<i32>} : memref<80x128xf32, #tpu.memory_space<vmem>>, vector<1x16xf32>,
          %get3A_259 = vector.shape_cast %get3A_258 : vector<1x16xf32> to vector<16xf32>
          %mul3A_260 = arith.mulf %get3A_259, %bitcast_convert_type3A_245 : vector<16xf32>
          %swap3A_261 = arith.index_cast %scan3A_141 : i32 to index
          %swap3A_262 = arith.constant 112 : index
          %swap3A_263 = tpu.vector_load %arg13[%swap3A_261, %swap3A_262] {strides = array<i32>} : memref<80x128xf32, #tpu.memory_space<vmem>>, vector<1x16xf32>,
          %swap3A_264 = vector.shape_cast %swap3A_263 : vector<1x16xf32> to vector<16xf32>
          %swap3A_265 = vector.shape_cast %mul3A_260 : vector<16xf32> to vector<1x16xf32>
          tpu.vector_store %arg13[%swap3A_261, %swap3A_262], %swap3A_265 {strides = array<i32>} : memref<80x128xf32, #tpu.memory_space<vmem>>, vector<1x16xf32>,
          %scan3A_266 = arith.constant 0 : i32
          scf.yield %scan3A_266 : i32
        }
        %scan3A_133 = arith.constant 80 : i32
        "tpu.region"() ({
          %run_scoped3A = tpu.sem_alloc : memref<!tpu.dma_semaphore, #tpu.memory_space<semaphore_mem>>
          %dma_start3A_141 = arith.constant 0 : i32
          %dma_start3A_142 = arith.constant 0 : i32
          %dma_start3A_143 = tpu.memref_slice %arg7[%dma_start3A_141, %dma_start3A_142] : memref<10240x128xf32, #tpu.memory_space<vmem_shared>> -> memref<10240x128xf32, #tpu.memory_space<vmem_shared>>
          tpu.enqueue_indirect_dma source(%arg13 : memref<80x128xf32, #tpu.memory_space<vmem>>) target(%dma_start3A_143 : memref<10240x128xf32, #tpu.memory_space<vmem_shared>>) offsets(%arg11 : memref<80xi32, #tpu.memory_space<vmem>>) semaphore(%run_scoped3A : memref<!tpu.dma_semaphore, #tpu.memory_space<semaphore_mem>>) {add = true}
          %dma_wait3A_144 = arith.constant 0 : i32
          %dma_wait3A_145 = arith.constant 0 : i32
          %dma_wait3A_146 = tpu.memref_slice %arg7[%dma_wait3A_144, %dma_wait3A_145] : memref<10240x128xf32, #tpu.memory_space<vmem_shared>> -> memref<10240x128xf32, #tpu.memory_space<vmem_shared>>
          tpu.wait_indirect_dma semaphore(%run_scoped3A : memref<!tpu.dma_semaphore, #tpu.memory_space<semaphore_mem>>) src(%arg13 : memref<80x128xf32, #tpu.memory_space<vmem>>) dst(%dma_wait3A_146 : memref<10240x128xf32, #tpu.memory_space<vmem_shared>>)
          tpu.yield
        }) : () -> ()
        %add3A_134 = arith.constant 2 : i32
        %add3A_135 = arith.addi %add3A_105, %add3A_134 : i32
        %lt3A_136 = arith.constant 125 : i32
        %lt3A_137 = arith.cmpi slt, %add3A_135, %lt3A_136 : i32
        %convert_element_type3A_138 = arith.extui %lt3A_137 : i1 to i32
        %cond3A_139 = arith.constant 0 : i32
        %cond3A_140 = arith.cmpi ne, %convert_element_type3A_138, %cond3A_139 : i32
        scf.if %cond3A_140 {
          %add3A_141 = arith.constant 2 : i32
          %add3A_142 = arith.addi %add3A_105, %add3A_141 : i32
          %mul3A_143 = arith.constant 80 : i32
          %mul3A_144 = arith.muli %add3A_142, %mul3A_143 : i32
          %add3A_145 = arith.addi %mul3A_2, %mul3A_144 : i32
          %dma_start3A_146 = tpu.memref_slice %arg4[%add3A_145] : memref<320000xi32, #tpu.memory_space<hbm>> -> memref<80xi32, #tpu.memory_space<hbm>>
          %dma_start3A_147 = tpu.memref_slice %arg4[%add3A_145] : memref<320000xi32, #tpu.memory_space<hbm>> -> memref<80xi32, #tpu.memory_space<hbm>>
          tpu.enqueue_dma source(%dma_start3A_147 : memref<80xi32, #tpu.memory_space<hbm>>) target(%arg9 : memref<80xi32, #tpu.memory_space<vmem>>) target_semaphore(%arg22 : memref<!tpu.dma_semaphore, #tpu.memory_space<semaphore_mem>>)
          %dma_start3A_148 = tpu.memref_slice %arg5[%add3A_145] : memref<320000xi32, #tpu.memory_space<hbm>> -> memref<80xi32, #tpu.memory_space<hbm>>
          %dma_start3A_149 = tpu.memref_slice %arg5[%add3A_145] : memref<320000xi32, #tpu.memory_space<hbm>> -> memref<80xi32, #tpu.memory_space<hbm>>
          tpu.enqueue_dma source(%dma_start3A_149 : memref<80xi32, #tpu.memory_space<hbm>>) target(%arg11 : memref<80xi32, #tpu.memory_space<vmem>>) target_semaphore(%arg22 : memref<!tpu.dma_semaphore, #tpu.memory_space<semaphore_mem>>)
        } else {
        }
      } else {
      }
      %scan3A_103 = arith.constant 0 : i32
      scf.yield %scan3A_103 : i32
    }
    %scan3A_51 = arith.constant 63 : i32
    %barrier3A_52 = arith.constant 0 : index
    tpu.barrier barrier_id(%barrier3A_52)
    %scan3A_53 = arith.constant 0 : i32
    %scan3A_54 = arith.constant 0 : i32
    %scan3A_55 = arith.constant 40 : i32
    %scan3A_56 = arith.addi %scan3A_54, %scan3A_55 : i32
    %scan3A_57 = arith.constant 1 : i32
    %scan3A_58 = scf.for %scan3A_60 = %scan3A_54 to %scan3A_56 step %scan3A_57 iter_args(%scan3A_61 = %scan3A_53) -> (i32)  : i32 {
      %mul3A_62 = arith.constant 640 : i32
      %mul3A_63 = arith.muli %arg1, %mul3A_62 : i32
      %mul3A_64 = arith.constant 16 : i32
      %mul3A_65 = arith.muli %scan3A_60, %mul3A_64 : i32
      %add3A_66 = arith.addi %mul3A_63, %mul3A_65 : i32
      "tpu.region"() ({
        %run_scoped3A = tpu.sem_alloc : memref<!tpu.dma_semaphore, #tpu.memory_space<semaphore_mem>>
        %dma_start3A_68 = arith.constant 0 : i32
        %dma_start3A_69 = tpu.memref_slice %arg7[%add3A_66, %dma_start3A_68] : memref<10240x128xf32, #tpu.memory_space<vmem_shared>> -> memref<16x128xf32, #tpu.memory_space<vmem_shared>>
        %dma_start3A_70 = arith.constant 0 : i32
        %dma_start3A_71 = tpu.memref_slice %arg7[%add3A_66, %dma_start3A_70] : memref<10240x128xf32, #tpu.memory_space<vmem_shared>> -> memref<16x128xf32, #tpu.memory_space<vmem_shared>>
        tpu.enqueue_dma source(%dma_start3A_71 : memref<16x128xf32, #tpu.memory_space<vmem_shared>>) target(%arg16 : memref<16x128xf32, #tpu.memory_space<vmem>>) target_semaphore(%run_scoped3A : memref<!tpu.dma_semaphore, #tpu.memory_space<semaphore_mem>>)
        %dma_wait3A_72 = arith.constant 0 : i32
        %dma_wait3A_73 = tpu.memref_slice %arg7[%add3A_66, %dma_wait3A_72] : memref<10240x128xf32, #tpu.memory_space<vmem_shared>> -> memref<16x128xf32, #tpu.memory_space<vmem_shared>>
        %dma_wait3A_74 = arith.constant 0 : i32
        %dma_wait3A_75 = tpu.memref_slice %arg7[%add3A_66, %dma_wait3A_74] : memref<10240x128xf32, #tpu.memory_space<vmem_shared>> -> memref<16x128xf32, #tpu.memory_space<vmem_shared>>
        tpu.wait_dma2 semaphore(%run_scoped3A : memref<!tpu.dma_semaphore, #tpu.memory_space<semaphore_mem>>) src(%dma_wait3A_75 : memref<16x128xf32, #tpu.memory_space<vmem_shared>>) dst(%arg16 : memref<16x128xf32, #tpu.memory_space<vmem>>)
        tpu.yield
      }) : () -> ()
      "tpu.region"() ({
        %run_scoped3A = tpu.sem_alloc : memref<!tpu.dma_semaphore, #tpu.memory_space<semaphore_mem>>
        %dma_start3A_68 = arith.constant 0 : i32
        %dma_start3A_69 = tpu.memref_slice %arg6[%arg0, %add3A_66, %dma_start3A_68] : memref<2x10240x128xf32, #tpu.memory_space<hbm>> -> memref<1x16x128xf32, #tpu.memory_space<hbm>>
        %dma_start3A_70 = tpu.memref_squeeze %dma_start3A_69 : memref<1x16x128xf32, #tpu.memory_space<hbm>> -> memref<16x128xf32, #tpu.memory_space<hbm>>
        %dma_start3A_71 = arith.constant 0 : i32
        %dma_start3A_72 = tpu.memref_slice %arg6[%arg0, %add3A_66, %dma_start3A_71] : memref<2x10240x128xf32, #tpu.memory_space<hbm>> -> memref<1x16x128xf32, #tpu.memory_space<hbm>>
        %dma_start3A_73 = tpu.memref_squeeze %dma_start3A_72 : memref<1x16x128xf32, #tpu.memory_space<hbm>> -> memref<16x128xf32, #tpu.memory_space<hbm>>
        tpu.enqueue_dma source(%arg16 : memref<16x128xf32, #tpu.memory_space<vmem>>) target(%dma_start3A_73 : memref<16x128xf32, #tpu.memory_space<hbm>>) target_semaphore(%run_scoped3A : memref<!tpu.dma_semaphore, #tpu.memory_space<semaphore_mem>>)
        %dma_wait3A_74 = arith.constant 0 : i32
        %dma_wait3A_75 = tpu.memref_slice %arg6[%arg0, %add3A_66, %dma_wait3A_74] : memref<2x10240x128xf32, #tpu.memory_space<hbm>> -> memref<1x16x128xf32, #tpu.memory_space<hbm>>
        %dma_wait3A_76 = tpu.memref_squeeze %dma_wait3A_75 : memref<1x16x128xf32, #tpu.memory_space<hbm>> -> memref<16x128xf32, #tpu.memory_space<hbm>>
        %dma_wait3A_77 = arith.constant 0 : i32
        %dma_wait3A_78 = tpu.memref_slice %arg6[%arg0, %add3A_66, %dma_wait3A_77] : memref<2x10240x128xf32, #tpu.memory_space<hbm>> -> memref<1x16x128xf32, #tpu.memory_space<hbm>>
        %dma_wait3A_79 = tpu.memref_squeeze %dma_wait3A_78 : memref<1x16x128xf32, #tpu.memory_space<hbm>> -> memref<16x128xf32, #tpu.memory_space<hbm>>
        tpu.wait_dma2 semaphore(%run_scoped3A : memref<!tpu.dma_semaphore, #tpu.memory_space<semaphore_mem>>) src(%arg16 : memref<16x128xf32, #tpu.memory_space<vmem>>) dst(%dma_wait3A_79 : memref<16x128xf32, #tpu.memory_space<hbm>>)
        tpu.yield
      }) : () -> ()
      %scan3A_67 = arith.constant 0 : i32
      scf.yield %scan3A_67 : i32
    }
    %scan3A_59 = arith.constant 40 : i32
    return
  }
}

#map = affine_map<(d0, d1) -> (0, 0, 0)>
module attributes {stable_mosaic.version = 14 : i64} {
  func.func @_deg_sc(%arg0: i32, %arg1: i32, %arg2: memref<32x125x80xi32, #tpu.memory_space<hbm>>, %arg3: memref<2x1x10240xf32, #tpu.memory_space<hbm>>, %arg4: memref<10240xf32, #tpu.memory_space<vmem_shared>>, %arg5: memref<125x80xi32, #tpu.memory_space<vmem>>, %arg6: memref<80xf32, #tpu.memory_space<vmem>>, %arg7: memref<640xf32, #tpu.memory_space<vmem>>, %arg8: memref<!tpu.dma_semaphore, #tpu.memory_space<semaphore_mem>>) attributes {dimension_semantics = [#tpu.dimension_semantics<core_parallel>, #tpu.dimension_semantics<subcore_parallel>], iteration_bounds = array<i64: 2, 16>, scalar_prefetch = 0 : i64, scratch_operands = 5 : i64, tpu.core_type = #tpu.core_type<sc_vector_subcore>, window_params = [{transform_indices = #map}, {transform_indices = #map}]} {
    %mul3A = arith.constant 2 : i32
    %mul3A_0 = arith.muli %arg1, %mul3A : i32
    %add3A = arith.addi %mul3A_0, %arg0 : i32
    %dma_start3A = arith.constant 0 : i32
    %dma_start3A_1 = arith.constant 0 : i32
    %dma_start3A_2 = tpu.memref_slice %arg2[%add3A, %dma_start3A, %dma_start3A_1] : memref<32x125x80xi32, #tpu.memory_space<hbm>> -> memref<1x125x80xi32, #tpu.memory_space<hbm>>
    %dma_start3A_3 = tpu.memref_squeeze %dma_start3A_2 : memref<1x125x80xi32, #tpu.memory_space<hbm>> -> memref<125x80xi32, #tpu.memory_space<hbm>>
    %dma_start3A_4 = arith.constant 0 : i32
    %dma_start3A_5 = arith.constant 0 : i32
    %dma_start3A_6 = tpu.memref_slice %arg2[%add3A, %dma_start3A_4, %dma_start3A_5] : memref<32x125x80xi32, #tpu.memory_space<hbm>> -> memref<1x125x80xi32, #tpu.memory_space<hbm>>
    %dma_start3A_7 = tpu.memref_squeeze %dma_start3A_6 : memref<1x125x80xi32, #tpu.memory_space<hbm>> -> memref<125x80xi32, #tpu.memory_space<hbm>>
    tpu.enqueue_dma source(%dma_start3A_7 : memref<125x80xi32, #tpu.memory_space<hbm>>) target(%arg5 : memref<125x80xi32, #tpu.memory_space<vmem>>) target_semaphore(%arg8 : memref<!tpu.dma_semaphore, #tpu.memory_space<semaphore_mem>>)
    %broadcast_in_dim3A = arith.constant 0.000000e+00 : f32
    %broadcast_in_dim3A_8 = vector.broadcast %broadcast_in_dim3A : f32 to vector<16xf32>
    %swap3A = arith.constant 0 : index
    %swap3A_9 = tpu.vector_load %arg7[%swap3A] {strides = array<i32>} : memref<640xf32, #tpu.memory_space<vmem>>, vector<16xf32>,
    %swap3A_10 = vector.shape_cast %swap3A_9 : vector<16xf32> to vector<16xf32>
    %swap3A_11 = vector.shape_cast %broadcast_in_dim3A_8 : vector<16xf32> to vector<16xf32>
    tpu.vector_store %arg7[%swap3A], %swap3A_11 {strides = array<i32>} : memref<640xf32, #tpu.memory_space<vmem>>, vector<16xf32>,
    %broadcast_in_dim3A_12 = arith.constant 0.000000e+00 : f32
    %broadcast_in_dim3A_13 = vector.broadcast %broadcast_in_dim3A_12 : f32 to vector<16xf32>
    %swap3A_14 = arith.constant 16 : index
    %swap3A_15 = tpu.vector_load %arg7[%swap3A_14] {strides = array<i32>} : memref<640xf32, #tpu.memory_space<vmem>>, vector<16xf32>,
    %swap3A_16 = vector.shape_cast %swap3A_15 : vector<16xf32> to vector<16xf32>
    %swap3A_17 = vector.shape_cast %broadcast_in_dim3A_13 : vector<16xf32> to vector<16xf32>
    tpu.vector_store %arg7[%swap3A_14], %swap3A_17 {strides = array<i32>} : memref<640xf32, #tpu.memory_space<vmem>>, vector<16xf32>,
    %broadcast_in_dim3A_18 = arith.constant 0.000000e+00 : f32
    %broadcast_in_dim3A_19 = vector.broadcast %broadcast_in_dim3A_18 : f32 to vector<16xf32>
    %swap3A_20 = arith.constant 32 : index
    %swap3A_21 = tpu.vector_load %arg7[%swap3A_20] {strides = array<i32>} : memref<640xf32, #tpu.memory_space<vmem>>, vector<16xf32>,
    %swap3A_22 = vector.shape_cast %swap3A_21 : vector<16xf32> to vector<16xf32>
    %swap3A_23 = vector.shape_cast %broadcast_in_dim3A_19 : vector<16xf32> to vector<16xf32>
    tpu.vector_store %arg7[%swap3A_20], %swap3A_23 {strides = array<i32>} : memref<640xf32, #tpu.memory_space<vmem>>, vector<16xf32>,
    %broadcast_in_dim3A_24 = arith.constant 0.000000e+00 : f32
    %broadcast_in_dim3A_25 = vector.broadcast %broadcast_in_dim3A_24 : f32 to vector<16xf32>
    %swap3A_26 = arith.constant 48 : index
    %swap3A_27 = tpu.vector_load %arg7[%swap3A_26] {strides = array<i32>} : memref<640xf32, #tpu.memory_space<vmem>>, vector<16xf32>,
    %swap3A_28 = vector.shape_cast %swap3A_27 : vector<16xf32> to vector<16xf32>
    %swap3A_29 = vector.shape_cast %broadcast_in_dim3A_25 : vector<16xf32> to vector<16xf32>
    tpu.vector_store %arg7[%swap3A_26], %swap3A_29 {strides = array<i32>} : memref<640xf32, #tpu.memory_space<vmem>>, vector<16xf32>,
    %broadcast_in_dim3A_30 = arith.constant 0.000000e+00 : f32
    %broadcast_in_dim3A_31 = vector.broadcast %broadcast_in_dim3A_30 : f32 to vector<16xf32>
    %swap3A_32 = arith.constant 64 : index
    %swap3A_33 = tpu.vector_load %arg7[%swap3A_32] {strides = array<i32>} : memref<640xf32, #tpu.memory_space<vmem>>, vector<16xf32>,
    %swap3A_34 = vector.shape_cast %swap3A_33 : vector<16xf32> to vector<16xf32>
    %swap3A_35 = vector.shape_cast %broadcast_in_dim3A_31 : vector<16xf32> to vector<16xf32>
    tpu.vector_store %arg7[%swap3A_32], %swap3A_35 {strides = array<i32>} : memref<640xf32, #tpu.memory_space<vmem>>, vector<16xf32>,
    %broadcast_in_dim3A_36 = arith.constant 0.000000e+00 : f32
    %broadcast_in_dim3A_37 = vector.broadcast %broadcast_in_dim3A_36 : f32 to vector<16xf32>
    %swap3A_38 = arith.constant 80 : index
    %swap3A_39 = tpu.vector_load %arg7[%swap3A_38] {strides = array<i32>} : memref<640xf32, #tpu.memory_space<vmem>>, vector<16xf32>,
    %swap3A_40 = vector.shape_cast %swap3A_39 : vector<16xf32> to vector<16xf32>
    %swap3A_41 = vector.shape_cast %broadcast_in_dim3A_37 : vector<16xf32> to vector<16xf32>
    tpu.vector_store %arg7[%swap3A_38], %swap3A_41 {strides = array<i32>} : memref<640xf32, #tpu.memory_space<vmem>>, vector<16xf32>,
    %broadcast_in_dim3A_42 = arith.constant 0.000000e+00 : f32
    %broadcast_in_dim3A_43 = vector.broadcast %broadcast_in_dim3A_42 : f32 to vector<16xf32>
    %swap3A_44 = arith.constant 96 : index
    %swap3A_45 = tpu.vector_load %arg7[%swap3A_44] {strides = array<i32>} : memref<640xf32, #tpu.memory_space<vmem>>, vector<16xf32>,
    %swap3A_46 = vector.shape_cast %swap3A_45 : vector<16xf32> to vector<16xf32>
    %swap3A_47 = vector.shape_cast %broadcast_in_dim3A_43 : vector<16xf32> to vector<16xf32>
    tpu.vector_store %arg7[%swap3A_44], %swap3A_47 {strides = array<i32>} : memref<640xf32, #tpu.memory_space<vmem>>, vector<16xf32>,
    %broadcast_in_dim3A_48 = arith.constant 0.000000e+00 : f32
    %broadcast_in_dim3A_49 = vector.broadcast %broadcast_in_dim3A_48 : f32 to vector<16xf32>
    %swap3A_50 = arith.constant 112 : index
    %swap3A_51 = tpu.vector_load %arg7[%swap3A_50] {strides = array<i32>} : memref<640xf32, #tpu.memory_space<vmem>>, vector<16xf32>,
    %swap3A_52 = vector.shape_cast %swap3A_51 : vector<16xf32> to vector<16xf32>
    %swap3A_53 = vector.shape_cast %broadcast_in_dim3A_49 : vector<16xf32> to vector<16xf32>
    tpu.vector_store %arg7[%swap3A_50], %swap3A_53 {strides = array<i32>} : memref<640xf32, #tpu.memory_space<vmem>>, vector<16xf32>,
    %broadcast_in_dim3A_54 = arith.constant 0.000000e+00 : f32
    %broadcast_in_dim3A_55 = vector.broadcast %broadcast_in_dim3A_54 : f32 to vector<16xf32>
    %swap3A_56 = arith.constant 128 : index
    %swap3A_57 = tpu.vector_load %arg7[%swap3A_56] {strides = array<i32>} : memref<640xf32, #tpu.memory_space<vmem>>, vector<16xf32>,
    %swap3A_58 = vector.shape_cast %swap3A_57 : vector<16xf32> to vector<16xf32>
    %swap3A_59 = vector.shape_cast %broadcast_in_dim3A_55 : vector<16xf32> to vector<16xf32>
    tpu.vector_store %arg7[%swap3A_56], %swap3A_59 {strides = array<i32>} : memref<640xf32, #tpu.memory_space<vmem>>, vector<16xf32>,
    %broadcast_in_dim3A_60 = arith.constant 0.000000e+00 : f32
    %broadcast_in_dim3A_61 = vector.broadcast %broadcast_in_dim3A_60 : f32 to vector<16xf32>
    %swap3A_62 = arith.constant 144 : index
    %swap3A_63 = tpu.vector_load %arg7[%swap3A_62] {strides = array<i32>} : memref<640xf32, #tpu.memory_space<vmem>>, vector<16xf32>,
    %swap3A_64 = vector.shape_cast %swap3A_63 : vector<16xf32> to vector<16xf32>
    %swap3A_65 = vector.shape_cast %broadcast_in_dim3A_61 : vector<16xf32> to vector<16xf32>
    tpu.vector_store %arg7[%swap3A_62], %swap3A_65 {strides = array<i32>} : memref<640xf32, #tpu.memory_space<vmem>>, vector<16xf32>,
    %broadcast_in_dim3A_66 = arith.constant 0.000000e+00 : f32
    %broadcast_in_dim3A_67 = vector.broadcast %broadcast_in_dim3A_66 : f32 to vector<16xf32>
    %swap3A_68 = arith.constant 160 : index
    %swap3A_69 = tpu.vector_load %arg7[%swap3A_68] {strides = array<i32>} : memref<640xf32, #tpu.memory_space<vmem>>, vector<16xf32>,
    %swap3A_70 = vector.shape_cast %swap3A_69 : vector<16xf32> to vector<16xf32>
    %swap3A_71 = vector.shape_cast %broadcast_in_dim3A_67 : vector<16xf32> to vector<16xf32>
    tpu.vector_store %arg7[%swap3A_68], %swap3A_71 {strides = array<i32>} : memref<640xf32, #tpu.memory_space<vmem>>, vector<16xf32>,
    %broadcast_in_dim3A_72 = arith.constant 0.000000e+00 : f32
    %broadcast_in_dim3A_73 = vector.broadcast %broadcast_in_dim3A_72 : f32 to vector<16xf32>
    %swap3A_74 = arith.constant 176 : index
    %swap3A_75 = tpu.vector_load %arg7[%swap3A_74] {strides = array<i32>} : memref<640xf32, #tpu.memory_space<vmem>>, vector<16xf32>,
    %swap3A_76 = vector.shape_cast %swap3A_75 : vector<16xf32> to vector<16xf32>
    %swap3A_77 = vector.shape_cast %broadcast_in_dim3A_73 : vector<16xf32> to vector<16xf32>
    tpu.vector_store %arg7[%swap3A_74], %swap3A_77 {strides = array<i32>} : memref<640xf32, #tpu.memory_space<vmem>>, vector<16xf32>,
    %broadcast_in_dim3A_78 = arith.constant 0.000000e+00 : f32
    %broadcast_in_dim3A_79 = vector.broadcast %broadcast_in_dim3A_78 : f32 to vector<16xf32>
    %swap3A_80 = arith.constant 192 : index
    %swap3A_81 = tpu.vector_load %arg7[%swap3A_80] {strides = array<i32>} : memref<640xf32, #tpu.memory_space<vmem>>, vector<16xf32>,
    %swap3A_82 = vector.shape_cast %swap3A_81 : vector<16xf32> to vector<16xf32>
    %swap3A_83 = vector.shape_cast %broadcast_in_dim3A_79 : vector<16xf32> to vector<16xf32>
    tpu.vector_store %arg7[%swap3A_80], %swap3A_83 {strides = array<i32>} : memref<640xf32, #tpu.memory_space<vmem>>, vector<16xf32>,
    %broadcast_in_dim3A_84 = arith.constant 0.000000e+00 : f32
    %broadcast_in_dim3A_85 = vector.broadcast %broadcast_in_dim3A_84 : f32 to vector<16xf32>
    %swap3A_86 = arith.constant 208 : index
    %swap3A_87 = tpu.vector_load %arg7[%swap3A_86] {strides = array<i32>} : memref<640xf32, #tpu.memory_space<vmem>>, vector<16xf32>,
    %swap3A_88 = vector.shape_cast %swap3A_87 : vector<16xf32> to vector<16xf32>
    %swap3A_89 = vector.shape_cast %broadcast_in_dim3A_85 : vector<16xf32> to vector<16xf32>
    tpu.vector_store %arg7[%swap3A_86], %swap3A_89 {strides = array<i32>} : memref<640xf32, #tpu.memory_space<vmem>>, vector<16xf32>,
    %broadcast_in_dim3A_90 = arith.constant 0.000000e+00 : f32
    %broadcast_in_dim3A_91 = vector.broadcast %broadcast_in_dim3A_90 : f32 to vector<16xf32>
    %swap3A_92 = arith.constant 224 : index
    %swap3A_93 = tpu.vector_load %arg7[%swap3A_92] {strides = array<i32>} : memref<640xf32, #tpu.memory_space<vmem>>, vector<16xf32>,
    %swap3A_94 = vector.shape_cast %swap3A_93 : vector<16xf32> to vector<16xf32>
    %swap3A_95 = vector.shape_cast %broadcast_in_dim3A_91 : vector<16xf32> to vector<16xf32>
    tpu.vector_store %arg7[%swap3A_92], %swap3A_95 {strides = array<i32>} : memref<640xf32, #tpu.memory_space<vmem>>, vector<16xf32>,
    %broadcast_in_dim3A_96 = arith.constant 0.000000e+00 : f32
    %broadcast_in_dim3A_97 = vector.broadcast %broadcast_in_dim3A_96 : f32 to vector<16xf32>
    %swap3A_98 = arith.constant 240 : index
    %swap3A_99 = tpu.vector_load %arg7[%swap3A_98] {strides = array<i32>} : memref<640xf32, #tpu.memory_space<vmem>>, vector<16xf32>,
    %swap3A_100 = vector.shape_cast %swap3A_99 : vector<16xf32> to vector<16xf32>
    %swap3A_101 = vector.shape_cast %broadcast_in_dim3A_97 : vector<16xf32> to vector<16xf32>
    tpu.vector_store %arg7[%swap3A_98], %swap3A_101 {strides = array<i32>} : memref<640xf32, #tpu.memory_space<vmem>>, vector<16xf32>,
    %broadcast_in_dim3A_102 = arith.constant 0.000000e+00 : f32
    %broadcast_in_dim3A_103 = vector.broadcast %broadcast_in_dim3A_102 : f32 to vector<16xf32>
    %swap3A_104 = arith.constant 256 : index
    %swap3A_105 = tpu.vector_load %arg7[%swap3A_104] {strides = array<i32>} : memref<640xf32, #tpu.memory_space<vmem>>, vector<16xf32>,
    %swap3A_106 = vector.shape_cast %swap3A_105 : vector<16xf32> to vector<16xf32>
    %swap3A_107 = vector.shape_cast %broadcast_in_dim3A_103 : vector<16xf32> to vector<16xf32>
    tpu.vector_store %arg7[%swap3A_104], %swap3A_107 {strides = array<i32>} : memref<640xf32, #tpu.memory_space<vmem>>, vector<16xf32>,
    %broadcast_in_dim3A_108 = arith.constant 0.000000e+00 : f32
    %broadcast_in_dim3A_109 = vector.broadcast %broadcast_in_dim3A_108 : f32 to vector<16xf32>
    %swap3A_110 = arith.constant 272 : index
    %swap3A_111 = tpu.vector_load %arg7[%swap3A_110] {strides = array<i32>} : memref<640xf32, #tpu.memory_space<vmem>>, vector<16xf32>,
    %swap3A_112 = vector.shape_cast %swap3A_111 : vector<16xf32> to vector<16xf32>
    %swap3A_113 = vector.shape_cast %broadcast_in_dim3A_109 : vector<16xf32> to vector<16xf32>
    tpu.vector_store %arg7[%swap3A_110], %swap3A_113 {strides = array<i32>} : memref<640xf32, #tpu.memory_space<vmem>>, vector<16xf32>,
    %broadcast_in_dim3A_114 = arith.constant 0.000000e+00 : f32
    %broadcast_in_dim3A_115 = vector.broadcast %broadcast_in_dim3A_114 : f32 to vector<16xf32>
    %swap3A_116 = arith.constant 288 : index
    %swap3A_117 = tpu.vector_load %arg7[%swap3A_116] {strides = array<i32>} : memref<640xf32, #tpu.memory_space<vmem>>, vector<16xf32>,
    %swap3A_118 = vector.shape_cast %swap3A_117 : vector<16xf32> to vector<16xf32>
    %swap3A_119 = vector.shape_cast %broadcast_in_dim3A_115 : vector<16xf32> to vector<16xf32>
    tpu.vector_store %arg7[%swap3A_116], %swap3A_119 {strides = array<i32>} : memref<640xf32, #tpu.memory_space<vmem>>, vector<16xf32>,
    %broadcast_in_dim3A_120 = arith.constant 0.000000e+00 : f32
    %broadcast_in_dim3A_121 = vector.broadcast %broadcast_in_dim3A_120 : f32 to vector<16xf32>
    %swap3A_122 = arith.constant 304 : index
    %swap3A_123 = tpu.vector_load %arg7[%swap3A_122] {strides = array<i32>} : memref<640xf32, #tpu.memory_space<vmem>>, vector<16xf32>,
    %swap3A_124 = vector.shape_cast %swap3A_123 : vector<16xf32> to vector<16xf32>
    %swap3A_125 = vector.shape_cast %broadcast_in_dim3A_121 : vector<16xf32> to vector<16xf32>
    tpu.vector_store %arg7[%swap3A_122], %swap3A_125 {strides = array<i32>} : memref<640xf32, #tpu.memory_space<vmem>>, vector<16xf32>,
    %broadcast_in_dim3A_126 = arith.constant 0.000000e+00 : f32
    %broadcast_in_dim3A_127 = vector.broadcast %broadcast_in_dim3A_126 : f32 to vector<16xf32>
    %swap3A_128 = arith.constant 320 : index
    %swap3A_129 = tpu.vector_load %arg7[%swap3A_128] {strides = array<i32>} : memref<640xf32, #tpu.memory_space<vmem>>, vector<16xf32>,
    %swap3A_130 = vector.shape_cast %swap3A_129 : vector<16xf32> to vector<16xf32>
    %swap3A_131 = vector.shape_cast %broadcast_in_dim3A_127 : vector<16xf32> to vector<16xf32>
    tpu.vector_store %arg7[%swap3A_128], %swap3A_131 {strides = array<i32>} : memref<640xf32, #tpu.memory_space<vmem>>, vector<16xf32>,
    %broadcast_in_dim3A_132 = arith.constant 0.000000e+00 : f32
    %broadcast_in_dim3A_133 = vector.broadcast %broadcast_in_dim3A_132 : f32 to vector<16xf32>
    %swap3A_134 = arith.constant 336 : index
    %swap3A_135 = tpu.vector_load %arg7[%swap3A_134] {strides = array<i32>} : memref<640xf32, #tpu.memory_space<vmem>>, vector<16xf32>,
    %swap3A_136 = vector.shape_cast %swap3A_135 : vector<16xf32> to vector<16xf32>
    %swap3A_137 = vector.shape_cast %broadcast_in_dim3A_133 : vector<16xf32> to vector<16xf32>
    tpu.vector_store %arg7[%swap3A_134], %swap3A_137 {strides = array<i32>} : memref<640xf32, #tpu.memory_space<vmem>>, vector<16xf32>,
    %broadcast_in_dim3A_138 = arith.constant 0.000000e+00 : f32
    %broadcast_in_dim3A_139 = vector.broadcast %broadcast_in_dim3A_138 : f32 to vector<16xf32>
    %swap3A_140 = arith.constant 352 : index
    %swap3A_141 = tpu.vector_load %arg7[%swap3A_140] {strides = array<i32>} : memref<640xf32, #tpu.memory_space<vmem>>, vector<16xf32>,
    %swap3A_142 = vector.shape_cast %swap3A_141 : vector<16xf32> to vector<16xf32>
    %swap3A_143 = vector.shape_cast %broadcast_in_dim3A_139 : vector<16xf32> to vector<16xf32>
    tpu.vector_store %arg7[%swap3A_140], %swap3A_143 {strides = array<i32>} : memref<640xf32, #tpu.memory_space<vmem>>, vector<16xf32>,
    %broadcast_in_dim3A_144 = arith.constant 0.000000e+00 : f32
    %broadcast_in_dim3A_145 = vector.broadcast %broadcast_in_dim3A_144 : f32 to vector<16xf32>
    %swap3A_146 = arith.constant 368 : index
    %swap3A_147 = tpu.vector_load %arg7[%swap3A_146] {strides = array<i32>} : memref<640xf32, #tpu.memory_space<vmem>>, vector<16xf32>,
    %swap3A_148 = vector.shape_cast %swap3A_147 : vector<16xf32> to vector<16xf32>
    %swap3A_149 = vector.shape_cast %broadcast_in_dim3A_145 : vector<16xf32> to vector<16xf32>
    tpu.vector_store %arg7[%swap3A_146], %swap3A_149 {strides = array<i32>} : memref<640xf32, #tpu.memory_space<vmem>>, vector<16xf32>,
    %broadcast_in_dim3A_150 = arith.constant 0.000000e+00 : f32
    %broadcast_in_dim3A_151 = vector.broadcast %broadcast_in_dim3A_150 : f32 to vector<16xf32>
    %swap3A_152 = arith.constant 384 : index
    %swap3A_153 = tpu.vector_load %arg7[%swap3A_152] {strides = array<i32>} : memref<640xf32, #tpu.memory_space<vmem>>, vector<16xf32>,
    %swap3A_154 = vector.shape_cast %swap3A_153 : vector<16xf32> to vector<16xf32>
    %swap3A_155 = vector.shape_cast %broadcast_in_dim3A_151 : vector<16xf32> to vector<16xf32>
    tpu.vector_store %arg7[%swap3A_152], %swap3A_155 {strides = array<i32>} : memref<640xf32, #tpu.memory_space<vmem>>, vector<16xf32>,
    %broadcast_in_dim3A_156 = arith.constant 0.000000e+00 : f32
    %broadcast_in_dim3A_157 = vector.broadcast %broadcast_in_dim3A_156 : f32 to vector<16xf32>
    %swap3A_158 = arith.constant 400 : index
    %swap3A_159 = tpu.vector_load %arg7[%swap3A_158] {strides = array<i32>} : memref<640xf32, #tpu.memory_space<vmem>>, vector<16xf32>,
    %swap3A_160 = vector.shape_cast %swap3A_159 : vector<16xf32> to vector<16xf32>
    %swap3A_161 = vector.shape_cast %broadcast_in_dim3A_157 : vector<16xf32> to vector<16xf32>
    tpu.vector_store %arg7[%swap3A_158], %swap3A_161 {strides = array<i32>} : memref<640xf32, #tpu.memory_space<vmem>>, vector<16xf32>,
    %broadcast_in_dim3A_162 = arith.constant 0.000000e+00 : f32
    %broadcast_in_dim3A_163 = vector.broadcast %broadcast_in_dim3A_162 : f32 to vector<16xf32>
    %swap3A_164 = arith.constant 416 : index
    %swap3A_165 = tpu.vector_load %arg7[%swap3A_164] {strides = array<i32>} : memref<640xf32, #tpu.memory_space<vmem>>, vector<16xf32>,
    %swap3A_166 = vector.shape_cast %swap3A_165 : vector<16xf32> to vector<16xf32>
    %swap3A_167 = vector.shape_cast %broadcast_in_dim3A_163 : vector<16xf32> to vector<16xf32>
    tpu.vector_store %arg7[%swap3A_164], %swap3A_167 {strides = array<i32>} : memref<640xf32, #tpu.memory_space<vmem>>, vector<16xf32>,
    %broadcast_in_dim3A_168 = arith.constant 0.000000e+00 : f32
    %broadcast_in_dim3A_169 = vector.broadcast %broadcast_in_dim3A_168 : f32 to vector<16xf32>
    %swap3A_170 = arith.constant 432 : index
    %swap3A_171 = tpu.vector_load %arg7[%swap3A_170] {strides = array<i32>} : memref<640xf32, #tpu.memory_space<vmem>>, vector<16xf32>,
    %swap3A_172 = vector.shape_cast %swap3A_171 : vector<16xf32> to vector<16xf32>
    %swap3A_173 = vector.shape_cast %broadcast_in_dim3A_169 : vector<16xf32> to vector<16xf32>
    tpu.vector_store %arg7[%swap3A_170], %swap3A_173 {strides = array<i32>} : memref<640xf32, #tpu.memory_space<vmem>>, vector<16xf32>,
    %broadcast_in_dim3A_174 = arith.constant 0.000000e+00 : f32
    %broadcast_in_dim3A_175 = vector.broadcast %broadcast_in_dim3A_174 : f32 to vector<16xf32>
    %swap3A_176 = arith.constant 448 : index
    %swap3A_177 = tpu.vector_load %arg7[%swap3A_176] {strides = array<i32>} : memref<640xf32, #tpu.memory_space<vmem>>, vector<16xf32>,
    %swap3A_178 = vector.shape_cast %swap3A_177 : vector<16xf32> to vector<16xf32>
    %swap3A_179 = vector.shape_cast %broadcast_in_dim3A_175 : vector<16xf32> to vector<16xf32>
    tpu.vector_store %arg7[%swap3A_176], %swap3A_179 {strides = array<i32>} : memref<640xf32, #tpu.memory_space<vmem>>, vector<16xf32>,
    %broadcast_in_dim3A_180 = arith.constant 0.000000e+00 : f32
    %broadcast_in_dim3A_181 = vector.broadcast %broadcast_in_dim3A_180 : f32 to vector<16xf32>
    %swap3A_182 = arith.constant 464 : index
    %swap3A_183 = tpu.vector_load %arg7[%swap3A_182] {strides = array<i32>} : memref<640xf32, #tpu.memory_space<vmem>>, vector<16xf32>,
    %swap3A_184 = vector.shape_cast %swap3A_183 : vector<16xf32> to vector<16xf32>
    %swap3A_185 = vector.shape_cast %broadcast_in_dim3A_181 : vector<16xf32> to vector<16xf32>
    tpu.vector_store %arg7[%swap3A_182], %swap3A_185 {strides = array<i32>} : memref<640xf32, #tpu.memory_space<vmem>>, vector<16xf32>,
    %broadcast_in_dim3A_186 = arith.constant 0.000000e+00 : f32
    %broadcast_in_dim3A_187 = vector.broadcast %broadcast_in_dim3A_186 : f32 to vector<16xf32>
    %swap3A_188 = arith.constant 480 : index
    %swap3A_189 = tpu.vector_load %arg7[%swap3A_188] {strides = array<i32>} : memref<640xf32, #tpu.memory_space<vmem>>, vector<16xf32>,
    %swap3A_190 = vector.shape_cast %swap3A_189 : vector<16xf32> to vector<16xf32>
    %swap3A_191 = vector.shape_cast %broadcast_in_dim3A_187 : vector<16xf32> to vector<16xf32>
    tpu.vector_store %arg7[%swap3A_188], %swap3A_191 {strides = array<i32>} : memref<640xf32, #tpu.memory_space<vmem>>, vector<16xf32>,
    %broadcast_in_dim3A_192 = arith.constant 0.000000e+00 : f32
    %broadcast_in_dim3A_193 = vector.broadcast %broadcast_in_dim3A_192 : f32 to vector<16xf32>
    %swap3A_194 = arith.constant 496 : index
    %swap3A_195 = tpu.vector_load %arg7[%swap3A_194] {strides = array<i32>} : memref<640xf32, #tpu.memory_space<vmem>>, vector<16xf32>,
    %swap3A_196 = vector.shape_cast %swap3A_195 : vector<16xf32> to vector<16xf32>
    %swap3A_197 = vector.shape_cast %broadcast_in_dim3A_193 : vector<16xf32> to vector<16xf32>
    tpu.vector_store %arg7[%swap3A_194], %swap3A_197 {strides = array<i32>} : memref<640xf32, #tpu.memory_space<vmem>>, vector<16xf32>,
    %broadcast_in_dim3A_198 = arith.constant 0.000000e+00 : f32
    %broadcast_in_dim3A_199 = vector.broadcast %broadcast_in_dim3A_198 : f32 to vector<16xf32>
    %swap3A_200 = arith.constant 512 : index
    %swap3A_201 = tpu.vector_load %arg7[%swap3A_200] {strides = array<i32>} : memref<640xf32, #tpu.memory_space<vmem>>, vector<16xf32>,
    %swap3A_202 = vector.shape_cast %swap3A_201 : vector<16xf32> to vector<16xf32>
    %swap3A_203 = vector.shape_cast %broadcast_in_dim3A_199 : vector<16xf32> to vector<16xf32>
    tpu.vector_store %arg7[%swap3A_200], %swap3A_203 {strides = array<i32>} : memref<640xf32, #tpu.memory_space<vmem>>, vector<16xf32>,
    %broadcast_in_dim3A_204 = arith.constant 0.000000e+00 : f32
    %broadcast_in_dim3A_205 = vector.broadcast %broadcast_in_dim3A_204 : f32 to vector<16xf32>
    %swap3A_206 = arith.constant 528 : index
    %swap3A_207 = tpu.vector_load %arg7[%swap3A_206] {strides = array<i32>} : memref<640xf32, #tpu.memory_space<vmem>>, vector<16xf32>,
    %swap3A_208 = vector.shape_cast %swap3A_207 : vector<16xf32> to vector<16xf32>
    %swap3A_209 = vector.shape_cast %broadcast_in_dim3A_205 : vector<16xf32> to vector<16xf32>
    tpu.vector_store %arg7[%swap3A_206], %swap3A_209 {strides = array<i32>} : memref<640xf32, #tpu.memory_space<vmem>>, vector<16xf32>,
    %broadcast_in_dim3A_210 = arith.constant 0.000000e+00 : f32
    %broadcast_in_dim3A_211 = vector.broadcast %broadcast_in_dim3A_210 : f32 to vector<16xf32>
    %swap3A_212 = arith.constant 544 : index
    %swap3A_213 = tpu.vector_load %arg7[%swap3A_212] {strides = array<i32>} : memref<640xf32, #tpu.memory_space<vmem>>, vector<16xf32>,
    %swap3A_214 = vector.shape_cast %swap3A_213 : vector<16xf32> to vector<16xf32>
    %swap3A_215 = vector.shape_cast %broadcast_in_dim3A_211 : vector<16xf32> to vector<16xf32>
    tpu.vector_store %arg7[%swap3A_212], %swap3A_215 {strides = array<i32>} : memref<640xf32, #tpu.memory_space<vmem>>, vector<16xf32>,
    %broadcast_in_dim3A_216 = arith.constant 0.000000e+00 : f32
    %broadcast_in_dim3A_217 = vector.broadcast %broadcast_in_dim3A_216 : f32 to vector<16xf32>
    %swap3A_218 = arith.constant 560 : index
    %swap3A_219 = tpu.vector_load %arg7[%swap3A_218] {strides = array<i32>} : memref<640xf32, #tpu.memory_space<vmem>>, vector<16xf32>,
    %swap3A_220 = vector.shape_cast %swap3A_219 : vector<16xf32> to vector<16xf32>
    %swap3A_221 = vector.shape_cast %broadcast_in_dim3A_217 : vector<16xf32> to vector<16xf32>
    tpu.vector_store %arg7[%swap3A_218], %swap3A_221 {strides = array<i32>} : memref<640xf32, #tpu.memory_space<vmem>>, vector<16xf32>,
    %broadcast_in_dim3A_222 = arith.constant 0.000000e+00 : f32
    %broadcast_in_dim3A_223 = vector.broadcast %broadcast_in_dim3A_222 : f32 to vector<16xf32>
    %swap3A_224 = arith.constant 576 : index
    %swap3A_225 = tpu.vector_load %arg7[%swap3A_224] {strides = array<i32>} : memref<640xf32, #tpu.memory_space<vmem>>, vector<16xf32>,
    %swap3A_226 = vector.shape_cast %swap3A_225 : vector<16xf32> to vector<16xf32>
    %swap3A_227 = vector.shape_cast %broadcast_in_dim3A_223 : vector<16xf32> to vector<16xf32>
    tpu.vector_store %arg7[%swap3A_224], %swap3A_227 {strides = array<i32>} : memref<640xf32, #tpu.memory_space<vmem>>, vector<16xf32>,
    %broadcast_in_dim3A_228 = arith.constant 0.000000e+00 : f32
    %broadcast_in_dim3A_229 = vector.broadcast %broadcast_in_dim3A_228 : f32 to vector<16xf32>
    %swap3A_230 = arith.constant 592 : index
    %swap3A_231 = tpu.vector_load %arg7[%swap3A_230] {strides = array<i32>} : memref<640xf32, #tpu.memory_space<vmem>>, vector<16xf32>,
    %swap3A_232 = vector.shape_cast %swap3A_231 : vector<16xf32> to vector<16xf32>
    %swap3A_233 = vector.shape_cast %broadcast_in_dim3A_229 : vector<16xf32> to vector<16xf32>
    tpu.vector_store %arg7[%swap3A_230], %swap3A_233 {strides = array<i32>} : memref<640xf32, #tpu.memory_space<vmem>>, vector<16xf32>,
    %broadcast_in_dim3A_234 = arith.constant 0.000000e+00 : f32
    %broadcast_in_dim3A_235 = vector.broadcast %broadcast_in_dim3A_234 : f32 to vector<16xf32>
    %swap3A_236 = arith.constant 608 : index
    %swap3A_237 = tpu.vector_load %arg7[%swap3A_236] {strides = array<i32>} : memref<640xf32, #tpu.memory_space<vmem>>, vector<16xf32>,
    %swap3A_238 = vector.shape_cast %swap3A_237 : vector<16xf32> to vector<16xf32>
    %swap3A_239 = vector.shape_cast %broadcast_in_dim3A_235 : vector<16xf32> to vector<16xf32>
    tpu.vector_store %arg7[%swap3A_236], %swap3A_239 {strides = array<i32>} : memref<640xf32, #tpu.memory_space<vmem>>, vector<16xf32>,
    %broadcast_in_dim3A_240 = arith.constant 0.000000e+00 : f32
    %broadcast_in_dim3A_241 = vector.broadcast %broadcast_in_dim3A_240 : f32 to vector<16xf32>
    %swap3A_242 = arith.constant 624 : index
    %swap3A_243 = tpu.vector_load %arg7[%swap3A_242] {strides = array<i32>} : memref<640xf32, #tpu.memory_space<vmem>>, vector<16xf32>,
    %swap3A_244 = vector.shape_cast %swap3A_243 : vector<16xf32> to vector<16xf32>
    %swap3A_245 = vector.shape_cast %broadcast_in_dim3A_241 : vector<16xf32> to vector<16xf32>
    tpu.vector_store %arg7[%swap3A_242], %swap3A_245 {strides = array<i32>} : memref<640xf32, #tpu.memory_space<vmem>>, vector<16xf32>,
    %broadcast_in_dim3A_246 = arith.constant 1.000000e+00 : f32
    %broadcast_in_dim3A_247 = vector.broadcast %broadcast_in_dim3A_246 : f32 to vector<16xf32>
    %swap3A_248 = arith.constant 0 : index
    %swap3A_249 = tpu.vector_load %arg6[%swap3A_248] {strides = array<i32>} : memref<80xf32, #tpu.memory_space<vmem>>, vector<16xf32>,
    %swap3A_250 = vector.shape_cast %swap3A_249 : vector<16xf32> to vector<16xf32>
    %swap3A_251 = vector.shape_cast %broadcast_in_dim3A_247 : vector<16xf32> to vector<16xf32>
    tpu.vector_store %arg6[%swap3A_248], %swap3A_251 {strides = array<i32>} : memref<80xf32, #tpu.memory_space<vmem>>, vector<16xf32>,
    %broadcast_in_dim3A_252 = arith.constant 1.000000e+00 : f32
    %broadcast_in_dim3A_253 = vector.broadcast %broadcast_in_dim3A_252 : f32 to vector<16xf32>
    %swap3A_254 = arith.constant 16 : index
    %swap3A_255 = tpu.vector_load %arg6[%swap3A_254] {strides = array<i32>} : memref<80xf32, #tpu.memory_space<vmem>>, vector<16xf32>,
    %swap3A_256 = vector.shape_cast %swap3A_255 : vector<16xf32> to vector<16xf32>
    %swap3A_257 = vector.shape_cast %broadcast_in_dim3A_253 : vector<16xf32> to vector<16xf32>
    tpu.vector_store %arg6[%swap3A_254], %swap3A_257 {strides = array<i32>} : memref<80xf32, #tpu.memory_space<vmem>>, vector<16xf32>,
    %broadcast_in_dim3A_258 = arith.constant 1.000000e+00 : f32
    %broadcast_in_dim3A_259 = vector.broadcast %broadcast_in_dim3A_258 : f32 to vector<16xf32>
    %swap3A_260 = arith.constant 32 : index
    %swap3A_261 = tpu.vector_load %arg6[%swap3A_260] {strides = array<i32>} : memref<80xf32, #tpu.memory_space<vmem>>, vector<16xf32>,
    %swap3A_262 = vector.shape_cast %swap3A_261 : vector<16xf32> to vector<16xf32>
    %swap3A_263 = vector.shape_cast %broadcast_in_dim3A_259 : vector<16xf32> to vector<16xf32>
    tpu.vector_store %arg6[%swap3A_260], %swap3A_263 {strides = array<i32>} : memref<80xf32, #tpu.memory_space<vmem>>, vector<16xf32>,
    %broadcast_in_dim3A_264 = arith.constant 1.000000e+00 : f32
    %broadcast_in_dim3A_265 = vector.broadcast %broadcast_in_dim3A_264 : f32 to vector<16xf32>
    %swap3A_266 = arith.constant 48 : index
    %swap3A_267 = tpu.vector_load %arg6[%swap3A_266] {strides = array<i32>} : memref<80xf32, #tpu.memory_space<vmem>>, vector<16xf32>,
    %swap3A_268 = vector.shape_cast %swap3A_267 : vector<16xf32> to vector<16xf32>
    %swap3A_269 = vector.shape_cast %broadcast_in_dim3A_265 : vector<16xf32> to vector<16xf32>
    tpu.vector_store %arg6[%swap3A_266], %swap3A_269 {strides = array<i32>} : memref<80xf32, #tpu.memory_space<vmem>>, vector<16xf32>,
    %broadcast_in_dim3A_270 = arith.constant 1.000000e+00 : f32
    %broadcast_in_dim3A_271 = vector.broadcast %broadcast_in_dim3A_270 : f32 to vector<16xf32>
    %swap3A_272 = arith.constant 64 : index
    %swap3A_273 = tpu.vector_load %arg6[%swap3A_272] {strides = array<i32>} : memref<80xf32, #tpu.memory_space<vmem>>, vector<16xf32>,
    %swap3A_274 = vector.shape_cast %swap3A_273 : vector<16xf32> to vector<16xf32>
    %swap3A_275 = vector.shape_cast %broadcast_in_dim3A_271 : vector<16xf32> to vector<16xf32>
    tpu.vector_store %arg6[%swap3A_272], %swap3A_275 {strides = array<i32>} : memref<80xf32, #tpu.memory_space<vmem>>, vector<16xf32>,
    %mul3A_276 = arith.constant 640 : i32
    %mul3A_277 = arith.muli %arg1, %mul3A_276 : i32
    "tpu.region"() ({
      %run_scoped3A_294 = tpu.sem_alloc : memref<!tpu.dma_semaphore, #tpu.memory_space<semaphore_mem>>
      %dma_start3A_295 = tpu.memref_slice %arg4[%mul3A_277] : memref<10240xf32, #tpu.memory_space<vmem_shared>> -> memref<640xf32, #tpu.memory_space<vmem_shared>>
      %dma_start3A_296 = tpu.memref_slice %arg4[%mul3A_277] : memref<10240xf32, #tpu.memory_space<vmem_shared>> -> memref<640xf32, #tpu.memory_space<vmem_shared>>
      tpu.enqueue_dma source(%arg7 : memref<640xf32, #tpu.memory_space<vmem>>) target(%dma_start3A_296 : memref<640xf32, #tpu.memory_space<vmem_shared>>) target_semaphore(%run_scoped3A_294 : memref<!tpu.dma_semaphore, #tpu.memory_space<semaphore_mem>>)
      %dma_wait3A_297 = tpu.memref_slice %arg4[%mul3A_277] : memref<10240xf32, #tpu.memory_space<vmem_shared>> -> memref<640xf32, #tpu.memory_space<vmem_shared>>
      %dma_wait3A_298 = tpu.memref_slice %arg4[%mul3A_277] : memref<10240xf32, #tpu.memory_space<vmem_shared>> -> memref<640xf32, #tpu.memory_space<vmem_shared>>
      tpu.wait_dma2 semaphore(%run_scoped3A_294 : memref<!tpu.dma_semaphore, #tpu.memory_space<semaphore_mem>>) src(%arg7 : memref<640xf32, #tpu.memory_space<vmem>>) dst(%dma_wait3A_298 : memref<640xf32, #tpu.memory_space<vmem_shared>>)
      tpu.yield
    }) : () -> ()
    %dma_wait3A = arith.constant 0 : i32
    %dma_wait3A_278 = arith.constant 0 : i32
    %dma_wait3A_279 = tpu.memref_slice %arg2[%add3A, %dma_wait3A, %dma_wait3A_278] : memref<32x125x80xi32, #tpu.memory_space<hbm>> -> memref<1x125x80xi32, #tpu.memory_space<hbm>>
    %dma_wait3A_280 = tpu.memref_squeeze %dma_wait3A_279 : memref<1x125x80xi32, #tpu.memory_space<hbm>> -> memref<125x80xi32, #tpu.memory_space<hbm>>
    %dma_wait3A_281 = arith.constant 0 : i32
    %dma_wait3A_282 = arith.constant 0 : i32
    %dma_wait3A_283 = tpu.memref_slice %arg2[%add3A, %dma_wait3A_281, %dma_wait3A_282] : memref<32x125x80xi32, #tpu.memory_space<hbm>> -> memref<1x125x80xi32, #tpu.memory_space<hbm>>
    %dma_wait3A_284 = tpu.memref_squeeze %dma_wait3A_283 : memref<1x125x80xi32, #tpu.memory_space<hbm>> -> memref<125x80xi32, #tpu.memory_space<hbm>>
    tpu.wait_dma2 semaphore(%arg8 : memref<!tpu.dma_semaphore, #tpu.memory_space<semaphore_mem>>) src(%dma_wait3A_284 : memref<125x80xi32, #tpu.memory_space<hbm>>) dst(%arg5 : memref<125x80xi32, #tpu.memory_space<vmem>>)
    %barrier3A = arith.constant 0 : index
    tpu.barrier barrier_id(%barrier3A)
    %scan3A = arith.constant 0 : i32
    %scan3A_285 = arith.constant 0 : i32
    %scan3A_286 = arith.constant 125 : i32
    %scan3A_287 = arith.addi %scan3A_285, %scan3A_286 : i32
    %scan3A_288 = arith.constant 1 : i32
    %scan3A_289 = scf.for %scan3A_294 = %scan3A_285 to %scan3A_287 step %scan3A_288 iter_args(%scan3A_295 = %scan3A) -> (i32)  : i32 {
      "tpu.region"() ({
        %run_scoped3A_297 = tpu.sem_alloc : memref<!tpu.dma_semaphore, #tpu.memory_space<semaphore_mem>>
        %dma_start3A_298 = arith.constant 0 : i32
        %dma_start3A_299 = tpu.memref_slice %arg5[%scan3A_294, %dma_start3A_298] : memref<125x80xi32, #tpu.memory_space<vmem>> -> memref<1x80xi32, #tpu.memory_space<vmem>>
        %dma_start3A_300 = tpu.memref_squeeze %dma_start3A_299 : memref<1x80xi32, #tpu.memory_space<vmem>> -> memref<80xi32, #tpu.memory_space<vmem>>
        %dma_start3A_301 = arith.constant 0 : i32
        %dma_start3A_302 = tpu.memref_slice %arg4[%dma_start3A_301] : memref<10240xf32, #tpu.memory_space<vmem_shared>> -> memref<10240xf32, #tpu.memory_space<vmem_shared>>
        tpu.enqueue_indirect_dma source(%arg6 : memref<80xf32, #tpu.memory_space<vmem>>) target(%dma_start3A_302 : memref<10240xf32, #tpu.memory_space<vmem_shared>>) offsets(%dma_start3A_300 : memref<80xi32, #tpu.memory_space<vmem>>) semaphore(%run_scoped3A_297 : memref<!tpu.dma_semaphore, #tpu.memory_space<semaphore_mem>>) {add = true}
        %dma_wait3A_303 = arith.constant 0 : i32
        %dma_wait3A_304 = tpu.memref_slice %arg5[%scan3A_294, %dma_wait3A_303] : memref<125x80xi32, #tpu.memory_space<vmem>> -> memref<1x80xi32, #tpu.memory_space<vmem>>
        %dma_wait3A_305 = tpu.memref_squeeze %dma_wait3A_304 : memref<1x80xi32, #tpu.memory_space<vmem>> -> memref<80xi32, #tpu.memory_space<vmem>>
        %dma_wait3A_306 = arith.constant 0 : i32
        %dma_wait3A_307 = tpu.memref_slice %arg4[%dma_wait3A_306] : memref<10240xf32, #tpu.memory_space<vmem_shared>> -> memref<10240xf32, #tpu.memory_space<vmem_shared>>
        tpu.wait_indirect_dma semaphore(%run_scoped3A_297 : memref<!tpu.dma_semaphore, #tpu.memory_space<semaphore_mem>>) src(%arg6 : memref<80xf32, #tpu.memory_space<vmem>>) dst(%dma_wait3A_307 : memref<10240xf32, #tpu.memory_space<vmem_shared>>)
        tpu.yield
      }) : () -> ()
      %scan3A_296 = arith.constant 0 : i32
      scf.yield %scan3A_296 : i32
    }
    %scan3A_290 = arith.constant 125 : i32
    %barrier3A_291 = arith.constant 0 : index
    tpu.barrier barrier_id(%barrier3A_291)
    %mul3A_292 = arith.constant 640 : i32
    %mul3A_293 = arith.muli %arg1, %mul3A_292 : i32
    "tpu.region"() ({
      %run_scoped3A_294 = tpu.sem_alloc : memref<!tpu.dma_semaphore, #tpu.memory_space<semaphore_mem>>
      %dma_start3A_295 = tpu.memref_slice %arg4[%mul3A_293] : memref<10240xf32, #tpu.memory_space<vmem_shared>> -> memref<640xf32, #tpu.memory_space<vmem_shared>>
      %dma_start3A_296 = tpu.memref_slice %arg4[%mul3A_293] : memref<10240xf32, #tpu.memory_space<vmem_shared>> -> memref<640xf32, #tpu.memory_space<vmem_shared>>
      tpu.enqueue_dma source(%dma_start3A_296 : memref<640xf32, #tpu.memory_space<vmem_shared>>) target(%arg7 : memref<640xf32, #tpu.memory_space<vmem>>) target_semaphore(%run_scoped3A_294 : memref<!tpu.dma_semaphore, #tpu.memory_space<semaphore_mem>>)
      %dma_wait3A_297 = tpu.memref_slice %arg4[%mul3A_293] : memref<10240xf32, #tpu.memory_space<vmem_shared>> -> memref<640xf32, #tpu.memory_space<vmem_shared>>
      %dma_wait3A_298 = tpu.memref_slice %arg4[%mul3A_293] : memref<10240xf32, #tpu.memory_space<vmem_shared>> -> memref<640xf32, #tpu.memory_space<vmem_shared>>
      tpu.wait_dma2 semaphore(%run_scoped3A_294 : memref<!tpu.dma_semaphore, #tpu.memory_space<semaphore_mem>>) src(%dma_wait3A_298 : memref<640xf32, #tpu.memory_space<vmem_shared>>) dst(%arg7 : memref<640xf32, #tpu.memory_space<vmem>>)
      tpu.yield
    }) : () -> ()
    %run_scoped3A = arith.constant 0 : i32
    "tpu.region"() ({
      %run_scoped3A_294 = tpu.sem_alloc : memref<!tpu.dma_semaphore, #tpu.memory_space<semaphore_mem>>
      %dma_start3A_295 = tpu.memref_slice %arg3[%arg0, %run_scoped3A, %mul3A_293] : memref<2x1x10240xf32, #tpu.memory_space<hbm>> -> memref<1x1x640xf32, #tpu.memory_space<hbm>>
      %dma_start3A_296 = tpu.memref_squeeze %dma_start3A_295 : memref<1x1x640xf32, #tpu.memory_space<hbm>> -> memref<640xf32, #tpu.memory_space<hbm>>
      %dma_start3A_297 = tpu.memref_slice %arg3[%arg0, %run_scoped3A, %mul3A_293] : memref<2x1x10240xf32, #tpu.memory_space<hbm>> -> memref<1x1x640xf32, #tpu.memory_space<hbm>>
      %dma_start3A_298 = tpu.memref_squeeze %dma_start3A_297 : memref<1x1x640xf32, #tpu.memory_space<hbm>> -> memref<640xf32, #tpu.memory_space<hbm>>
      tpu.enqueue_dma source(%arg7 : memref<640xf32, #tpu.memory_space<vmem>>) target(%dma_start3A_298 : memref<640xf32, #tpu.memory_space<hbm>>) target_semaphore(%run_scoped3A_294 : memref<!tpu.dma_semaphore, #tpu.memory_space<semaphore_mem>>)
      %dma_wait3A_299 = tpu.memref_slice %arg3[%arg0, %run_scoped3A, %mul3A_293] : memref<2x1x10240xf32, #tpu.memory_space<hbm>> -> memref<1x1x640xf32, #tpu.memory_space<hbm>>
      %dma_wait3A_300 = tpu.memref_squeeze %dma_wait3A_299 : memref<1x1x640xf32, #tpu.memory_space<hbm>> -> memref<640xf32, #tpu.memory_space<hbm>>
      %dma_wait3A_301 = tpu.memref_slice %arg3[%arg0, %run_scoped3A, %mul3A_293] : memref<2x1x10240xf32, #tpu.memory_space<hbm>> -> memref<1x1x640xf32, #tpu.memory_space<hbm>>
      %dma_wait3A_302 = tpu.memref_squeeze %dma_wait3A_301 : memref<1x1x640xf32, #tpu.memory_space<hbm>> -> memref<640xf32, #tpu.memory_space<hbm>>
      tpu.wait_dma2 semaphore(%run_scoped3A_294 : memref<!tpu.dma_semaphore, #tpu.memory_space<semaphore_mem>>) src(%arg7 : memref<640xf32, #tpu.memory_space<vmem>>) dst(%dma_wait3A_302 : memref<640xf32, #tpu.memory_space<hbm>>)
      tpu.yield
    }) : () -> ()
    return
  }
}

#map = affine_map<(d0, d1) -> (0, 0)>
#map1 = affine_map<(d0, d1) -> (0, 0, 0)>
#map2 = affine_map<(d0, d1) -> (0)>
module attributes {stable_mosaic.version = 14 : i64} {
  func.func @_mp_sc(%arg0: i32, %arg1: i32, %arg2: memref<10240x128xf32, #tpu.memory_space<hbm>>, %arg3: memref<4000x80x64xi32, #tpu.memory_space<hbm>>, %arg4: memref<320000xi32, #tpu.memory_space<hbm>>, %arg5: memref<320000xi32, #tpu.memory_space<hbm>>, %arg6: memref<2x10240x128xf32, #tpu.memory_space<hbm>>, %arg7: memref<10240x128xf32, #tpu.memory_space<vmem_shared>>, %arg8: memref<80xi32, #tpu.memory_space<vmem>>, %arg9: memref<80xi32, #tpu.memory_space<vmem>>, %arg10: memref<80xi32, #tpu.memory_space<vmem>>, %arg11: memref<80xi32, #tpu.memory_space<vmem>>, %arg12: memref<80x128xf32, #tpu.memory_space<vmem>>, %arg13: memref<80x128xf32, #tpu.memory_space<vmem>>, %arg14: memref<80x64xi32, #tpu.memory_space<vmem>>, %arg15: memref<80x64xi32, #tpu.memory_space<vmem>>, %arg16: memref<16x128xf32, #tpu.memory_space<vmem>>, %arg17: memref<!tpu.dma_semaphore, #tpu.memory_space<semaphore_mem>>, %arg18: memref<!tpu.dma_semaphore, #tpu.memory_space<semaphore_mem>>, %arg19: memref<!tpu.dma_semaphore, #tpu.memory_space<semaphore_mem>>, %arg20: memref<!tpu.dma_semaphore, #tpu.memory_space<semaphore_mem>>, %arg21: memref<!tpu.dma_semaphore, #tpu.memory_space<semaphore_mem>>, %arg22: memref<!tpu.dma_semaphore, #tpu.memory_space<semaphore_mem>>) attributes {dimension_semantics = [#tpu.dimension_semantics<core_parallel>, #tpu.dimension_semantics<subcore_parallel>], iteration_bounds = array<i64: 2, 16>, scalar_prefetch = 0 : i64, scratch_operands = 16 : i64, tpu.core_type = #tpu.core_type<sc_vector_subcore>, window_params = [{transform_indices = #map}, {transform_indices = #map1}, {transform_indices = #map2}, {transform_indices = #map2}, {transform_indices = #map1}]} {
    %mul3A = arith.constant 2 : i32
    %mul3A_0 = arith.muli %arg1, %mul3A : i32
    %add3A = arith.addi %mul3A_0, %arg0 : i32
    %mul3A_1 = arith.constant 10000 : i32
    %mul3A_2 = arith.muli %add3A, %mul3A_1 : i32
    %scan3A = arith.constant 0 : i32
    %scan3A_3 = arith.constant 0 : i32
    %scan3A_4 = arith.constant 16 : i32
    %scan3A_5 = arith.addi %scan3A_3, %scan3A_4 : i32
    %scan3A_6 = arith.constant 1 : i32
    %scan3A_7 = scf.for %scan3A_60 = %scan3A_3 to %scan3A_5 step %scan3A_6 iter_args(%scan3A_61 = %scan3A) -> (i32)  : i32 {
      %broadcast_in_dim3A = arith.constant 0.000000e+00 : f32
      %broadcast_in_dim3A_62 = vector.broadcast %broadcast_in_dim3A : f32 to vector<16xf32>
      %swap3A = arith.index_cast %scan3A_60 : i32 to index
      %swap3A_63 = arith.constant 0 : index
      %swap3A_64 = tpu.vector_load %arg16[%swap3A, %swap3A_63] {strides = array<i32>} : memref<16x128xf32, #tpu.memory_space<vmem>>, vector<1x16xf32>,
      %swap3A_65 = vector.shape_cast %swap3A_64 : vector<1x16xf32> to vector<16xf32>
      %swap3A_66 = vector.shape_cast %broadcast_in_dim3A_62 : vector<16xf32> to vector<1x16xf32>
      tpu.vector_store %arg16[%swap3A, %swap3A_63], %swap3A_66 {strides = array<i32>} : memref<16x128xf32, #tpu.memory_space<vmem>>, vector<1x16xf32>,
      %broadcast_in_dim3A_67 = arith.constant 0.000000e+00 : f32
      %broadcast_in_dim3A_68 = vector.broadcast %broadcast_in_dim3A_67 : f32 to vector<16xf32>
      %swap3A_69 = arith.index_cast %scan3A_60 : i32 to index
      %swap3A_70 = arith.constant 16 : index
      %swap3A_71 = tpu.vector_load %arg16[%swap3A_69, %swap3A_70] {strides = array<i32>} : memref<16x128xf32, #tpu.memory_space<vmem>>, vector<1x16xf32>,
      %swap3A_72 = vector.shape_cast %swap3A_71 : vector<1x16xf32> to vector<16xf32>
      %swap3A_73 = vector.shape_cast %broadcast_in_dim3A_68 : vector<16xf32> to vector<1x16xf32>
      tpu.vector_store %arg16[%swap3A_69, %swap3A_70], %swap3A_73 {strides = array<i32>} : memref<16x128xf32, #tpu.memory_space<vmem>>, vector<1x16xf32>,
      %broadcast_in_dim3A_74 = arith.constant 0.000000e+00 : f32
      %broadcast_in_dim3A_75 = vector.broadcast %broadcast_in_dim3A_74 : f32 to vector<16xf32>
      %swap3A_76 = arith.index_cast %scan3A_60 : i32 to index
      %swap3A_77 = arith.constant 32 : index
      %swap3A_78 = tpu.vector_load %arg16[%swap3A_76, %swap3A_77] {strides = array<i32>} : memref<16x128xf32, #tpu.memory_space<vmem>>, vector<1x16xf32>,
      %swap3A_79 = vector.shape_cast %swap3A_78 : vector<1x16xf32> to vector<16xf32>
      %swap3A_80 = vector.shape_cast %broadcast_in_dim3A_75 : vector<16xf32> to vector<1x16xf32>
      tpu.vector_store %arg16[%swap3A_76, %swap3A_77], %swap3A_80 {strides = array<i32>} : memref<16x128xf32, #tpu.memory_space<vmem>>, vector<1x16xf32>,
      %broadcast_in_dim3A_81 = arith.constant 0.000000e+00 : f32
      %broadcast_in_dim3A_82 = vector.broadcast %broadcast_in_dim3A_81 : f32 to vector<16xf32>
      %swap3A_83 = arith.index_cast %scan3A_60 : i32 to index
      %swap3A_84 = arith.constant 48 : index
      %swap3A_85 = tpu.vector_load %arg16[%swap3A_83, %swap3A_84] {strides = array<i32>} : memref<16x128xf32, #tpu.memory_space<vmem>>, vector<1x16xf32>,
      %swap3A_86 = vector.shape_cast %swap3A_85 : vector<1x16xf32> to vector<16xf32>
      %swap3A_87 = vector.shape_cast %broadcast_in_dim3A_82 : vector<16xf32> to vector<1x16xf32>
      tpu.vector_store %arg16[%swap3A_83, %swap3A_84], %swap3A_87 {strides = array<i32>} : memref<16x128xf32, #tpu.memory_space<vmem>>, vector<1x16xf32>,
      %broadcast_in_dim3A_88 = arith.constant 0.000000e+00 : f32
      %broadcast_in_dim3A_89 = vector.broadcast %broadcast_in_dim3A_88 : f32 to vector<16xf32>
      %swap3A_90 = arith.index_cast %scan3A_60 : i32 to index
      %swap3A_91 = arith.constant 64 : index
      %swap3A_92 = tpu.vector_load %arg16[%swap3A_90, %swap3A_91] {strides = array<i32>} : memref<16x128xf32, #tpu.memory_space<vmem>>, vector<1x16xf32>,
      %swap3A_93 = vector.shape_cast %swap3A_92 : vector<1x16xf32> to vector<16xf32>
      %swap3A_94 = vector.shape_cast %broadcast_in_dim3A_89 : vector<16xf32> to vector<1x16xf32>
      tpu.vector_store %arg16[%swap3A_90, %swap3A_91], %swap3A_94 {strides = array<i32>} : memref<16x128xf32, #tpu.memory_space<vmem>>, vector<1x16xf32>,
      %broadcast_in_dim3A_95 = arith.constant 0.000000e+00 : f32
      %broadcast_in_dim3A_96 = vector.broadcast %broadcast_in_dim3A_95 : f32 to vector<16xf32>
      %swap3A_97 = arith.index_cast %scan3A_60 : i32 to index
      %swap3A_98 = arith.constant 80 : index
      %swap3A_99 = tpu.vector_load %arg16[%swap3A_97, %swap3A_98] {strides = array<i32>} : memref<16x128xf32, #tpu.memory_space<vmem>>, vector<1x16xf32>,
      %swap3A_100 = vector.shape_cast %swap3A_99 : vector<1x16xf32> to vector<16xf32>
      %swap3A_101 = vector.shape_cast %broadcast_in_dim3A_96 : vector<16xf32> to vector<1x16xf32>
      tpu.vector_store %arg16[%swap3A_97, %swap3A_98], %swap3A_101 {strides = array<i32>} : memref<16x128xf32, #tpu.memory_space<vmem>>, vector<1x16xf32>,
      %broadcast_in_dim3A_102 = arith.constant 0.000000e+00 : f32
      %broadcast_in_dim3A_103 = vector.broadcast %broadcast_in_dim3A_102 : f32 to vector<16xf32>
      %swap3A_104 = arith.index_cast %scan3A_60 : i32 to index
      %swap3A_105 = arith.constant 96 : index
      %swap3A_106 = tpu.vector_load %arg16[%swap3A_104, %swap3A_105] {strides = array<i32>} : memref<16x128xf32, #tpu.memory_space<vmem>>, vector<1x16xf32>,
      %swap3A_107 = vector.shape_cast %swap3A_106 : vector<1x16xf32> to vector<16xf32>
      %swap3A_108 = vector.shape_cast %broadcast_in_dim3A_103 : vector<16xf32> to vector<1x16xf32>
      tpu.vector_store %arg16[%swap3A_104, %swap3A_105], %swap3A_108 {strides = array<i32>} : memref<16x128xf32, #tpu.memory_space<vmem>>, vector<1x16xf32>,
      %broadcast_in_dim3A_109 = arith.constant 0.000000e+00 : f32
      %broadcast_in_dim3A_110 = vector.broadcast %broadcast_in_dim3A_109 : f32 to vector<16xf32>
      %swap3A_111 = arith.index_cast %scan3A_60 : i32 to index
      %swap3A_112 = arith.constant 112 : index
      %swap3A_113 = tpu.vector_load %arg16[%swap3A_111, %swap3A_112] {strides = array<i32>} : memref<16x128xf32, #tpu.memory_space<vmem>>, vector<1x16xf32>,
      %swap3A_114 = vector.shape_cast %swap3A_113 : vector<1x16xf32> to vector<16xf32>
      %swap3A_115 = vector.shape_cast %broadcast_in_dim3A_110 : vector<16xf32> to vector<1x16xf32>
      tpu.vector_store %arg16[%swap3A_111, %swap3A_112], %swap3A_115 {strides = array<i32>} : memref<16x128xf32, #tpu.memory_space<vmem>>, vector<1x16xf32>,
      %scan3A_116 = arith.constant 0 : i32
      scf.yield %scan3A_116 : i32
    }
    %scan3A_8 = arith.constant 16 : i32
    %scan3A_9 = arith.constant 0 : i32
    %scan3A_10 = arith.constant 0 : i32
    %scan3A_11 = arith.constant 40 : i32
    %scan3A_12 = arith.addi %scan3A_10, %scan3A_11 : i32
    %scan3A_13 = arith.constant 1 : i32
    %scan3A_14 = scf.for %scan3A_60 = %scan3A_10 to %scan3A_12 step %scan3A_13 iter_args(%scan3A_61 = %scan3A_9) -> (i32)  : i32 {
      %mul3A_62 = arith.constant 640 : i32
      %mul3A_63 = arith.muli %arg1, %mul3A_62 : i32
      %mul3A_64 = arith.constant 16 : i32
      %mul3A_65 = arith.muli %scan3A_60, %mul3A_64 : i32
      %add3A_66 = arith.addi %mul3A_63, %mul3A_65 : i32
      "tpu.region"() ({
        %run_scoped3A = tpu.sem_alloc : memref<!tpu.dma_semaphore, #tpu.memory_space<semaphore_mem>>
        %dma_start3A_68 = arith.constant 0 : i32
        %dma_start3A_69 = tpu.memref_slice %arg7[%add3A_66, %dma_start3A_68] : memref<10240x128xf32, #tpu.memory_space<vmem_shared>> -> memref<16x128xf32, #tpu.memory_space<vmem_shared>>
        %dma_start3A_70 = arith.constant 0 : i32
        %dma_start3A_71 = tpu.memref_slice %arg7[%add3A_66, %dma_start3A_70] : memref<10240x128xf32, #tpu.memory_space<vmem_shared>> -> memref<16x128xf32, #tpu.memory_space<vmem_shared>>
        tpu.enqueue_dma source(%arg16 : memref<16x128xf32, #tpu.memory_space<vmem>>) target(%dma_start3A_71 : memref<16x128xf32, #tpu.memory_space<vmem_shared>>) target_semaphore(%run_scoped3A : memref<!tpu.dma_semaphore, #tpu.memory_space<semaphore_mem>>)
        %dma_wait3A_72 = arith.constant 0 : i32
        %dma_wait3A_73 = tpu.memref_slice %arg7[%add3A_66, %dma_wait3A_72] : memref<10240x128xf32, #tpu.memory_space<vmem_shared>> -> memref<16x128xf32, #tpu.memory_space<vmem_shared>>
        %dma_wait3A_74 = arith.constant 0 : i32
        %dma_wait3A_75 = tpu.memref_slice %arg7[%add3A_66, %dma_wait3A_74] : memref<10240x128xf32, #tpu.memory_space<vmem_shared>> -> memref<16x128xf32, #tpu.memory_space<vmem_shared>>
        tpu.wait_dma2 semaphore(%run_scoped3A : memref<!tpu.dma_semaphore, #tpu.memory_space<semaphore_mem>>) src(%arg16 : memref<16x128xf32, #tpu.memory_space<vmem>>) dst(%dma_wait3A_75 : memref<16x128xf32, #tpu.memory_space<vmem_shared>>)
        tpu.yield
      }) : () -> ()
      %scan3A_67 = arith.constant 0 : i32
      scf.yield %scan3A_67 : i32
    }
    %scan3A_15 = arith.constant 40 : i32
    %barrier3A = arith.constant 0 : index
    tpu.barrier barrier_id(%barrier3A)
    %add3A_16 = arith.constant 0 : i32
    %add3A_17 = arith.addi %mul3A_2, %add3A_16 : i32
    %dma_start3A = tpu.memref_slice %arg4[%add3A_17] : memref<320000xi32, #tpu.memory_space<hbm>> -> memref<80xi32, #tpu.memory_space<hbm>>
    %dma_start3A_18 = tpu.memref_slice %arg4[%add3A_17] : memref<320000xi32, #tpu.memory_space<hbm>> -> memref<80xi32, #tpu.memory_space<hbm>>
    tpu.enqueue_dma source(%dma_start3A_18 : memref<80xi32, #tpu.memory_space<hbm>>) target(%arg8 : memref<80xi32, #tpu.memory_space<vmem>>) target_semaphore(%arg21 : memref<!tpu.dma_semaphore, #tpu.memory_space<semaphore_mem>>)
    %dma_wait3A = tpu.memref_slice %arg4[%add3A_17] : memref<320000xi32, #tpu.memory_space<hbm>> -> memref<80xi32, #tpu.memory_space<hbm>>
    %dma_wait3A_19 = tpu.memref_slice %arg4[%add3A_17] : memref<320000xi32, #tpu.memory_space<hbm>> -> memref<80xi32, #tpu.memory_space<hbm>>
    tpu.wait_dma2 semaphore(%arg21 : memref<!tpu.dma_semaphore, #tpu.memory_space<semaphore_mem>>) src(%dma_wait3A_19 : memref<80xi32, #tpu.memory_space<hbm>>) dst(%arg8 : memref<80xi32, #tpu.memory_space<vmem>>)
    %dma_start3A_20 = tpu.memref_slice %arg5[%add3A_17] : memref<320000xi32, #tpu.memory_space<hbm>> -> memref<80xi32, #tpu.memory_space<hbm>>
    %dma_start3A_21 = tpu.memref_slice %arg5[%add3A_17] : memref<320000xi32, #tpu.memory_space<hbm>> -> memref<80xi32, #tpu.memory_space<hbm>>
    tpu.enqueue_dma source(%dma_start3A_21 : memref<80xi32, #tpu.memory_space<hbm>>) target(%arg10 : memref<80xi32, #tpu.memory_space<vmem>>) target_semaphore(%arg21 : memref<!tpu.dma_semaphore, #tpu.memory_space<semaphore_mem>>)
    %dma_wait3A_22 = tpu.memref_slice %arg5[%add3A_17] : memref<320000xi32, #tpu.memory_space<hbm>> -> memref<80xi32, #tpu.memory_space<hbm>>
    %dma_wait3A_23 = tpu.memref_slice %arg5[%add3A_17] : memref<320000xi32, #tpu.memory_space<hbm>> -> memref<80xi32, #tpu.memory_space<hbm>>
    tpu.wait_dma2 semaphore(%arg21 : memref<!tpu.dma_semaphore, #tpu.memory_space<semaphore_mem>>) src(%dma_wait3A_23 : memref<80xi32, #tpu.memory_space<hbm>>) dst(%arg10 : memref<80xi32, #tpu.memory_space<vmem>>)
    %dma_start3A_24 = arith.constant 0 : i32
    %dma_start3A_25 = arith.constant 0 : i32
    %dma_start3A_26 = tpu.memref_slice %arg2[%dma_start3A_24, %dma_start3A_25] : memref<10240x128xf32, #tpu.memory_space<hbm>> -> memref<10240x128xf32, #tpu.memory_space<hbm>>
    tpu.enqueue_indirect_dma source(%dma_start3A_26 : memref<10240x128xf32, #tpu.memory_space<hbm>>) target(%arg12 : memref<80x128xf32, #tpu.memory_space<vmem>>) offsets(%arg8 : memref<80xi32, #tpu.memory_space<vmem>>) semaphore(%arg17 : memref<!tpu.dma_semaphore, #tpu.memory_space<semaphore_mem>>)
    %mul3A_27 = arith.constant 125 : i32
    %mul3A_28 = arith.muli %add3A, %mul3A_27 : i32
    %add3A_29 = arith.constant 0 : i32
    %add3A_30 = arith.addi %mul3A_28, %add3A_29 : i32
    %dma_start3A_31 = arith.constant 0 : i32
    %dma_start3A_32 = arith.constant 0 : i32
    %dma_start3A_33 = tpu.memref_slice %arg3[%add3A_30, %dma_start3A_31, %dma_start3A_32] : memref<4000x80x64xi32, #tpu.memory_space<hbm>> -> memref<1x80x64xi32, #tpu.memory_space<hbm>>
    %dma_start3A_34 = tpu.memref_squeeze %dma_start3A_33 : memref<1x80x64xi32, #tpu.memory_space<hbm>> -> memref<80x64xi32, #tpu.memory_space<hbm>>
    %dma_start3A_35 = arith.constant 0 : i32
    %dma_start3A_36 = arith.constant 0 : i32
    %dma_start3A_37 = tpu.memref_slice %arg3[%add3A_30, %dma_start3A_35, %dma_start3A_36] : memref<4000x80x64xi32, #tpu.memory_space<hbm>> -> memref<1x80x64xi32, #tpu.memory_space<hbm>>
    %dma_start3A_38 = tpu.memref_squeeze %dma_start3A_37 : memref<1x80x64xi32, #tpu.memory_space<hbm>> -> memref<80x64xi32, #tpu.memory_space<hbm>>
    tpu.enqueue_dma source(%dma_start3A_38 : memref<80x64xi32, #tpu.memory_space<hbm>>) target(%arg14 : memref<80x64xi32, #tpu.memory_space<vmem>>) target_semaphore(%arg19 : memref<!tpu.dma_semaphore, #tpu.memory_space<semaphore_mem>>)
    %add3A_39 = arith.constant 80 : i32
    %add3A_40 = arith.addi %mul3A_2, %add3A_39 : i32
    %dma_start3A_41 = tpu.memref_slice %arg4[%add3A_40] : memref<320000xi32, #tpu.memory_space<hbm>> -> memref<80xi32, #tpu.memory_space<hbm>>
    %dma_start3A_42 = tpu.memref_slice %arg4[%add3A_40] : memref<320000xi32, #tpu.memory_space<hbm>> -> memref<80xi32, #tpu.memory_space<hbm>>
    tpu.enqueue_dma source(%dma_start3A_42 : memref<80xi32, #tpu.memory_space<hbm>>) target(%arg9 : memref<80xi32, #tpu.memory_space<vmem>>) target_semaphore(%arg22 : memref<!tpu.dma_semaphore, #tpu.memory_space<semaphore_mem>>)
    %dma_start3A_43 = tpu.memref_slice %arg5[%add3A_40] : memref<320000xi32, #tpu.memory_space<hbm>> -> memref<80xi32, #tpu.memory_space<hbm>>
    %dma_start3A_44 = tpu.memref_slice %arg5[%add3A_40] : memref<320000xi32, #tpu.memory_space<hbm>> -> memref<80xi32, #tpu.memory_space<hbm>>
    tpu.enqueue_dma source(%dma_start3A_44 : memref<80xi32, #tpu.memory_space<hbm>>) target(%arg11 : memref<80xi32, #tpu.memory_space<vmem>>) target_semaphore(%arg22 : memref<!tpu.dma_semaphore, #tpu.memory_space<semaphore_mem>>)
    %scan3A_45 = arith.constant 0 : i32
    %scan3A_46 = arith.constant 0 : i32
    %scan3A_47 = arith.constant 63 : i32
    %scan3A_48 = arith.addi %scan3A_46, %scan3A_47 : i32
    %scan3A_49 = arith.constant 1 : i32
    %scan3A_50 = scf.for %scan3A_60 = %scan3A_46 to %scan3A_48 step %scan3A_49 iter_args(%scan3A_61 = %scan3A_45) -> (i32)  : i32 {
      %mul3A_62 = arith.constant 2 : i32
      %mul3A_63 = arith.muli %mul3A_62, %scan3A_60 : i32
      %dma_wait3A_64 = arith.constant 0 : i32
      %dma_wait3A_65 = arith.constant 0 : i32
      %dma_wait3A_66 = tpu.memref_slice %arg2[%dma_wait3A_64, %dma_wait3A_65] : memref<10240x128xf32, #tpu.memory_space<hbm>> -> memref<10240x128xf32, #tpu.memory_space<hbm>>
      tpu.wait_indirect_dma semaphore(%arg17 : memref<!tpu.dma_semaphore, #tpu.memory_space<semaphore_mem>>) src(%dma_wait3A_66 : memref<10240x128xf32, #tpu.memory_space<hbm>>) dst(%arg12 : memref<80x128xf32, #tpu.memory_space<vmem>>)
      %mul3A_67 = arith.constant 125 : i32
      %mul3A_68 = arith.muli %add3A, %mul3A_67 : i32
      %add3A_69 = arith.addi %mul3A_68, %mul3A_63 : i32
      %dma_wait3A_70 = arith.constant 0 : i32
      %dma_wait3A_71 = arith.constant 0 : i32
      %dma_wait3A_72 = tpu.memref_slice %arg3[%add3A_69, %dma_wait3A_70, %dma_wait3A_71] : memref<4000x80x64xi32, #tpu.memory_space<hbm>> -> memref<1x80x64xi32, #tpu.memory_space<hbm>>
      %dma_wait3A_73 = tpu.memref_squeeze %dma_wait3A_72 : memref<1x80x64xi32, #tpu.memory_space<hbm>> -> memref<80x64xi32, #tpu.memory_space<hbm>>
      %dma_wait3A_74 = arith.constant 0 : i32
      %dma_wait3A_75 = arith.constant 0 : i32
      %dma_wait3A_76 = tpu.memref_slice %arg3[%add3A_69, %dma_wait3A_74, %dma_wait3A_75] : memref<4000x80x64xi32, #tpu.memory_space<hbm>> -> memref<1x80x64xi32, #tpu.memory_space<hbm>>
      %dma_wait3A_77 = tpu.memref_squeeze %dma_wait3A_76 : memref<1x80x64xi32, #tpu.memory_space<hbm>> -> memref<80x64xi32, #tpu.memory_space<hbm>>
      tpu.wait_dma2 semaphore(%arg19 : memref<!tpu.dma_semaphore, #tpu.memory_space<semaphore_mem>>) src(%dma_wait3A_77 : memref<80x64xi32, #tpu.memory_space<hbm>>) dst(%arg14 : memref<80x64xi32, #tpu.memory_space<vmem>>)
      %add3A_78 = arith.constant 1 : i32
      %add3A_79 = arith.addi %mul3A_63, %add3A_78 : i32
      %lt3A = arith.constant 125 : i32
      %lt3A_80 = arith.cmpi slt, %add3A_79, %lt3A : i32
      %convert_element_type3A = arith.extui %lt3A_80 : i1 to i32
      %cond3A = arith.constant 0 : i32
      %cond3A_81 = arith.cmpi ne, %convert_element_type3A, %cond3A : i32
      scf.if %cond3A_81 {
        %add3A_104 = arith.constant 1 : i32
        %add3A_105 = arith.addi %mul3A_63, %add3A_104 : i32
        %mul3A_106 = arith.constant 80 : i32
        %mul3A_107 = arith.muli %add3A_105, %mul3A_106 : i32
        %add3A_108 = arith.addi %mul3A_2, %mul3A_107 : i32
        %dma_wait3A_109 = tpu.memref_slice %arg4[%add3A_108] : memref<320000xi32, #tpu.memory_space<hbm>> -> memref<80xi32, #tpu.memory_space<hbm>>
        %dma_wait3A_110 = tpu.memref_slice %arg4[%add3A_108] : memref<320000xi32, #tpu.memory_space<hbm>> -> memref<80xi32, #tpu.memory_space<hbm>>
        tpu.wait_dma2 semaphore(%arg22 : memref<!tpu.dma_semaphore, #tpu.memory_space<semaphore_mem>>) src(%dma_wait3A_110 : memref<80xi32, #tpu.memory_space<hbm>>) dst(%arg9 : memref<80xi32, #tpu.memory_space<vmem>>)
        %dma_wait3A_111 = tpu.memref_slice %arg5[%add3A_108] : memref<320000xi32, #tpu.memory_space<hbm>> -> memref<80xi32, #tpu.memory_space<hbm>>
        %dma_wait3A_112 = tpu.memref_slice %arg5[%add3A_108] : memref<320000xi32, #tpu.memory_space<hbm>> -> memref<80xi32, #tpu.memory_space<hbm>>
        tpu.wait_dma2 semaphore(%arg22 : memref<!tpu.dma_semaphore, #tpu.memory_space<semaphore_mem>>) src(%dma_wait3A_112 : memref<80xi32, #tpu.memory_space<hbm>>) dst(%arg11 : memref<80xi32, #tpu.memory_space<vmem>>)
        %dma_start3A_113 = arith.constant 0 : i32
        %dma_start3A_114 = arith.constant 0 : i32
        %dma_start3A_115 = tpu.memref_slice %arg2[%dma_start3A_113, %dma_start3A_114] : memref<10240x128xf32, #tpu.memory_space<hbm>> -> memref<10240x128xf32, #tpu.memory_space<hbm>>
        tpu.enqueue_indirect_dma source(%dma_start3A_115 : memref<10240x128xf32, #tpu.memory_space<hbm>>) target(%arg13 : memref<80x128xf32, #tpu.memory_space<vmem>>) offsets(%arg9 : memref<80xi32, #tpu.memory_space<vmem>>) semaphore(%arg18 : memref<!tpu.dma_semaphore, #tpu.memory_space<semaphore_mem>>)
        %add3A_116 = arith.constant 1 : i32
        %add3A_117 = arith.addi %mul3A_63, %add3A_116 : i32
        %mul3A_118 = arith.constant 125 : i32
        %mul3A_119 = arith.muli %add3A, %mul3A_118 : i32
        %add3A_120 = arith.addi %mul3A_119, %add3A_117 : i32
        %dma_start3A_121 = arith.constant 0 : i32
        %dma_start3A_122 = arith.constant 0 : i32
        %dma_start3A_123 = tpu.memref_slice %arg3[%add3A_120, %dma_start3A_121, %dma_start3A_122] : memref<4000x80x64xi32, #tpu.memory_space<hbm>> -> memref<1x80x64xi32, #tpu.memory_space<hbm>>
        %dma_start3A_124 = tpu.memref_squeeze %dma_start3A_123 : memref<1x80x64xi32, #tpu.memory_space<hbm>> -> memref<80x64xi32, #tpu.memory_space<hbm>>
        %dma_start3A_125 = arith.constant 0 : i32
        %dma_start3A_126 = arith.constant 0 : i32
        %dma_start3A_127 = tpu.memref_slice %arg3[%add3A_120, %dma_start3A_125, %dma_start3A_126] : memref<4000x80x64xi32, #tpu.memory_space<hbm>> -> memref<1x80x64xi32, #tpu.memory_space<hbm>>
        %dma_start3A_128 = tpu.memref_squeeze %dma_start3A_127 : memref<1x80x64xi32, #tpu.memory_space<hbm>> -> memref<80x64xi32, #tpu.memory_space<hbm>>
        tpu.enqueue_dma source(%dma_start3A_128 : memref<80x64xi32, #tpu.memory_space<hbm>>) target(%arg15 : memref<80x64xi32, #tpu.memory_space<vmem>>) target_semaphore(%arg20 : memref<!tpu.dma_semaphore, #tpu.memory_space<semaphore_mem>>)
      } else {
      }
      %scan3A_82 = arith.constant 0 : i32
      %scan3A_83 = arith.constant 0 : i32
      %scan3A_84 = arith.constant 80 : i32
      %scan3A_85 = arith.addi %scan3A_83, %scan3A_84 : i32
      %scan3A_86 = arith.constant 1 : i32
      %scan3A_87 = scf.for %scan3A_104 = %scan3A_83 to %scan3A_85 step %scan3A_86 iter_args(%scan3A_105 = %scan3A_82) -> (i32)  : i32 {
        %get3A = arith.index_cast %scan3A_104 : i32 to index
        %get3A_106 = arith.constant 0 : index
        %get3A_107 = tpu.vector_load %arg14[%get3A, %get3A_106] {strides = array<i32>} : memref<80x64xi32, #tpu.memory_space<vmem>>, vector<1x16xi32>,
        %get3A_108 = vector.shape_cast %get3A_107 : vector<1x16xi32> to vector<16xi32>
        %shift_left3A = arith.constant 16 : i32
        %shift_left3A_109 = vector.broadcast %shift_left3A : i32 to vector<16xi32>
        %shift_left3A_110 = arith.shli %get3A_108, %shift_left3A_109 : vector<16xi32>
        %bitcast_convert_type3A = tpu.bitcast %shift_left3A_110 : vector<16xi32> -> vector<16xf32>
        %and3A = arith.constant -65536 : i32
        %and3A_111 = vector.broadcast %and3A : i32 to vector<16xi32>
        %and3A_112 = arith.andi %get3A_108, %and3A_111 : vector<16xi32>
        %bitcast_convert_type3A_113 = tpu.bitcast %and3A_112 : vector<16xi32> -> vector<16xf32>
        %get3A_114 = arith.index_cast %scan3A_104 : i32 to index
        %get3A_115 = arith.constant 0 : index
        %get3A_116 = tpu.vector_load %arg12[%get3A_114, %get3A_115] {strides = array<i32>} : memref<80x128xf32, #tpu.memory_space<vmem>>, vector<1x16xf32>,
        %get3A_117 = vector.shape_cast %get3A_116 : vector<1x16xf32> to vector<16xf32>
        %mul3A_118 = arith.mulf %get3A_117, %bitcast_convert_type3A : vector<16xf32>
        %swap3A = arith.index_cast %scan3A_104 : i32 to index
        %swap3A_119 = arith.constant 0 : index
        %swap3A_120 = tpu.vector_load %arg12[%swap3A, %swap3A_119] {strides = array<i32>} : memref<80x128xf32, #tpu.memory_space<vmem>>, vector<1x16xf32>,
        %swap3A_121 = vector.shape_cast %swap3A_120 : vector<1x16xf32> to vector<16xf32>
        %swap3A_122 = vector.shape_cast %mul3A_118 : vector<16xf32> to vector<1x16xf32>
        tpu.vector_store %arg12[%swap3A, %swap3A_119], %swap3A_122 {strides = array<i32>} : memref<80x128xf32, #tpu.memory_space<vmem>>, vector<1x16xf32>,
        %get3A_123 = arith.index_cast %scan3A_104 : i32 to index
        %get3A_124 = arith.constant 16 : index
        %get3A_125 = tpu.vector_load %arg12[%get3A_123, %get3A_124] {strides = array<i32>} : memref<80x128xf32, #tpu.memory_space<vmem>>, vector<1x16xf32>,
        %get3A_126 = vector.shape_cast %get3A_125 : vector<1x16xf32> to vector<16xf32>
        %mul3A_127 = arith.mulf %get3A_126, %bitcast_convert_type3A_113 : vector<16xf32>
        %swap3A_128 = arith.index_cast %scan3A_104 : i32 to index
        %swap3A_129 = arith.constant 16 : index
        %swap3A_130 = tpu.vector_load %arg12[%swap3A_128, %swap3A_129] {strides = array<i32>} : memref<80x128xf32, #tpu.memory_space<vmem>>, vector<1x16xf32>,
        %swap3A_131 = vector.shape_cast %swap3A_130 : vector<1x16xf32> to vector<16xf32>
        %swap3A_132 = vector.shape_cast %mul3A_127 : vector<16xf32> to vector<1x16xf32>
        tpu.vector_store %arg12[%swap3A_128, %swap3A_129], %swap3A_132 {strides = array<i32>} : memref<80x128xf32, #tpu.memory_space<vmem>>, vector<1x16xf32>,
        %get3A_133 = arith.index_cast %scan3A_104 : i32 to index
        %get3A_134 = arith.constant 16 : index
        %get3A_135 = tpu.vector_load %arg14[%get3A_133, %get3A_134] {strides = array<i32>} : memref<80x64xi32, #tpu.memory_space<vmem>>, vector<1x16xi32>,
        %get3A_136 = vector.shape_cast %get3A_135 : vector<1x16xi32> to vector<16xi32>
        %shift_left3A_137 = arith.constant 16 : i32
        %shift_left3A_138 = vector.broadcast %shift_left3A_137 : i32 to vector<16xi32>
        %shift_left3A_139 = arith.shli %get3A_136, %shift_left3A_138 : vector<16xi32>
        %bitcast_convert_type3A_140 = tpu.bitcast %shift_left3A_139 : vector<16xi32> -> vector<16xf32>
        %and3A_141 = arith.constant -65536 : i32
        %and3A_142 = vector.broadcast %and3A_141 : i32 to vector<16xi32>
        %and3A_143 = arith.andi %get3A_136, %and3A_142 : vector<16xi32>
        %bitcast_convert_type3A_144 = tpu.bitcast %and3A_143 : vector<16xi32> -> vector<16xf32>
        %get3A_145 = arith.index_cast %scan3A_104 : i32 to index
        %get3A_146 = arith.constant 32 : index
        %get3A_147 = tpu.vector_load %arg12[%get3A_145, %get3A_146] {strides = array<i32>} : memref<80x128xf32, #tpu.memory_space<vmem>>, vector<1x16xf32>,
        %get3A_148 = vector.shape_cast %get3A_147 : vector<1x16xf32> to vector<16xf32>
        %mul3A_149 = arith.mulf %get3A_148, %bitcast_convert_type3A_140 : vector<16xf32>
        %swap3A_150 = arith.index_cast %scan3A_104 : i32 to index
        %swap3A_151 = arith.constant 32 : index
        %swap3A_152 = tpu.vector_load %arg12[%swap3A_150, %swap3A_151] {strides = array<i32>} : memref<80x128xf32, #tpu.memory_space<vmem>>, vector<1x16xf32>,
        %swap3A_153 = vector.shape_cast %swap3A_152 : vector<1x16xf32> to vector<16xf32>
        %swap3A_154 = vector.shape_cast %mul3A_149 : vector<16xf32> to vector<1x16xf32>
        tpu.vector_store %arg12[%swap3A_150, %swap3A_151], %swap3A_154 {strides = array<i32>} : memref<80x128xf32, #tpu.memory_space<vmem>>, vector<1x16xf32>,
        %get3A_155 = arith.index_cast %scan3A_104 : i32 to index
        %get3A_156 = arith.constant 48 : index
        %get3A_157 = tpu.vector_load %arg12[%get3A_155, %get3A_156] {strides = array<i32>} : memref<80x128xf32, #tpu.memory_space<vmem>>, vector<1x16xf32>,
        %get3A_158 = vector.shape_cast %get3A_157 : vector<1x16xf32> to vector<16xf32>
        %mul3A_159 = arith.mulf %get3A_158, %bitcast_convert_type3A_144 : vector<16xf32>
        %swap3A_160 = arith.index_cast %scan3A_104 : i32 to index
        %swap3A_161 = arith.constant 48 : index
        %swap3A_162 = tpu.vector_load %arg12[%swap3A_160, %swap3A_161] {strides = array<i32>} : memref<80x128xf32, #tpu.memory_space<vmem>>, vector<1x16xf32>,
        %swap3A_163 = vector.shape_cast %swap3A_162 : vector<1x16xf32> to vector<16xf32>
        %swap3A_164 = vector.shape_cast %mul3A_159 : vector<16xf32> to vector<1x16xf32>
        tpu.vector_store %arg12[%swap3A_160, %swap3A_161], %swap3A_164 {strides = array<i32>} : memref<80x128xf32, #tpu.memory_space<vmem>>, vector<1x16xf32>,
        %get3A_165 = arith.index_cast %scan3A_104 : i32 to index
        %get3A_166 = arith.constant 32 : index
        %get3A_167 = tpu.vector_load %arg14[%get3A_165, %get3A_166] {strides = array<i32>} : memref<80x64xi32, #tpu.memory_space<vmem>>, vector<1x16xi32>,
        %get3A_168 = vector.shape_cast %get3A_167 : vector<1x16xi32> to vector<16xi32>
        %shift_left3A_169 = arith.constant 16 : i32
        %shift_left3A_170 = vector.broadcast %shift_left3A_169 : i32 to vector<16xi32>
        %shift_left3A_171 = arith.shli %get3A_168, %shift_left3A_170 : vector<16xi32>
        %bitcast_convert_type3A_172 = tpu.bitcast %shift_left3A_171 : vector<16xi32> -> vector<16xf32>
        %and3A_173 = arith.constant -65536 : i32
        %and3A_174 = vector.broadcast %and3A_173 : i32 to vector<16xi32>
        %and3A_175 = arith.andi %get3A_168, %and3A_174 : vector<16xi32>
        %bitcast_convert_type3A_176 = tpu.bitcast %and3A_175 : vector<16xi32> -> vector<16xf32>
        %get3A_177 = arith.index_cast %scan3A_104 : i32 to index
        %get3A_178 = arith.constant 64 : index
        %get3A_179 = tpu.vector_load %arg12[%get3A_177, %get3A_178] {strides = array<i32>} : memref<80x128xf32, #tpu.memory_space<vmem>>, vector<1x16xf32>,
        %get3A_180 = vector.shape_cast %get3A_179 : vector<1x16xf32> to vector<16xf32>
        %mul3A_181 = arith.mulf %get3A_180, %bitcast_convert_type3A_172 : vector<16xf32>
        %swap3A_182 = arith.index_cast %scan3A_104 : i32 to index
        %swap3A_183 = arith.constant 64 : index
        %swap3A_184 = tpu.vector_load %arg12[%swap3A_182, %swap3A_183] {strides = array<i32>} : memref<80x128xf32, #tpu.memory_space<vmem>>, vector<1x16xf32>,
        %swap3A_185 = vector.shape_cast %swap3A_184 : vector<1x16xf32> to vector<16xf32>
        %swap3A_186 = vector.shape_cast %mul3A_181 : vector<16xf32> to vector<1x16xf32>
        tpu.vector_store %arg12[%swap3A_182, %swap3A_183], %swap3A_186 {strides = array<i32>} : memref<80x128xf32, #tpu.memory_space<vmem>>, vector<1x16xf32>,
        %get3A_187 = arith.index_cast %scan3A_104 : i32 to index
        %get3A_188 = arith.constant 80 : index
        %get3A_189 = tpu.vector_load %arg12[%get3A_187, %get3A_188] {strides = array<i32>} : memref<80x128xf32, #tpu.memory_space<vmem>>, vector<1x16xf32>,
        %get3A_190 = vector.shape_cast %get3A_189 : vector<1x16xf32> to vector<16xf32>
        %mul3A_191 = arith.mulf %get3A_190, %bitcast_convert_type3A_176 : vector<16xf32>
        %swap3A_192 = arith.index_cast %scan3A_104 : i32 to index
        %swap3A_193 = arith.constant 80 : index
        %swap3A_194 = tpu.vector_load %arg12[%swap3A_192, %swap3A_193] {strides = array<i32>} : memref<80x128xf32, #tpu.memory_space<vmem>>, vector<1x16xf32>,
        %swap3A_195 = vector.shape_cast %swap3A_194 : vector<1x16xf32> to vector<16xf32>
        %swap3A_196 = vector.shape_cast %mul3A_191 : vector<16xf32> to vector<1x16xf32>
        tpu.vector_store %arg12[%swap3A_192, %swap3A_193], %swap3A_196 {strides = array<i32>} : memref<80x128xf32, #tpu.memory_space<vmem>>, vector<1x16xf32>,
        %get3A_197 = arith.index_cast %scan3A_104 : i32 to index
        %get3A_198 = arith.constant 48 : index
        %get3A_199 = tpu.vector_load %arg14[%get3A_197, %get3A_198] {strides = array<i32>} : memref<80x64xi32, #tpu.memory_space<vmem>>, vector<1x16xi32>,
        %get3A_200 = vector.shape_cast %get3A_199 : vector<1x16xi32> to vector<16xi32>
        %shift_left3A_201 = arith.constant 16 : i32
        %shift_left3A_202 = vector.broadcast %shift_left3A_201 : i32 to vector<16xi32>
        %shift_left3A_203 = arith.shli %get3A_200, %shift_left3A_202 : vector<16xi32>
        %bitcast_convert_type3A_204 = tpu.bitcast %shift_left3A_203 : vector<16xi32> -> vector<16xf32>
        %and3A_205 = arith.constant -65536 : i32
        %and3A_206 = vector.broadcast %and3A_205 : i32 to vector<16xi32>
        %and3A_207 = arith.andi %get3A_200, %and3A_206 : vector<16xi32>
        %bitcast_convert_type3A_208 = tpu.bitcast %and3A_207 : vector<16xi32> -> vector<16xf32>
        %get3A_209 = arith.index_cast %scan3A_104 : i32 to index
        %get3A_210 = arith.constant 96 : index
        %get3A_211 = tpu.vector_load %arg12[%get3A_209, %get3A_210] {strides = array<i32>} : memref<80x128xf32, #tpu.memory_space<vmem>>, vector<1x16xf32>,
        %get3A_212 = vector.shape_cast %get3A_211 : vector<1x16xf32> to vector<16xf32>
        %mul3A_213 = arith.mulf %get3A_212, %bitcast_convert_type3A_204 : vector<16xf32>
        %swap3A_214 = arith.index_cast %scan3A_104 : i32 to index
        %swap3A_215 = arith.constant 96 : index
        %swap3A_216 = tpu.vector_load %arg12[%swap3A_214, %swap3A_215] {strides = array<i32>} : memref<80x128xf32, #tpu.memory_space<vmem>>, vector<1x16xf32>,
        %swap3A_217 = vector.shape_cast %swap3A_216 : vector<1x16xf32> to vector<16xf32>
        %swap3A_218 = vector.shape_cast %mul3A_213 : vector<16xf32> to vector<1x16xf32>
        tpu.vector_store %arg12[%swap3A_214, %swap3A_215], %swap3A_218 {strides = array<i32>} : memref<80x128xf32, #tpu.memory_space<vmem>>, vector<1x16xf32>,
        %get3A_219 = arith.index_cast %scan3A_104 : i32 to index
        %get3A_220 = arith.constant 112 : index
        %get3A_221 = tpu.vector_load %arg12[%get3A_219, %get3A_220] {strides = array<i32>} : memref<80x128xf32, #tpu.memory_space<vmem>>, vector<1x16xf32>,
        %get3A_222 = vector.shape_cast %get3A_221 : vector<1x16xf32> to vector<16xf32>
        %mul3A_223 = arith.mulf %get3A_222, %bitcast_convert_type3A_208 : vector<16xf32>
        %swap3A_224 = arith.index_cast %scan3A_104 : i32 to index
        %swap3A_225 = arith.constant 112 : index
        %swap3A_226 = tpu.vector_load %arg12[%swap3A_224, %swap3A_225] {strides = array<i32>} : memref<80x128xf32, #tpu.memory_space<vmem>>, vector<1x16xf32>,
        %swap3A_227 = vector.shape_cast %swap3A_226 : vector<1x16xf32> to vector<16xf32>
        %swap3A_228 = vector.shape_cast %mul3A_223 : vector<16xf32> to vector<1x16xf32>
        tpu.vector_store %arg12[%swap3A_224, %swap3A_225], %swap3A_228 {strides = array<i32>} : memref<80x128xf32, #tpu.memory_space<vmem>>, vector<1x16xf32>,
        %scan3A_229 = arith.constant 0 : i32
        scf.yield %scan3A_229 : i32
      }
      %scan3A_88 = arith.constant 80 : i32
      "tpu.region"() ({
        %run_scoped3A = tpu.sem_alloc : memref<!tpu.dma_semaphore, #tpu.memory_space<semaphore_mem>>
        %dma_start3A_104 = arith.constant 0 : i32
        %dma_start3A_105 = arith.constant 0 : i32
        %dma_start3A_106 = tpu.memref_slice %arg7[%dma_start3A_104, %dma_start3A_105] : memref<10240x128xf32, #tpu.memory_space<vmem_shared>> -> memref<10240x128xf32, #tpu.memory_space<vmem_shared>>
        tpu.enqueue_indirect_dma source(%arg12 : memref<80x128xf32, #tpu.memory_space<vmem>>) target(%dma_start3A_106 : memref<10240x128xf32, #tpu.memory_space<vmem_shared>>) offsets(%arg10 : memref<80xi32, #tpu.memory_space<vmem>>) semaphore(%run_scoped3A : memref<!tpu.dma_semaphore, #tpu.memory_space<semaphore_mem>>) {add = true}
        %dma_wait3A_107 = arith.constant 0 : i32
        %dma_wait3A_108 = arith.constant 0 : i32
        %dma_wait3A_109 = tpu.memref_slice %arg7[%dma_wait3A_107, %dma_wait3A_108] : memref<10240x128xf32, #tpu.memory_space<vmem_shared>> -> memref<10240x128xf32, #tpu.memory_space<vmem_shared>>
        tpu.wait_indirect_dma semaphore(%run_scoped3A : memref<!tpu.dma_semaphore, #tpu.memory_space<semaphore_mem>>) src(%arg12 : memref<80x128xf32, #tpu.memory_space<vmem>>) dst(%dma_wait3A_109 : memref<10240x128xf32, #tpu.memory_space<vmem_shared>>)
        tpu.yield
      }) : () -> ()
      %add3A_89 = arith.constant 2 : i32
      %add3A_90 = arith.addi %mul3A_63, %add3A_89 : i32
      %lt3A_91 = arith.constant 125 : i32
      %lt3A_92 = arith.cmpi slt, %add3A_90, %lt3A_91 : i32
      %convert_element_type3A_93 = arith.extui %lt3A_92 : i1 to i32
      %cond3A_94 = arith.constant 0 : i32
      %cond3A_95 = arith.cmpi ne, %convert_element_type3A_93, %cond3A_94 : i32
      scf.if %cond3A_95 {
        %add3A_104 = arith.constant 2 : i32
        %add3A_105 = arith.addi %mul3A_63, %add3A_104 : i32
        %mul3A_106 = arith.constant 80 : i32
        %mul3A_107 = arith.muli %add3A_105, %mul3A_106 : i32
        %add3A_108 = arith.addi %mul3A_2, %mul3A_107 : i32
        %dma_start3A_109 = tpu.memref_slice %arg4[%add3A_108] : memref<320000xi32, #tpu.memory_space<hbm>> -> memref<80xi32, #tpu.memory_space<hbm>>
        %dma_start3A_110 = tpu.memref_slice %arg4[%add3A_108] : memref<320000xi32, #tpu.memory_space<hbm>> -> memref<80xi32, #tpu.memory_space<hbm>>
        tpu.enqueue_dma source(%dma_start3A_110 : memref<80xi32, #tpu.memory_space<hbm>>) target(%arg8 : memref<80xi32, #tpu.memory_space<vmem>>) target_semaphore(%arg21 : memref<!tpu.dma_semaphore, #tpu.memory_space<semaphore_mem>>)
        %dma_start3A_111 = tpu.memref_slice %arg5[%add3A_108] : memref<320000xi32, #tpu.memory_space<hbm>> -> memref<80xi32, #tpu.memory_space<hbm>>
        %dma_start3A_112 = tpu.memref_slice %arg5[%add3A_108] : memref<320000xi32, #tpu.memory_space<hbm>> -> memref<80xi32, #tpu.memory_space<hbm>>
        tpu.enqueue_dma source(%dma_start3A_112 : memref<80xi32, #tpu.memory_space<hbm>>) target(%arg10 : memref<80xi32, #tpu.memory_space<vmem>>) target_semaphore(%arg21 : memref<!tpu.dma_semaphore, #tpu.memory_space<semaphore_mem>>)
      } else {
      }
      %add3A_96 = arith.constant 1 : i32
      %add3A_97 = arith.addi %mul3A_63, %add3A_96 : i32
      %lt3A_98 = arith.constant 125 : i32
      %lt3A_99 = arith.cmpi slt, %add3A_97, %lt3A_98 : i32
      %convert_element_type3A_100 = arith.extui %lt3A_99 : i1 to i32
      %cond3A_101 = arith.constant 0 : i32
      %cond3A_102 = arith.cmpi ne, %convert_element_type3A_100, %cond3A_101 : i32
      scf.if %cond3A_102 {
        %add3A_104 = arith.constant 1 : i32
        %add3A_105 = arith.addi %mul3A_63, %add3A_104 : i32
        %dma_wait3A_106 = arith.constant 0 : i32
        %dma_wait3A_107 = arith.constant 0 : i32
        %dma_wait3A_108 = tpu.memref_slice %arg2[%dma_wait3A_106, %dma_wait3A_107] : memref<10240x128xf32, #tpu.memory_space<hbm>> -> memref<10240x128xf32, #tpu.memory_space<hbm>>
        tpu.wait_indirect_dma semaphore(%arg18 : memref<!tpu.dma_semaphore, #tpu.memory_space<semaphore_mem>>) src(%dma_wait3A_108 : memref<10240x128xf32, #tpu.memory_space<hbm>>) dst(%arg13 : memref<80x128xf32, #tpu.memory_space<vmem>>)
        %mul3A_109 = arith.constant 125 : i32
        %mul3A_110 = arith.muli %add3A, %mul3A_109 : i32
        %add3A_111 = arith.addi %mul3A_110, %add3A_105 : i32
        %dma_wait3A_112 = arith.constant 0 : i32
        %dma_wait3A_113 = arith.constant 0 : i32
        %dma_wait3A_114 = tpu.memref_slice %arg3[%add3A_111, %dma_wait3A_112, %dma_wait3A_113] : memref<4000x80x64xi32, #tpu.memory_space<hbm>> -> memref<1x80x64xi32, #tpu.memory_space<hbm>>
        %dma_wait3A_115 = tpu.memref_squeeze %dma_wait3A_114 : memref<1x80x64xi32, #tpu.memory_space<hbm>> -> memref<80x64xi32, #tpu.memory_space<hbm>>
        %dma_wait3A_116 = arith.constant 0 : i32
        %dma_wait3A_117 = arith.constant 0 : i32
        %dma_wait3A_118 = tpu.memref_slice %arg3[%add3A_111, %dma_wait3A_116, %dma_wait3A_117] : memref<4000x80x64xi32, #tpu.memory_space<hbm>> -> memref<1x80x64xi32, #tpu.memory_space<hbm>>
        %dma_wait3A_119 = tpu.memref_squeeze %dma_wait3A_118 : memref<1x80x64xi32, #tpu.memory_space<hbm>> -> memref<80x64xi32, #tpu.memory_space<hbm>>
        tpu.wait_dma2 semaphore(%arg20 : memref<!tpu.dma_semaphore, #tpu.memory_space<semaphore_mem>>) src(%dma_wait3A_119 : memref<80x64xi32, #tpu.memory_space<hbm>>) dst(%arg15 : memref<80x64xi32, #tpu.memory_space<vmem>>)
        %add3A_120 = arith.constant 1 : i32
        %add3A_121 = arith.addi %add3A_105, %add3A_120 : i32
        %lt3A_122 = arith.constant 125 : i32
        %lt3A_123 = arith.cmpi slt, %add3A_121, %lt3A_122 : i32
        %convert_element_type3A_124 = arith.extui %lt3A_123 : i1 to i32
        %cond3A_125 = arith.constant 0 : i32
        %cond3A_126 = arith.cmpi ne, %convert_element_type3A_124, %cond3A_125 : i32
        scf.if %cond3A_126 {
          %add3A_141 = arith.constant 1 : i32
          %add3A_142 = arith.addi %add3A_105, %add3A_141 : i32
          %mul3A_143 = arith.constant 80 : i32
          %mul3A_144 = arith.muli %add3A_142, %mul3A_143 : i32
          %add3A_145 = arith.addi %mul3A_2, %mul3A_144 : i32
          %dma_wait3A_146 = tpu.memref_slice %arg4[%add3A_145] : memref<320000xi32, #tpu.memory_space<hbm>> -> memref<80xi32, #tpu.memory_space<hbm>>
          %dma_wait3A_147 = tpu.memref_slice %arg4[%add3A_145] : memref<320000xi32, #tpu.memory_space<hbm>> -> memref<80xi32, #tpu.memory_space<hbm>>
          tpu.wait_dma2 semaphore(%arg21 : memref<!tpu.dma_semaphore, #tpu.memory_space<semaphore_mem>>) src(%dma_wait3A_147 : memref<80xi32, #tpu.memory_space<hbm>>) dst(%arg8 : memref<80xi32, #tpu.memory_space<vmem>>)
          %dma_wait3A_148 = tpu.memref_slice %arg5[%add3A_145] : memref<320000xi32, #tpu.memory_space<hbm>> -> memref<80xi32, #tpu.memory_space<hbm>>
          %dma_wait3A_149 = tpu.memref_slice %arg5[%add3A_145] : memref<320000xi32, #tpu.memory_space<hbm>> -> memref<80xi32, #tpu.memory_space<hbm>>
          tpu.wait_dma2 semaphore(%arg21 : memref<!tpu.dma_semaphore, #tpu.memory_space<semaphore_mem>>) src(%dma_wait3A_149 : memref<80xi32, #tpu.memory_space<hbm>>) dst(%arg10 : memref<80xi32, #tpu.memory_space<vmem>>)
          %dma_start3A_150 = arith.constant 0 : i32
          %dma_start3A_151 = arith.constant 0 : i32
          %dma_start3A_152 = tpu.memref_slice %arg2[%dma_start3A_150, %dma_start3A_151] : memref<10240x128xf32, #tpu.memory_space<hbm>> -> memref<10240x128xf32, #tpu.memory_space<hbm>>
          tpu.enqueue_indirect_dma source(%dma_start3A_152 : memref<10240x128xf32, #tpu.memory_space<hbm>>) target(%arg12 : memref<80x128xf32, #tpu.memory_space<vmem>>) offsets(%arg8 : memref<80xi32, #tpu.memory_space<vmem>>) semaphore(%arg17 : memref<!tpu.dma_semaphore, #tpu.memory_space<semaphore_mem>>)
          %add3A_153 = arith.constant 1 : i32
          %add3A_154 = arith.addi %add3A_105, %add3A_153 : i32
          %mul3A_155 = arith.constant 125 : i32
          %mul3A_156 = arith.muli %add3A, %mul3A_155 : i32
          %add3A_157 = arith.addi %mul3A_156, %add3A_154 : i32
          %dma_start3A_158 = arith.constant 0 : i32
          %dma_start3A_159 = arith.constant 0 : i32
          %dma_start3A_160 = tpu.memref_slice %arg3[%add3A_157, %dma_start3A_158, %dma_start3A_159] : memref<4000x80x64xi32, #tpu.memory_space<hbm>> -> memref<1x80x64xi32, #tpu.memory_space<hbm>>
          %dma_start3A_161 = tpu.memref_squeeze %dma_start3A_160 : memref<1x80x64xi32, #tpu.memory_space<hbm>> -> memref<80x64xi32, #tpu.memory_space<hbm>>
          %dma_start3A_162 = arith.constant 0 : i32
          %dma_start3A_163 = arith.constant 0 : i32
          %dma_start3A_164 = tpu.memref_slice %arg3[%add3A_157, %dma_start3A_162, %dma_start3A_163] : memref<4000x80x64xi32, #tpu.memory_space<hbm>> -> memref<1x80x64xi32, #tpu.memory_space<hbm>>
          %dma_start3A_165 = tpu.memref_squeeze %dma_start3A_164 : memref<1x80x64xi32, #tpu.memory_space<hbm>> -> memref<80x64xi32, #tpu.memory_space<hbm>>
          tpu.enqueue_dma source(%dma_start3A_165 : memref<80x64xi32, #tpu.memory_space<hbm>>) target(%arg14 : memref<80x64xi32, #tpu.memory_space<vmem>>) target_semaphore(%arg19 : memref<!tpu.dma_semaphore, #tpu.memory_space<semaphore_mem>>)
        } else {
        }
        %scan3A_127 = arith.constant 0 : i32
        %scan3A_128 = arith.constant 0 : i32
        %scan3A_129 = arith.constant 80 : i32
        %scan3A_130 = arith.addi %scan3A_128, %scan3A_129 : i32
        %scan3A_131 = arith.constant 1 : i32
        %scan3A_132 = scf.for %scan3A_141 = %scan3A_128 to %scan3A_130 step %scan3A_131 iter_args(%scan3A_142 = %scan3A_127) -> (i32)  : i32 {
          %get3A = arith.index_cast %scan3A_141 : i32 to index
          %get3A_143 = arith.constant 0 : index
          %get3A_144 = tpu.vector_load %arg15[%get3A, %get3A_143] {strides = array<i32>} : memref<80x64xi32, #tpu.memory_space<vmem>>, vector<1x16xi32>,
          %get3A_145 = vector.shape_cast %get3A_144 : vector<1x16xi32> to vector<16xi32>
          %shift_left3A = arith.constant 16 : i32
          %shift_left3A_146 = vector.broadcast %shift_left3A : i32 to vector<16xi32>
          %shift_left3A_147 = arith.shli %get3A_145, %shift_left3A_146 : vector<16xi32>
          %bitcast_convert_type3A = tpu.bitcast %shift_left3A_147 : vector<16xi32> -> vector<16xf32>
          %and3A = arith.constant -65536 : i32
          %and3A_148 = vector.broadcast %and3A : i32 to vector<16xi32>
          %and3A_149 = arith.andi %get3A_145, %and3A_148 : vector<16xi32>
          %bitcast_convert_type3A_150 = tpu.bitcast %and3A_149 : vector<16xi32> -> vector<16xf32>
          %get3A_151 = arith.index_cast %scan3A_141 : i32 to index
          %get3A_152 = arith.constant 0 : index
          %get3A_153 = tpu.vector_load %arg13[%get3A_151, %get3A_152] {strides = array<i32>} : memref<80x128xf32, #tpu.memory_space<vmem>>, vector<1x16xf32>,
          %get3A_154 = vector.shape_cast %get3A_153 : vector<1x16xf32> to vector<16xf32>
          %mul3A_155 = arith.mulf %get3A_154, %bitcast_convert_type3A : vector<16xf32>
          %swap3A = arith.index_cast %scan3A_141 : i32 to index
          %swap3A_156 = arith.constant 0 : index
          %swap3A_157 = tpu.vector_load %arg13[%swap3A, %swap3A_156] {strides = array<i32>} : memref<80x128xf32, #tpu.memory_space<vmem>>, vector<1x16xf32>,
          %swap3A_158 = vector.shape_cast %swap3A_157 : vector<1x16xf32> to vector<16xf32>
          %swap3A_159 = vector.shape_cast %mul3A_155 : vector<16xf32> to vector<1x16xf32>
          tpu.vector_store %arg13[%swap3A, %swap3A_156], %swap3A_159 {strides = array<i32>} : memref<80x128xf32, #tpu.memory_space<vmem>>, vector<1x16xf32>,
          %get3A_160 = arith.index_cast %scan3A_141 : i32 to index
          %get3A_161 = arith.constant 16 : index
          %get3A_162 = tpu.vector_load %arg13[%get3A_160, %get3A_161] {strides = array<i32>} : memref<80x128xf32, #tpu.memory_space<vmem>>, vector<1x16xf32>,
          %get3A_163 = vector.shape_cast %get3A_162 : vector<1x16xf32> to vector<16xf32>
          %mul3A_164 = arith.mulf %get3A_163, %bitcast_convert_type3A_150 : vector<16xf32>
          %swap3A_165 = arith.index_cast %scan3A_141 : i32 to index
          %swap3A_166 = arith.constant 16 : index
          %swap3A_167 = tpu.vector_load %arg13[%swap3A_165, %swap3A_166] {strides = array<i32>} : memref<80x128xf32, #tpu.memory_space<vmem>>, vector<1x16xf32>,
          %swap3A_168 = vector.shape_cast %swap3A_167 : vector<1x16xf32> to vector<16xf32>
          %swap3A_169 = vector.shape_cast %mul3A_164 : vector<16xf32> to vector<1x16xf32>
          tpu.vector_store %arg13[%swap3A_165, %swap3A_166], %swap3A_169 {strides = array<i32>} : memref<80x128xf32, #tpu.memory_space<vmem>>, vector<1x16xf32>,
          %get3A_170 = arith.index_cast %scan3A_141 : i32 to index
          %get3A_171 = arith.constant 16 : index
          %get3A_172 = tpu.vector_load %arg15[%get3A_170, %get3A_171] {strides = array<i32>} : memref<80x64xi32, #tpu.memory_space<vmem>>, vector<1x16xi32>,
          %get3A_173 = vector.shape_cast %get3A_172 : vector<1x16xi32> to vector<16xi32>
          %shift_left3A_174 = arith.constant 16 : i32
          %shift_left3A_175 = vector.broadcast %shift_left3A_174 : i32 to vector<16xi32>
          %shift_left3A_176 = arith.shli %get3A_173, %shift_left3A_175 : vector<16xi32>
          %bitcast_convert_type3A_177 = tpu.bitcast %shift_left3A_176 : vector<16xi32> -> vector<16xf32>
          %and3A_178 = arith.constant -65536 : i32
          %and3A_179 = vector.broadcast %and3A_178 : i32 to vector<16xi32>
          %and3A_180 = arith.andi %get3A_173, %and3A_179 : vector<16xi32>
          %bitcast_convert_type3A_181 = tpu.bitcast %and3A_180 : vector<16xi32> -> vector<16xf32>
          %get3A_182 = arith.index_cast %scan3A_141 : i32 to index
          %get3A_183 = arith.constant 32 : index
          %get3A_184 = tpu.vector_load %arg13[%get3A_182, %get3A_183] {strides = array<i32>} : memref<80x128xf32, #tpu.memory_space<vmem>>, vector<1x16xf32>,
          %get3A_185 = vector.shape_cast %get3A_184 : vector<1x16xf32> to vector<16xf32>
          %mul3A_186 = arith.mulf %get3A_185, %bitcast_convert_type3A_177 : vector<16xf32>
          %swap3A_187 = arith.index_cast %scan3A_141 : i32 to index
          %swap3A_188 = arith.constant 32 : index
          %swap3A_189 = tpu.vector_load %arg13[%swap3A_187, %swap3A_188] {strides = array<i32>} : memref<80x128xf32, #tpu.memory_space<vmem>>, vector<1x16xf32>,
          %swap3A_190 = vector.shape_cast %swap3A_189 : vector<1x16xf32> to vector<16xf32>
          %swap3A_191 = vector.shape_cast %mul3A_186 : vector<16xf32> to vector<1x16xf32>
          tpu.vector_store %arg13[%swap3A_187, %swap3A_188], %swap3A_191 {strides = array<i32>} : memref<80x128xf32, #tpu.memory_space<vmem>>, vector<1x16xf32>,
          %get3A_192 = arith.index_cast %scan3A_141 : i32 to index
          %get3A_193 = arith.constant 48 : index
          %get3A_194 = tpu.vector_load %arg13[%get3A_192, %get3A_193] {strides = array<i32>} : memref<80x128xf32, #tpu.memory_space<vmem>>, vector<1x16xf32>,
          %get3A_195 = vector.shape_cast %get3A_194 : vector<1x16xf32> to vector<16xf32>
          %mul3A_196 = arith.mulf %get3A_195, %bitcast_convert_type3A_181 : vector<16xf32>
          %swap3A_197 = arith.index_cast %scan3A_141 : i32 to index
          %swap3A_198 = arith.constant 48 : index
          %swap3A_199 = tpu.vector_load %arg13[%swap3A_197, %swap3A_198] {strides = array<i32>} : memref<80x128xf32, #tpu.memory_space<vmem>>, vector<1x16xf32>,
          %swap3A_200 = vector.shape_cast %swap3A_199 : vector<1x16xf32> to vector<16xf32>
          %swap3A_201 = vector.shape_cast %mul3A_196 : vector<16xf32> to vector<1x16xf32>
          tpu.vector_store %arg13[%swap3A_197, %swap3A_198], %swap3A_201 {strides = array<i32>} : memref<80x128xf32, #tpu.memory_space<vmem>>, vector<1x16xf32>,
          %get3A_202 = arith.index_cast %scan3A_141 : i32 to index
          %get3A_203 = arith.constant 32 : index
          %get3A_204 = tpu.vector_load %arg15[%get3A_202, %get3A_203] {strides = array<i32>} : memref<80x64xi32, #tpu.memory_space<vmem>>, vector<1x16xi32>,
          %get3A_205 = vector.shape_cast %get3A_204 : vector<1x16xi32> to vector<16xi32>
          %shift_left3A_206 = arith.constant 16 : i32
          %shift_left3A_207 = vector.broadcast %shift_left3A_206 : i32 to vector<16xi32>
          %shift_left3A_208 = arith.shli %get3A_205, %shift_left3A_207 : vector<16xi32>
          %bitcast_convert_type3A_209 = tpu.bitcast %shift_left3A_208 : vector<16xi32> -> vector<16xf32>
          %and3A_210 = arith.constant -65536 : i32
          %and3A_211 = vector.broadcast %and3A_210 : i32 to vector<16xi32>
          %and3A_212 = arith.andi %get3A_205, %and3A_211 : vector<16xi32>
          %bitcast_convert_type3A_213 = tpu.bitcast %and3A_212 : vector<16xi32> -> vector<16xf32>
          %get3A_214 = arith.index_cast %scan3A_141 : i32 to index
          %get3A_215 = arith.constant 64 : index
          %get3A_216 = tpu.vector_load %arg13[%get3A_214, %get3A_215] {strides = array<i32>} : memref<80x128xf32, #tpu.memory_space<vmem>>, vector<1x16xf32>,
          %get3A_217 = vector.shape_cast %get3A_216 : vector<1x16xf32> to vector<16xf32>
          %mul3A_218 = arith.mulf %get3A_217, %bitcast_convert_type3A_209 : vector<16xf32>
          %swap3A_219 = arith.index_cast %scan3A_141 : i32 to index
          %swap3A_220 = arith.constant 64 : index
          %swap3A_221 = tpu.vector_load %arg13[%swap3A_219, %swap3A_220] {strides = array<i32>} : memref<80x128xf32, #tpu.memory_space<vmem>>, vector<1x16xf32>,
          %swap3A_222 = vector.shape_cast %swap3A_221 : vector<1x16xf32> to vector<16xf32>
          %swap3A_223 = vector.shape_cast %mul3A_218 : vector<16xf32> to vector<1x16xf32>
          tpu.vector_store %arg13[%swap3A_219, %swap3A_220], %swap3A_223 {strides = array<i32>} : memref<80x128xf32, #tpu.memory_space<vmem>>, vector<1x16xf32>,
          %get3A_224 = arith.index_cast %scan3A_141 : i32 to index
          %get3A_225 = arith.constant 80 : index
          %get3A_226 = tpu.vector_load %arg13[%get3A_224, %get3A_225] {strides = array<i32>} : memref<80x128xf32, #tpu.memory_space<vmem>>, vector<1x16xf32>,
          %get3A_227 = vector.shape_cast %get3A_226 : vector<1x16xf32> to vector<16xf32>
          %mul3A_228 = arith.mulf %get3A_227, %bitcast_convert_type3A_213 : vector<16xf32>
          %swap3A_229 = arith.index_cast %scan3A_141 : i32 to index
          %swap3A_230 = arith.constant 80 : index
          %swap3A_231 = tpu.vector_load %arg13[%swap3A_229, %swap3A_230] {strides = array<i32>} : memref<80x128xf32, #tpu.memory_space<vmem>>, vector<1x16xf32>,
          %swap3A_232 = vector.shape_cast %swap3A_231 : vector<1x16xf32> to vector<16xf32>
          %swap3A_233 = vector.shape_cast %mul3A_228 : vector<16xf32> to vector<1x16xf32>
          tpu.vector_store %arg13[%swap3A_229, %swap3A_230], %swap3A_233 {strides = array<i32>} : memref<80x128xf32, #tpu.memory_space<vmem>>, vector<1x16xf32>,
          %get3A_234 = arith.index_cast %scan3A_141 : i32 to index
          %get3A_235 = arith.constant 48 : index
          %get3A_236 = tpu.vector_load %arg15[%get3A_234, %get3A_235] {strides = array<i32>} : memref<80x64xi32, #tpu.memory_space<vmem>>, vector<1x16xi32>,
          %get3A_237 = vector.shape_cast %get3A_236 : vector<1x16xi32> to vector<16xi32>
          %shift_left3A_238 = arith.constant 16 : i32
          %shift_left3A_239 = vector.broadcast %shift_left3A_238 : i32 to vector<16xi32>
          %shift_left3A_240 = arith.shli %get3A_237, %shift_left3A_239 : vector<16xi32>
          %bitcast_convert_type3A_241 = tpu.bitcast %shift_left3A_240 : vector<16xi32> -> vector<16xf32>
          %and3A_242 = arith.constant -65536 : i32
          %and3A_243 = vector.broadcast %and3A_242 : i32 to vector<16xi32>
          %and3A_244 = arith.andi %get3A_237, %and3A_243 : vector<16xi32>
          %bitcast_convert_type3A_245 = tpu.bitcast %and3A_244 : vector<16xi32> -> vector<16xf32>
          %get3A_246 = arith.index_cast %scan3A_141 : i32 to index
          %get3A_247 = arith.constant 96 : index
          %get3A_248 = tpu.vector_load %arg13[%get3A_246, %get3A_247] {strides = array<i32>} : memref<80x128xf32, #tpu.memory_space<vmem>>, vector<1x16xf32>,
          %get3A_249 = vector.shape_cast %get3A_248 : vector<1x16xf32> to vector<16xf32>
          %mul3A_250 = arith.mulf %get3A_249, %bitcast_convert_type3A_241 : vector<16xf32>
          %swap3A_251 = arith.index_cast %scan3A_141 : i32 to index
          %swap3A_252 = arith.constant 96 : index
          %swap3A_253 = tpu.vector_load %arg13[%swap3A_251, %swap3A_252] {strides = array<i32>} : memref<80x128xf32, #tpu.memory_space<vmem>>, vector<1x16xf32>,
          %swap3A_254 = vector.shape_cast %swap3A_253 : vector<1x16xf32> to vector<16xf32>
          %swap3A_255 = vector.shape_cast %mul3A_250 : vector<16xf32> to vector<1x16xf32>
          tpu.vector_store %arg13[%swap3A_251, %swap3A_252], %swap3A_255 {strides = array<i32>} : memref<80x128xf32, #tpu.memory_space<vmem>>, vector<1x16xf32>,
          %get3A_256 = arith.index_cast %scan3A_141 : i32 to index
          %get3A_257 = arith.constant 112 : index
          %get3A_258 = tpu.vector_load %arg13[%get3A_256, %get3A_257] {strides = array<i32>} : memref<80x128xf32, #tpu.memory_space<vmem>>, vector<1x16xf32>,
          %get3A_259 = vector.shape_cast %get3A_258 : vector<1x16xf32> to vector<16xf32>
          %mul3A_260 = arith.mulf %get3A_259, %bitcast_convert_type3A_245 : vector<16xf32>
          %swap3A_261 = arith.index_cast %scan3A_141 : i32 to index
          %swap3A_262 = arith.constant 112 : index
          %swap3A_263 = tpu.vector_load %arg13[%swap3A_261, %swap3A_262] {strides = array<i32>} : memref<80x128xf32, #tpu.memory_space<vmem>>, vector<1x16xf32>,
          %swap3A_264 = vector.shape_cast %swap3A_263 : vector<1x16xf32> to vector<16xf32>
          %swap3A_265 = vector.shape_cast %mul3A_260 : vector<16xf32> to vector<1x16xf32>
          tpu.vector_store %arg13[%swap3A_261, %swap3A_262], %swap3A_265 {strides = array<i32>} : memref<80x128xf32, #tpu.memory_space<vmem>>, vector<1x16xf32>,
          %scan3A_266 = arith.constant 0 : i32
          scf.yield %scan3A_266 : i32
        }
        %scan3A_133 = arith.constant 80 : i32
        "tpu.region"() ({
          %run_scoped3A = tpu.sem_alloc : memref<!tpu.dma_semaphore, #tpu.memory_space<semaphore_mem>>
          %dma_start3A_141 = arith.constant 0 : i32
          %dma_start3A_142 = arith.constant 0 : i32
          %dma_start3A_143 = tpu.memref_slice %arg7[%dma_start3A_141, %dma_start3A_142] : memref<10240x128xf32, #tpu.memory_space<vmem_shared>> -> memref<10240x128xf32, #tpu.memory_space<vmem_shared>>
          tpu.enqueue_indirect_dma source(%arg13 : memref<80x128xf32, #tpu.memory_space<vmem>>) target(%dma_start3A_143 : memref<10240x128xf32, #tpu.memory_space<vmem_shared>>) offsets(%arg11 : memref<80xi32, #tpu.memory_space<vmem>>) semaphore(%run_scoped3A : memref<!tpu.dma_semaphore, #tpu.memory_space<semaphore_mem>>) {add = true}
          %dma_wait3A_144 = arith.constant 0 : i32
          %dma_wait3A_145 = arith.constant 0 : i32
          %dma_wait3A_146 = tpu.memref_slice %arg7[%dma_wait3A_144, %dma_wait3A_145] : memref<10240x128xf32, #tpu.memory_space<vmem_shared>> -> memref<10240x128xf32, #tpu.memory_space<vmem_shared>>
          tpu.wait_indirect_dma semaphore(%run_scoped3A : memref<!tpu.dma_semaphore, #tpu.memory_space<semaphore_mem>>) src(%arg13 : memref<80x128xf32, #tpu.memory_space<vmem>>) dst(%dma_wait3A_146 : memref<10240x128xf32, #tpu.memory_space<vmem_shared>>)
          tpu.yield
        }) : () -> ()
        %add3A_134 = arith.constant 2 : i32
        %add3A_135 = arith.addi %add3A_105, %add3A_134 : i32
        %lt3A_136 = arith.constant 125 : i32
        %lt3A_137 = arith.cmpi slt, %add3A_135, %lt3A_136 : i32
        %convert_element_type3A_138 = arith.extui %lt3A_137 : i1 to i32
        %cond3A_139 = arith.constant 0 : i32
        %cond3A_140 = arith.cmpi ne, %convert_element_type3A_138, %cond3A_139 : i32
        scf.if %cond3A_140 {
          %add3A_141 = arith.constant 2 : i32
          %add3A_142 = arith.addi %add3A_105, %add3A_141 : i32
          %mul3A_143 = arith.constant 80 : i32
          %mul3A_144 = arith.muli %add3A_142, %mul3A_143 : i32
          %add3A_145 = arith.addi %mul3A_2, %mul3A_144 : i32
          %dma_start3A_146 = tpu.memref_slice %arg4[%add3A_145] : memref<320000xi32, #tpu.memory_space<hbm>> -> memref<80xi32, #tpu.memory_space<hbm>>
          %dma_start3A_147 = tpu.memref_slice %arg4[%add3A_145] : memref<320000xi32, #tpu.memory_space<hbm>> -> memref<80xi32, #tpu.memory_space<hbm>>
          tpu.enqueue_dma source(%dma_start3A_147 : memref<80xi32, #tpu.memory_space<hbm>>) target(%arg9 : memref<80xi32, #tpu.memory_space<vmem>>) target_semaphore(%arg22 : memref<!tpu.dma_semaphore, #tpu.memory_space<semaphore_mem>>)
          %dma_start3A_148 = tpu.memref_slice %arg5[%add3A_145] : memref<320000xi32, #tpu.memory_space<hbm>> -> memref<80xi32, #tpu.memory_space<hbm>>
          %dma_start3A_149 = tpu.memref_slice %arg5[%add3A_145] : memref<320000xi32, #tpu.memory_space<hbm>> -> memref<80xi32, #tpu.memory_space<hbm>>
          tpu.enqueue_dma source(%dma_start3A_149 : memref<80xi32, #tpu.memory_space<hbm>>) target(%arg11 : memref<80xi32, #tpu.memory_space<vmem>>) target_semaphore(%arg22 : memref<!tpu.dma_semaphore, #tpu.memory_space<semaphore_mem>>)
        } else {
        }
      } else {
      }
      %scan3A_103 = arith.constant 0 : i32
      scf.yield %scan3A_103 : i32
    }
    %scan3A_51 = arith.constant 63 : i32
    %barrier3A_52 = arith.constant 0 : index
    tpu.barrier barrier_id(%barrier3A_52)
    %scan3A_53 = arith.constant 0 : i32
    %scan3A_54 = arith.constant 0 : i32
    %scan3A_55 = arith.constant 40 : i32
    %scan3A_56 = arith.addi %scan3A_54, %scan3A_55 : i32
    %scan3A_57 = arith.constant 1 : i32
    %scan3A_58 = scf.for %scan3A_60 = %scan3A_54 to %scan3A_56 step %scan3A_57 iter_args(%scan3A_61 = %scan3A_53) -> (i32)  : i32 {
      %mul3A_62 = arith.constant 640 : i32
      %mul3A_63 = arith.muli %arg1, %mul3A_62 : i32
      %mul3A_64 = arith.constant 16 : i32
      %mul3A_65 = arith.muli %scan3A_60, %mul3A_64 : i32
      %add3A_66 = arith.addi %mul3A_63, %mul3A_65 : i32
      "tpu.region"() ({
        %run_scoped3A = tpu.sem_alloc : memref<!tpu.dma_semaphore, #tpu.memory_space<semaphore_mem>>
        %dma_start3A_68 = arith.constant 0 : i32
        %dma_start3A_69 = tpu.memref_slice %arg7[%add3A_66, %dma_start3A_68] : memref<10240x128xf32, #tpu.memory_space<vmem_shared>> -> memref<16x128xf32, #tpu.memory_space<vmem_shared>>
        %dma_start3A_70 = arith.constant 0 : i32
        %dma_start3A_71 = tpu.memref_slice %arg7[%add3A_66, %dma_start3A_70] : memref<10240x128xf32, #tpu.memory_space<vmem_shared>> -> memref<16x128xf32, #tpu.memory_space<vmem_shared>>
        tpu.enqueue_dma source(%dma_start3A_71 : memref<16x128xf32, #tpu.memory_space<vmem_shared>>) target(%arg16 : memref<16x128xf32, #tpu.memory_space<vmem>>) target_semaphore(%run_scoped3A : memref<!tpu.dma_semaphore, #tpu.memory_space<semaphore_mem>>)
        %dma_wait3A_72 = arith.constant 0 : i32
        %dma_wait3A_73 = tpu.memref_slice %arg7[%add3A_66, %dma_wait3A_72] : memref<10240x128xf32, #tpu.memory_space<vmem_shared>> -> memref<16x128xf32, #tpu.memory_space<vmem_shared>>
        %dma_wait3A_74 = arith.constant 0 : i32
        %dma_wait3A_75 = tpu.memref_slice %arg7[%add3A_66, %dma_wait3A_74] : memref<10240x128xf32, #tpu.memory_space<vmem_shared>> -> memref<16x128xf32, #tpu.memory_space<vmem_shared>>
        tpu.wait_dma2 semaphore(%run_scoped3A : memref<!tpu.dma_semaphore, #tpu.memory_space<semaphore_mem>>) src(%dma_wait3A_75 : memref<16x128xf32, #tpu.memory_space<vmem_shared>>) dst(%arg16 : memref<16x128xf32, #tpu.memory_space<vmem>>)
        tpu.yield
      }) : () -> ()
      "tpu.region"() ({
        %run_scoped3A = tpu.sem_alloc : memref<!tpu.dma_semaphore, #tpu.memory_space<semaphore_mem>>
        %dma_start3A_68 = arith.constant 0 : i32
        %dma_start3A_69 = tpu.memref_slice %arg6[%arg0, %add3A_66, %dma_start3A_68] : memref<2x10240x128xf32, #tpu.memory_space<hbm>> -> memref<1x16x128xf32, #tpu.memory_space<hbm>>
        %dma_start3A_70 = tpu.memref_squeeze %dma_start3A_69 : memref<1x16x128xf32, #tpu.memory_space<hbm>> -> memref<16x128xf32, #tpu.memory_space<hbm>>
        %dma_start3A_71 = arith.constant 0 : i32
        %dma_start3A_72 = tpu.memref_slice %arg6[%arg0, %add3A_66, %dma_start3A_71] : memref<2x10240x128xf32, #tpu.memory_space<hbm>> -> memref<1x16x128xf32, #tpu.memory_space<hbm>>
        %dma_start3A_73 = tpu.memref_squeeze %dma_start3A_72 : memref<1x16x128xf32, #tpu.memory_space<hbm>> -> memref<16x128xf32, #tpu.memory_space<hbm>>
        tpu.enqueue_dma source(%arg16 : memref<16x128xf32, #tpu.memory_space<vmem>>) target(%dma_start3A_73 : memref<16x128xf32, #tpu.memory_space<hbm>>) target_semaphore(%run_scoped3A : memref<!tpu.dma_semaphore, #tpu.memory_space<semaphore_mem>>)
        %dma_wait3A_74 = arith.constant 0 : i32
        %dma_wait3A_75 = tpu.memref_slice %arg6[%arg0, %add3A_66, %dma_wait3A_74] : memref<2x10240x128xf32, #tpu.memory_space<hbm>> -> memref<1x16x128xf32, #tpu.memory_space<hbm>>
        %dma_wait3A_76 = tpu.memref_squeeze %dma_wait3A_75 : memref<1x16x128xf32, #tpu.memory_space<hbm>> -> memref<16x128xf32, #tpu.memory_space<hbm>>
        %dma_wait3A_77 = arith.constant 0 : i32
        %dma_wait3A_78 = tpu.memref_slice %arg6[%arg0, %add3A_66, %dma_wait3A_77] : memref<2x10240x128xf32, #tpu.memory_space<hbm>> -> memref<1x16x128xf32, #tpu.memory_space<hbm>>
        %dma_wait3A_79 = tpu.memref_squeeze %dma_wait3A_78 : memref<1x16x128xf32, #tpu.memory_space<hbm>> -> memref<16x128xf32, #tpu.memory_space<hbm>>
        tpu.wait_dma2 semaphore(%run_scoped3A : memref<!tpu.dma_semaphore, #tpu.memory_space<semaphore_mem>>) src(%arg16 : memref<16x128xf32, #tpu.memory_space<vmem>>) dst(%dma_wait3A_79 : memref<16x128xf32, #tpu.memory_space<hbm>>)
        tpu.yield
      }) : () -> ()
      %scan3A_67 = arith.constant 0 : i32
      scf.yield %scan3A_67 : i32
    }
    %scan3A_59 = arith.constant 40 : i32
    return
  }
}

module attributes {stable_mosaic.version = 14 : i64} {
  func.func @_m_body(%arg0: i32, %arg1: memref<2000x16xf32, #tpu.memory_space<vmem>>, %arg2: memref<16x16xf32, #tpu.memory_space<vmem>>, %arg3: memref<16xf32, #tpu.memory_space<vmem>>, %arg4: memref<64x16xf32, #tpu.memory_space<vmem>>, %arg5: memref<64xf32, #tpu.memory_space<vmem>>, %arg6: memref<64x16xf32, #tpu.memory_space<vmem>>, %arg7: memref<64xf32, #tpu.memory_space<vmem>>, %arg8: memref<2000x64xi32, #tpu.memory_space<vmem>>) attributes {dimension_semantics = [#tpu.dimension_semantics<arbitrary>], iteration_bounds = array<i64: 160>, scalar_prefetch = 0 : i64, scratch_operands = 0 : i64, tpu.core_type = #tpu.core_type<tc>, window_params = [{transform_indices = @transform_0, window_bounds = array<i64: 2000, 16>}, {pipeline_mode = #tpu.pipeline_mode<synchronous>, transform_indices = @transform_1, window_bounds = array<i64: 16, 16>}, {pipeline_mode = #tpu.pipeline_mode<synchronous>, transform_indices = @transform_2, window_bounds = array<i64: 16>}, {pipeline_mode = #tpu.pipeline_mode<synchronous>, transform_indices = @transform_3, window_bounds = array<i64: 64, 16>}, {pipeline_mode = #tpu.pipeline_mode<synchronous>, transform_indices = @transform_4, window_bounds = array<i64: 64>}, {pipeline_mode = #tpu.pipeline_mode<synchronous>, transform_indices = @transform_5, window_bounds = array<i64: 64, 16>}, {pipeline_mode = #tpu.pipeline_mode<synchronous>, transform_indices = @transform_6, window_bounds = array<i64: 64>}, {transform_indices = @transform_7, window_bounds = array<i64: 2000, 64>}]} {
    %get3A = arith.constant 0 : index
    %get3A_0 = arith.constant 0 : index
    %get3A_1 = vector.load %arg1[%get3A, %get3A_0] : memref<2000x16xf32, #tpu.memory_space<vmem>>, vector<2000x16xf32>
    %get3A_2 = arith.constant 0 : index
    %get3A_3 = arith.constant 0 : index
    %get3A_4 = vector.load %arg2[%get3A_2, %get3A_3] : memref<16x16xf32, #tpu.memory_space<vmem>>, vector<16x16xf32>
    %dot_general3A = arith.constant dense<0.000000e+00> : vector<2000x16xf32>
    %dot_general3A_5 = tpu.matmul %get3A_1, %get3A_4, %dot_general3A {dimension_numbers = #tpu.dot_dimension_numbers<[1], [0], [0], [1], [0, 0, 1, 1], [], []>, transpose_lhs_hint = false} : vector<2000x16xf32>, vector<16x16xf32>, vector<2000x16xf32> -> vector<2000x16xf32>
    %get3A_6 = arith.constant 0 : index
    %get3A_7 = vector.load %arg3[%get3A_6] : memref<16xf32, #tpu.memory_space<vmem>>, vector<16xf32>
    %broadcast_in_dim3A = vector.shape_cast %get3A_7 : vector<16xf32> to vector<1x16xf32>
    %add3A = vector.broadcast %broadcast_in_dim3A : vector<1x16xf32> to vector<2000x16xf32>
    %add3A_8 = arith.addf %dot_general3A_5, %add3A : vector<2000x16xf32>
    %get3A_9 = arith.constant 0 : index
    %get3A_10 = arith.constant 0 : index
    %get3A_11 = vector.load %arg4[%get3A_9, %get3A_10] : memref<64x16xf32, #tpu.memory_space<vmem>>, vector<64x16xf32>
    %dot_general3A_12 = arith.constant dense<0.000000e+00> : vector<2000x64xf32>
    %dot_general3A_13 = tpu.matmul %add3A_8, %get3A_11, %dot_general3A_12 {dimension_numbers = #tpu.dot_dimension_numbers<[1], [1], [0], [0], [0, 0, 1, 0], [], []>, transpose_lhs_hint = false} : vector<2000x16xf32>, vector<64x16xf32>, vector<2000x64xf32> -> vector<2000x64xf32>
    %get3A_14 = arith.constant 0 : index
    %get3A_15 = vector.load %arg5[%get3A_14] : memref<64xf32, #tpu.memory_space<vmem>>, vector<64xf32>
    %broadcast_in_dim3A_16 = vector.shape_cast %get3A_15 : vector<64xf32> to vector<1x64xf32>
    %add3A_17 = vector.broadcast %broadcast_in_dim3A_16 : vector<1x64xf32> to vector<2000x64xf32>
    %add3A_18 = arith.addf %dot_general3A_13, %add3A_17 : vector<2000x64xf32>
    %get3A_19 = arith.constant 0 : index
    %get3A_20 = arith.constant 0 : index
    %get3A_21 = vector.load %arg6[%get3A_19, %get3A_20] : memref<64x16xf32, #tpu.memory_space<vmem>>, vector<64x16xf32>
    %dot_general3A_22 = arith.constant dense<0.000000e+00> : vector<2000x64xf32>
    %dot_general3A_23 = tpu.matmul %add3A_8, %get3A_21, %dot_general3A_22 {dimension_numbers = #tpu.dot_dimension_numbers<[1], [1], [0], [0], [0, 0, 1, 0], [], []>, transpose_lhs_hint = false} : vector<2000x16xf32>, vector<64x16xf32>, vector<2000x64xf32> -> vector<2000x64xf32>
    %get3A_24 = arith.constant 0 : index
    %get3A_25 = vector.load %arg7[%get3A_24] : memref<64xf32, #tpu.memory_space<vmem>>, vector<64xf32>
    %broadcast_in_dim3A_26 = vector.shape_cast %get3A_25 : vector<64xf32> to vector<1x64xf32>
    %add3A_27 = vector.broadcast %broadcast_in_dim3A_26 : vector<1x64xf32> to vector<2000x64xf32>
    %add3A_28 = arith.addf %dot_general3A_23, %add3A_27 : vector<2000x64xf32>
    %bitcast_convert_type3A = tpu.bitcast %add3A_18 : vector<2000x64xf32> -> vector<2000x64xi32>
    %add3A_29 = arith.constant 32767 : i32
    %add3A_30 = vector.broadcast %add3A_29 : i32 to vector<2000x64xi32>
    %add3A_31 = arith.addi %bitcast_convert_type3A, %add3A_30 : vector<2000x64xi32>
    %shift_right_logical3A = arith.constant 16 : i32
    %shift_right_logical3A_32 = vector.broadcast %shift_right_logical3A : i32 to vector<2000x64xi32>
    %shift_right_logical3A_33 = arith.shrui %bitcast_convert_type3A, %shift_right_logical3A_32 : vector<2000x64xi32>
    %and3A = arith.constant 1 : i32
    %and3A_34 = vector.broadcast %and3A : i32 to vector<2000x64xi32>
    %and3A_35 = arith.andi %shift_right_logical3A_33, %and3A_34 : vector<2000x64xi32>
    %add3A_36 = arith.addi %add3A_31, %and3A_35 : vector<2000x64xi32>
    %shift_right_logical3A_37 = arith.constant 16 : i32
    %shift_right_logical3A_38 = vector.broadcast %shift_right_logical3A_37 : i32 to vector<2000x64xi32>
    %shift_right_logical3A_39 = arith.shrui %add3A_36, %shift_right_logical3A_38 : vector<2000x64xi32>
    %bitcast_convert_type3A_40 = tpu.bitcast %add3A_28 : vector<2000x64xf32> -> vector<2000x64xi32>
    %add3A_41 = arith.constant 32767 : i32
    %add3A_42 = vector.broadcast %add3A_41 : i32 to vector<2000x64xi32>
    %add3A_43 = arith.addi %bitcast_convert_type3A_40, %add3A_42 : vector<2000x64xi32>
    %shift_right_logical3A_44 = arith.constant 16 : i32
    %shift_right_logical3A_45 = vector.broadcast %shift_right_logical3A_44 : i32 to vector<2000x64xi32>
    %shift_right_logical3A_46 = arith.shrui %bitcast_convert_type3A_40, %shift_right_logical3A_45 : vector<2000x64xi32>
    %and3A_47 = arith.constant 1 : i32
    %and3A_48 = vector.broadcast %and3A_47 : i32 to vector<2000x64xi32>
    %and3A_49 = arith.andi %shift_right_logical3A_46, %and3A_48 : vector<2000x64xi32>
    %add3A_50 = arith.addi %add3A_43, %and3A_49 : vector<2000x64xi32>
    %shift_right_logical3A_51 = arith.constant 16 : i32
    %shift_right_logical3A_52 = vector.broadcast %shift_right_logical3A_51 : i32 to vector<2000x64xi32>
    %shift_right_logical3A_53 = arith.shrui %add3A_50, %shift_right_logical3A_52 : vector<2000x64xi32>
    %shift_left3A = arith.constant 16 : i32
    %shift_left3A_54 = vector.broadcast %shift_left3A : i32 to vector<2000x64xi32>
    %shift_left3A_55 = arith.shli %shift_right_logical3A_53, %shift_left3A_54 : vector<2000x64xi32>
    %or3A = arith.ori %shift_right_logical3A_39, %shift_left3A_55 : vector<2000x64xi32>
    %bitcast_convert_type3A_56 = tpu.bitcast %or3A : vector<2000x64xi32> -> vector<2000x64xi32>
    %swap3A = arith.constant 0 : index
    %swap3A_57 = arith.constant 0 : index
    %swap3A_58 = vector.load %arg8[%swap3A, %swap3A_57] : memref<2000x64xi32, #tpu.memory_space<vmem>>, vector<2000x64xi32>
    tpu.vector_store %arg8[%swap3A, %swap3A_57], %bitcast_convert_type3A_56 {strides = array<i32>} : memref<2000x64xi32, #tpu.memory_space<vmem>>, vector<2000x64xi32>,
    return
  }
  func.func @transform_0(%arg0: i32) -> (i32, i32) {
    %c0_i32 = arith.constant 0 : i32
    %c0_i32_0 = arith.constant 0 : i32
    return %arg0, %c0_i32 : i32, i32
  }
  func.func @transform_1(%arg0: i32) -> (i32, i32) {
    %c0_i32 = arith.constant 0 : i32
    %c0_i32_0 = arith.constant 0 : i32
    %c0_i32_1 = arith.constant 0 : i32
    return %c0_i32, %c0_i32_0 : i32, i32
  }
  func.func @transform_2(%arg0: i32) -> i32 {
    %c0_i32 = arith.constant 0 : i32
    %c0_i32_0 = arith.constant 0 : i32
    return %c0_i32 : i32
  }
  func.func @transform_3(%arg0: i32) -> (i32, i32) {
    %c0_i32 = arith.constant 0 : i32
    %c0_i32_0 = arith.constant 0 : i32
    %c0_i32_1 = arith.constant 0 : i32
    return %c0_i32, %c0_i32_0 : i32, i32
  }
  func.func @transform_4(%arg0: i32) -> i32 {
    %c0_i32 = arith.constant 0 : i32
    %c0_i32_0 = arith.constant 0 : i32
    return %c0_i32 : i32
  }
  func.func @transform_5(%arg0: i32) -> (i32, i32) {
    %c0_i32 = arith.constant 0 : i32
    %c0_i32_0 = arith.constant 0 : i32
    %c0_i32_1 = arith.constant 0 : i32
    return %c0_i32, %c0_i32_0 : i32, i32
  }
  func.func @transform_6(%arg0: i32) -> i32 {
    %c0_i32 = arith.constant 0 : i32
    %c0_i32_0 = arith.constant 0 : i32
    return %c0_i32 : i32
  }
  func.func @transform_7(%arg0: i32) -> (i32, i32) {
    %c0_i32 = arith.constant 0 : i32
    %c0_i32_0 = arith.constant 0 : i32
    return %arg0, %c0_i32 : i32, i32
  }
}

module attributes {stable_mosaic.version = 14 : i64} {
  func.func @_h0_body(%arg0: i32, %arg1: memref<1024x128xf32, #tpu.memory_space<vmem>>, %arg2: memref<128x128xf32, #tpu.memory_space<vmem>>, %arg3: memref<128xf32, #tpu.memory_space<vmem>>, %arg4: memref<2x1024xf32, #tpu.memory_space<vmem>>, %arg5: memref<1024x128xf32, #tpu.memory_space<vmem>>) attributes {dimension_semantics = [#tpu.dimension_semantics<arbitrary>], iteration_bounds = array<i64: 10>, scalar_prefetch = 0 : i64, scratch_operands = 0 : i64, tpu.core_type = #tpu.core_type<tc>, window_params = [{transform_indices = @transform_0, window_bounds = array<i64: 1024, 128>}, {pipeline_mode = #tpu.pipeline_mode<synchronous>, transform_indices = @transform_1, window_bounds = array<i64: 128, 128>}, {pipeline_mode = #tpu.pipeline_mode<synchronous>, transform_indices = @transform_2, window_bounds = array<i64: 128>}, {transform_indices = @transform_3, window_bounds = array<i64: 2, 1024>}, {transform_indices = @transform_4, window_bounds = array<i64: 1024, 128>}]} {
    %get3A = arith.constant 0 : index
    %get3A_0 = arith.constant 0 : index
    %get3A_1 = vector.load %arg1[%get3A, %get3A_0] : memref<1024x128xf32, #tpu.memory_space<vmem>>, vector<1024x128xf32>
    %get3A_2 = arith.constant 0 : index
    %get3A_3 = arith.constant 0 : index
    %get3A_4 = vector.load %arg2[%get3A_2, %get3A_3] : memref<128x128xf32, #tpu.memory_space<vmem>>, vector<128x128xf32>
    %dot_general3A = arith.constant dense<0.000000e+00> : vector<1024x128xf32>
    %dot_general3A_5 = tpu.matmul %get3A_1, %get3A_4, %dot_general3A {dimension_numbers = #tpu.dot_dimension_numbers<[1], [1], [0], [0], [0, 0, 1, 0], [], []>, transpose_lhs_hint = false} : vector<1024x128xf32>, vector<128x128xf32>, vector<1024x128xf32> -> vector<1024x128xf32>
    %get3A_6 = arith.constant 0 : index
    %get3A_7 = vector.load %arg3[%get3A_6] : memref<128xf32, #tpu.memory_space<vmem>>, vector<128xf32>
    %broadcast_in_dim3A = vector.shape_cast %get3A_7 : vector<128xf32> to vector<1x128xf32>
    %add3A = vector.broadcast %broadcast_in_dim3A : vector<1x128xf32> to vector<1024x128xf32>
    %add3A_8 = arith.addf %dot_general3A_5, %add3A : vector<1024x128xf32>
    %get3A_9 = arith.constant 0 : index
    %get3A_10 = arith.constant 0 : index
    %get3A_11 = vector.load %arg4[%get3A_9, %get3A_10] : memref<2x1024xf32, #tpu.memory_space<vmem>>, vector<1x1024xf32>
    %get3A_12 = vector.shape_cast %get3A_11 : vector<1x1024xf32> to vector<1024xf32>
    %get3A_13 = arith.constant 1 : index
    %get3A_14 = arith.constant 0 : index
    %get3A_15 = vector.load %arg4[%get3A_13, %get3A_14] : memref<2x1024xf32, #tpu.memory_space<vmem>>, vector<1x1024xf32>
    %get3A_16 = vector.shape_cast %get3A_15 : vector<1x1024xf32> to vector<1024xf32>
    %add3A_17 = arith.addf %get3A_12, %get3A_16 : vector<1024xf32>
    %gt3A = arith.constant 0.000000e+00 : f32
    %gt3A_18 = vector.broadcast %gt3A : f32 to vector<1024xf32>
    %gt3A_19 = arith.cmpf ogt, %add3A_17, %gt3A_18 : vector<1024xf32>
    %rsqrt3A = math.rsqrt %add3A_17 : vector<1024xf32>
    %jit3A = arith.constant 0.000000e+00 : f32
    %broadcast_in_dim3A_20 = vector.broadcast %jit3A : f32 to vector<1024xf32>
    %select_n3A = arith.select %gt3A_19, %rsqrt3A, %broadcast_in_dim3A_20 : vector<1024xi1>, vector<1024xf32>
    %broadcast_in_dim3A_21 = vector.shape_cast %select_n3A : vector<1024xf32> to vector<1024x1xf32>
    %mul3A = vector.broadcast %broadcast_in_dim3A_21 : vector<1024x1xf32> to vector<1024x128xf32>
    %mul3A_22 = arith.mulf %add3A_8, %mul3A : vector<1024x128xf32>
    %swap3A = arith.constant 0 : index
    %swap3A_23 = arith.constant 0 : index
    %swap3A_24 = vector.load %arg5[%swap3A, %swap3A_23] : memref<1024x128xf32, #tpu.memory_space<vmem>>, vector<1024x128xf32>
    tpu.vector_store %arg5[%swap3A, %swap3A_23], %mul3A_22 {strides = array<i32>} : memref<1024x128xf32, #tpu.memory_space<vmem>>, vector<1024x128xf32>,
    return
  }
  func.func @transform_0(%arg0: i32) -> (i32, i32) {
    %c0_i32 = arith.constant 0 : i32
    %c0_i32_0 = arith.constant 0 : i32
    return %arg0, %c0_i32 : i32, i32
  }
  func.func @transform_1(%arg0: i32) -> (i32, i32) {
    %c0_i32 = arith.constant 0 : i32
    %c0_i32_0 = arith.constant 0 : i32
    %c0_i32_1 = arith.constant 0 : i32
    return %c0_i32, %c0_i32_0 : i32, i32
  }
  func.func @transform_2(%arg0: i32) -> i32 {
    %c0_i32 = arith.constant 0 : i32
    %c0_i32_0 = arith.constant 0 : i32
    return %c0_i32 : i32
  }
  func.func @transform_3(%arg0: i32) -> (i32, i32) {
    %c0_i32 = arith.constant 0 : i32
    %c0_i32_0 = arith.constant 0 : i32
    return %c0_i32, %arg0 : i32, i32
  }
  func.func @transform_4(%arg0: i32) -> (i32, i32) {
    %c0_i32 = arith.constant 0 : i32
    %c0_i32_0 = arith.constant 0 : i32
    return %arg0, %c0_i32 : i32, i32
  }
}

module attributes {stable_mosaic.version = 14 : i64} {
  func.func @_hmid_body(%arg0: i32, %arg1: memref<2x1024x128xf32, #tpu.memory_space<vmem>>, %arg2: memref<2x1024xf32, #tpu.memory_space<vmem>>, %arg3: memref<128xf32, #tpu.memory_space<vmem>>, %arg4: memref<128xf32, #tpu.memory_space<vmem>>, %arg5: memref<128x128xf32, #tpu.memory_space<vmem>>, %arg6: memref<128xf32, #tpu.memory_space<vmem>>, %arg7: memref<1024x128xf32, #tpu.memory_space<vmem>>) attributes {dimension_semantics = [#tpu.dimension_semantics<arbitrary>], iteration_bounds = array<i64: 10>, scalar_prefetch = 0 : i64, scratch_operands = 0 : i64, tpu.core_type = #tpu.core_type<tc>, window_params = [{transform_indices = @transform_0, window_bounds = array<i64: 2, 1024, 128>}, {transform_indices = @transform_1, window_bounds = array<i64: 2, 1024>}, {pipeline_mode = #tpu.pipeline_mode<synchronous>, transform_indices = @transform_2, window_bounds = array<i64: 128>}, {pipeline_mode = #tpu.pipeline_mode<synchronous>, transform_indices = @transform_3, window_bounds = array<i64: 128>}, {pipeline_mode = #tpu.pipeline_mode<synchronous>, transform_indices = @transform_4, window_bounds = array<i64: 128, 128>}, {pipeline_mode = #tpu.pipeline_mode<synchronous>, transform_indices = @transform_5, window_bounds = array<i64: 128>}, {transform_indices = @transform_6, window_bounds = array<i64: 1024, 128>}]} {
    %get3A = arith.constant 0 : index
    %get3A_0 = arith.constant 0 : index
    %get3A_1 = vector.load %arg2[%get3A, %get3A_0] : memref<2x1024xf32, #tpu.memory_space<vmem>>, vector<1x1024xf32>
    %get3A_2 = vector.shape_cast %get3A_1 : vector<1x1024xf32> to vector<1024xf32>
    %get3A_3 = arith.constant 1 : index
    %get3A_4 = arith.constant 0 : index
    %get3A_5 = vector.load %arg2[%get3A_3, %get3A_4] : memref<2x1024xf32, #tpu.memory_space<vmem>>, vector<1x1024xf32>
    %get3A_6 = vector.shape_cast %get3A_5 : vector<1x1024xf32> to vector<1024xf32>
    %add3A = arith.addf %get3A_2, %get3A_6 : vector<1024xf32>
    %gt3A = arith.constant 0.000000e+00 : f32
    %gt3A_7 = vector.broadcast %gt3A : f32 to vector<1024xf32>
    %gt3A_8 = arith.cmpf ogt, %add3A, %gt3A_7 : vector<1024xf32>
    %rsqrt3A = math.rsqrt %add3A : vector<1024xf32>
    %jit3A = arith.constant 0.000000e+00 : f32
    %broadcast_in_dim3A = vector.broadcast %jit3A : f32 to vector<1024xf32>
    %select_n3A = arith.select %gt3A_8, %rsqrt3A, %broadcast_in_dim3A : vector<1024xi1>, vector<1024xf32>
    %get3A_9 = arith.constant 0 : index
    %get3A_10 = arith.constant 0 : index
    %get3A_11 = arith.constant 0 : index
    %get3A_12 = vector.load %arg1[%get3A_9, %get3A_10, %get3A_11] : memref<2x1024x128xf32, #tpu.memory_space<vmem>>, vector<1x1024x128xf32>
    %get3A_13 = vector.shape_cast %get3A_12 : vector<1x1024x128xf32> to vector<1024x128xf32>
    %get3A_14 = arith.constant 1 : index
    %get3A_15 = arith.constant 0 : index
    %get3A_16 = arith.constant 0 : index
    %get3A_17 = vector.load %arg1[%get3A_14, %get3A_15, %get3A_16] : memref<2x1024x128xf32, #tpu.memory_space<vmem>>, vector<1x1024x128xf32>
    %get3A_18 = vector.shape_cast %get3A_17 : vector<1x1024x128xf32> to vector<1024x128xf32>
    %add3A_19 = arith.addf %get3A_13, %get3A_18 : vector<1024x128xf32>
    %broadcast_in_dim3A_20 = vector.shape_cast %select_n3A : vector<1024xf32> to vector<1024x1xf32>
    %mul3A = vector.broadcast %broadcast_in_dim3A_20 : vector<1024x1xf32> to vector<1024x128xf32>
    %mul3A_21 = arith.mulf %add3A_19, %mul3A : vector<1024x128xf32>
    %max3A = arith.constant 0.000000e+00 : f32
    %max3A_22 = vector.broadcast %max3A : f32 to vector<1024x128xf32>
    %max3A_23 = arith.maximumf %mul3A_21, %max3A_22 : vector<1024x128xf32>
    %reduce_sum3A = arith.constant dense<0.000000e+00> : vector<1024xf32>
    %reduce_sum3A_24 = vector.multi_reduction <add>, %max3A_23, %reduce_sum3A [1] : vector<1024x128xf32> to vector<1024xf32>
    %broadcast_in_dim3A_25 = vector.shape_cast %reduce_sum3A_24 : vector<1024xf32> to vector<1024x1xf32>
    %div3A = arith.constant 1.280000e+02 : f32
    %div3A_26 = vector.broadcast %div3A : f32 to vector<1024x1xf32>
    %div3A_27 = arith.divf %broadcast_in_dim3A_25, %div3A_26 : vector<1024x1xf32>
    %sub3A = vector.broadcast %div3A_27 : vector<1024x1xf32> to vector<1024x128xf32>
    %sub3A_28 = arith.subf %max3A_23, %sub3A : vector<1024x128xf32>
    %integer_pow3A = arith.mulf %sub3A_28, %sub3A_28 : vector<1024x128xf32>
    %reduce_sum3A_29 = arith.constant dense<0.000000e+00> : vector<1024xf32>
    %reduce_sum3A_30 = vector.multi_reduction <add>, %integer_pow3A, %reduce_sum3A_29 [1] : vector<1024x128xf32> to vector<1024xf32>
    %broadcast_in_dim3A_31 = vector.shape_cast %reduce_sum3A_30 : vector<1024xf32> to vector<1024x1xf32>
    %div3A_32 = arith.constant 1.280000e+02 : f32
    %div3A_33 = vector.broadcast %div3A_32 : f32 to vector<1024x1xf32>
    %div3A_34 = arith.divf %broadcast_in_dim3A_31, %div3A_33 : vector<1024x1xf32>
    %sub3A_35 = vector.broadcast %div3A_27 : vector<1024x1xf32> to vector<1024x128xf32>
    %sub3A_36 = arith.subf %max3A_23, %sub3A_35 : vector<1024x128xf32>
    %add3A_37 = arith.constant 9.99999974E-6 : f32
    %add3A_38 = vector.broadcast %add3A_37 : f32 to vector<1024x1xf32>
    %add3A_39 = arith.addf %div3A_34, %add3A_38 : vector<1024x1xf32>
    %sqrt3A = math.sqrt %add3A_39 : vector<1024x1xf32>
    %div3A_40 = vector.broadcast %sqrt3A : vector<1024x1xf32> to vector<1024x128xf32>
    %div3A_41 = arith.divf %sub3A_36, %div3A_40 : vector<1024x128xf32>
    %get3A_42 = arith.constant 0 : index
    %get3A_43 = vector.load %arg3[%get3A_42] : memref<128xf32, #tpu.memory_space<vmem>>, vector<128xf32>
    %broadcast_in_dim3A_44 = vector.shape_cast %get3A_43 : vector<128xf32> to vector<1x128xf32>
    %mul3A_45 = vector.broadcast %broadcast_in_dim3A_44 : vector<1x128xf32> to vector<1024x128xf32>
    %mul3A_46 = arith.mulf %div3A_41, %mul3A_45 : vector<1024x128xf32>
    %get3A_47 = arith.constant 0 : index
    %get3A_48 = vector.load %arg4[%get3A_47] : memref<128xf32, #tpu.memory_space<vmem>>, vector<128xf32>
    %broadcast_in_dim3A_49 = vector.shape_cast %get3A_48 : vector<128xf32> to vector<1x128xf32>
    %add3A_50 = vector.broadcast %broadcast_in_dim3A_49 : vector<1x128xf32> to vector<1024x128xf32>
    %add3A_51 = arith.addf %mul3A_46, %add3A_50 : vector<1024x128xf32>
    %get3A_52 = arith.constant 0 : index
    %get3A_53 = arith.constant 0 : index
    %get3A_54 = vector.load %arg5[%get3A_52, %get3A_53] : memref<128x128xf32, #tpu.memory_space<vmem>>, vector<128x128xf32>
    %dot_general3A = arith.constant dense<0.000000e+00> : vector<1024x128xf32>
    %dot_general3A_55 = tpu.matmul %add3A_51, %get3A_54, %dot_general3A {dimension_numbers = #tpu.dot_dimension_numbers<[1], [1], [0], [0], [0, 0, 1, 0], [], []>, transpose_lhs_hint = false} : vector<1024x128xf32>, vector<128x128xf32>, vector<1024x128xf32> -> vector<1024x128xf32>
    %get3A_56 = arith.constant 0 : index
    %get3A_57 = vector.load %arg6[%get3A_56] : memref<128xf32, #tpu.memory_space<vmem>>, vector<128xf32>
    %broadcast_in_dim3A_58 = vector.shape_cast %get3A_57 : vector<128xf32> to vector<1x128xf32>
    %add3A_59 = vector.broadcast %broadcast_in_dim3A_58 : vector<1x128xf32> to vector<1024x128xf32>
    %add3A_60 = arith.addf %dot_general3A_55, %add3A_59 : vector<1024x128xf32>
    %broadcast_in_dim3A_61 = vector.shape_cast %select_n3A : vector<1024xf32> to vector<1024x1xf32>
    %mul3A_62 = vector.broadcast %broadcast_in_dim3A_61 : vector<1024x1xf32> to vector<1024x128xf32>
    %mul3A_63 = arith.mulf %add3A_60, %mul3A_62 : vector<1024x128xf32>
    %swap3A = arith.constant 0 : index
    %swap3A_64 = arith.constant 0 : index
    %swap3A_65 = vector.load %arg7[%swap3A, %swap3A_64] : memref<1024x128xf32, #tpu.memory_space<vmem>>, vector<1024x128xf32>
    tpu.vector_store %arg7[%swap3A, %swap3A_64], %mul3A_63 {strides = array<i32>} : memref<1024x128xf32, #tpu.memory_space<vmem>>, vector<1024x128xf32>,
    return
  }
  func.func @transform_0(%arg0: i32) -> (i32, i32, i32) {
    %c0_i32 = arith.constant 0 : i32
    %c0_i32_0 = arith.constant 0 : i32
    %c0_i32_1 = arith.constant 0 : i32
    return %c0_i32, %arg0, %c0_i32_0 : i32, i32, i32
  }
  func.func @transform_1(%arg0: i32) -> (i32, i32) {
    %c0_i32 = arith.constant 0 : i32
    %c0_i32_0 = arith.constant 0 : i32
    return %c0_i32, %arg0 : i32, i32
  }
  func.func @transform_2(%arg0: i32) -> i32 {
    %c0_i32 = arith.constant 0 : i32
    %c0_i32_0 = arith.constant 0 : i32
    return %c0_i32 : i32
  }
  func.func @transform_3(%arg0: i32) -> i32 {
    %c0_i32 = arith.constant 0 : i32
    %c0_i32_0 = arith.constant 0 : i32
    return %c0_i32 : i32
  }
  func.func @transform_4(%arg0: i32) -> (i32, i32) {
    %c0_i32 = arith.constant 0 : i32
    %c0_i32_0 = arith.constant 0 : i32
    %c0_i32_1 = arith.constant 0 : i32
    return %c0_i32, %c0_i32_0 : i32, i32
  }
  func.func @transform_5(%arg0: i32) -> i32 {
    %c0_i32 = arith.constant 0 : i32
    %c0_i32_0 = arith.constant 0 : i32
    return %c0_i32 : i32
  }
  func.func @transform_6(%arg0: i32) -> (i32, i32) {
    %c0_i32 = arith.constant 0 : i32
    %c0_i32_0 = arith.constant 0 : i32
    return %arg0, %c0_i32 : i32, i32
  }
}

module attributes {stable_mosaic.version = 14 : i64} {
  func.func @_out_body(%arg0: i32, %arg1: memref<2x1024x128xf32, #tpu.memory_space<vmem>>, %arg2: memref<2x1024xf32, #tpu.memory_space<vmem>>, %arg3: memref<1024x128xf32, #tpu.memory_space<vmem>>) attributes {dimension_semantics = [#tpu.dimension_semantics<arbitrary>], iteration_bounds = array<i64: 10>, scalar_prefetch = 0 : i64, scratch_operands = 0 : i64, tpu.core_type = #tpu.core_type<tc>, window_params = [{transform_indices = @transform_0, window_bounds = array<i64: 2, 1024, 128>}, {transform_indices = @transform_1, window_bounds = array<i64: 2, 1024>}, {transform_indices = @transform_2, window_bounds = array<i64: 1024, 128>}]} {
    %get3A = arith.constant 0 : index
    %get3A_0 = arith.constant 0 : index
    %get3A_1 = arith.constant 0 : index
    %get3A_2 = vector.load %arg1[%get3A, %get3A_0, %get3A_1] : memref<2x1024x128xf32, #tpu.memory_space<vmem>>, vector<1x1024x128xf32>
    %get3A_3 = vector.shape_cast %get3A_2 : vector<1x1024x128xf32> to vector<1024x128xf32>
    %get3A_4 = arith.constant 1 : index
    %get3A_5 = arith.constant 0 : index
    %get3A_6 = arith.constant 0 : index
    %get3A_7 = vector.load %arg1[%get3A_4, %get3A_5, %get3A_6] : memref<2x1024x128xf32, #tpu.memory_space<vmem>>, vector<1x1024x128xf32>
    %get3A_8 = vector.shape_cast %get3A_7 : vector<1x1024x128xf32> to vector<1024x128xf32>
    %add3A = arith.addf %get3A_3, %get3A_8 : vector<1024x128xf32>
    %get3A_9 = arith.constant 0 : index
    %get3A_10 = arith.constant 0 : index
    %get3A_11 = vector.load %arg2[%get3A_9, %get3A_10] : memref<2x1024xf32, #tpu.memory_space<vmem>>, vector<1x1024xf32>
    %get3A_12 = vector.shape_cast %get3A_11 : vector<1x1024xf32> to vector<1024xf32>
    %get3A_13 = arith.constant 1 : index
    %get3A_14 = arith.constant 0 : index
    %get3A_15 = vector.load %arg2[%get3A_13, %get3A_14] : memref<2x1024xf32, #tpu.memory_space<vmem>>, vector<1x1024xf32>
    %get3A_16 = vector.shape_cast %get3A_15 : vector<1x1024xf32> to vector<1024xf32>
    %add3A_17 = arith.addf %get3A_12, %get3A_16 : vector<1024xf32>
    %gt3A = arith.constant 0.000000e+00 : f32
    %gt3A_18 = vector.broadcast %gt3A : f32 to vector<1024xf32>
    %gt3A_19 = arith.cmpf ogt, %add3A_17, %gt3A_18 : vector<1024xf32>
    %rsqrt3A = math.rsqrt %add3A_17 : vector<1024xf32>
    %jit3A = arith.constant 0.000000e+00 : f32
    %broadcast_in_dim3A = vector.broadcast %jit3A : f32 to vector<1024xf32>
    %select_n3A = arith.select %gt3A_19, %rsqrt3A, %broadcast_in_dim3A : vector<1024xi1>, vector<1024xf32>
    %broadcast_in_dim3A_20 = vector.shape_cast %select_n3A : vector<1024xf32> to vector<1024x1xf32>
    %mul3A = vector.broadcast %broadcast_in_dim3A_20 : vector<1024x1xf32> to vector<1024x128xf32>
    %mul3A_21 = arith.mulf %add3A, %mul3A : vector<1024x128xf32>
    %swap3A = arith.constant 0 : index
    %swap3A_22 = arith.constant 0 : index
    %swap3A_23 = vector.load %arg3[%swap3A, %swap3A_22] : memref<1024x128xf32, #tpu.memory_space<vmem>>, vector<1024x128xf32>
    tpu.vector_store %arg3[%swap3A, %swap3A_22], %mul3A_21 {strides = array<i32>} : memref<1024x128xf32, #tpu.memory_space<vmem>>, vector<1024x128xf32>,
    return
  }
  func.func @transform_0(%arg0: i32) -> (i32, i32, i32) {
    %c0_i32 = arith.constant 0 : i32
    %c0_i32_0 = arith.constant 0 : i32
    %c0_i32_1 = arith.constant 0 : i32
    return %c0_i32, %arg0, %c0_i32_0 : i32, i32, i32
  }
  func.func @transform_1(%arg0: i32) -> (i32, i32) {
    %c0_i32 = arith.constant 0 : i32
    %c0_i32_0 = arith.constant 0 : i32
    return %c0_i32, %arg0 : i32, i32
  }
  func.func @transform_2(%arg0: i32) -> (i32, i32) {
    %c0_i32 = arith.constant 0 : i32
    %c0_i32_0 = arith.constant 0 : i32
    return %arg0, %c0_i32 : i32, i32
  }
}

</mosaic_0001>

<sc_bundles>
// kernel: kernel.13.cloned.1.call-start
scs
__scs_entry_jumppad:
0x0: {  	(pc) =	sbr.rel $0x88, $3  }
0x1: {  	(tag) =	ssettag $0x0;
	lr =	simm.s32 $0x1  }
0x2: {  	[smem:$0x3F8C] =	sst lr;
	_ =	strace $0xD0000000  }
0x3: {  	_ = 	snop  }
0x4: {  	_ = 	snop  }
0x5: {  	_ = 	snop  }
0x6: {  	_ = 	snop  }
0x7: {  	_ = 	snop  }
__scs_overlays_trampoline_lowered:
0x8: {  	[smem:$0x3F9B] =	sst s0  }
0x9: {  	[smem:$0x3F9C] =	sst s1  }
0xa: {  	[smem:$0x3F9D] =	sst s2  }
0xb: {  	[smem:$0x3F9E] =	sst s3  }
0xc: {  	[smem:$0x3F9F] =	sst s4  }
0xd: {  	[smem:$0x3FA0] =	sst s5  }
0xe: {  	[smem:$0x3FA1] =	sst s6  }
0xf: {  	[smem:$0x3FA2] =	sst s7  }
0x10: {  	[smem:$0x3FA3] =	sst s8  }
0x11: {  	[smem:$0x3FA4] =	sst s9;
	s0 =	simm.s32 @!p0 $0x0  }
0x12: {  	s1 =	sld [smem:$0x3F8A];
	s0 =	simm.s32 @p0 $0x1  }
0x13: {  	[smem:$0x3FA5] =	sst s0;
	s0 =	simm.s32 @!p1 $0x0  }
0x14: {  	s2 =	sld [smem:$0x3F89];
	s0 =	simm.s32 @p1 $0x1  }
0x15: {  	[smem:$0x3FA6] =	sst s0;
	s0 =	simm.s32 @!p2 $0x0  }
0x16: {  	s3 =	sld [smem:$0x3FDB];
	s0 =	simm.s32 @p2 $0x1  }
0x17: {  	s4 =	simm.s32 $0x1BF5;
	[smem:$0x3FA8] =	sst s0  }
0x18: {  	s0 =	sld [smem:$0x3F8B];
	_ =	swait.ge [sflag:s4], $0x0  }
0x19: {  	s7 =	sld [smem:$0x3F8C]  }
0x1a: {  	s8 =	sadd.s32 $0xFFFFE003, lr  }
0x1b: {  	s9 =	sadd.s32 $0xFFFFFEF7, lr;
	s5 =	simm.s32 $0xFFFFFFFF;
	p2 =	slt.u32 s8, $0xFFFFF086  }
0x1c: {  	p1 =	slt.u32 s9, $0xF7A;
	s5 =	simm.s32 @!p2 $0x0  }
0x1d: {  	s5 =	simm.s32 @p1 $0x1;
	p0 =	seq.s32 s7, s2  }
0x1e: {  	s7 =	smul.u32 @!p0 $0xF7A, s2;
	p2 =	seq.s32 @!p0 s5, $0x0  }
0x1f: {  	s9 =	smul.u32 $0xF7A, s1;
	s8 =	simm.s32 @!p0 $0x1BF5;
	p2 =	por !p2, p0  }
0x20: {  	[sflag:s8] =	ssyncset.s32 @!p0 $0xFFFFF086;
	s6 =	sadd.s32 @!p0 s3, s7;
	s7 =	simm.s32 @!p0 $0x108  }
0x21: {  	s3 =	sadd.s32 s3, s9;
	s6 =	sadd.s32 @!p0 $0x88, s6;
	s7 =	simm.s32 @p2 $0x1082  }
0x22: {  	[simem:s7], [sflag:s8] =	dma.local @!p0 [hbm:s6], $0xF7A  }
0x23: {  	s9 =	sor.u32 $0xD0000000, s2;
	s6 =	simm.s32 $0x108;
	_ =	swait.ge @!p0 [sflag:s8], $0x0  }
0x24: {  	s3 =	sadd.s32 $0x88, s3;
	s6 =	simm.s32 @!p1 $0x1082;
	[sflag:s4] =	ssyncset.s32 $0xFFFFF086  }
0x25: {  	[simem:s6], [sflag:s4] =	dma.local [hbm:s3], $0xF7A  }
0x26: {  	[smem:$0x3F8C] =	sst s1;
	(tag) =	ssettag s2;
	_ =	strace s9  }
0x27: {  	s1 =	sld [smem:$0x3F9C]  }
0x28: {  	s2 =	sld [smem:$0x3F9D]  }
0x29: {  	s4 =	sld [smem:$0x3F9F]  }
0x2a: {  	p0 =	seq.s32 s5, $0x0;
	s5 =	sld [smem:$0x3FA0]  }
0x2b: {  	s6 =	sld [smem:$0x3FA1]  }
0x2c: {  	s7 =	sld [smem:$0x3FA2]  }
0x2d: {  	s3 =	simm.s32 $0x108;
	s8 =	sld [smem:$0x3FA3]  }
0x2e: {  	s3 =	simm.s32 @!p0 $0x1082;
	s9 =	sld [smem:$0x3FA4]  }
0x2f: {  	lr =	sadd.s32 s0, s3;
	s0 =	sld [smem:$0x3F9B]  }
0x30: {  	s3 =	sld [smem:$0x3F9E]  }
0x31: {  	[smem:$0x3FA7] =	sst s10  }
0x32: {  	s10 =	sld [smem:$0x3FA5];
	_ =	sdelay $0x3  }
0x33: {  	p0 =	seq.s32 s10, $0x1;
	s10 =	sld [smem:$0x3FA7];
	_ =	sdelay $0x3  }
0x34: {  	[smem:$0x3FA7] =	sst s10  }
0x35: {  	s10 =	sld [smem:$0x3FA6];
	_ =	sdelay $0x3  }
0x36: {  	p1 =	seq.s32 s10, $0x1;
	s10 =	sld [smem:$0x3FA7];
	_ =	sdelay $0x3  }
0x37: {  	[smem:$0x3FA7] =	sst s10  }
0x38: {  	s10 =	sld [smem:$0x3FA8]  }
0x39: {  	_ = 	snop;
	(pc) =	sbr.ind lr, $3  }
0x3a: {  	_ = 	snop  }
0x3b: {  	_ = 	snop  }
0x3c: {  	p2 =	seq.s32 s10, $0x1;
	s10 =	sld [smem:$0x3FA7]  }
0x3d: {  	_ =	shalt  }
0x3e: {  	_ =	shalt  }
0x3f: {  	_ =	shalt  }
0x40: {  	_ =	shalt  }
0x41: {  	_ =	shalt  }
0x42: {  	_ =	shalt  }
0x43: {  	_ =	shalt  }
0x44: {  	_ =	shalt  }
0x45: {  	_ =	shalt  }
0x46: {  	_ =	shalt  }
0x47: {  	_ =	shalt  }
0x48: {  	_ =	shalt  }
0x49: {  	_ =	shalt  }
0x4a: {  	_ =	shalt  }
0x4b: {  	_ =	shalt  }
0x4c: {  	_ =	shalt  }
0x4d: {  	_ =	shalt  }
0x4e: {  	_ =	shalt  }
0x4f: {  	_ =	shalt  }
0x50: {  	_ =	shalt  }
0x51: {  	_ =	shalt  }
0x52: {  	_ =	shalt  }
0x53: {  	_ =	shalt  }
0x54: {  	_ =	shalt  }
0x55: {  	_ =	shalt  }
0x56: {  	_ =	shalt  }
0x57: {  	_ =	shalt  }
0x58: {  	_ =	shalt  }
0x59: {  	_ =	shalt  }
0x5a: {  	_ =	shalt  }
0x5b: {  	_ =	shalt  }
0x5c: {  	_ =	shalt  }
0x5d: {  	_ =	shalt  }
0x5e: {  	_ =	shalt  }
0x5f: {  	_ =	shalt  }
0x60: {  	_ =	shalt  }
0x61: {  	_ =	shalt  }
0x62: {  	_ =	shalt  }
0x63: {  	_ =	shalt  }
0x64: {  	_ =	shalt  }
0x65: {  	_ =	shalt  }
0x66: {  	_ =	shalt  }
0x67: {  	_ =	shalt  }
0x68: {  	_ =	shalt  }
0x69: {  	_ =	shalt  }
0x6a: {  	_ =	shalt  }
0x6b: {  	_ =	shalt  }
0x6c: {  	_ =	shalt  }
0x6d: {  	_ =	shalt  }
0x6e: {  	_ =	shalt  }
0x6f: {  	_ =	shalt  }
0x70: {  	_ =	shalt  }
0x71: {  	_ =	shalt  }
0x72: {  	_ =	shalt  }
0x73: {  	_ =	shalt  }
0x74: {  	_ =	shalt  }
0x75: {  	_ =	shalt  }
0x76: {  	_ =	shalt  }
0x77: {  	_ =	shalt  }
0x78: {  	_ =	shalt  }
0x79: {  	_ =	shalt  }
0x7a: {  	_ =	shalt  }
0x7b: {  	_ =	shalt  }
0x7c: {  	_ =	shalt  }
0x7d: {  	_ =	shalt  }
0x7e: {  	_ =	shalt  }
0x7f: {  	_ =	shalt  }
0x80: {  	_ =	shalt  }
0x81: {  	_ =	shalt  }
0x82: {  	_ =	shalt  }
0x83: {  	_ =	shalt  }
0x84: {  	_ =	shalt  }
0x85: {  	_ =	shalt  }
0x86: {  	_ =	shalt  }
0x87: {  	_ =	shalt  }
.Lfunc_end0:
.L_simem_size_0:
called_computation_lowered:
.L_overlay_start_0:
0x88: {  	s2 =	sld [smem:$0x3FD9]  }
0x89: {  	s3 =	sld [smem:$0x3FFE];
	_ =	sdelay $0x1  }
0x8a: {  	s1 =	srdreg.scid  }
0x8b: {  	s0 =	sand.u32 $0x1, s1  }
0x8c: {  	s17 =	sshll.u32 s0, $0xA;
	s2 =	sadd.s32 s3, s2  }
0x8d: {  	s2 =	sadd.s32 s2, s17  }
0x8e: {  	[smem:$0x3FB3] =	sst s2  }
0x8f: {  	_ = 	snop  }
0x90: {  	s2 =	sld [smem:$0x3FD0];
	(tm) =	ssettm $0x1  }
0x91: {  	s18 =	sld [smem:$0x3FFB];
	_ =	sdelay $0x3  }
0x92: {  	_ =	strace s18  }
0x93: {  	s3 =	sld [smem:$0x3FFC];
	_ =	sdelay $0x3  }
0x94: {  	_ =	strace s3  }
0x95: {  	s3 =	sld [smem:$0x3FFD];
	_ =	sdelay $0x3  }
0x96: {  	_ =	strace s3  }
0x97: {  	_ =	strace $0x8FFFFFFF  }
0x98: {  	s19 =	sld [smem:$0x3FDB];
	_ =	sdelay $0x1  }
0x99: {  	s4 =	simm.s32 $_scs_section_size  }
0x9a: {  	s5 =	simm.s32 $_size__tile_overlayer_lowered;
	s6 =	simm.s32 $_tile_overlayer_lowered  }
0x9b: {  	s22 =	simm.s32 $0x1BFF;
	s21 =	sshll.u32 s6, $0x1;
	s3 =	sadd.s32 s4, s19  }
0x9c: {  	s7 =	simm.s32 $0x0;
	s20 =	sshll.u32 s5, $0x1;
	s5 =	sadd.s32 s21, s3  }
0x9d: {  	[timem:s7], [sflag:s22] =	dma.local [hbm:s5], s20  }
0x9e: {  	_ =	swait.ge [sflag:s22], s20  }
0x9f: {  	s4 =	ssub.s32 $0x0, s20;
	[sflag:s22] =	ssyncset.done $0x0  }
0xa0: {  	[sflag:s22] =	ssyncadd.s32 s4;
	_ =	sdelay $0x1  }
0xa1: {  	s23 =	simm.s32 $0x1B8B  }
0xa2: {  	_ =	swait.ge [sflag:s23], $0x1  }
0xa3: {  	[sflag:s23] =	ssyncset.done $0x0  }
0xa4: {  	s25 =	simm.s32 $0x1B8E;
	s24 =	sld [smem:$0x3FFE];
	[sflag:s23] =	ssyncadd.s32 $0xFFFFFFFF  }
0xa5: {  	s26 =	simm.s32 $execute0_lowered;
	[smem:$0x3FD2] =	sst s25  }
0xa6: {  	s5 =	sshll.u32 s26, $0x1;
	_ =	strace $0x80000046;
	[dreg:$0x1] =	wrdreg $0xFFFFFFFF  }
0xa7: {  	s28 =	simm.s32 $_size_execute0_lowered;
	s3 =	sadd.s32 s3, s5;
	[dreg:$0x0] =	wrdreg $0x0  }
0xa8: {  	s5 =	sshll.u32 s28, $0x1;
	[dreg:$0x2] =	wrdreg s3  }
0xa9: {  	[dreg:$0x3] =	wrdreg s5  }
0xaa: {  	[dreg:$0x4] =	wrdreg $0xC0  }
0xab: {  	_ =	task [dreg:s7], $0x5FFFF  }
0xac: {  	[dreg:$0x1] =	wrdreg $0xFFFFFFFF  }
0xad: {  	[dreg:$0x0] =	wrdreg $0x60  }
0xae: {  	[dreg:$0x2] =	wrdreg s2  }
0xaf: {  	[dreg:$0x3] =	wrdreg s24  }
0xb0: {  	[dreg:$0x4] =	wrdreg $0x0  }
0xb1: {  	[dreg:$0x5] =	wrdreg $0x9  }
0xb2: {  	_ =	task.clear_ibuf [dreg:s7], $0x6FFFF;
	_ =	strace $0x90000046  }
0xb3: {  	s29 =	simm.s32 $0x9;
	_ =	strace $0x80000048  }
0xb4: {  	_ =	swait.ge [sflag:s29], $0x1  }
0xb5: {  	[sflag:s29] =	ssyncadd.s32 $0xFFFFFFFF  }
0xb6: {  	_ =	strace $0x90000048  }
0xb7: {  	_ =	sfence  }
0xb8: {  	s30 =	sld [smem:$0x0];
	_ =	sdelay $0x2  }
0xb9: {  	s31 =	sshll.u32 s1, $0xD;
	s1 =	sshrl.u32 s1, $0x2  }
0xba: {  	s3 =	sand.u32 $0x4000, s31;
	s1 =	sadd.s32 s1, s30  }
0xbb: {  	s0 =	sor.u32 s3, s0;
	s1 =	sshll.u32 s1, $0x11  }
0xbc: {  	s0 =	sor.u32 s1, s0  }
0xbd: {  	s0 =	sadd.s32 $0x8F2B, s0  }
0xbe: {  	[sflag:s0] =	ssyncadd.remote.s32 $0x1  }
0xbf: {  	_ =	sfence.sel $0xFFFF  }
0xc0: {  	[dreg:$0x0] =	wrdreg $0xFFFFFFFF;
	(pc) =	sbr.abs _section_cstart, $3  }
0xc1: {  	[dreg:$0x1] =	wrdreg $0xFFFFFFFF  }
0xc2: {  	_ =	task.clear_ibuf [dreg:s7], $0x2FFFF;
	_ =	strace $0x9FFFFFFF  }
0xc3: {  	(tm) =	ssettm $0x7FFFFFFF  }
tec
execute0_lowered:
.L_overlay_start_1:
0x0: {  	(tag) =	ssettag $0x1  }
0x1: {  	s4 =	rddreg [dreg:$0x0]  }
0x2: {  	s1 =	srdreg.scid;
	s5 =	rddreg [dreg:$0x1]  }
0x3: {  	s0 =	stileid.u32;
	s2 =	rddreg [dreg:$0x2]  }
0x4: {  	s3 =	simm.s32 $0x0;
	s11 =	simm.s32 $0x1;
	s12 =	simm.s32 $0x50  }
0x5: {  	s13 =	simm.s32 $0x4280;
	s6 =	sand.u32 $0x1, s1;
	s1 =	rddreg [dreg:$0x3]  }
0x6: {  	s14 =	simm.s32 $0x0;
	s7 =	smul.u32 $0x280, s0;
	[smem:$0x7FF] =	sst s3  }
0x7: {  	s10 =	sshll.u32 s0, $0xC;
	s8 =	smul.u32 $0x2800, s6;
	s31 =	ssub.s32 $0x2, s6  }
0x8: {  	_ =	strace $0x80000047;
	s6 =	sshll.u32 s6, $0xB;
	s9 =	sshrl.u32 s31, $0x1  }
0x9: {  	s4 =	sadd.s32 s4, s6;
	s8 =	sadd.s32 s7, s8;
	s9 =	ssub.s32 s31, s9  }
0xa: {  	s4 =	sadd.s32 s10, s4;
	s10 =	simm.s32 $0x2;
	s8 =	sshrl.u32 s8, $0x3  }
0xb: {  	s8 =	sadd.s32 s8, s5;
	s5 =	sadd.s32 s7, s2;
	s7 =	smax.u32 s9, $0x1  }
0xc: {  	v0 =	vimm.f32 $0.0e+00;
	v1 =	vimm.f32 $1.000000000e+00;
	s9 =	simm.s32 $0x4300;
	s6 =	sadd.s32 $0x19800, s8;
	s8 =	simm.s32 $0x280  }
.LBB2_1:
0xd: {  	[tilespmem:s8], [sflag:$0x1] =	stream.linear.gather [hbm4b:s4+s3], $0x3E80, $0x38;
	[tilespmem:$0x4580] =	vst v63  }
0xe: {  	[tilespmem:$0x4300] =	vst v0  }
0xf: {  	[tilespmem:$0x4310] =	vst v0  }
0x10: {  	[tilespmem:$0x4320] =	vst v0  }
0x11: {  	[tilespmem:$0x4330] =	vst v0  }
0x12: {  	[tilespmem:$0x4340] =	vst v0  }
0x13: {  	[tilespmem:$0x4350] =	vst v0  }
0x14: {  	[tilespmem:$0x4360] =	vst v0  }
0x15: {  	[tilespmem:$0x4370] =	vst v0  }
0x16: {  	[tilespmem:$0x4380] =	vst v0  }
0x17: {  	[tilespmem:$0x4390] =	vst v0  }
0x18: {  	[tilespmem:$0x43A0] =	vst v0  }
0x19: {  	[tilespmem:$0x43B0] =	vst v0  }
0x1a: {  	[tilespmem:$0x43C0] =	vst v0  }
0x1b: {  	[tilespmem:$0x43D0] =	vst v0  }
0x1c: {  	[tilespmem:$0x43E0] =	vst v0  }
0x1d: {  	[tilespmem:$0x43F0] =	vst v0  }
0x1e: {  	[tilespmem:$0x4400] =	vst v0  }
0x1f: {  	[tilespmem:$0x4410] =	vst v0  }
0x20: {  	[tilespmem:$0x4420] =	vst v0  }
0x21: {  	[tilespmem:$0x4430] =	vst v0  }
0x22: {  	[tilespmem:$0x4440] =	vst v0  }
0x23: {  	[tilespmem:$0x4450] =	vst v0  }
0x24: {  	[tilespmem:$0x4460] =	vst v0  }
0x25: {  	[tilespmem:$0x4470] =	vst v0  }
0x26: {  	[tilespmem:$0x4480] =	vst v0  }
0x27: {  	[tilespmem:$0x4490] =	vst v0  }
0x28: {  	[tilespmem:$0x44A0] =	vst v0  }
0x29: {  	[tilespmem:$0x44B0] =	vst v0  }
0x2a: {  	[tilespmem:$0x44C0] =	vst v0  }
0x2b: {  	[tilespmem:$0x44D0] =	vst v0  }
0x2c: {  	[tilespmem:$0x44E0] =	vst v0  }
0x2d: {  	[tilespmem:$0x44F0] =	vst v0  }
0x2e: {  	[tilespmem:$0x4500] =	vst v0  }
0x2f: {  	[tilespmem:$0x4510] =	vst v0  }
0x30: {  	[tilespmem:$0x4520] =	vst v0  }
0x31: {  	[tilespmem:$0x4530] =	vst v0  }
0x32: {  	[tilespmem:$0x4540] =	vst v0  }
0x33: {  	[tilespmem:$0x4550] =	vst v0  }
0x34: {  	[tilespmem:$0x4560] =	vst v0  }
0x35: {  	[tilespmem:$0x4570] =	vst v0  }
0x36: {  	[tilespmem:$0x4280] =	vst v1  }
0x37: {  	[tilespmem:$0x4290] =	vst v1  }
0x38: {  	[tilespmem:$0x42A0] =	vst v1  }
0x39: {  	[tilespmem:$0x42B0] =	vst v1  }
0x3a: {  	[tilespmem:$0x42C0] =	vst v1  }
0x3b: {  	[spmem:s5] =	stream.linear.scatter [tilespmem:s9], [sflag:$0x2], $0x280, $0x38;
	[tilespmem:$0x4580] =	vst v63  }
0x3c: {  	_ =	swait.ge [sflag:s10], $0x280  }
0x3d: {  	[sflag:s10] =	ssyncset.done $0x0  }
0x3e: {  	[sflag:s10] =	ssyncadd.s32 $0xFFFFFD80  }
0x3f: {  	_ =	swait.ge [sflag:s11], $0x3E80  }
0x40: {  	[sflag:s11] =	ssyncset.done $0x0  }
0x41: {  	[sflag:s11] =	ssyncadd.s32 $0xFFFFC180  }
0x42: {  	s15 =	simm.s32 $0x280;
	[bflag:$0x0] =	sbarrier.arrive $0xFFFF  }
0x43: {  	[spmem:s2] =	stream.indirect.scatter.add.f32 [tilespmem:s13], [sflag:$0x2], $0x1, s15, s12, $0xb8;
	[tilespmem:$0x4580] =	vst v63  }
0x44: {  	s15 =	simm.s32 $0x200;
	_ =	swait.ge [sflag:s10], $0x50  }
.LBB2_2:
0x45: {  	s16 =	sshra.s32 s15, $0x2;
	[sflag:s10] =	ssyncset.done $0x0;
	p0 =	sne.s32 s15, $0xF800  }
.Ltmp0:
0x46: {  	s16 =	sadd.s32 $0x280, s16;
	[sflag:s10] =	ssyncadd.s32 $0xFFFFFFB0;
	(pc) =	sbr.rel @p0 .LBB2_2-.Ltmp0, $3  }
0x47: {  	[spmem:s2] =	stream.indirect.scatter.add.f32 [tilespmem:s13], [sflag:$0x2], $0x1, s16, s12, $0xb8;
	[tilespmem:$0x4580] =	vst v63  }
0x48: {  	s15 =	sadd.s32 $0x200, s15;
	_ =	sdelay $0x1  }
0x49: {  	_ =	swait.ge [sflag:s10], $0x50  }
0x4a: {  	[sflag:s10] =	ssyncset.done $0x0  }
0x4b: {  	[sflag:s10] =	ssyncadd.s32 $0xFFFFFFB0  }
0x4c: {  	[bflag:$0x0] =	sbarrier.arrive $0xFFFF  }
0x4d: {  	[tilespmem:s9], [sflag:$0x2] =	stream.linear.gather [spmem:s5], $0x280, $0x38;
	[tilespmem:$0x4580] =	vst v63  }
0x4e: {  	s14 =	sadd.s32 $0x1, s14;
	_ =	swait.ge [sflag:s10], $0x280  }
0x4f: {  	p0 =	sne.s32 s14, s7;
	[sflag:s10] =	ssyncset.done $0x0  }
.Ltmp1:
0x50: {  	[sflag:s10] =	ssyncadd.s32 $0xFFFFFD80;
	(pc) =	sbr.rel @p0 .LBB2_1-.Ltmp1, $4  }
0x51: {  	[hbm4b:s6+s3] =	stream.linear.scatter [tilespmem:s9], [sflag:$0x2], $0x280, $0x38;
	[tilespmem:$0x4580] =	vst v63  }
0x52: {  	_ =	swait.ge [sflag:s10], $0x280  }
0x53: {  	[sflag:s10] =	ssyncset.done $0x0  }
0x54: {  	[sflag:s10] =	ssyncadd.s32 $0xFFFFFD80  }
0x55: {  	_ =	sfence.sel $0x180000  }
0x56: {  	[bflag:$0x0] =	sbarrier.arrive $0xFFFF  }
0x57: {  	p0 =	sne.s32 s0, $0x0;
	_ =	strace $0x90000047  }
0x58: {  	s0 =	sadd.s32 @!p0 $0x100000, s1;
	[bflag:$0x2] =	sbarrier.arrive $0xFFFF  }
0x59: {  	[sflag:s0] =	ssyncadd.tile.s32 @!p0 $0x1;
	_ =	shalt  }
.Lfunc_end2:
_tile_overlayer_lowered:
.L_overlay_start_2:
0x5a: {  	(tag) =	ssettag $0x2  }
0x5b: {  	s0 =	rddreg [dreg:$0x0];
	s2 =	stileid.u32  }
0x5c: {  	s1 =	rddreg [dreg:$0x1];
	p0 =	sne.s32 s2, $0x0  }
0x5d: {  	s3 =	rddreg [dreg:$0x2];
	[bflag:$0x3] =	sbarrier.arrive $0xFFFF;
	s2 =	simm.s32 @!p0 $0x1C02  }
0x5e: {  	[timem:s3], [sflag:s2] =	dma.local @!p0 [hbm:s0], s1  }
0x5f: {  	s0 =	simm.s32 @!p0 $0x2  }
0x60: {  	_ =	swait.ge @!p0 [sflag:s0], s1  }
0x61: {  	s1 =	ssub.s32 @!p0 $0x0, s1;
	[sflag:s0] =	ssyncset.done @!p0 $0x0  }
0x62: {  	[sflag:s0] =	ssyncadd.s32 @!p0 s1  }
0x63: {  	[bflag:$0x3] =	sbarrier.arrive $0xFFFF  }
0x64: {  	_ =	shalt  }

// kernel: kernel.16.cloned.1.call-start
scs
__scs_entry_jumppad:
0x0: {  	(pc) =	sbr.rel $0x88, $3  }
0x1: {  	(tag) =	ssettag $0x0;
	lr =	simm.s32 $0x1  }
0x2: {  	[smem:$0x3F8C] =	sst lr;
	_ =	strace $0xD0000000  }
0x3: {  	_ = 	snop  }
0x4: {  	_ = 	snop  }
0x5: {  	_ = 	snop  }
0x6: {  	_ = 	snop  }
0x7: {  	_ = 	snop  }
__scs_overlays_trampoline_lowered:
0x8: {  	[smem:$0x3F9B] =	sst s0  }
0x9: {  	[smem:$0x3F9C] =	sst s1  }
0xa: {  	[smem:$0x3F9D] =	sst s2  }
0xb: {  	[smem:$0x3F9E] =	sst s3  }
0xc: {  	[smem:$0x3F9F] =	sst s4  }
0xd: {  	[smem:$0x3FA0] =	sst s5  }
0xe: {  	[smem:$0x3FA1] =	sst s6  }
0xf: {  	[smem:$0x3FA2] =	sst s7  }
0x10: {  	[smem:$0x3FA3] =	sst s8  }
0x11: {  	[smem:$0x3FA4] =	sst s9;
	s0 =	simm.s32 @!p0 $0x0  }
0x12: {  	s1 =	sld [smem:$0x3F8A];
	s0 =	simm.s32 @p0 $0x1  }
0x13: {  	[smem:$0x3FA5] =	sst s0;
	s0 =	simm.s32 @!p1 $0x0  }
0x14: {  	s2 =	sld [smem:$0x3F89];
	s0 =	simm.s32 @p1 $0x1  }
0x15: {  	[smem:$0x3FA6] =	sst s0;
	s0 =	simm.s32 @!p2 $0x0  }
0x16: {  	s3 =	sld [smem:$0x3FDB];
	s0 =	simm.s32 @p2 $0x1  }
0x17: {  	s4 =	simm.s32 $0x1BF5;
	[smem:$0x3FA8] =	sst s0  }
0x18: {  	s0 =	sld [smem:$0x3F8B];
	_ =	swait.ge [sflag:s4], $0x0  }
0x19: {  	s7 =	sld [smem:$0x3F8C]  }
0x1a: {  	s8 =	sadd.s32 $0xFFFFE003, lr  }
0x1b: {  	s9 =	sadd.s32 $0xFFFFFEF7, lr;
	s5 =	simm.s32 $0xFFFFFFFF;
	p2 =	slt.u32 s8, $0xFFFFF086  }
0x1c: {  	p1 =	slt.u32 s9, $0xF7A;
	s5 =	simm.s32 @!p2 $0x0  }
0x1d: {  	s5 =	simm.s32 @p1 $0x1;
	p0 =	seq.s32 s7, s2  }
0x1e: {  	s7 =	smul.u32 @!p0 $0xF7A, s2;
	p2 =	seq.s32 @!p0 s5, $0x0  }
0x1f: {  	s9 =	smul.u32 $0xF7A, s1;
	s8 =	simm.s32 @!p0 $0x1BF5;
	p2 =	por !p2, p0  }
0x20: {  	[sflag:s8] =	ssyncset.s32 @!p0 $0xFFFFF086;
	s6 =	sadd.s32 @!p0 s3, s7;
	s7 =	simm.s32 @!p0 $0x108  }
0x21: {  	s3 =	sadd.s32 s3, s9;
	s6 =	sadd.s32 @!p0 $0x88, s6;
	s7 =	simm.s32 @p2 $0x1082  }
0x22: {  	[simem:s7], [sflag:s8] =	dma.local @!p0 [hbm:s6], $0xF7A  }
0x23: {  	s9 =	sor.u32 $0xD0000000, s2;
	s6 =	simm.s32 $0x108;
	_ =	swait.ge @!p0 [sflag:s8], $0x0  }
0x24: {  	s3 =	sadd.s32 $0x88, s3;
	s6 =	simm.s32 @!p1 $0x1082;
	[sflag:s4] =	ssyncset.s32 $0xFFFFF086  }
0x25: {  	[simem:s6], [sflag:s4] =	dma.local [hbm:s3], $0xF7A  }
0x26: {  	[smem:$0x3F8C] =	sst s1;
	(tag) =	ssettag s2;
	_ =	strace s9  }
0x27: {  	s1 =	sld [smem:$0x3F9C]  }
0x28: {  	s2 =	sld [smem:$0x3F9D]  }
0x29: {  	s4 =	sld [smem:$0x3F9F]  }
0x2a: {  	p0 =	seq.s32 s5, $0x0;
	s5 =	sld [smem:$0x3FA0]  }
0x2b: {  	s6 =	sld [smem:$0x3FA1]  }
0x2c: {  	s7 =	sld [smem:$0x3FA2]  }
0x2d: {  	s3 =	simm.s32 $0x108;
	s8 =	sld [smem:$0x3FA3]  }
0x2e: {  	s3 =	simm.s32 @!p0 $0x1082;
	s9 =	sld [smem:$0x3FA4]  }
0x2f: {  	lr =	sadd.s32 s0, s3;
	s0 =	sld [smem:$0x3F9B]  }
0x30: {  	s3 =	sld [smem:$0x3F9E]  }
0x31: {  	[smem:$0x3FA7] =	sst s10  }
0x32: {  	s10 =	sld [smem:$0x3FA5];
	_ =	sdelay $0x3  }
0x33: {  	p0 =	seq.s32 s10, $0x1;
	s10 =	sld [smem:$0x3FA7];
	_ =	sdelay $0x3  }
0x34: {  	[smem:$0x3FA7] =	sst s10  }
0x35: {  	s10 =	sld [smem:$0x3FA6];
	_ =	sdelay $0x3  }
0x36: {  	p1 =	seq.s32 s10, $0x1;
	s10 =	sld [smem:$0x3FA7];
	_ =	sdelay $0x3  }
0x37: {  	[smem:$0x3FA7] =	sst s10  }
0x38: {  	s10 =	sld [smem:$0x3FA8]  }
0x39: {  	_ = 	snop;
	(pc) =	sbr.ind lr, $3  }
0x3a: {  	_ = 	snop  }
0x3b: {  	_ = 	snop  }
0x3c: {  	p2 =	seq.s32 s10, $0x1;
	s10 =	sld [smem:$0x3FA7]  }
0x3d: {  	_ =	shalt  }
0x3e: {  	_ =	shalt  }
0x3f: {  	_ =	shalt  }
0x40: {  	_ =	shalt  }
0x41: {  	_ =	shalt  }
0x42: {  	_ =	shalt  }
0x43: {  	_ =	shalt  }
0x44: {  	_ =	shalt  }
0x45: {  	_ =	shalt  }
0x46: {  	_ =	shalt  }
0x47: {  	_ =	shalt  }
0x48: {  	_ =	shalt  }
0x49: {  	_ =	shalt  }
0x4a: {  	_ =	shalt  }
0x4b: {  	_ =	shalt  }
0x4c: {  	_ =	shalt  }
0x4d: {  	_ =	shalt  }
0x4e: {  	_ =	shalt  }
0x4f: {  	_ =	shalt  }
0x50: {  	_ =	shalt  }
0x51: {  	_ =	shalt  }
0x52: {  	_ =	shalt  }
0x53: {  	_ =	shalt  }
0x54: {  	_ =	shalt  }
0x55: {  	_ =	shalt  }
0x56: {  	_ =	shalt  }
0x57: {  	_ =	shalt  }
0x58: {  	_ =	shalt  }
0x59: {  	_ =	shalt  }
0x5a: {  	_ =	shalt  }
0x5b: {  	_ =	shalt  }
0x5c: {  	_ =	shalt  }
0x5d: {  	_ =	shalt  }
0x5e: {  	_ =	shalt  }
0x5f: {  	_ =	shalt  }
0x60: {  	_ =	shalt  }
0x61: {  	_ =	shalt  }
0x62: {  	_ =	shalt  }
0x63: {  	_ =	shalt  }
0x64: {  	_ =	shalt  }
0x65: {  	_ =	shalt  }
0x66: {  	_ =	shalt  }
0x67: {  	_ =	shalt  }
0x68: {  	_ =	shalt  }
0x69: {  	_ =	shalt  }
0x6a: {  	_ =	shalt  }
0x6b: {  	_ =	shalt  }
0x6c: {  	_ =	shalt  }
0x6d: {  	_ =	shalt  }
0x6e: {  	_ =	shalt  }
0x6f: {  	_ =	shalt  }
0x70: {  	_ =	shalt  }
0x71: {  	_ =	shalt  }
0x72: {  	_ =	shalt  }
0x73: {  	_ =	shalt  }
0x74: {  	_ =	shalt  }
0x75: {  	_ =	shalt  }
0x76: {  	_ =	shalt  }
0x77: {  	_ =	shalt  }
0x78: {  	_ =	shalt  }
0x79: {  	_ =	shalt  }
0x7a: {  	_ =	shalt  }
0x7b: {  	_ =	shalt  }
0x7c: {  	_ =	shalt  }
0x7d: {  	_ =	shalt  }
0x7e: {  	_ =	shalt  }
0x7f: {  	_ =	shalt  }
0x80: {  	_ =	shalt  }
0x81: {  	_ =	shalt  }
0x82: {  	_ =	shalt  }
0x83: {  	_ =	shalt  }
0x84: {  	_ =	shalt  }
0x85: {  	_ =	shalt  }
0x86: {  	_ =	shalt  }
0x87: {  	_ =	shalt  }
.Lfunc_end0:
.L_simem_size_0:
called_computation.1_lowered:
.L_overlay_start_0:
0x88: {  	s2 =	sld [smem:$0x3FD9]  }
0x89: {  	s3 =	sld [smem:$0x3FFE];
	_ =	sdelay $0x1  }
0x8a: {  	s1 =	srdreg.scid  }
0x8b: {  	s0 =	sand.u32 $0x1, s1  }
0x8c: {  	s16 =	sshll.u32 s0, $0xA;
	s2 =	sadd.s32 s3, s2  }
0x8d: {  	s2 =	sadd.s32 s2, s16  }
0x8e: {  	[smem:$0x3FB3] =	sst s2  }
0x8f: {  	_ = 	snop  }
0x90: {  	(tm) =	ssettm $0x1  }
0x91: {  	s17 =	sld [smem:$0x3FFB];
	_ =	sdelay $0x3  }
0x92: {  	_ =	strace s17  }
0x93: {  	s2 =	sld [smem:$0x3FFC];
	_ =	sdelay $0x3  }
0x94: {  	_ =	strace s2  }
0x95: {  	s2 =	sld [smem:$0x3FFD];
	_ =	sdelay $0x3  }
0x96: {  	_ =	strace s2  }
0x97: {  	_ =	strace $0x8FFFFFFF  }
0x98: {  	s18 =	sld [smem:$0x3FDB];
	_ =	sdelay $0x1  }
0x99: {  	s19 =	simm.s32 $_scs_section_size  }
0x9a: {  	s4 =	simm.s32 $_size__tile_overlayer_lowered;
	s5 =	simm.s32 $_tile_overlayer_lowered  }
0x9b: {  	s22 =	simm.s32 $0x1BFF;
	s21 =	sshll.u32 s5, $0x1;
	s2 =	sadd.s32 s19, s18  }
0x9c: {  	s6 =	simm.s32 $0x0;
	s20 =	sshll.u32 s4, $0x1;
	s4 =	sadd.s32 s21, s2  }
0x9d: {  	[timem:s6], [sflag:s22] =	dma.local [hbm:s4], s20  }
0x9e: {  	_ =	swait.ge [sflag:s22], s20  }
0x9f: {  	s3 =	ssub.s32 $0x0, s20;
	[sflag:s22] =	ssyncset.done $0x0  }
0xa0: {  	[sflag:s22] =	ssyncadd.s32 s3;
	_ =	sdelay $0x1  }
0xa1: {  	s23 =	simm.s32 $0x1B8B  }
0xa2: {  	_ =	swait.ge [sflag:s23], $0x1  }
0xa3: {  	[sflag:s23] =	ssyncset.done $0x0  }
0xa4: {  	s25 =	simm.s32 $0x1B8E;
	s24 =	sld [smem:$0x3FFE];
	[sflag:s23] =	ssyncadd.s32 $0xFFFFFFFF  }
0xa5: {  	s26 =	simm.s32 $execute0_lowered;
	[smem:$0x3FD2] =	sst s25  }
0xa6: {  	s4 =	sshll.u32 s26, $0x1;
	_ =	strace $0x80000049;
	[dreg:$0x1] =	wrdreg $0xFFFFFFFF  }
0xa7: {  	s28 =	simm.s32 $_size_execute0_lowered;
	s2 =	sadd.s32 s2, s4;
	[dreg:$0x0] =	wrdreg $0x0  }
0xa8: {  	s4 =	sshll.u32 s28, $0x1;
	[dreg:$0x2] =	wrdreg s2  }
0xa9: {  	[dreg:$0x3] =	wrdreg s4  }
0xaa: {  	[dreg:$0x4] =	wrdreg $0xC0  }
0xab: {  	_ =	task [dreg:s6], $0x5FFFF  }
0xac: {  	[dreg:$0x1] =	wrdreg $0xFFFFFFFF  }
0xad: {  	[dreg:$0x0] =	wrdreg $0x60  }
0xae: {  	[dreg:$0x2] =	wrdreg s24  }
0xaf: {  	[dreg:$0x3] =	wrdreg $0x0  }
0xb0: {  	[dreg:$0x4] =	wrdreg $0x9  }
0xb1: {  	_ =	task.clear_ibuf [dreg:s6], $0x5FFFF;
	_ =	strace $0x90000049  }
0xb2: {  	s29 =	simm.s32 $0x9;
	_ =	strace $0x8000004B  }
0xb3: {  	_ =	swait.ge [sflag:s29], $0x1  }
0xb4: {  	[sflag:s29] =	ssyncadd.s32 $0xFFFFFFFF  }
0xb5: {  	_ =	strace $0x9000004B  }
0xb6: {  	_ =	sfence  }
0xb7: {  	s30 =	sld [smem:$0x0];
	_ =	sdelay $0x2  }
0xb8: {  	s31 =	sshll.u32 s1, $0xD;
	s1 =	sshrl.u32 s1, $0x2  }
0xb9: {  	s3 =	sand.u32 $0x4000, s31;
	s1 =	sadd.s32 s1, s30  }
0xba: {  	s0 =	sor.u32 s3, s0;
	s1 =	sshll.u32 s1, $0x11  }
0xbb: {  	s0 =	sor.u32 s1, s0  }
0xbc: {  	s0 =	sadd.s32 $0x8F2B, s0  }
0xbd: {  	[sflag:s0] =	ssyncadd.remote.s32 $0x1  }
0xbe: {  	_ =	sfence.sel $0xFFFF  }
0xbf: {  	[dreg:$0x0] =	wrdreg $0xFFFFFFFF;
	(pc) =	sbr.abs _section_cstart, $3  }
0xc0: {  	[dreg:$0x1] =	wrdreg $0xFFFFFFFF  }
0xc1: {  	_ =	task.clear_ibuf [dreg:s6], $0x2FFFF;
	_ =	strace $0x9FFFFFFF  }
0xc2: {  	(tm) =	ssettm $0x7FFFFFFF  }
0xc3: {  	_ =	shalt  }
tec
execute0_lowered:
.L_overlay_start_1:
0x0: {  	(tag) =	ssettag $0x1  }
0x1: {  	s0 =	rddreg [dreg:$0x0]  }
0x2: {  	s1 =	rddreg [dreg:$0x1]  }
0x3: {  	s2 =	simm.s32 $0x0;
	s3 =	srdreg.scid;
	s12 =	stileid.u32  }
0x4: {  	s19 =	simm.s32 $0x1E200;
	s29 =	simm.s32 $0x14180;
	s30 =	simm.s32 $0x1  }
0x5: {  	s31 =	simm.s32 $0x3;
	s28 =	simm.s32 $0x16A00;
	[smem:$0x7FF] =	sst s2  }
0x6: {  	s3 =	sand.u32 $0x1, s3;
	s4 =	sadd.s32 $0x9DE600, s0;
	s8 =	smul.u32 $0x14000, s12  }
0x7: {  	s9 =	sshll.u32 s12, $0x1;
	s5 =	sadd.s32 $0x4FC600, s0;
	s12 =	smul.u32 $0x50000, s12  }
0x8: {  	s6 =	sadd.s32 $0x5C00, s0;
	s7 =	smul.u32 $0x140000, s3;
	s10 =	sor.u32 s3, s9  }
0x9: {  	_ =	strace $0x8000004A;
	s3 =	ssub.s32 $0x2, s3;
	s13 =	smul.u32 $0x27100, s10  }
0xa: {  	s11 =	sshrl.u32 s3, $0x1;
	s21 =	sshrl.u32 s12, $0x2;
	s12 =	smul.u32 $0x7D, s10  }
0xb: {  	s8 =	sadd.s32 s8, s7;
	s7 =	smul.u32 $0x2710, s10;
	s3 =	ssub.s32 s3, s11  }
0xc: {  	s9 =	sadd.s32 s21, s1;
	s21 =	simm.s32 $0x14000;
	s20 =	sshrl.u32 s8, $0x3  }
0xd: {  	s8 =	sadd.s32 $0xFA00, s0;
	s25 =	sadd.s32 s5, s13;
	s3 =	smax.u32 s3, $0x1  }
0xe: {  	s0 =	sadd.s32 s20, s0;
	s22 =	sshrl.u32 s7, $0x3;
	[dreg:$0x5] =	wrdreg s25  }
0xf: {  	s16 =	sadd.s32 $0xF0, s7;
	[dreg:$0x8] =	wrdreg s3;
	s20 =	simm.s32 $0x7  }
0x10: {  	s25 =	simm.s32 $0x14200;
	s3 =	simm.s32 $0x4;
	s23 =	sadd.s32 s6, s22  }
0x11: {  	s24 =	sadd.s32 s8, s22;
	s26 =	sadd.s32 $0xA, s22;
	s18 =	sadd.s32 $0xA06600, s0  }
0x12: {  	s22 =	simm.s32 $0x5;
	s0 =	simm.s32 $0x2;
	[dreg:$0x3] =	wrdreg s23  }
0x13: {  	[dreg:$0x4] =	wrdreg s24;
	s11 =	sadd.s32 s6, s26;
	s10 =	sadd.s32 s8, s26  }
0x14: {  	s23 =	simm.s32 $0x14100;
	s24 =	simm.s32 $0x50;
	[dreg:$0x6] =	wrdreg s11  }
0x15: {  	v0 =	vimm.f32 $0.0e+00;
	s26 =	simm.s32 $0x19200;
	[dreg:$0x7] =	wrdreg s10;
	s11 =	simm.s32 $0x0  }
.LBB2_1:
0x16: {  	[dreg:$0x9] =	wrdreg s11;
	s11 =	simm.s32 $0x0;
	s13 =	simm.s32 $0x200  }
.LBB2_2:
0x17: {  	p0 =	sne.s32 s13, $0x1E00;
	[tilespmem:s11+$0x1E270] =	vst v0  }
0x18: {  	[tilespmem:s11+$0x1E200] =	vst v0  }
0x19: {  	[tilespmem:s11+$0x1E210] =	vst v0  }
.Ltmp0:
0x1a: {  	[tilespmem:s11+$0x1E220] =	vst v0;
	(pc) =	sbr.rel @p0 .LBB2_2-.Ltmp0, $4  }
0x1b: {  	[tilespmem:s11+$0x1E230] =	vst v0  }
0x1c: {  	[tilespmem:s11+$0x1E240] =	vst v0  }
0x1d: {  	[tilespmem:s11+$0x1E250] =	vst v0  }
0x1e: {  	[tilespmem:s11+$0x1E260] =	vst v0;
	s11 =	sshra.s32 s13, $0x2;
	s13 =	sadd.s32 $0x200, s13  }
0x1f: {  	[tilespmem:s11+$0x1E270] =	vst v0  }
0x20: {  	[tilespmem:s11+$0x1E200] =	vst v0  }
0x21: {  	[tilespmem:s11+$0x1E210] =	vst v0  }
0x22: {  	[tilespmem:s11+$0x1E220] =	vst v0  }
0x23: {  	[tilespmem:s11+$0x1E230] =	vst v0  }
0x24: {  	[tilespmem:s11+$0x1E240] =	vst v0  }
0x25: {  	[tilespmem:s11+$0x1E250] =	vst v0  }
0x26: {  	[tilespmem:s11+$0x1E260] =	vst v0;
	s17 =	sadd.s32 $0x0, s9  }
0x27: {  	[spmem:s17] =	stream.linear.scatter [tilespmem:s19], [sflag:$0x7], $0x800, $0x38;
	[tilespmem:$0x1EA00] =	vst v63  }
0x28: {  	s11 =	simm.s32 $0x2000;
	_ =	swait.ge [sflag:s20], $0x800  }
.LBB2_4:
0x29: {  	s13 =	sshra.s32 s11, $0x2;
	[sflag:s20] =	ssyncset.done $0x0;
	p0 =	sne.s32 s11, $0x4E000  }
.Ltmp1:
0x2a: {  	s13 =	sadd.s32 s13, s9;
	[sflag:s20] =	ssyncadd.s32 $0xFFFFF800;
	(pc) =	sbr.rel @p0 .LBB2_4-.Ltmp1, $3  }
0x2b: {  	[spmem:s13] =	stream.linear.scatter [tilespmem:s19], [sflag:$0x7], $0x800, $0x38;
	[tilespmem:$0x1EA00] =	vst v63  }
0x2c: {  	s11 =	sadd.s32 $0x2000, s11;
	_ =	sdelay $0x1  }
0x2d: {  	_ =	swait.ge [sflag:s20], $0x800  }
0x2e: {  	[sflag:s20] =	ssyncset.done $0x0  }
0x2f: {  	[sflag:s20] =	ssyncadd.s32 $0xFFFFF800  }
0x30: {  	[bflag:$0x0] =	sbarrier.arrive $0xFFFF  }
0x31: {  	s11 =	simm.s32 $0x0;
	s10 =	rddreg [dreg:$0x3]  }
0x32: {  	[tilespmem:s21], [sflag:$0x5] =	stream.linear.gather [hbm4b:s10+s11], $0x50, $0x38;
	[tilespmem:$0x1EA00] =	vst v63  }
0x33: {  	_ =	swait.ge [sflag:s22], $0x50  }
0x34: {  	[sflag:s22] =	ssyncset.done $0x0  }
0x35: {  	s13 =	rddreg [dreg:$0x4];
	[sflag:s22] =	ssyncadd.s32 $0xFFFFFFB0  }
0x36: {  	[tilespmem:s23], [sflag:$0x5] =	stream.linear.gather [hbm4b:s13+s11], $0x50, $0x38;
	[tilespmem:$0x1EA00] =	vst v63  }
0x37: {  	_ =	swait.ge [sflag:s22], $0x50  }
0x38: {  	[sflag:s22] =	ssyncset.done $0x0  }
0x39: {  	[sflag:s22] =	ssyncadd.s32 $0xFFFFFFB0  }
0x3a: {  	[tilespmem:s25], [sflag:$0x1] =	stream.indirect.gather [hbm4b:s4+s24], $0x80, s21, s24, $0xb8;
	[tilespmem:$0x1EA00] =	vst v63  }
0x3b: {  	s14 =	rddreg [dreg:$0x5]  }
0x3c: {  	[tilespmem:s26], [sflag:$0x3] =	stream.linear.gather [hbm4b:s14+s11], $0x2800, $0x38;
	[tilespmem:$0x1EA00] =	vst v63  }
.Ltmp2:
0x3d: {  	_ = 	snop;
	(pc) =	sbr.rel .LBB2_6-.Ltmp2, $4  }
0x3e: {  	s13 =	simm.s32 $0x14080;
	s15 =	rddreg [dreg:$0x6]  }
0x3f: {  	[tilespmem:s13], [sflag:$0x6] =	stream.linear.gather [hbm4b:s15+s11], $0x50, $0x38;
	[tilespmem:$0x1EA00] =	vst v63  }
0x40: {  	s17 =	rddreg [dreg:$0x7]  }
0x41: {  	[tilespmem:s29], [sflag:$0x6] =	stream.linear.gather [hbm4b:s17+s11], $0x50, $0x38;
	[tilespmem:$0x1EA00] =	vst v63  }
.LBB2_12:
0x42: {  	s11 =	sadd.s32 $0x1, s11  }
0x43: {  	p0 =	sne.s32 s11, $0x3F  }
.Ltmp3:
0x44: {  	_ = 	snop;
	(pc) =	sbr.rel @!p0 .LBB2_13-.Ltmp3, $1  }
0x45: {  	_ =	sdelay $0x3  }
.LBB2_6:
0x46: {  	_ =	swait.ge [sflag:s30], $0x2800  }
0x47: {  	[sflag:s30] =	ssyncset.done $0x0  }
0x48: {  	[sflag:s30] =	ssyncadd.s32 $0xFFFFD800  }
0x49: {  	s13 =	sshllo.u32 s11, $0x1;
	_ =	swait.ge [sflag:s31], $0x2800  }
0x4a: {  	p0 =	sgt.u32 s13, $0x7C;
	[sflag:s31] =	ssyncset.done $0x0  }
0x4b: {  	s14 =	simm.s32 @!p0 $0x6;
	[sflag:s31] =	ssyncadd.s32 $0xFFFFD800  }
0x4c: {  	_ =	swait.ge @!p0 [sflag:s14], $0x50  }
0x4d: {  	[sflag:s14] =	ssyncset.done @!p0 $0x0  }
0x4e: {  	[sflag:s14] =	ssyncadd.s32 @!p0 $0xFFFFFFB0  }
0x4f: {  	s13 =	sadd.s32 @!p0 s12, s13;
	_ =	swait.ge @!p0 [sflag:s14], $0x50  }
0x50: {  	s15 =	simm.s32 @!p0 $0x14080;
	s17 =	simm.s32 @!p0 $0x16A00;
	[sflag:s14] =	ssyncset.done @!p0 $0x0  }
0x51: {  	s13 =	smul.u32 @!p0 $0x500, s13;
	[sflag:s14] =	ssyncadd.s32 @!p0 $0xFFFFFFB0;
	s14 =	simm.s32 @!p0 $0x50  }
0x52: {  	[tilespmem:s17], [sflag:$0x2] =	stream.indirect.gather @!p0 [hbm4b:s4+s14], $0x80, s15, s14, $0xb8;
	[tilespmem:$0x1EA00] =	vst v63  }
0x53: {  	s13 =	sadd.s32 @!p0 s5, s13;
	s14 =	simm.s32 @!p0 $0x0;
	s15 =	simm.s32 @!p0 $0x1BA00  }
0x54: {  	[tilespmem:s15], [sflag:$0x4] =	stream.linear.gather @!p0 [hbm4b:s13+s14], $0x2800, $0x38;
	[tilespmem:$0x1EA00] =	vst v63  }
0x55: {  	s13 =	simm.s32 $0x0  }
0x56: {  	v5 =	vld [tilespmem:s13+$0x19200]  }
0x57: {  	v3 =	vld [tilespmem:s13+$0x19210]  }
0x58: {  	v2 =	vld [tilespmem:s13+$0x19220]  }
0x59: {  	v1 =	vld [tilespmem:s13+$0x19230]  }
0x5a: {  	v9 =	vld [tilespmem:s13+$0x14200]  }
0x5b: {  	v8 =	vld [tilespmem:s13+$0x14210]  }
0x5c: {  	v7 =	vld [tilespmem:s13+$0x14220]  }
0x5d: {  	v6 =	vld [tilespmem:s13+$0x14230]  }
0x5e: {  	v4 =	vld [tilespmem:s13+$0x14240];
	v11 =	vshll.u32 v5, $0x10  }
0x5f: {  	s14 =	sshll.u32 s11, $0x1;
	s15 =	simm.s32 $0x200;
	v10 =	vand.u32 $0xFFFF0000, v5;
	v5 =	vld [tilespmem:s13+$0x14250];
	v9 =	vmul.f32 v11, v9  }
.LBB2_7:
0x60: {  	p1 =	sne.s32 s15, $0x9E00;
	v8 =	vmul.f32 v10, v8;
	v10 =	vshll.u32 v3, $0x10;
	v11 =	vld [tilespmem:s13+$0x14260]  }
0x61: {  	s17 =	sshra.s32 s15, $0x2;
	v3 =	vand.u32 $0xFFFF0000, v3;
	[tilespmem:s13+$0x14200] =	vst v9;
	v7 =	vmul.f32 v10, v7;
	v9 =	vld [tilespmem:s13+$0x14270]  }
0x62: {  	v10 =	vld [tilespmem:s17+$0x19200];
	[tilespmem:s13+$0x14210] =	vst v8;
	v6 =	vmul.f32 v3, v6;
	v8 =	vshll.u32 v2, $0x10  }
0x63: {  	v3 =	vld [tilespmem:s17+$0x19210];
	[tilespmem:s13+$0x14220] =	vst v7;
	v7 =	vand.u32 $0xFFFF0000, v2;
	v4 =	vmul.f32 v8, v4  }
0x64: {  	v2 =	vld [tilespmem:s17+$0x19220];
	[tilespmem:s13+$0x14230] =	vst v6;
	v5 =	vmul.f32 v7, v5;
	v6 =	vshll.u32 v1, $0x10  }
0x65: {  	[tilespmem:s13+$0x14240] =	vst v4;
	v4 =	vand.u32 $0xFFFF0000, v1;
	v1 =	vld [tilespmem:s17+$0x19230];
	v6 =	vmul.f32 v6, v11  }
0x66: {  	v11 =	vld [tilespmem:s17+$0x14200];
	[tilespmem:s13+$0x14250] =	vst v5;
	v4 =	vmul.f32 v4, v9  }
.Ltmp4:
0x67: {  	v8 =	vld [tilespmem:s17+$0x14210];
	[tilespmem:s13+$0x14260] =	vst v6;
	(pc) =	sbr.rel @p1 .LBB2_7-.Ltmp4, $4  }
0x68: {  	v7 =	vld [tilespmem:s17+$0x14220];
	[tilespmem:s13+$0x14270] =	vst v4;
	s13 =	smov.u32 s17  }
0x69: {  	v6 =	vld [tilespmem:s13+$0x14230]  }
0x6a: {  	v5 =	vshll.u32 v10, $0x10;
	v4 =	vld [tilespmem:s13+$0x14240]  }
0x6b: {  	s15 =	sadd.s32 $0x200, s15;
	v10 =	vand.u32 $0xFFFF0000, v10;
	v9 =	vmul.f32 v5, v11;
	v5 =	vld [tilespmem:s13+$0x14250]  }
0x6c: {  	v11 =	vld [tilespmem:s13+$0x14260];
	v8 =	vmul.f32 v10, v8;
	v61 =	vshll.u32 v3, $0x10  }
0x6d: {  	v3 =	vand.u32 $0xFFFF0000, v3;
	v62 =	vld [tilespmem:s13+$0x14270];
	[tilespmem:s13+$0x14200] =	vst v9;
	v7 =	vmul.f32 v61, v7  }
0x6e: {  	v63 =	vshll.u32 v2, $0x10;
	[tilespmem:s13+$0x14210] =	vst v8;
	v3 =	vmul.f32 v3, v6  }
0x6f: {  	v2 =	vand.u32 $0xFFFF0000, v2;
	[tilespmem:s13+$0x14220] =	vst v7;
	v4 =	vmul.f32 v63, v4  }
0x70: {  	[tilespmem:s13+$0x14230] =	vst v3;
	v2 =	vmul.f32 v2, v5;
	v3 =	vshll.u32 v1, $0x10  }
0x71: {  	v1 =	vand.u32 $0xFFFF0000, v1;
	[tilespmem:s13+$0x14240] =	vst v4;
	v3 =	vmul.f32 v3, v11  }
0x72: {  	v1 =	vmul.f32 v1, v62;
	[tilespmem:s13+$0x14250] =	vst v2  }
0x73: {  	[tilespmem:s13+$0x14260] =	vst v3  }
0x74: {  	p1 =	seq.s32 s11, $0x3E;
	[tilespmem:s13+$0x14270] =	vst v1;
	s13 =	sadd.s32 $0x2, s14  }
0x75: {  	s14 =	smul.u32 @!p1 $0x50, s13  }
0x76: {  	[spmem:s1] =	stream.indirect.scatter.add.f32 [tilespmem:s25], [sflag:$0x7], $0x80, s23, s24, $0xb8;
	[tilespmem:$0x1EA00] =	vst v63  }
0x77: {  	s17 =	simm.s32 @!p1 $0x0;
	_ =	swait.ge [sflag:s20], $0x2800;
	s14 =	sadd.s32 @!p1 s7, s14  }
.Ltmp5:
0x78: {  	[sflag:s20] =	ssyncset.done $0x0;
	s14 =	sshrl.u32 @!p1 s14, $0x3;
	(pc) =	sbr.rel @p0 .LBB2_12-.Ltmp5, $4  }
0x79: {  	s10 =	simm.s32 @!p1 $0x14000;
	[sflag:s20] =	ssyncadd.s32 $0xFFFFD800;
	s15 =	sadd.s32 @!p1 s6, s14  }
0x7a: {  	[tilespmem:s10], [sflag:$0x5] =	stream.linear.gather @!p1 [hbm4b:s15+s17], $0x50, $0x38;
	[tilespmem:$0x1EA00] =	vst v63  }
0x7b: {  	s10 =	sadd.s32 @!p1 s8, s14;
	s14 =	simm.s32 @!p1 $0x14100  }
0x7c: {  	[tilespmem:s14], [sflag:$0x5] =	stream.linear.gather @!p1 [hbm4b:s10+s17], $0x50, $0x38;
	[tilespmem:$0x1EA00] =	vst v63  }
0x7d: {  	_ =	swait.ge [sflag:s0], $0x2800  }
0x7e: {  	[sflag:s0] =	ssyncset.done $0x0  }
0x7f: {  	[sflag:s0] =	ssyncadd.s32 $0xFFFFD800  }
0x80: {  	_ =	swait.ge [sflag:s3], $0x2800  }
0x81: {  	[sflag:s3] =	ssyncset.done $0x0  }
0x82: {  	[sflag:s3] =	ssyncadd.s32 $0xFFFFD800  }
0x83: {  	_ =	swait.ge [sflag:s22], $0x50  }
0x84: {  	[sflag:s22] =	ssyncset.done $0x0  }
0x85: {  	[sflag:s22] =	ssyncadd.s32 $0xFFFFFFB0  }
0x86: {  	_ =	swait.ge [sflag:s22], $0x50  }
0x87: {  	s10 =	sadd.s32 s12, s13;
	[sflag:s22] =	ssyncset.done $0x0  }
0x88: {  	s10 =	smul.u32 $0x500, s10;
	[sflag:s22] =	ssyncadd.s32 $0xFFFFFFB0  }
0x89: {  	[tilespmem:s25], [sflag:$0x1] =	stream.indirect.gather [hbm4b:s4+s24], $0x80, s21, s24, $0xb8;
	[tilespmem:$0x1EA00] =	vst v63  }
0x8a: {  	s17 =	simm.s32 $0x0;
	s13 =	simm.s32 $0x0;
	s10 =	sadd.s32 s5, s10  }
0x8b: {  	[tilespmem:s26], [sflag:$0x3] =	stream.linear.gather [hbm4b:s10+s17], $0x2800, $0x38;
	[tilespmem:$0x1EA00] =	vst v63  }
0x8c: {  	v5 =	vld [tilespmem:s13+$0x1BA00]  }
0x8d: {  	v3 =	vld [tilespmem:s13+$0x1BA10]  }
0x8e: {  	v2 =	vld [tilespmem:s13+$0x1BA20]  }
0x8f: {  	v1 =	vld [tilespmem:s13+$0x1BA30]  }
0x90: {  	v9 =	vld [tilespmem:s13+$0x16A00]  }
0x91: {  	v8 =	vld [tilespmem:s13+$0x16A10]  }
0x92: {  	v7 =	vld [tilespmem:s13+$0x16A20]  }
0x93: {  	v6 =	vld [tilespmem:s13+$0x16A30]  }
0x94: {  	v4 =	vld [tilespmem:s13+$0x16A40];
	v11 =	vshll.u32 v5, $0x10  }
0x95: {  	s14 =	simm.s32 $0x200;
	v10 =	vand.u32 $0xFFFF0000, v5;
	v5 =	vld [tilespmem:s13+$0x16A50];
	v9 =	vmul.f32 v11, v9  }
.LBB2_10:
0x96: {  	p0 =	sne.s32 s14, $0x9E00;
	v8 =	vmul.f32 v10, v8;
	v10 =	vshll.u32 v3, $0x10;
	v11 =	vld [tilespmem:s13+$0x16A60]  }
0x97: {  	s10 =	sshra.s32 s14, $0x2;
	v3 =	vand.u32 $0xFFFF0000, v3;
	[tilespmem:s13+$0x16A00] =	vst v9;
	v7 =	vmul.f32 v10, v7;
	v9 =	vld [tilespmem:s13+$0x16A70]  }
0x98: {  	v10 =	vld [tilespmem:s10+$0x1BA00];
	[tilespmem:s13+$0x16A10] =	vst v8;
	v6 =	vmul.f32 v3, v6;
	v8 =	vshll.u32 v2, $0x10  }
0x99: {  	v3 =	vld [tilespmem:s10+$0x1BA10];
	[tilespmem:s13+$0x16A20] =	vst v7;
	v7 =	vand.u32 $0xFFFF0000, v2;
	v4 =	vmul.f32 v8, v4  }
0x9a: {  	v2 =	vld [tilespmem:s10+$0x1BA20];
	[tilespmem:s13+$0x16A30] =	vst v6;
	v5 =	vmul.f32 v7, v5;
	v6 =	vshll.u32 v1, $0x10  }
0x9b: {  	[tilespmem:s13+$0x16A40] =	vst v4;
	v4 =	vand.u32 $0xFFFF0000, v1;
	v1 =	vld [tilespmem:s10+$0x1BA30];
	v6 =	vmul.f32 v6, v11  }
0x9c: {  	v11 =	vld [tilespmem:s10+$0x16A00];
	[tilespmem:s13+$0x16A50] =	vst v5;
	v4 =	vmul.f32 v4, v9  }
.Ltmp6:
0x9d: {  	v8 =	vld [tilespmem:s10+$0x16A10];
	[tilespmem:s13+$0x16A60] =	vst v6;
	(pc) =	sbr.rel @p0 .LBB2_10-.Ltmp6, $4  }
0x9e: {  	v7 =	vld [tilespmem:s10+$0x16A20];
	[tilespmem:s13+$0x16A70] =	vst v4;
	s13 =	smov.u32 s10  }
0x9f: {  	v6 =	vld [tilespmem:s13+$0x16A30]  }
0xa0: {  	v5 =	vshll.u32 v10, $0x10;
	v4 =	vld [tilespmem:s13+$0x16A40]  }
0xa1: {  	s14 =	sadd.s32 $0x200, s14;
	v10 =	vand.u32 $0xFFFF0000, v10;
	v9 =	vmul.f32 v5, v11;
	v5 =	vld [tilespmem:s13+$0x16A50]  }
0xa2: {  	v11 =	vld [tilespmem:s13+$0x16A60];
	v8 =	vmul.f32 v10, v8;
	v61 =	vshll.u32 v3, $0x10  }
0xa3: {  	v3 =	vand.u32 $0xFFFF0000, v3;
	v62 =	vld [tilespmem:s13+$0x16A70];
	[tilespmem:s13+$0x16A00] =	vst v9;
	v7 =	vmul.f32 v61, v7  }
0xa4: {  	v63 =	vshll.u32 v2, $0x10;
	[tilespmem:s13+$0x16A10] =	vst v8;
	v3 =	vmul.f32 v3, v6  }
0xa5: {  	v2 =	vand.u32 $0xFFFF0000, v2;
	[tilespmem:s13+$0x16A20] =	vst v7;
	v4 =	vmul.f32 v63, v4  }
0xa6: {  	[tilespmem:s13+$0x16A30] =	vst v3;
	v2 =	vmul.f32 v2, v5;
	v3 =	vshll.u32 v1, $0x10  }
0xa7: {  	v1 =	vand.u32 $0xFFFF0000, v1;
	[tilespmem:s13+$0x16A40] =	vst v4;
	v3 =	vmul.f32 v3, v11  }
0xa8: {  	v1 =	vmul.f32 v1, v62;
	[tilespmem:s13+$0x16A50] =	vst v2  }
0xa9: {  	p0 =	sgt.u32 s11, $0x3C;
	[tilespmem:s13+$0x16A60] =	vst v3  }
0xaa: {  	s10 =	smul.u32 @!p0 $0xA0, s11;
	[tilespmem:s13+$0x16A70] =	vst v1  }
0xab: {  	[spmem:s1] =	stream.indirect.scatter.add.f32 [tilespmem:s28], [sflag:$0x7], $0x80, s29, s24, $0xb8;
	[tilespmem:$0x1EA00] =	vst v63  }
0xac: {  	s14 =	simm.s32 @!p0 $0x0;
	s10 =	sadd.s32 @!p0 s10, s16;
	_ =	swait.ge [sflag:s20], $0x2800  }
.Ltmp7:
0xad: {  	s10 =	sshrl.u32 @!p0 s10, $0x3;
	[sflag:s20] =	ssyncset.done $0x0;
	(pc) =	sbr.rel .LBB2_12-.Ltmp7, $4  }
0xae: {  	s15 =	simm.s32 @!p0 $0x14080;
	s13 =	sadd.s32 @!p0 s6, s10;
	[sflag:s20] =	ssyncadd.s32 $0xFFFFD800  }
0xaf: {  	[tilespmem:s15], [sflag:$0x6] =	stream.linear.gather @!p0 [hbm4b:s13+s14], $0x50, $0x38;
	[tilespmem:$0x1EA00] =	vst v63  }
0xb0: {  	s10 =	sadd.s32 @!p0 s8, s10;
	s13 =	simm.s32 @!p0 $0x14180  }
0xb1: {  	[tilespmem:s13], [sflag:$0x6] =	stream.linear.gather @!p0 [hbm4b:s10+s14], $0x50, $0x38;
	[tilespmem:$0x1EA00] =	vst v63  }
.LBB2_13:
0xb2: {  	[bflag:$0x0] =	sbarrier.arrive $0xFFFF  }
0xb3: {  	[tilespmem:s19], [sflag:$0x7] =	stream.linear.gather [spmem:s9], $0x800, $0x38;
	[tilespmem:$0x1EA00] =	vst v63  }
0xb4: {  	_ =	swait.ge [sflag:s20], $0x800  }
0xb5: {  	[sflag:s20] =	ssyncset.done $0x0  }
0xb6: {  	s10 =	sadd.s32 $0x0, s18;
	[sflag:s20] =	ssyncadd.s32 $0xFFFFF800  }
0xb7: {  	[hbm4b:s10+s2] =	stream.linear.scatter [tilespmem:s19], [sflag:$0x7], $0x800, $0x38;
	[tilespmem:$0x1EA00] =	vst v63  }
0xb8: {  	_ =	swait.ge [sflag:s20], $0x800  }
0xb9: {  	s11 =	simm.s32 $0x100;
	s13 =	smov.u32 s9;
	[sflag:s20] =	ssyncset.done $0x0  }
.LBB2_14:
0xba: {  	p0 =	sne.s32 s11, $0x2700;
	[sflag:s20] =	ssyncadd.s32 $0xFFFFF800;
	s13 =	sadd.s32 $0x800, s13  }
0xbb: {  	[tilespmem:s19], [sflag:$0x7] =	stream.linear.gather [spmem:s13], $0x800, $0x38;
	[tilespmem:$0x1EA00] =	vst v63  }
0xbc: {  	s10 =	smov.u32 s11;
	s11 =	sadd.s32 $0x100, s11;
	_ =	swait.ge [sflag:s20], $0x800  }
.Ltmp8:
0xbd: {  	[sflag:s20] =	ssyncset.done $0x0;
	(pc) =	sbr.rel @p0 .LBB2_14-.Ltmp8, $4  }
0xbe: {  	s10 =	sadd.s32 s10, s18;
	[sflag:s20] =	ssyncadd.s32 $0xFFFFF800  }
0xbf: {  	[hbm4b:s10+s2] =	stream.linear.scatter [tilespmem:s19], [sflag:$0x7], $0x800, $0x38;
	[tilespmem:$0x1EA00] =	vst v63  }
0xc0: {  	_ =	swait.ge [sflag:s20], $0x800  }
0xc1: {  	[sflag:s20] =	ssyncset.done $0x0  }
0xc2: {  	s11 =	rddreg [dreg:$0x9]  }
0xc3: {  	s10 =	rddreg [dreg:$0x8];
	s11 =	sadd.s32 $0x1, s11  }
0xc4: {  	p0 =	sne.s32 s11, s10  }
.Ltmp9:
0xc5: {  	_ = 	snop;
	(pc) =	sbr.rel @p0 .LBB2_1-.Ltmp9, $2  }
0xc6: {  	_ =	sdelay $0x2  }
0xc7: {  	[sflag:s20] =	ssyncadd.s32 $0xFFFFF800  }
0xc8: {  	_ =	sfence.sel $0x180000  }
0xc9: {  	[bflag:$0x0] =	sbarrier.arrive $0xFFFF  }
0xca: {  	_ =	strace $0x9000004A  }
0xcb: {  	s0 =	stileid.u32;
	[bflag:$0x2] =	sbarrier.arrive $0xFFFF  }
0xcc: {  	p0 =	sne.s32 s0, $0x0;
	s0 =	rddreg [dreg:$0x2]  }
0xcd: {  	s0 =	sadd.s32 @!p0 $0x100000, s0  }
0xce: {  	[sflag:s0] =	ssyncadd.tile.s32 @!p0 $0x1;
	_ =	shalt  }
.Lfunc_end2:
_tile_overlayer_lowered:
.L_overlay_start_2:
0xcf: {  	(tag) =	ssettag $0x2  }
0xd0: {  	s0 =	rddreg [dreg:$0x0];
	s2 =	stileid.u32  }
0xd1: {  	s1 =	rddreg [dreg:$0x1];
	p0 =	sne.s32 s2, $0x0  }
0xd2: {  	s3 =	rddreg [dreg:$0x2];
	[bflag:$0x3] =	sbarrier.arrive $0xFFFF;
	s2 =	simm.s32 @!p0 $0x1C07  }
0xd3: {  	[timem:s3], [sflag:s2] =	dma.local @!p0 [hbm:s0], s1  }
0xd4: {  	s0 =	simm.s32 @!p0 $0x7  }
0xd5: {  	_ =	swait.ge @!p0 [sflag:s0], s1  }
0xd6: {  	s1 =	ssub.s32 @!p0 $0x0, s1;
	[sflag:s0] =	ssyncset.done @!p0 $0x0  }
0xd7: {  	[sflag:s0] =	ssyncadd.s32 @!p0 s1  }
0xd8: {  	[bflag:$0x3] =	sbarrier.arrive $0xFFFF  }
0xd9: {  	_ =	shalt  }

// kernel: kernel.19.cloned.1.call-start
scs
__scs_entry_jumppad:
0x0: {  	(pc) =	sbr.rel $0x88, $3  }
0x1: {  	(tag) =	ssettag $0x0;
	lr =	simm.s32 $0x1  }
0x2: {  	[smem:$0x3F8C] =	sst lr;
	_ =	strace $0xD0000000  }
0x3: {  	_ = 	snop  }
0x4: {  	_ = 	snop  }
0x5: {  	_ = 	snop  }
0x6: {  	_ = 	snop  }
0x7: {  	_ = 	snop  }
__scs_overlays_trampoline_lowered:
0x8: {  	[smem:$0x3F9B] =	sst s0  }
0x9: {  	[smem:$0x3F9C] =	sst s1  }
0xa: {  	[smem:$0x3F9D] =	sst s2  }
0xb: {  	[smem:$0x3F9E] =	sst s3  }
0xc: {  	[smem:$0x3F9F] =	sst s4  }
0xd: {  	[smem:$0x3FA0] =	sst s5  }
0xe: {  	[smem:$0x3FA1] =	sst s6  }
0xf: {  	[smem:$0x3FA2] =	sst s7  }
0x10: {  	[smem:$0x3FA3] =	sst s8  }
0x11: {  	[smem:$0x3FA4] =	sst s9;
	s0 =	simm.s32 @!p0 $0x0  }
0x12: {  	s1 =	sld [smem:$0x3F8A];
	s0 =	simm.s32 @p0 $0x1  }
0x13: {  	[smem:$0x3FA5] =	sst s0;
	s0 =	simm.s32 @!p1 $0x0  }
0x14: {  	s2 =	sld [smem:$0x3F89];
	s0 =	simm.s32 @p1 $0x1  }
0x15: {  	[smem:$0x3FA6] =	sst s0;
	s0 =	simm.s32 @!p2 $0x0  }
0x16: {  	s3 =	sld [smem:$0x3FDB];
	s0 =	simm.s32 @p2 $0x1  }
0x17: {  	s4 =	simm.s32 $0x1BF5;
	[smem:$0x3FA8] =	sst s0  }
0x18: {  	s0 =	sld [smem:$0x3F8B];
	_ =	swait.ge [sflag:s4], $0x0  }
0x19: {  	s7 =	sld [smem:$0x3F8C]  }
0x1a: {  	s8 =	sadd.s32 $0xFFFFE003, lr  }
0x1b: {  	s9 =	sadd.s32 $0xFFFFFEF7, lr;
	s5 =	simm.s32 $0xFFFFFFFF;
	p2 =	slt.u32 s8, $0xFFFFF086  }
0x1c: {  	p1 =	slt.u32 s9, $0xF7A;
	s5 =	simm.s32 @!p2 $0x0  }
0x1d: {  	s5 =	simm.s32 @p1 $0x1;
	p0 =	seq.s32 s7, s2  }
0x1e: {  	s7 =	smul.u32 @!p0 $0xF7A, s2;
	p2 =	seq.s32 @!p0 s5, $0x0  }
0x1f: {  	s9 =	smul.u32 $0xF7A, s1;
	s8 =	simm.s32 @!p0 $0x1BF5;
	p2 =	por !p2, p0  }
0x20: {  	[sflag:s8] =	ssyncset.s32 @!p0 $0xFFFFF086;
	s6 =	sadd.s32 @!p0 s3, s7;
	s7 =	simm.s32 @!p0 $0x108  }
0x21: {  	s3 =	sadd.s32 s3, s9;
	s6 =	sadd.s32 @!p0 $0x88, s6;
	s7 =	simm.s32 @p2 $0x1082  }
0x22: {  	[simem:s7], [sflag:s8] =	dma.local @!p0 [hbm:s6], $0xF7A  }
0x23: {  	s9 =	sor.u32 $0xD0000000, s2;
	s6 =	simm.s32 $0x108;
	_ =	swait.ge @!p0 [sflag:s8], $0x0  }
0x24: {  	s3 =	sadd.s32 $0x88, s3;
	s6 =	simm.s32 @!p1 $0x1082;
	[sflag:s4] =	ssyncset.s32 $0xFFFFF086  }
0x25: {  	[simem:s6], [sflag:s4] =	dma.local [hbm:s3], $0xF7A  }
0x26: {  	[smem:$0x3F8C] =	sst s1;
	(tag) =	ssettag s2;
	_ =	strace s9  }
0x27: {  	s1 =	sld [smem:$0x3F9C]  }
0x28: {  	s2 =	sld [smem:$0x3F9D]  }
0x29: {  	s4 =	sld [smem:$0x3F9F]  }
0x2a: {  	p0 =	seq.s32 s5, $0x0;
	s5 =	sld [smem:$0x3FA0]  }
0x2b: {  	s6 =	sld [smem:$0x3FA1]  }
0x2c: {  	s7 =	sld [smem:$0x3FA2]  }
0x2d: {  	s3 =	simm.s32 $0x108;
	s8 =	sld [smem:$0x3FA3]  }
0x2e: {  	s3 =	simm.s32 @!p0 $0x1082;
	s9 =	sld [smem:$0x3FA4]  }
0x2f: {  	lr =	sadd.s32 s0, s3;
	s0 =	sld [smem:$0x3F9B]  }
0x30: {  	s3 =	sld [smem:$0x3F9E]  }
0x31: {  	[smem:$0x3FA7] =	sst s10  }
0x32: {  	s10 =	sld [smem:$0x3FA5];
	_ =	sdelay $0x3  }
0x33: {  	p0 =	seq.s32 s10, $0x1;
	s10 =	sld [smem:$0x3FA7];
	_ =	sdelay $0x3  }
0x34: {  	[smem:$0x3FA7] =	sst s10  }
0x35: {  	s10 =	sld [smem:$0x3FA6];
	_ =	sdelay $0x3  }
0x36: {  	p1 =	seq.s32 s10, $0x1;
	s10 =	sld [smem:$0x3FA7];
	_ =	sdelay $0x3  }
0x37: {  	[smem:$0x3FA7] =	sst s10  }
0x38: {  	s10 =	sld [smem:$0x3FA8]  }
0x39: {  	_ = 	snop;
	(pc) =	sbr.ind lr, $3  }
0x3a: {  	_ = 	snop  }
0x3b: {  	_ = 	snop  }
0x3c: {  	p2 =	seq.s32 s10, $0x1;
	s10 =	sld [smem:$0x3FA7]  }
0x3d: {  	_ =	shalt  }
0x3e: {  	_ =	shalt  }
0x3f: {  	_ =	shalt  }
0x40: {  	_ =	shalt  }
0x41: {  	_ =	shalt  }
0x42: {  	_ =	shalt  }
0x43: {  	_ =	shalt  }
0x44: {  	_ =	shalt  }
0x45: {  	_ =	shalt  }
0x46: {  	_ =	shalt  }
0x47: {  	_ =	shalt  }
0x48: {  	_ =	shalt  }
0x49: {  	_ =	shalt  }
0x4a: {  	_ =	shalt  }
0x4b: {  	_ =	shalt  }
0x4c: {  	_ =	shalt  }
0x4d: {  	_ =	shalt  }
0x4e: {  	_ =	shalt  }
0x4f: {  	_ =	shalt  }
0x50: {  	_ =	shalt  }
0x51: {  	_ =	shalt  }
0x52: {  	_ =	shalt  }
0x53: {  	_ =	shalt  }
0x54: {  	_ =	shalt  }
0x55: {  	_ =	shalt  }
0x56: {  	_ =	shalt  }
0x57: {  	_ =	shalt  }
0x58: {  	_ =	shalt  }
0x59: {  	_ =	shalt  }
0x5a: {  	_ =	shalt  }
0x5b: {  	_ =	shalt  }
0x5c: {  	_ =	shalt  }
0x5d: {  	_ =	shalt  }
0x5e: {  	_ =	shalt  }
0x5f: {  	_ =	shalt  }
0x60: {  	_ =	shalt  }
0x61: {  	_ =	shalt  }
0x62: {  	_ =	shalt  }
0x63: {  	_ =	shalt  }
0x64: {  	_ =	shalt  }
0x65: {  	_ =	shalt  }
0x66: {  	_ =	shalt  }
0x67: {  	_ =	shalt  }
0x68: {  	_ =	shalt  }
0x69: {  	_ =	shalt  }
0x6a: {  	_ =	shalt  }
0x6b: {  	_ =	shalt  }
0x6c: {  	_ =	shalt  }
0x6d: {  	_ =	shalt  }
0x6e: {  	_ =	shalt  }
0x6f: {  	_ =	shalt  }
0x70: {  	_ =	shalt  }
0x71: {  	_ =	shalt  }
0x72: {  	_ =	shalt  }
0x73: {  	_ =	shalt  }
0x74: {  	_ =	shalt  }
0x75: {  	_ =	shalt  }
0x76: {  	_ =	shalt  }
0x77: {  	_ =	shalt  }
0x78: {  	_ =	shalt  }
0x79: {  	_ =	shalt  }
0x7a: {  	_ =	shalt  }
0x7b: {  	_ =	shalt  }
0x7c: {  	_ =	shalt  }
0x7d: {  	_ =	shalt  }
0x7e: {  	_ =	shalt  }
0x7f: {  	_ =	shalt  }
0x80: {  	_ =	shalt  }
0x81: {  	_ =	shalt  }
0x82: {  	_ =	shalt  }
0x83: {  	_ =	shalt  }
0x84: {  	_ =	shalt  }
0x85: {  	_ =	shalt  }
0x86: {  	_ =	shalt  }
0x87: {  	_ =	shalt  }
.Lfunc_end0:
.L_simem_size_0:
called_computation.2_lowered:
.L_overlay_start_0:
0x88: {  	s2 =	sld [smem:$0x3FD9]  }
0x89: {  	s3 =	sld [smem:$0x3FFE];
	_ =	sdelay $0x1  }
0x8a: {  	s1 =	srdreg.scid  }
0x8b: {  	s0 =	sand.u32 $0x1, s1  }
0x8c: {  	s16 =	sshll.u32 s0, $0xA;
	s2 =	sadd.s32 s3, s2  }
0x8d: {  	s2 =	sadd.s32 s2, s16  }
0x8e: {  	[smem:$0x3FB3] =	sst s2  }
0x8f: {  	_ = 	snop  }
0x90: {  	(tm) =	ssettm $0x1  }
0x91: {  	s17 =	sld [smem:$0x3FFB];
	_ =	sdelay $0x3  }
0x92: {  	_ =	strace s17  }
0x93: {  	s2 =	sld [smem:$0x3FFC];
	_ =	sdelay $0x3  }
0x94: {  	_ =	strace s2  }
0x95: {  	s2 =	sld [smem:$0x3FFD];
	_ =	sdelay $0x3  }
0x96: {  	_ =	strace s2  }
0x97: {  	_ =	strace $0x8FFFFFFF  }
0x98: {  	s18 =	sld [smem:$0x3FDB];
	_ =	sdelay $0x1  }
0x99: {  	s19 =	simm.s32 $_scs_section_size  }
0x9a: {  	s4 =	simm.s32 $_size__tile_overlayer_lowered;
	s5 =	simm.s32 $_tile_overlayer_lowered  }
0x9b: {  	s22 =	simm.s32 $0x1BFF;
	s21 =	sshll.u32 s5, $0x1;
	s2 =	sadd.s32 s19, s18  }
0x9c: {  	s6 =	simm.s32 $0x0;
	s20 =	sshll.u32 s4, $0x1;
	s4 =	sadd.s32 s21, s2  }
0x9d: {  	[timem:s6], [sflag:s22] =	dma.local [hbm:s4], s20  }
0x9e: {  	_ =	swait.ge [sflag:s22], s20  }
0x9f: {  	s3 =	ssub.s32 $0x0, s20;
	[sflag:s22] =	ssyncset.done $0x0  }
0xa0: {  	[sflag:s22] =	ssyncadd.s32 s3;
	_ =	sdelay $0x1  }
0xa1: {  	s23 =	simm.s32 $0x1B8B  }
0xa2: {  	_ =	swait.ge [sflag:s23], $0x1  }
0xa3: {  	[sflag:s23] =	ssyncset.done $0x0  }
0xa4: {  	s25 =	simm.s32 $0x1B8E;
	s24 =	sld [smem:$0x3FFE];
	[sflag:s23] =	ssyncadd.s32 $0xFFFFFFFF  }
0xa5: {  	s26 =	simm.s32 $execute0_lowered;
	[smem:$0x3FD2] =	sst s25  }
0xa6: {  	s4 =	sshll.u32 s26, $0x1;
	_ =	strace $0x8000004C;
	[dreg:$0x1] =	wrdreg $0xFFFFFFFF  }
0xa7: {  	s28 =	simm.s32 $_size_execute0_lowered;
	s2 =	sadd.s32 s2, s4;
	[dreg:$0x0] =	wrdreg $0x0  }
0xa8: {  	s4 =	sshll.u32 s28, $0x1;
	[dreg:$0x2] =	wrdreg s2  }
0xa9: {  	[dreg:$0x3] =	wrdreg s4  }
0xaa: {  	[dreg:$0x4] =	wrdreg $0xC0  }
0xab: {  	_ =	task [dreg:s6], $0x5FFFF  }
0xac: {  	[dreg:$0x1] =	wrdreg $0xFFFFFFFF  }
0xad: {  	[dreg:$0x0] =	wrdreg $0x60  }
0xae: {  	[dreg:$0x2] =	wrdreg s24  }
0xaf: {  	[dreg:$0x3] =	wrdreg $0x0  }
0xb0: {  	[dreg:$0x4] =	wrdreg $0x9  }
0xb1: {  	_ =	task.clear_ibuf [dreg:s6], $0x5FFFF;
	_ =	strace $0x9000004C  }
0xb2: {  	s29 =	simm.s32 $0x9;
	_ =	strace $0x8000004E  }
0xb3: {  	_ =	swait.ge [sflag:s29], $0x1  }
0xb4: {  	[sflag:s29] =	ssyncadd.s32 $0xFFFFFFFF  }
0xb5: {  	_ =	strace $0x9000004E  }
0xb6: {  	_ =	sfence  }
0xb7: {  	s30 =	sld [smem:$0x0];
	_ =	sdelay $0x2  }
0xb8: {  	s31 =	sshll.u32 s1, $0xD;
	s1 =	sshrl.u32 s1, $0x2  }
0xb9: {  	s3 =	sand.u32 $0x4000, s31;
	s1 =	sadd.s32 s1, s30  }
0xba: {  	s0 =	sor.u32 s3, s0;
	s1 =	sshll.u32 s1, $0x11  }
0xbb: {  	s0 =	sor.u32 s1, s0  }
0xbc: {  	s0 =	sadd.s32 $0x8F2B, s0  }
0xbd: {  	[sflag:s0] =	ssyncadd.remote.s32 $0x1  }
0xbe: {  	_ =	sfence.sel $0xFFFF  }
0xbf: {  	[dreg:$0x0] =	wrdreg $0xFFFFFFFF;
	(pc) =	sbr.abs _section_cstart, $3  }
0xc0: {  	[dreg:$0x1] =	wrdreg $0xFFFFFFFF  }
0xc1: {  	_ =	task.clear_ibuf [dreg:s6], $0x2FFFF;
	_ =	strace $0x9FFFFFFF  }
0xc2: {  	(tm) =	ssettm $0x7FFFFFFF  }
0xc3: {  	_ =	shalt  }
tec
execute0_lowered:
.L_overlay_start_1:
0x0: {  	(tag) =	ssettag $0x1  }
0x1: {  	s0 =	rddreg [dreg:$0x0]  }
0x2: {  	s1 =	rddreg [dreg:$0x1]  }
0x3: {  	s2 =	simm.s32 $0x0;
	s3 =	srdreg.scid;
	s12 =	stileid.u32  }
0x4: {  	s19 =	simm.s32 $0x1E200;
	s29 =	simm.s32 $0x14180;
	s30 =	simm.s32 $0x1  }
0x5: {  	s31 =	simm.s32 $0x3;
	s28 =	simm.s32 $0x16A00;
	[smem:$0x7FF] =	sst s2  }
0x6: {  	s3 =	sand.u32 $0x1, s3;
	s4 =	sadd.s32 $0x4FC600, s0;
	s8 =	smul.u32 $0x14000, s12  }
0x7: {  	s9 =	sshll.u32 s12, $0x1;
	s5 =	sadd.s32 $0xA56600, s0;
	s12 =	smul.u32 $0x50000, s12  }
0x8: {  	s6 =	sadd.s32 $0x5C00, s0;
	s7 =	smul.u32 $0x140000, s3;
	s10 =	sor.u32 s3, s9  }
0x9: {  	_ =	strace $0x8000004D;
	s3 =	ssub.s32 $0x2, s3;
	s13 =	smul.u32 $0x27100, s10  }
0xa: {  	s11 =	sshrl.u32 s3, $0x1;
	s21 =	sshrl.u32 s12, $0x2;
	s12 =	smul.u32 $0x7D, s10  }
0xb: {  	s8 =	sadd.s32 s8, s7;
	s7 =	smul.u32 $0x2710, s10;
	s3 =	ssub.s32 s3, s11  }
0xc: {  	s9 =	sadd.s32 s21, s1;
	s21 =	simm.s32 $0x14000;
	s20 =	sshrl.u32 s8, $0x3  }
0xd: {  	s8 =	sadd.s32 $0xFA00, s0;
	s25 =	sadd.s32 s5, s13;
	s3 =	smax.u32 s3, $0x1  }
0xe: {  	s0 =	sadd.s32 s20, s0;
	s22 =	sshrl.u32 s7, $0x3;
	[dreg:$0x5] =	wrdreg s25  }
0xf: {  	s16 =	sadd.s32 $0xF0, s7;
	[dreg:$0x8] =	wrdreg s3;
	s20 =	simm.s32 $0x7  }
0x10: {  	s25 =	simm.s32 $0x14200;
	s3 =	simm.s32 $0x4;
	s23 =	sadd.s32 s6, s22  }
0x11: {  	s24 =	sadd.s32 s8, s22;
	s26 =	sadd.s32 $0xA, s22;
	s18 =	sadd.s32 $0x524600, s0  }
0x12: {  	s22 =	simm.s32 $0x5;
	s0 =	simm.s32 $0x2;
	[dreg:$0x3] =	wrdreg s23  }
0x13: {  	[dreg:$0x4] =	wrdreg s24;
	s11 =	sadd.s32 s6, s26;
	s10 =	sadd.s32 s8, s26  }
0x14: {  	s23 =	simm.s32 $0x14100;
	s24 =	simm.s32 $0x50;
	[dreg:$0x6] =	wrdreg s11  }
0x15: {  	v0 =	vimm.f32 $0.0e+00;
	s26 =	simm.s32 $0x19200;
	[dreg:$0x7] =	wrdreg s10;
	s11 =	simm.s32 $0x0  }
.LBB2_1:
0x16: {  	[dreg:$0x9] =	wrdreg s11;
	s11 =	simm.s32 $0x0;
	s13 =	simm.s32 $0x200  }
.LBB2_2:
0x17: {  	p0 =	sne.s32 s13, $0x1E00;
	[tilespmem:s11+$0x1E270] =	vst v0  }
0x18: {  	[tilespmem:s11+$0x1E200] =	vst v0  }
0x19: {  	[tilespmem:s11+$0x1E210] =	vst v0  }
.Ltmp0:
0x1a: {  	[tilespmem:s11+$0x1E220] =	vst v0;
	(pc) =	sbr.rel @p0 .LBB2_2-.Ltmp0, $4  }
0x1b: {  	[tilespmem:s11+$0x1E230] =	vst v0  }
0x1c: {  	[tilespmem:s11+$0x1E240] =	vst v0  }
0x1d: {  	[tilespmem:s11+$0x1E250] =	vst v0  }
0x1e: {  	[tilespmem:s11+$0x1E260] =	vst v0;
	s11 =	sshra.s32 s13, $0x2;
	s13 =	sadd.s32 $0x200, s13  }
0x1f: {  	[tilespmem:s11+$0x1E270] =	vst v0  }
0x20: {  	[tilespmem:s11+$0x1E200] =	vst v0  }
0x21: {  	[tilespmem:s11+$0x1E210] =	vst v0  }
0x22: {  	[tilespmem:s11+$0x1E220] =	vst v0  }
0x23: {  	[tilespmem:s11+$0x1E230] =	vst v0  }
0x24: {  	[tilespmem:s11+$0x1E240] =	vst v0  }
0x25: {  	[tilespmem:s11+$0x1E250] =	vst v0  }
0x26: {  	[tilespmem:s11+$0x1E260] =	vst v0;
	s17 =	sadd.s32 $0x0, s9  }
0x27: {  	[spmem:s17] =	stream.linear.scatter [tilespmem:s19], [sflag:$0x7], $0x800, $0x38;
	[tilespmem:$0x1EA00] =	vst v63  }
0x28: {  	s11 =	simm.s32 $0x2000;
	_ =	swait.ge [sflag:s20], $0x800  }
.LBB2_4:
0x29: {  	s13 =	sshra.s32 s11, $0x2;
	[sflag:s20] =	ssyncset.done $0x0;
	p0 =	sne.s32 s11, $0x4E000  }
.Ltmp1:
0x2a: {  	s13 =	sadd.s32 s13, s9;
	[sflag:s20] =	ssyncadd.s32 $0xFFFFF800;
	(pc) =	sbr.rel @p0 .LBB2_4-.Ltmp1, $3  }
0x2b: {  	[spmem:s13] =	stream.linear.scatter [tilespmem:s19], [sflag:$0x7], $0x800, $0x38;
	[tilespmem:$0x1EA00] =	vst v63  }
0x2c: {  	s11 =	sadd.s32 $0x2000, s11;
	_ =	sdelay $0x1  }
0x2d: {  	_ =	swait.ge [sflag:s20], $0x800  }
0x2e: {  	[sflag:s20] =	ssyncset.done $0x0  }
0x2f: {  	[sflag:s20] =	ssyncadd.s32 $0xFFFFF800  }
0x30: {  	[bflag:$0x0] =	sbarrier.arrive $0xFFFF  }
0x31: {  	s11 =	simm.s32 $0x0;
	s10 =	rddreg [dreg:$0x3]  }
0x32: {  	[tilespmem:s21], [sflag:$0x5] =	stream.linear.gather [hbm4b:s10+s11], $0x50, $0x38;
	[tilespmem:$0x1EA00] =	vst v63  }
0x33: {  	_ =	swait.ge [sflag:s22], $0x50  }
0x34: {  	[sflag:s22] =	ssyncset.done $0x0  }
0x35: {  	s13 =	rddreg [dreg:$0x4];
	[sflag:s22] =	ssyncadd.s32 $0xFFFFFFB0  }
0x36: {  	[tilespmem:s23], [sflag:$0x5] =	stream.linear.gather [hbm4b:s13+s11], $0x50, $0x38;
	[tilespmem:$0x1EA00] =	vst v63  }
0x37: {  	_ =	swait.ge [sflag:s22], $0x50  }
0x38: {  	[sflag:s22] =	ssyncset.done $0x0  }
0x39: {  	[sflag:s22] =	ssyncadd.s32 $0xFFFFFFB0  }
0x3a: {  	[tilespmem:s25], [sflag:$0x1] =	stream.indirect.gather [hbm4b:s4+s24], $0x80, s21, s24, $0xb8;
	[tilespmem:$0x1EA00] =	vst v63  }
0x3b: {  	s14 =	rddreg [dreg:$0x5]  }
0x3c: {  	[tilespmem:s26], [sflag:$0x3] =	stream.linear.gather [hbm4b:s14+s11], $0x2800, $0x38;
	[tilespmem:$0x1EA00] =	vst v63  }
.Ltmp2:
0x3d: {  	_ = 	snop;
	(pc) =	sbr.rel .LBB2_6-.Ltmp2, $4  }
0x3e: {  	s13 =	simm.s32 $0x14080;
	s15 =	rddreg [dreg:$0x6]  }
0x3f: {  	[tilespmem:s13], [sflag:$0x6] =	stream.linear.gather [hbm4b:s15+s11], $0x50, $0x38;
	[tilespmem:$0x1EA00] =	vst v63  }
0x40: {  	s17 =	rddreg [dreg:$0x7]  }
0x41: {  	[tilespmem:s29], [sflag:$0x6] =	stream.linear.gather [hbm4b:s17+s11], $0x50, $0x38;
	[tilespmem:$0x1EA00] =	vst v63  }
.LBB2_12:
0x42: {  	s11 =	sadd.s32 $0x1, s11  }
0x43: {  	p0 =	sne.s32 s11, $0x3F  }
.Ltmp3:
0x44: {  	_ = 	snop;
	(pc) =	sbr.rel @!p0 .LBB2_13-.Ltmp3, $1  }
0x45: {  	_ =	sdelay $0x3  }
.LBB2_6:
0x46: {  	_ =	swait.ge [sflag:s30], $0x2800  }
0x47: {  	[sflag:s30] =	ssyncset.done $0x0  }
0x48: {  	[sflag:s30] =	ssyncadd.s32 $0xFFFFD800  }
0x49: {  	s13 =	sshllo.u32 s11, $0x1;
	_ =	swait.ge [sflag:s31], $0x2800  }
0x4a: {  	p0 =	sgt.u32 s13, $0x7C;
	[sflag:s31] =	ssyncset.done $0x0  }
0x4b: {  	s14 =	simm.s32 @!p0 $0x6;
	[sflag:s31] =	ssyncadd.s32 $0xFFFFD800  }
0x4c: {  	_ =	swait.ge @!p0 [sflag:s14], $0x50  }
0x4d: {  	[sflag:s14] =	ssyncset.done @!p0 $0x0  }
0x4e: {  	[sflag:s14] =	ssyncadd.s32 @!p0 $0xFFFFFFB0  }
0x4f: {  	s13 =	sadd.s32 @!p0 s12, s13;
	_ =	swait.ge @!p0 [sflag:s14], $0x50  }
0x50: {  	s15 =	simm.s32 @!p0 $0x14080;
	s17 =	simm.s32 @!p0 $0x16A00;
	[sflag:s14] =	ssyncset.done @!p0 $0x0  }
0x51: {  	s13 =	smul.u32 @!p0 $0x500, s13;
	[sflag:s14] =	ssyncadd.s32 @!p0 $0xFFFFFFB0;
	s14 =	simm.s32 @!p0 $0x50  }
0x52: {  	[tilespmem:s17], [sflag:$0x2] =	stream.indirect.gather @!p0 [hbm4b:s4+s14], $0x80, s15, s14, $0xb8;
	[tilespmem:$0x1EA00] =	vst v63  }
0x53: {  	s13 =	sadd.s32 @!p0 s5, s13;
	s14 =	simm.s32 @!p0 $0x0;
	s15 =	simm.s32 @!p0 $0x1BA00  }
0x54: {  	[tilespmem:s15], [sflag:$0x4] =	stream.linear.gather @!p0 [hbm4b:s13+s14], $0x2800, $0x38;
	[tilespmem:$0x1EA00] =	vst v63  }
0x55: {  	s13 =	simm.s32 $0x0  }
0x56: {  	v5 =	vld [tilespmem:s13+$0x19200]  }
0x57: {  	v3 =	vld [tilespmem:s13+$0x19210]  }
0x58: {  	v2 =	vld [tilespmem:s13+$0x19220]  }
0x59: {  	v1 =	vld [tilespmem:s13+$0x19230]  }
0x5a: {  	v9 =	vld [tilespmem:s13+$0x14200]  }
0x5b: {  	v8 =	vld [tilespmem:s13+$0x14210]  }
0x5c: {  	v7 =	vld [tilespmem:s13+$0x14220]  }
0x5d: {  	v6 =	vld [tilespmem:s13+$0x14230]  }
0x5e: {  	v4 =	vld [tilespmem:s13+$0x14240];
	v11 =	vshll.u32 v5, $0x10  }
0x5f: {  	s14 =	sshll.u32 s11, $0x1;
	s15 =	simm.s32 $0x200;
	v10 =	vand.u32 $0xFFFF0000, v5;
	v5 =	vld [tilespmem:s13+$0x14250];
	v9 =	vmul.f32 v11, v9  }
.LBB2_7:
0x60: {  	p1 =	sne.s32 s15, $0x9E00;
	v8 =	vmul.f32 v10, v8;
	v10 =	vshll.u32 v3, $0x10;
	v11 =	vld [tilespmem:s13+$0x14260]  }
0x61: {  	s17 =	sshra.s32 s15, $0x2;
	v3 =	vand.u32 $0xFFFF0000, v3;
	[tilespmem:s13+$0x14200] =	vst v9;
	v7 =	vmul.f32 v10, v7;
	v9 =	vld [tilespmem:s13+$0x14270]  }
0x62: {  	v10 =	vld [tilespmem:s17+$0x19200];
	[tilespmem:s13+$0x14210] =	vst v8;
	v6 =	vmul.f32 v3, v6;
	v8 =	vshll.u32 v2, $0x10  }
0x63: {  	v3 =	vld [tilespmem:s17+$0x19210];
	[tilespmem:s13+$0x14220] =	vst v7;
	v7 =	vand.u32 $0xFFFF0000, v2;
	v4 =	vmul.f32 v8, v4  }
0x64: {  	v2 =	vld [tilespmem:s17+$0x19220];
	[tilespmem:s13+$0x14230] =	vst v6;
	v5 =	vmul.f32 v7, v5;
	v6 =	vshll.u32 v1, $0x10  }
0x65: {  	[tilespmem:s13+$0x14240] =	vst v4;
	v4 =	vand.u32 $0xFFFF0000, v1;
	v1 =	vld [tilespmem:s17+$0x19230];
	v6 =	vmul.f32 v6, v11  }
0x66: {  	v11 =	vld [tilespmem:s17+$0x14200];
	[tilespmem:s13+$0x14250] =	vst v5;
	v4 =	vmul.f32 v4, v9  }
.Ltmp4:
0x67: {  	v8 =	vld [tilespmem:s17+$0x14210];
	[tilespmem:s13+$0x14260] =	vst v6;
	(pc) =	sbr.rel @p1 .LBB2_7-.Ltmp4, $4  }
0x68: {  	v7 =	vld [tilespmem:s17+$0x14220];
	[tilespmem:s13+$0x14270] =	vst v4;
	s13 =	smov.u32 s17  }
0x69: {  	v6 =	vld [tilespmem:s13+$0x14230]  }
0x6a: {  	v5 =	vshll.u32 v10, $0x10;
	v4 =	vld [tilespmem:s13+$0x14240]  }
0x6b: {  	s15 =	sadd.s32 $0x200, s15;
	v10 =	vand.u32 $0xFFFF0000, v10;
	v9 =	vmul.f32 v5, v11;
	v5 =	vld [tilespmem:s13+$0x14250]  }
0x6c: {  	v11 =	vld [tilespmem:s13+$0x14260];
	v8 =	vmul.f32 v10, v8;
	v61 =	vshll.u32 v3, $0x10  }
0x6d: {  	v3 =	vand.u32 $0xFFFF0000, v3;
	v62 =	vld [tilespmem:s13+$0x14270];
	[tilespmem:s13+$0x14200] =	vst v9;
	v7 =	vmul.f32 v61, v7  }
0x6e: {  	v63 =	vshll.u32 v2, $0x10;
	[tilespmem:s13+$0x14210] =	vst v8;
	v3 =	vmul.f32 v3, v6  }
0x6f: {  	v2 =	vand.u32 $0xFFFF0000, v2;
	[tilespmem:s13+$0x14220] =	vst v7;
	v4 =	vmul.f32 v63, v4  }
0x70: {  	[tilespmem:s13+$0x14230] =	vst v3;
	v2 =	vmul.f32 v2, v5;
	v3 =	vshll.u32 v1, $0x10  }
0x71: {  	v1 =	vand.u32 $0xFFFF0000, v1;
	[tilespmem:s13+$0x14240] =	vst v4;
	v3 =	vmul.f32 v3, v11  }
0x72: {  	v1 =	vmul.f32 v1, v62;
	[tilespmem:s13+$0x14250] =	vst v2  }
0x73: {  	[tilespmem:s13+$0x14260] =	vst v3  }
0x74: {  	p1 =	seq.s32 s11, $0x3E;
	[tilespmem:s13+$0x14270] =	vst v1;
	s13 =	sadd.s32 $0x2, s14  }
0x75: {  	s14 =	smul.u32 @!p1 $0x50, s13  }
0x76: {  	[spmem:s1] =	stream.indirect.scatter.add.f32 [tilespmem:s25], [sflag:$0x7], $0x80, s23, s24, $0xb8;
	[tilespmem:$0x1EA00] =	vst v63  }
0x77: {  	s17 =	simm.s32 @!p1 $0x0;
	_ =	swait.ge [sflag:s20], $0x2800;
	s14 =	sadd.s32 @!p1 s7, s14  }
.Ltmp5:
0x78: {  	[sflag:s20] =	ssyncset.done $0x0;
	s14 =	sshrl.u32 @!p1 s14, $0x3;
	(pc) =	sbr.rel @p0 .LBB2_12-.Ltmp5, $4  }
0x79: {  	s10 =	simm.s32 @!p1 $0x14000;
	[sflag:s20] =	ssyncadd.s32 $0xFFFFD800;
	s15 =	sadd.s32 @!p1 s6, s14  }
0x7a: {  	[tilespmem:s10], [sflag:$0x5] =	stream.linear.gather @!p1 [hbm4b:s15+s17], $0x50, $0x38;
	[tilespmem:$0x1EA00] =	vst v63  }
0x7b: {  	s10 =	sadd.s32 @!p1 s8, s14;
	s14 =	simm.s32 @!p1 $0x14100  }
0x7c: {  	[tilespmem:s14], [sflag:$0x5] =	stream.linear.gather @!p1 [hbm4b:s10+s17], $0x50, $0x38;
	[tilespmem:$0x1EA00] =	vst v63  }
0x7d: {  	_ =	swait.ge [sflag:s0], $0x2800  }
0x7e: {  	[sflag:s0] =	ssyncset.done $0x0  }
0x7f: {  	[sflag:s0] =	ssyncadd.s32 $0xFFFFD800  }
0x80: {  	_ =	swait.ge [sflag:s3], $0x2800  }
0x81: {  	[sflag:s3] =	ssyncset.done $0x0  }
0x82: {  	[sflag:s3] =	ssyncadd.s32 $0xFFFFD800  }
0x83: {  	_ =	swait.ge [sflag:s22], $0x50  }
0x84: {  	[sflag:s22] =	ssyncset.done $0x0  }
0x85: {  	[sflag:s22] =	ssyncadd.s32 $0xFFFFFFB0  }
0x86: {  	_ =	swait.ge [sflag:s22], $0x50  }
0x87: {  	s10 =	sadd.s32 s12, s13;
	[sflag:s22] =	ssyncset.done $0x0  }
0x88: {  	s10 =	smul.u32 $0x500, s10;
	[sflag:s22] =	ssyncadd.s32 $0xFFFFFFB0  }
0x89: {  	[tilespmem:s25], [sflag:$0x1] =	stream.indirect.gather [hbm4b:s4+s24], $0x80, s21, s24, $0xb8;
	[tilespmem:$0x1EA00] =	vst v63  }
0x8a: {  	s17 =	simm.s32 $0x0;
	s13 =	simm.s32 $0x0;
	s10 =	sadd.s32 s5, s10  }
0x8b: {  	[tilespmem:s26], [sflag:$0x3] =	stream.linear.gather [hbm4b:s10+s17], $0x2800, $0x38;
	[tilespmem:$0x1EA00] =	vst v63  }
0x8c: {  	v5 =	vld [tilespmem:s13+$0x1BA00]  }
0x8d: {  	v3 =	vld [tilespmem:s13+$0x1BA10]  }
0x8e: {  	v2 =	vld [tilespmem:s13+$0x1BA20]  }
0x8f: {  	v1 =	vld [tilespmem:s13+$0x1BA30]  }
0x90: {  	v9 =	vld [tilespmem:s13+$0x16A00]  }
0x91: {  	v8 =	vld [tilespmem:s13+$0x16A10]  }
0x92: {  	v7 =	vld [tilespmem:s13+$0x16A20]  }
0x93: {  	v6 =	vld [tilespmem:s13+$0x16A30]  }
0x94: {  	v4 =	vld [tilespmem:s13+$0x16A40];
	v11 =	vshll.u32 v5, $0x10  }
0x95: {  	s14 =	simm.s32 $0x200;
	v10 =	vand.u32 $0xFFFF0000, v5;
	v5 =	vld [tilespmem:s13+$0x16A50];
	v9 =	vmul.f32 v11, v9  }
.LBB2_10:
0x96: {  	p0 =	sne.s32 s14, $0x9E00;
	v8 =	vmul.f32 v10, v8;
	v10 =	vshll.u32 v3, $0x10;
	v11 =	vld [tilespmem:s13+$0x16A60]  }
0x97: {  	s10 =	sshra.s32 s14, $0x2;
	v3 =	vand.u32 $0xFFFF0000, v3;
	[tilespmem:s13+$0x16A00] =	vst v9;
	v7 =	vmul.f32 v10, v7;
	v9 =	vld [tilespmem:s13+$0x16A70]  }
0x98: {  	v10 =	vld [tilespmem:s10+$0x1BA00];
	[tilespmem:s13+$0x16A10] =	vst v8;
	v6 =	vmul.f32 v3, v6;
	v8 =	vshll.u32 v2, $0x10  }
0x99: {  	v3 =	vld [tilespmem:s10+$0x1BA10];
	[tilespmem:s13+$0x16A20] =	vst v7;
	v7 =	vand.u32 $0xFFFF0000, v2;
	v4 =	vmul.f32 v8, v4  }
0x9a: {  	v2 =	vld [tilespmem:s10+$0x1BA20];
	[tilespmem:s13+$0x16A30] =	vst v6;
	v5 =	vmul.f32 v7, v5;
	v6 =	vshll.u32 v1, $0x10  }
0x9b: {  	[tilespmem:s13+$0x16A40] =	vst v4;
	v4 =	vand.u32 $0xFFFF0000, v1;
	v1 =	vld [tilespmem:s10+$0x1BA30];
	v6 =	vmul.f32 v6, v11  }
0x9c: {  	v11 =	vld [tilespmem:s10+$0x16A00];
	[tilespmem:s13+$0x16A50] =	vst v5;
	v4 =	vmul.f32 v4, v9  }
.Ltmp6:
0x9d: {  	v8 =	vld [tilespmem:s10+$0x16A10];
	[tilespmem:s13+$0x16A60] =	vst v6;
	(pc) =	sbr.rel @p0 .LBB2_10-.Ltmp6, $4  }
0x9e: {  	v7 =	vld [tilespmem:s10+$0x16A20];
	[tilespmem:s13+$0x16A70] =	vst v4;
	s13 =	smov.u32 s10  }
0x9f: {  	v6 =	vld [tilespmem:s13+$0x16A30]  }
0xa0: {  	v5 =	vshll.u32 v10, $0x10;
	v4 =	vld [tilespmem:s13+$0x16A40]  }
0xa1: {  	s14 =	sadd.s32 $0x200, s14;
	v10 =	vand.u32 $0xFFFF0000, v10;
	v9 =	vmul.f32 v5, v11;
	v5 =	vld [tilespmem:s13+$0x16A50]  }
0xa2: {  	v11 =	vld [tilespmem:s13+$0x16A60];
	v8 =	vmul.f32 v10, v8;
	v61 =	vshll.u32 v3, $0x10  }
0xa3: {  	v3 =	vand.u32 $0xFFFF0000, v3;
	v62 =	vld [tilespmem:s13+$0x16A70];
	[tilespmem:s13+$0x16A00] =	vst v9;
	v7 =	vmul.f32 v61, v7  }
0xa4: {  	v63 =	vshll.u32 v2, $0x10;
	[tilespmem:s13+$0x16A10] =	vst v8;
	v3 =	vmul.f32 v3, v6  }
0xa5: {  	v2 =	vand.u32 $0xFFFF0000, v2;
	[tilespmem:s13+$0x16A20] =	vst v7;
	v4 =	vmul.f32 v63, v4  }
0xa6: {  	[tilespmem:s13+$0x16A30] =	vst v3;
	v2 =	vmul.f32 v2, v5;
	v3 =	vshll.u32 v1, $0x10  }
0xa7: {  	v1 =	vand.u32 $0xFFFF0000, v1;
	[tilespmem:s13+$0x16A40] =	vst v4;
	v3 =	vmul.f32 v3, v11  }
0xa8: {  	v1 =	vmul.f32 v1, v62;
	[tilespmem:s13+$0x16A50] =	vst v2  }
0xa9: {  	p0 =	sgt.u32 s11, $0x3C;
	[tilespmem:s13+$0x16A60] =	vst v3  }
0xaa: {  	s10 =	smul.u32 @!p0 $0xA0, s11;
	[tilespmem:s13+$0x16A70] =	vst v1  }
0xab: {  	[spmem:s1] =	stream.indirect.scatter.add.f32 [tilespmem:s28], [sflag:$0x7], $0x80, s29, s24, $0xb8;
	[tilespmem:$0x1EA00] =	vst v63  }
0xac: {  	s14 =	simm.s32 @!p0 $0x0;
	s10 =	sadd.s32 @!p0 s10, s16;
	_ =	swait.ge [sflag:s20], $0x2800  }
.Ltmp7:
0xad: {  	s10 =	sshrl.u32 @!p0 s10, $0x3;
	[sflag:s20] =	ssyncset.done $0x0;
	(pc) =	sbr.rel .LBB2_12-.Ltmp7, $4  }
0xae: {  	s15 =	simm.s32 @!p0 $0x14080;
	s13 =	sadd.s32 @!p0 s6, s10;
	[sflag:s20] =	ssyncadd.s32 $0xFFFFD800  }
0xaf: {  	[tilespmem:s15], [sflag:$0x6] =	stream.linear.gather @!p0 [hbm4b:s13+s14], $0x50, $0x38;
	[tilespmem:$0x1EA00] =	vst v63  }
0xb0: {  	s10 =	sadd.s32 @!p0 s8, s10;
	s13 =	simm.s32 @!p0 $0x14180  }
0xb1: {  	[tilespmem:s13], [sflag:$0x6] =	stream.linear.gather @!p0 [hbm4b:s10+s14], $0x50, $0x38;
	[tilespmem:$0x1EA00] =	vst v63  }
.LBB2_13:
0xb2: {  	[bflag:$0x0] =	sbarrier.arrive $0xFFFF  }
0xb3: {  	[tilespmem:s19], [sflag:$0x7] =	stream.linear.gather [spmem:s9], $0x800, $0x38;
	[tilespmem:$0x1EA00] =	vst v63  }
0xb4: {  	_ =	swait.ge [sflag:s20], $0x800  }
0xb5: {  	[sflag:s20] =	ssyncset.done $0x0  }
0xb6: {  	s10 =	sadd.s32 $0x0, s18;
	[sflag:s20] =	ssyncadd.s32 $0xFFFFF800  }
0xb7: {  	[hbm4b:s10+s2] =	stream.linear.scatter [tilespmem:s19], [sflag:$0x7], $0x800, $0x38;
	[tilespmem:$0x1EA00] =	vst v63  }
0xb8: {  	_ =	swait.ge [sflag:s20], $0x800  }
0xb9: {  	s11 =	simm.s32 $0x100;
	s13 =	smov.u32 s9;
	[sflag:s20] =	ssyncset.done $0x0  }
.LBB2_14:
0xba: {  	p0 =	sne.s32 s11, $0x2700;
	[sflag:s20] =	ssyncadd.s32 $0xFFFFF800;
	s13 =	sadd.s32 $0x800, s13  }
0xbb: {  	[tilespmem:s19], [sflag:$0x7] =	stream.linear.gather [spmem:s13], $0x800, $0x38;
	[tilespmem:$0x1EA00] =	vst v63  }
0xbc: {  	s10 =	smov.u32 s11;
	s11 =	sadd.s32 $0x100, s11;
	_ =	swait.ge [sflag:s20], $0x800  }
.Ltmp8:
0xbd: {  	[sflag:s20] =	ssyncset.done $0x0;
	(pc) =	sbr.rel @p0 .LBB2_14-.Ltmp8, $4  }
0xbe: {  	s10 =	sadd.s32 s10, s18;
	[sflag:s20] =	ssyncadd.s32 $0xFFFFF800  }
0xbf: {  	[hbm4b:s10+s2] =	stream.linear.scatter [tilespmem:s19], [sflag:$0x7], $0x800, $0x38;
	[tilespmem:$0x1EA00] =	vst v63  }
0xc0: {  	_ =	swait.ge [sflag:s20], $0x800  }
0xc1: {  	[sflag:s20] =	ssyncset.done $0x0  }
0xc2: {  	s11 =	rddreg [dreg:$0x9]  }
0xc3: {  	s10 =	rddreg [dreg:$0x8];
	s11 =	sadd.s32 $0x1, s11  }
0xc4: {  	p0 =	sne.s32 s11, s10  }
.Ltmp9:
0xc5: {  	_ = 	snop;
	(pc) =	sbr.rel @p0 .LBB2_1-.Ltmp9, $2  }
0xc6: {  	_ =	sdelay $0x2  }
0xc7: {  	[sflag:s20] =	ssyncadd.s32 $0xFFFFF800  }
0xc8: {  	_ =	sfence.sel $0x180000  }
0xc9: {  	[bflag:$0x0] =	sbarrier.arrive $0xFFFF  }
0xca: {  	_ =	strace $0x9000004D  }
0xcb: {  	s0 =	stileid.u32;
	[bflag:$0x2] =	sbarrier.arrive $0xFFFF  }
0xcc: {  	p0 =	sne.s32 s0, $0x0;
	s0 =	rddreg [dreg:$0x2]  }
0xcd: {  	s0 =	sadd.s32 @!p0 $0x100000, s0  }
0xce: {  	[sflag:s0] =	ssyncadd.tile.s32 @!p0 $0x1;
	_ =	shalt  }
.Lfunc_end2:
_tile_overlayer_lowered:
.L_overlay_start_2:
0xcf: {  	(tag) =	ssettag $0x2  }
0xd0: {  	s0 =	rddreg [dreg:$0x0];
	s2 =	stileid.u32  }
0xd1: {  	s1 =	rddreg [dreg:$0x1];
	p0 =	sne.s32 s2, $0x0  }
0xd2: {  	s3 =	rddreg [dreg:$0x2];
	[bflag:$0x3] =	sbarrier.arrive $0xFFFF;
	s2 =	simm.s32 @!p0 $0x1C07  }
0xd3: {  	[timem:s3], [sflag:s2] =	dma.local @!p0 [hbm:s0], s1  }
0xd4: {  	s0 =	simm.s32 @!p0 $0x7  }
0xd5: {  	_ =	swait.ge @!p0 [sflag:s0], s1  }
0xd6: {  	s1 =	ssub.s32 @!p0 $0x0, s1;
	[sflag:s0] =	ssyncset.done @!p0 $0x0  }
0xd7: {  	[sflag:s0] =	ssyncadd.s32 @!p0 s1  }
0xd8: {  	[bflag:$0x3] =	sbarrier.arrive $0xFFFF  }
0xd9: {  	_ =	shalt  }

// kernel: kernel.22.cloned.1.call-start
scs
__scs_entry_jumppad:
0x0: {  	(pc) =	sbr.rel $0x88, $3  }
0x1: {  	(tag) =	ssettag $0x0;
	lr =	simm.s32 $0x1  }
0x2: {  	[smem:$0x3F8C] =	sst lr;
	_ =	strace $0xD0000000  }
0x3: {  	_ = 	snop  }
0x4: {  	_ = 	snop  }
0x5: {  	_ = 	snop  }
0x6: {  	_ = 	snop  }
0x7: {  	_ = 	snop  }
__scs_overlays_trampoline_lowered:
0x8: {  	[smem:$0x3F9B] =	sst s0  }
0x9: {  	[smem:$0x3F9C] =	sst s1  }
0xa: {  	[smem:$0x3F9D] =	sst s2  }
0xb: {  	[smem:$0x3F9E] =	sst s3  }
0xc: {  	[smem:$0x3F9F] =	sst s4  }
0xd: {  	[smem:$0x3FA0] =	sst s5  }
0xe: {  	[smem:$0x3FA1] =	sst s6  }
0xf: {  	[smem:$0x3FA2] =	sst s7  }
0x10: {  	[smem:$0x3FA3] =	sst s8  }
0x11: {  	[smem:$0x3FA4] =	sst s9;
	s0 =	simm.s32 @!p0 $0x0  }
0x12: {  	s1 =	sld [smem:$0x3F8A];
	s0 =	simm.s32 @p0 $0x1  }
0x13: {  	[smem:$0x3FA5] =	sst s0;
	s0 =	simm.s32 @!p1 $0x0  }
0x14: {  	s2 =	sld [smem:$0x3F89];
	s0 =	simm.s32 @p1 $0x1  }
0x15: {  	[smem:$0x3FA6] =	sst s0;
	s0 =	simm.s32 @!p2 $0x0  }
0x16: {  	s3 =	sld [smem:$0x3FDB];
	s0 =	simm.s32 @p2 $0x1  }
0x17: {  	s4 =	simm.s32 $0x1BF5;
	[smem:$0x3FA8] =	sst s0  }
0x18: {  	s0 =	sld [smem:$0x3F8B];
	_ =	swait.ge [sflag:s4], $0x0  }
0x19: {  	s7 =	sld [smem:$0x3F8C]  }
0x1a: {  	s8 =	sadd.s32 $0xFFFFE003, lr  }
0x1b: {  	s9 =	sadd.s32 $0xFFFFFEF7, lr;
	s5 =	simm.s32 $0xFFFFFFFF;
	p2 =	slt.u32 s8, $0xFFFFF086  }
0x1c: {  	p1 =	slt.u32 s9, $0xF7A;
	s5 =	simm.s32 @!p2 $0x0  }
0x1d: {  	s5 =	simm.s32 @p1 $0x1;
	p0 =	seq.s32 s7, s2  }
0x1e: {  	s7 =	smul.u32 @!p0 $0xF7A, s2;
	p2 =	seq.s32 @!p0 s5, $0x0  }
0x1f: {  	s9 =	smul.u32 $0xF7A, s1;
	s8 =	simm.s32 @!p0 $0x1BF5;
	p2 =	por !p2, p0  }
0x20: {  	[sflag:s8] =	ssyncset.s32 @!p0 $0xFFFFF086;
	s6 =	sadd.s32 @!p0 s3, s7;
	s7 =	simm.s32 @!p0 $0x108  }
0x21: {  	s3 =	sadd.s32 s3, s9;
	s6 =	sadd.s32 @!p0 $0x88, s6;
	s7 =	simm.s32 @p2 $0x1082  }
0x22: {  	[simem:s7], [sflag:s8] =	dma.local @!p0 [hbm:s6], $0xF7A  }
0x23: {  	s9 =	sor.u32 $0xD0000000, s2;
	s6 =	simm.s32 $0x108;
	_ =	swait.ge @!p0 [sflag:s8], $0x0  }
0x24: {  	s3 =	sadd.s32 $0x88, s3;
	s6 =	simm.s32 @!p1 $0x1082;
	[sflag:s4] =	ssyncset.s32 $0xFFFFF086  }
0x25: {  	[simem:s6], [sflag:s4] =	dma.local [hbm:s3], $0xF7A  }
0x26: {  	[smem:$0x3F8C] =	sst s1;
	(tag) =	ssettag s2;
	_ =	strace s9  }
0x27: {  	s1 =	sld [smem:$0x3F9C]  }
0x28: {  	s2 =	sld [smem:$0x3F9D]  }
0x29: {  	s4 =	sld [smem:$0x3F9F]  }
0x2a: {  	p0 =	seq.s32 s5, $0x0;
	s5 =	sld [smem:$0x3FA0]  }
0x2b: {  	s6 =	sld [smem:$0x3FA1]  }
0x2c: {  	s7 =	sld [smem:$0x3FA2]  }
0x2d: {  	s3 =	simm.s32 $0x108;
	s8 =	sld [smem:$0x3FA3]  }
0x2e: {  	s3 =	simm.s32 @!p0 $0x1082;
	s9 =	sld [smem:$0x3FA4]  }
0x2f: {  	lr =	sadd.s32 s0, s3;
	s0 =	sld [smem:$0x3F9B]  }
0x30: {  	s3 =	sld [smem:$0x3F9E]  }
0x31: {  	[smem:$0x3FA7] =	sst s10  }
0x32: {  	s10 =	sld [smem:$0x3FA5];
	_ =	sdelay $0x3  }
0x33: {  	p0 =	seq.s32 s10, $0x1;
	s10 =	sld [smem:$0x3FA7];
	_ =	sdelay $0x3  }
0x34: {  	[smem:$0x3FA7] =	sst s10  }
0x35: {  	s10 =	sld [smem:$0x3FA6];
	_ =	sdelay $0x3  }
0x36: {  	p1 =	seq.s32 s10, $0x1;
	s10 =	sld [smem:$0x3FA7];
	_ =	sdelay $0x3  }
0x37: {  	[smem:$0x3FA7] =	sst s10  }
0x38: {  	s10 =	sld [smem:$0x3FA8]  }
0x39: {  	_ = 	snop;
	(pc) =	sbr.ind lr, $3  }
0x3a: {  	_ = 	snop  }
0x3b: {  	_ = 	snop  }
0x3c: {  	p2 =	seq.s32 s10, $0x1;
	s10 =	sld [smem:$0x3FA7]  }
0x3d: {  	_ =	shalt  }
0x3e: {  	_ =	shalt  }
0x3f: {  	_ =	shalt  }
0x40: {  	_ =	shalt  }
0x41: {  	_ =	shalt  }
0x42: {  	_ =	shalt  }
0x43: {  	_ =	shalt  }
0x44: {  	_ =	shalt  }
0x45: {  	_ =	shalt  }
0x46: {  	_ =	shalt  }
0x47: {  	_ =	shalt  }
0x48: {  	_ =	shalt  }
0x49: {  	_ =	shalt  }
0x4a: {  	_ =	shalt  }
0x4b: {  	_ =	shalt  }
0x4c: {  	_ =	shalt  }
0x4d: {  	_ =	shalt  }
0x4e: {  	_ =	shalt  }
0x4f: {  	_ =	shalt  }
0x50: {  	_ =	shalt  }
0x51: {  	_ =	shalt  }
0x52: {  	_ =	shalt  }
0x53: {  	_ =	shalt  }
0x54: {  	_ =	shalt  }
0x55: {  	_ =	shalt  }
0x56: {  	_ =	shalt  }
0x57: {  	_ =	shalt  }
0x58: {  	_ =	shalt  }
0x59: {  	_ =	shalt  }
0x5a: {  	_ =	shalt  }
0x5b: {  	_ =	shalt  }
0x5c: {  	_ =	shalt  }
0x5d: {  	_ =	shalt  }
0x5e: {  	_ =	shalt  }
0x5f: {  	_ =	shalt  }
0x60: {  	_ =	shalt  }
0x61: {  	_ =	shalt  }
0x62: {  	_ =	shalt  }
0x63: {  	_ =	shalt  }
0x64: {  	_ =	shalt  }
0x65: {  	_ =	shalt  }
0x66: {  	_ =	shalt  }
0x67: {  	_ =	shalt  }
0x68: {  	_ =	shalt  }
0x69: {  	_ =	shalt  }
0x6a: {  	_ =	shalt  }
0x6b: {  	_ =	shalt  }
0x6c: {  	_ =	shalt  }
0x6d: {  	_ =	shalt  }
0x6e: {  	_ =	shalt  }
0x6f: {  	_ =	shalt  }
0x70: {  	_ =	shalt  }
0x71: {  	_ =	shalt  }
0x72: {  	_ =	shalt  }
0x73: {  	_ =	shalt  }
0x74: {  	_ =	shalt  }
0x75: {  	_ =	shalt  }
0x76: {  	_ =	shalt  }
0x77: {  	_ =	shalt  }
0x78: {  	_ =	shalt  }
0x79: {  	_ =	shalt  }
0x7a: {  	_ =	shalt  }
0x7b: {  	_ =	shalt  }
0x7c: {  	_ =	shalt  }
0x7d: {  	_ =	shalt  }
0x7e: {  	_ =	shalt  }
0x7f: {  	_ =	shalt  }
0x80: {  	_ =	shalt  }
0x81: {  	_ =	shalt  }
0x82: {  	_ =	shalt  }
0x83: {  	_ =	shalt  }
0x84: {  	_ =	shalt  }
0x85: {  	_ =	shalt  }
0x86: {  	_ =	shalt  }
0x87: {  	_ =	shalt  }
.Lfunc_end0:
.L_simem_size_0:
called_computation.3_lowered:
.L_overlay_start_0:
0x88: {  	s2 =	sld [smem:$0x3FD9]  }
0x89: {  	s3 =	sld [smem:$0x3FFE];
	_ =	sdelay $0x1  }
0x8a: {  	s1 =	srdreg.scid  }
0x8b: {  	s0 =	sand.u32 $0x1, s1  }
0x8c: {  	s16 =	sshll.u32 s0, $0xA;
	s2 =	sadd.s32 s3, s2  }
0x8d: {  	s2 =	sadd.s32 s2, s16  }
0x8e: {  	[smem:$0x3FB3] =	sst s2  }
0x8f: {  	_ = 	snop  }
0x90: {  	(tm) =	ssettm $0x1  }
0x91: {  	s17 =	sld [smem:$0x3FFB];
	_ =	sdelay $0x3  }
0x92: {  	_ =	strace s17  }
0x93: {  	s2 =	sld [smem:$0x3FFC];
	_ =	sdelay $0x3  }
0x94: {  	_ =	strace s2  }
0x95: {  	s2 =	sld [smem:$0x3FFD];
	_ =	sdelay $0x3  }
0x96: {  	_ =	strace s2  }
0x97: {  	_ =	strace $0x8FFFFFFF  }
0x98: {  	s18 =	sld [smem:$0x3FDB];
	_ =	sdelay $0x1  }
0x99: {  	s19 =	simm.s32 $_scs_section_size  }
0x9a: {  	s4 =	simm.s32 $_size__tile_overlayer_lowered;
	s5 =	simm.s32 $_tile_overlayer_lowered  }
0x9b: {  	s22 =	simm.s32 $0x1BFF;
	s21 =	sshll.u32 s5, $0x1;
	s2 =	sadd.s32 s19, s18  }
0x9c: {  	s6 =	simm.s32 $0x0;
	s20 =	sshll.u32 s4, $0x1;
	s4 =	sadd.s32 s21, s2  }
0x9d: {  	[timem:s6], [sflag:s22] =	dma.local [hbm:s4], s20  }
0x9e: {  	_ =	swait.ge [sflag:s22], s20  }
0x9f: {  	s3 =	ssub.s32 $0x0, s20;
	[sflag:s22] =	ssyncset.done $0x0  }
0xa0: {  	[sflag:s22] =	ssyncadd.s32 s3;
	_ =	sdelay $0x1  }
0xa1: {  	s23 =	simm.s32 $0x1B8B  }
0xa2: {  	_ =	swait.ge [sflag:s23], $0x1  }
0xa3: {  	[sflag:s23] =	ssyncset.done $0x0  }
0xa4: {  	s25 =	simm.s32 $0x1B8E;
	s24 =	sld [smem:$0x3FFE];
	[sflag:s23] =	ssyncadd.s32 $0xFFFFFFFF  }
0xa5: {  	s26 =	simm.s32 $execute0_lowered;
	[smem:$0x3FD2] =	sst s25  }
0xa6: {  	s4 =	sshll.u32 s26, $0x1;
	_ =	strace $0x8000004F;
	[dreg:$0x1] =	wrdreg $0xFFFFFFFF  }
0xa7: {  	s28 =	simm.s32 $_size_execute0_lowered;
	s2 =	sadd.s32 s2, s4;
	[dreg:$0x0] =	wrdreg $0x0  }
0xa8: {  	s4 =	sshll.u32 s28, $0x1;
	[dreg:$0x2] =	wrdreg s2  }
0xa9: {  	[dreg:$0x3] =	wrdreg s4  }
0xaa: {  	[dreg:$0x4] =	wrdreg $0xC0  }
0xab: {  	_ =	task [dreg:s6], $0x5FFFF  }
0xac: {  	[dreg:$0x1] =	wrdreg $0xFFFFFFFF  }
0xad: {  	[dreg:$0x0] =	wrdreg $0x60  }
0xae: {  	[dreg:$0x2] =	wrdreg s24  }
0xaf: {  	[dreg:$0x3] =	wrdreg $0x0  }
0xb0: {  	[dreg:$0x4] =	wrdreg $0x9  }
0xb1: {  	_ =	task.clear_ibuf [dreg:s6], $0x5FFFF;
	_ =	strace $0x9000004F  }
0xb2: {  	s29 =	simm.s32 $0x9;
	_ =	strace $0x80000051  }
0xb3: {  	_ =	swait.ge [sflag:s29], $0x1  }
0xb4: {  	[sflag:s29] =	ssyncadd.s32 $0xFFFFFFFF  }
0xb5: {  	_ =	strace $0x90000051  }
0xb6: {  	_ =	sfence  }
0xb7: {  	s30 =	sld [smem:$0x0];
	_ =	sdelay $0x2  }
0xb8: {  	s31 =	sshll.u32 s1, $0xD;
	s1 =	sshrl.u32 s1, $0x2  }
0xb9: {  	s3 =	sand.u32 $0x4000, s31;
	s1 =	sadd.s32 s1, s30  }
0xba: {  	s0 =	sor.u32 s3, s0;
	s1 =	sshll.u32 s1, $0x11  }
0xbb: {  	s0 =	sor.u32 s1, s0  }
0xbc: {  	s0 =	sadd.s32 $0x8F2B, s0  }
0xbd: {  	[sflag:s0] =	ssyncadd.remote.s32 $0x1  }
0xbe: {  	_ =	sfence.sel $0xFFFF  }
0xbf: {  	[dreg:$0x0] =	wrdreg $0xFFFFFFFF;
	(pc) =	sbr.abs _section_cstart, $3  }
0xc0: {  	[dreg:$0x1] =	wrdreg $0xFFFFFFFF  }
0xc1: {  	_ =	task.clear_ibuf [dreg:s6], $0x2FFFF;
	_ =	strace $0x9FFFFFFF  }
0xc2: {  	(tm) =	ssettm $0x7FFFFFFF  }
0xc3: {  	_ =	shalt  }
tec
execute0_lowered:
.L_overlay_start_1:
0x0: {  	(tag) =	ssettag $0x1  }
0x1: {  	s0 =	rddreg [dreg:$0x0]  }
0x2: {  	s1 =	rddreg [dreg:$0x1]  }
0x3: {  	s2 =	simm.s32 $0x0;
	s3 =	srdreg.scid;
	s12 =	stileid.u32  }
0x4: {  	s19 =	simm.s32 $0x1E200;
	s29 =	simm.s32 $0x14180;
	s30 =	simm.s32 $0x1  }
0x5: {  	s31 =	simm.s32 $0x3;
	s28 =	simm.s32 $0x16A00;
	[smem:$0x7FF] =	sst s2  }
0x6: {  	s3 =	sand.u32 $0x1, s3;
	s4 =	sadd.s32 $0x19800, s0;
	s8 =	smul.u32 $0x14000, s12  }
0x7: {  	s9 =	sshll.u32 s12, $0x1;
	s5 =	sadd.s32 $0x574600, s0;
	s12 =	smul.u32 $0x50000, s12  }
0x8: {  	s6 =	sadd.s32 $0x5C00, s0;
	s7 =	smul.u32 $0x140000, s3;
	s10 =	sor.u32 s3, s9  }
0x9: {  	_ =	strace $0x80000050;
	s3 =	ssub.s32 $0x2, s3;
	s13 =	smul.u32 $0x27100, s10  }
0xa: {  	s11 =	sshrl.u32 s3, $0x1;
	s21 =	sshrl.u32 s12, $0x2;
	s12 =	smul.u32 $0x7D, s10  }
0xb: {  	s8 =	sadd.s32 s8, s7;
	s7 =	smul.u32 $0x2710, s10;
	s3 =	ssub.s32 s3, s11  }
0xc: {  	s9 =	sadd.s32 s21, s1;
	s21 =	simm.s32 $0x14000;
	s20 =	sshrl.u32 s8, $0x3  }
0xd: {  	s8 =	sadd.s32 $0xFA00, s0;
	s25 =	sadd.s32 s5, s13;
	s3 =	smax.u32 s3, $0x1  }
0xe: {  	s0 =	sadd.s32 s20, s0;
	s22 =	sshrl.u32 s7, $0x3;
	[dreg:$0x5] =	wrdreg s25  }
0xf: {  	s16 =	sadd.s32 $0xF0, s7;
	[dreg:$0x8] =	wrdreg s3;
	s20 =	simm.s32 $0x7  }
0x10: {  	s25 =	simm.s32 $0x14200;
	s3 =	simm.s32 $0x4;
	s23 =	sadd.s32 s6, s22  }
0x11: {  	s24 =	sadd.s32 s8, s22;
	s26 =	sadd.s32 $0xA, s22;
	s18 =	sadd.s32 $0x41800, s0  }
0x12: {  	s22 =	simm.s32 $0x5;
	s0 =	simm.s32 $0x2;
	[dreg:$0x3] =	wrdreg s23  }
0x13: {  	[dreg:$0x4] =	wrdreg s24;
	s11 =	sadd.s32 s6, s26;
	s10 =	sadd.s32 s8, s26  }
0x14: {  	s23 =	simm.s32 $0x14100;
	s24 =	simm.s32 $0x50;
	[dreg:$0x6] =	wrdreg s11  }
0x15: {  	v0 =	vimm.f32 $0.0e+00;
	s26 =	simm.s32 $0x19200;
	[dreg:$0x7] =	wrdreg s10;
	s11 =	simm.s32 $0x0  }
.LBB2_1:
0x16: {  	[dreg:$0x9] =	wrdreg s11;
	s11 =	simm.s32 $0x0;
	s13 =	simm.s32 $0x200  }
.LBB2_2:
0x17: {  	p0 =	sne.s32 s13, $0x1E00;
	[tilespmem:s11+$0x1E270] =	vst v0  }
0x18: {  	[tilespmem:s11+$0x1E200] =	vst v0  }
0x19: {  	[tilespmem:s11+$0x1E210] =	vst v0  }
.Ltmp0:
0x1a: {  	[tilespmem:s11+$0x1E220] =	vst v0;
	(pc) =	sbr.rel @p0 .LBB2_2-.Ltmp0, $4  }
0x1b: {  	[tilespmem:s11+$0x1E230] =	vst v0  }
0x1c: {  	[tilespmem:s11+$0x1E240] =	vst v0  }
0x1d: {  	[tilespmem:s11+$0x1E250] =	vst v0  }
0x1e: {  	[tilespmem:s11+$0x1E260] =	vst v0;
	s11 =	sshra.s32 s13, $0x2;
	s13 =	sadd.s32 $0x200, s13  }
0x1f: {  	[tilespmem:s11+$0x1E270] =	vst v0  }
0x20: {  	[tilespmem:s11+$0x1E200] =	vst v0  }
0x21: {  	[tilespmem:s11+$0x1E210] =	vst v0  }
0x22: {  	[tilespmem:s11+$0x1E220] =	vst v0  }
0x23: {  	[tilespmem:s11+$0x1E230] =	vst v0  }
0x24: {  	[tilespmem:s11+$0x1E240] =	vst v0  }
0x25: {  	[tilespmem:s11+$0x1E250] =	vst v0  }
0x26: {  	[tilespmem:s11+$0x1E260] =	vst v0;
	s17 =	sadd.s32 $0x0, s9  }
0x27: {  	[spmem:s17] =	stream.linear.scatter [tilespmem:s19], [sflag:$0x7], $0x800, $0x38;
	[tilespmem:$0x1EA00] =	vst v63  }
0x28: {  	s11 =	simm.s32 $0x2000;
	_ =	swait.ge [sflag:s20], $0x800  }
.LBB2_4:
0x29: {  	s13 =	sshra.s32 s11, $0x2;
	[sflag:s20] =	ssyncset.done $0x0;
	p0 =	sne.s32 s11, $0x4E000  }
.Ltmp1:
0x2a: {  	s13 =	sadd.s32 s13, s9;
	[sflag:s20] =	ssyncadd.s32 $0xFFFFF800;
	(pc) =	sbr.rel @p0 .LBB2_4-.Ltmp1, $3  }
0x2b: {  	[spmem:s13] =	stream.linear.scatter [tilespmem:s19], [sflag:$0x7], $0x800, $0x38;
	[tilespmem:$0x1EA00] =	vst v63  }
0x2c: {  	s11 =	sadd.s32 $0x2000, s11;
	_ =	sdelay $0x1  }
0x2d: {  	_ =	swait.ge [sflag:s20], $0x800  }
0x2e: {  	[sflag:s20] =	ssyncset.done $0x0  }
0x2f: {  	[sflag:s20] =	ssyncadd.s32 $0xFFFFF800  }
0x30: {  	[bflag:$0x0] =	sbarrier.arrive $0xFFFF  }
0x31: {  	s11 =	simm.s32 $0x0;
	s10 =	rddreg [dreg:$0x3]  }
0x32: {  	[tilespmem:s21], [sflag:$0x5] =	stream.linear.gather [hbm4b:s10+s11], $0x50, $0x38;
	[tilespmem:$0x1EA00] =	vst v63  }
0x33: {  	_ =	swait.ge [sflag:s22], $0x50  }
0x34: {  	[sflag:s22] =	ssyncset.done $0x0  }
0x35: {  	s13 =	rddreg [dreg:$0x4];
	[sflag:s22] =	ssyncadd.s32 $0xFFFFFFB0  }
0x36: {  	[tilespmem:s23], [sflag:$0x5] =	stream.linear.gather [hbm4b:s13+s11], $0x50, $0x38;
	[tilespmem:$0x1EA00] =	vst v63  }
0x37: {  	_ =	swait.ge [sflag:s22], $0x50  }
0x38: {  	[sflag:s22] =	ssyncset.done $0x0  }
0x39: {  	[sflag:s22] =	ssyncadd.s32 $0xFFFFFFB0  }
0x3a: {  	[tilespmem:s25], [sflag:$0x1] =	stream.indirect.gather [hbm4b:s4+s24], $0x80, s21, s24, $0xb8;
	[tilespmem:$0x1EA00] =	vst v63  }
0x3b: {  	s14 =	rddreg [dreg:$0x5]  }
0x3c: {  	[tilespmem:s26], [sflag:$0x3] =	stream.linear.gather [hbm4b:s14+s11], $0x2800, $0x38;
	[tilespmem:$0x1EA00] =	vst v63  }
.Ltmp2:
0x3d: {  	_ = 	snop;
	(pc) =	sbr.rel .LBB2_6-.Ltmp2, $4  }
0x3e: {  	s13 =	simm.s32 $0x14080;
	s15 =	rddreg [dreg:$0x6]  }
0x3f: {  	[tilespmem:s13], [sflag:$0x6] =	stream.linear.gather [hbm4b:s15+s11], $0x50, $0x38;
	[tilespmem:$0x1EA00] =	vst v63  }
0x40: {  	s17 =	rddreg [dreg:$0x7]  }
0x41: {  	[tilespmem:s29], [sflag:$0x6] =	stream.linear.gather [hbm4b:s17+s11], $0x50, $0x38;
	[tilespmem:$0x1EA00] =	vst v63  }
.LBB2_12:
0x42: {  	s11 =	sadd.s32 $0x1, s11  }
0x43: {  	p0 =	sne.s32 s11, $0x3F  }
.Ltmp3:
0x44: {  	_ = 	snop;
	(pc) =	sbr.rel @!p0 .LBB2_13-.Ltmp3, $1  }
0x45: {  	_ =	sdelay $0x3  }
.LBB2_6:
0x46: {  	_ =	swait.ge [sflag:s30], $0x2800  }
0x47: {  	[sflag:s30] =	ssyncset.done $0x0  }
0x48: {  	[sflag:s30] =	ssyncadd.s32 $0xFFFFD800  }
0x49: {  	s13 =	sshllo.u32 s11, $0x1;
	_ =	swait.ge [sflag:s31], $0x2800  }
0x4a: {  	p0 =	sgt.u32 s13, $0x7C;
	[sflag:s31] =	ssyncset.done $0x0  }
0x4b: {  	s14 =	simm.s32 @!p0 $0x6;
	[sflag:s31] =	ssyncadd.s32 $0xFFFFD800  }
0x4c: {  	_ =	swait.ge @!p0 [sflag:s14], $0x50  }
0x4d: {  	[sflag:s14] =	ssyncset.done @!p0 $0x0  }
0x4e: {  	[sflag:s14] =	ssyncadd.s32 @!p0 $0xFFFFFFB0  }
0x4f: {  	s13 =	sadd.s32 @!p0 s12, s13;
	_ =	swait.ge @!p0 [sflag:s14], $0x50  }
0x50: {  	s15 =	simm.s32 @!p0 $0x14080;
	s17 =	simm.s32 @!p0 $0x16A00;
	[sflag:s14] =	ssyncset.done @!p0 $0x0  }
0x51: {  	s13 =	smul.u32 @!p0 $0x500, s13;
	[sflag:s14] =	ssyncadd.s32 @!p0 $0xFFFFFFB0;
	s14 =	simm.s32 @!p0 $0x50  }
0x52: {  	[tilespmem:s17], [sflag:$0x2] =	stream.indirect.gather @!p0 [hbm4b:s4+s14], $0x80, s15, s14, $0xb8;
	[tilespmem:$0x1EA00] =	vst v63  }
0x53: {  	s13 =	sadd.s32 @!p0 s5, s13;
	s14 =	simm.s32 @!p0 $0x0;
	s15 =	simm.s32 @!p0 $0x1BA00  }
0x54: {  	[tilespmem:s15], [sflag:$0x4] =	stream.linear.gather @!p0 [hbm4b:s13+s14], $0x2800, $0x38;
	[tilespmem:$0x1EA00] =	vst v63  }
0x55: {  	s13 =	simm.s32 $0x0  }
0x56: {  	v5 =	vld [tilespmem:s13+$0x19200]  }
0x57: {  	v3 =	vld [tilespmem:s13+$0x19210]  }
0x58: {  	v2 =	vld [tilespmem:s13+$0x19220]  }
0x59: {  	v1 =	vld [tilespmem:s13+$0x19230]  }
0x5a: {  	v9 =	vld [tilespmem:s13+$0x14200]  }
0x5b: {  	v8 =	vld [tilespmem:s13+$0x14210]  }
0x5c: {  	v7 =	vld [tilespmem:s13+$0x14220]  }
0x5d: {  	v6 =	vld [tilespmem:s13+$0x14230]  }
0x5e: {  	v4 =	vld [tilespmem:s13+$0x14240];
	v11 =	vshll.u32 v5, $0x10  }
0x5f: {  	s14 =	sshll.u32 s11, $0x1;
	s15 =	simm.s32 $0x200;
	v10 =	vand.u32 $0xFFFF0000, v5;
	v5 =	vld [tilespmem:s13+$0x14250];
	v9 =	vmul.f32 v11, v9  }
.LBB2_7:
0x60: {  	p1 =	sne.s32 s15, $0x9E00;
	v8 =	vmul.f32 v10, v8;
	v10 =	vshll.u32 v3, $0x10;
	v11 =	vld [tilespmem:s13+$0x14260]  }
0x61: {  	s17 =	sshra.s32 s15, $0x2;
	v3 =	vand.u32 $0xFFFF0000, v3;
	[tilespmem:s13+$0x14200] =	vst v9;
	v7 =	vmul.f32 v10, v7;
	v9 =	vld [tilespmem:s13+$0x14270]  }
0x62: {  	v10 =	vld [tilespmem:s17+$0x19200];
	[tilespmem:s13+$0x14210] =	vst v8;
	v6 =	vmul.f32 v3, v6;
	v8 =	vshll.u32 v2, $0x10  }
0x63: {  	v3 =	vld [tilespmem:s17+$0x19210];
	[tilespmem:s13+$0x14220] =	vst v7;
	v7 =	vand.u32 $0xFFFF0000, v2;
	v4 =	vmul.f32 v8, v4  }
0x64: {  	v2 =	vld [tilespmem:s17+$0x19220];
	[tilespmem:s13+$0x14230] =	vst v6;
	v5 =	vmul.f32 v7, v5;
	v6 =	vshll.u32 v1, $0x10  }
0x65: {  	[tilespmem:s13+$0x14240] =	vst v4;
	v4 =	vand.u32 $0xFFFF0000, v1;
	v1 =	vld [tilespmem:s17+$0x19230];
	v6 =	vmul.f32 v6, v11  }
0x66: {  	v11 =	vld [tilespmem:s17+$0x14200];
	[tilespmem:s13+$0x14250] =	vst v5;
	v4 =	vmul.f32 v4, v9  }
.Ltmp4:
0x67: {  	v8 =	vld [tilespmem:s17+$0x14210];
	[tilespmem:s13+$0x14260] =	vst v6;
	(pc) =	sbr.rel @p1 .LBB2_7-.Ltmp4, $4  }
0x68: {  	v7 =	vld [tilespmem:s17+$0x14220];
	[tilespmem:s13+$0x14270] =	vst v4;
	s13 =	smov.u32 s17  }
0x69: {  	v6 =	vld [tilespmem:s13+$0x14230]  }
0x6a: {  	v5 =	vshll.u32 v10, $0x10;
	v4 =	vld [tilespmem:s13+$0x14240]  }
0x6b: {  	s15 =	sadd.s32 $0x200, s15;
	v10 =	vand.u32 $0xFFFF0000, v10;
	v9 =	vmul.f32 v5, v11;
	v5 =	vld [tilespmem:s13+$0x14250]  }
0x6c: {  	v11 =	vld [tilespmem:s13+$0x14260];
	v8 =	vmul.f32 v10, v8;
	v61 =	vshll.u32 v3, $0x10  }
0x6d: {  	v3 =	vand.u32 $0xFFFF0000, v3;
	v62 =	vld [tilespmem:s13+$0x14270];
	[tilespmem:s13+$0x14200] =	vst v9;
	v7 =	vmul.f32 v61, v7  }
0x6e: {  	v63 =	vshll.u32 v2, $0x10;
	[tilespmem:s13+$0x14210] =	vst v8;
	v3 =	vmul.f32 v3, v6  }
0x6f: {  	v2 =	vand.u32 $0xFFFF0000, v2;
	[tilespmem:s13+$0x14220] =	vst v7;
	v4 =	vmul.f32 v63, v4  }
0x70: {  	[tilespmem:s13+$0x14230] =	vst v3;
	v2 =	vmul.f32 v2, v5;
	v3 =	vshll.u32 v1, $0x10  }
0x71: {  	v1 =	vand.u32 $0xFFFF0000, v1;
	[tilespmem:s13+$0x14240] =	vst v4;
	v3 =	vmul.f32 v3, v11  }
0x72: {  	v1 =	vmul.f32 v1, v62;
	[tilespmem:s13+$0x14250] =	vst v2  }
0x73: {  	[tilespmem:s13+$0x14260] =	vst v3  }
0x74: {  	p1 =	seq.s32 s11, $0x3E;
	[tilespmem:s13+$0x14270] =	vst v1;
	s13 =	sadd.s32 $0x2, s14  }
0x75: {  	s14 =	smul.u32 @!p1 $0x50, s13  }
0x76: {  	[spmem:s1] =	stream.indirect.scatter.add.f32 [tilespmem:s25], [sflag:$0x7], $0x80, s23, s24, $0xb8;
	[tilespmem:$0x1EA00] =	vst v63  }
0x77: {  	s17 =	simm.s32 @!p1 $0x0;
	_ =	swait.ge [sflag:s20], $0x2800;
	s14 =	sadd.s32 @!p1 s7, s14  }
.Ltmp5:
0x78: {  	[sflag:s20] =	ssyncset.done $0x0;
	s14 =	sshrl.u32 @!p1 s14, $0x3;
	(pc) =	sbr.rel @p0 .LBB2_12-.Ltmp5, $4  }
0x79: {  	s10 =	simm.s32 @!p1 $0x14000;
	[sflag:s20] =	ssyncadd.s32 $0xFFFFD800;
	s15 =	sadd.s32 @!p1 s6, s14  }
0x7a: {  	[tilespmem:s10], [sflag:$0x5] =	stream.linear.gather @!p1 [hbm4b:s15+s17], $0x50, $0x38;
	[tilespmem:$0x1EA00] =	vst v63  }
0x7b: {  	s10 =	sadd.s32 @!p1 s8, s14;
	s14 =	simm.s32 @!p1 $0x14100  }
0x7c: {  	[tilespmem:s14], [sflag:$0x5] =	stream.linear.gather @!p1 [hbm4b:s10+s17], $0x50, $0x38;
	[tilespmem:$0x1EA00] =	vst v63  }
0x7d: {  	_ =	swait.ge [sflag:s0], $0x2800  }
0x7e: {  	[sflag:s0] =	ssyncset.done $0x0  }
0x7f: {  	[sflag:s0] =	ssyncadd.s32 $0xFFFFD800  }
0x80: {  	_ =	swait.ge [sflag:s3], $0x2800  }
0x81: {  	[sflag:s3] =	ssyncset.done $0x0  }
0x82: {  	[sflag:s3] =	ssyncadd.s32 $0xFFFFD800  }
0x83: {  	_ =	swait.ge [sflag:s22], $0x50  }
0x84: {  	[sflag:s22] =	ssyncset.done $0x0  }
0x85: {  	[sflag:s22] =	ssyncadd.s32 $0xFFFFFFB0  }
0x86: {  	_ =	swait.ge [sflag:s22], $0x50  }
0x87: {  	s10 =	sadd.s32 s12, s13;
	[sflag:s22] =	ssyncset.done $0x0  }
0x88: {  	s10 =	smul.u32 $0x500, s10;
	[sflag:s22] =	ssyncadd.s32 $0xFFFFFFB0  }
0x89: {  	[tilespmem:s25], [sflag:$0x1] =	stream.indirect.gather [hbm4b:s4+s24], $0x80, s21, s24, $0xb8;
	[tilespmem:$0x1EA00] =	vst v63  }
0x8a: {  	s17 =	simm.s32 $0x0;
	s13 =	simm.s32 $0x0;
	s10 =	sadd.s32 s5, s10  }
0x8b: {  	[tilespmem:s26], [sflag:$0x3] =	stream.linear.gather [hbm4b:s10+s17], $0x2800, $0x38;
	[tilespmem:$0x1EA00] =	vst v63  }
0x8c: {  	v5 =	vld [tilespmem:s13+$0x1BA00]  }
0x8d: {  	v3 =	vld [tilespmem:s13+$0x1BA10]  }
0x8e: {  	v2 =	vld [tilespmem:s13+$0x1BA20]  }
0x8f: {  	v1 =	vld [tilespmem:s13+$0x1BA30]  }
0x90: {  	v9 =	vld [tilespmem:s13+$0x16A00]  }
0x91: {  	v8 =	vld [tilespmem:s13+$0x16A10]  }
0x92: {  	v7 =	vld [tilespmem:s13+$0x16A20]  }
0x93: {  	v6 =	vld [tilespmem:s13+$0x16A30]  }
0x94: {  	v4 =	vld [tilespmem:s13+$0x16A40];
	v11 =	vshll.u32 v5, $0x10  }
0x95: {  	s14 =	simm.s32 $0x200;
	v10 =	vand.u32 $0xFFFF0000, v5;
	v5 =	vld [tilespmem:s13+$0x16A50];
	v9 =	vmul.f32 v11, v9  }
.LBB2_10:
0x96: {  	p0 =	sne.s32 s14, $0x9E00;
	v8 =	vmul.f32 v10, v8;
	v10 =	vshll.u32 v3, $0x10;
	v11 =	vld [tilespmem:s13+$0x16A60]  }
0x97: {  	s10 =	sshra.s32 s14, $0x2;
	v3 =	vand.u32 $0xFFFF0000, v3;
	[tilespmem:s13+$0x16A00] =	vst v9;
	v7 =	vmul.f32 v10, v7;
	v9 =	vld [tilespmem:s13+$0x16A70]  }
0x98: {  	v10 =	vld [tilespmem:s10+$0x1BA00];
	[tilespmem:s13+$0x16A10] =	vst v8;
	v6 =	vmul.f32 v3, v6;
	v8 =	vshll.u32 v2, $0x10  }
0x99: {  	v3 =	vld [tilespmem:s10+$0x1BA10];
	[tilespmem:s13+$0x16A20] =	vst v7;
	v7 =	vand.u32 $0xFFFF0000, v2;
	v4 =	vmul.f32 v8, v4  }
0x9a: {  	v2 =	vld [tilespmem:s10+$0x1BA20];
	[tilespmem:s13+$0x16A30] =	vst v6;
	v5 =	vmul.f32 v7, v5;
	v6 =	vshll.u32 v1, $0x10  }
0x9b: {  	[tilespmem:s13+$0x16A40] =	vst v4;
	v4 =	vand.u32 $0xFFFF0000, v1;
	v1 =	vld [tilespmem:s10+$0x1BA30];
	v6 =	vmul.f32 v6, v11  }
0x9c: {  	v11 =	vld [tilespmem:s10+$0x16A00];
	[tilespmem:s13+$0x16A50] =	vst v5;
	v4 =	vmul.f32 v4, v9  }
.Ltmp6:
0x9d: {  	v8 =	vld [tilespmem:s10+$0x16A10];
	[tilespmem:s13+$0x16A60] =	vst v6;
	(pc) =	sbr.rel @p0 .LBB2_10-.Ltmp6, $4  }
0x9e: {  	v7 =	vld [tilespmem:s10+$0x16A20];
	[tilespmem:s13+$0x16A70] =	vst v4;
	s13 =	smov.u32 s10  }
0x9f: {  	v6 =	vld [tilespmem:s13+$0x16A30]  }
0xa0: {  	v5 =	vshll.u32 v10, $0x10;
	v4 =	vld [tilespmem:s13+$0x16A40]  }
0xa1: {  	s14 =	sadd.s32 $0x200, s14;
	v10 =	vand.u32 $0xFFFF0000, v10;
	v9 =	vmul.f32 v5, v11;
	v5 =	vld [tilespmem:s13+$0x16A50]  }
0xa2: {  	v11 =	vld [tilespmem:s13+$0x16A60];
	v8 =	vmul.f32 v10, v8;
	v61 =	vshll.u32 v3, $0x10  }
0xa3: {  	v3 =	vand.u32 $0xFFFF0000, v3;
	v62 =	vld [tilespmem:s13+$0x16A70];
	[tilespmem:s13+$0x16A00] =	vst v9;
	v7 =	vmul.f32 v61, v7  }
0xa4: {  	v63 =	vshll.u32 v2, $0x10;
	[tilespmem:s13+$0x16A10] =	vst v8;
	v3 =	vmul.f32 v3, v6  }
0xa5: {  	v2 =	vand.u32 $0xFFFF0000, v2;
	[tilespmem:s13+$0x16A20] =	vst v7;
	v4 =	vmul.f32 v63, v4  }
0xa6: {  	[tilespmem:s13+$0x16A30] =	vst v3;
	v2 =	vmul.f32 v2, v5;
	v3 =	vshll.u32 v1, $0x10  }
0xa7: {  	v1 =	vand.u32 $0xFFFF0000, v1;
	[tilespmem:s13+$0x16A40] =	vst v4;
	v3 =	vmul.f32 v3, v11  }
0xa8: {  	v1 =	vmul.f32 v1, v62;
	[tilespmem:s13+$0x16A50] =	vst v2  }
0xa9: {  	p0 =	sgt.u32 s11, $0x3C;
	[tilespmem:s13+$0x16A60] =	vst v3  }
0xaa: {  	s10 =	smul.u32 @!p0 $0xA0, s11;
	[tilespmem:s13+$0x16A70] =	vst v1  }
0xab: {  	[spmem:s1] =	stream.indirect.scatter.add.f32 [tilespmem:s28], [sflag:$0x7], $0x80, s29, s24, $0xb8;
	[tilespmem:$0x1EA00] =	vst v63  }
0xac: {  	s14 =	simm.s32 @!p0 $0x0;
	s10 =	sadd.s32 @!p0 s10, s16;
	_ =	swait.ge [sflag:s20], $0x2800  }
.Ltmp7:
0xad: {  	s10 =	sshrl.u32 @!p0 s10, $0x3;
	[sflag:s20] =	ssyncset.done $0x0;
	(pc) =	sbr.rel .LBB2_12-.Ltmp7, $4  }
0xae: {  	s15 =	simm.s32 @!p0 $0x14080;
	s13 =	sadd.s32 @!p0 s6, s10;
	[sflag:s20] =	ssyncadd.s32 $0xFFFFD800  }
0xaf: {  	[tilespmem:s15], [sflag:$0x6] =	stream.linear.gather @!p0 [hbm4b:s13+s14], $0x50, $0x38;
	[tilespmem:$0x1EA00] =	vst v63  }
0xb0: {  	s10 =	sadd.s32 @!p0 s8, s10;
	s13 =	simm.s32 @!p0 $0x14180  }
0xb1: {  	[tilespmem:s13], [sflag:$0x6] =	stream.linear.gather @!p0 [hbm4b:s10+s14], $0x50, $0x38;
	[tilespmem:$0x1EA00] =	vst v63  }
.LBB2_13:
0xb2: {  	[bflag:$0x0] =	sbarrier.arrive $0xFFFF  }
0xb3: {  	[tilespmem:s19], [sflag:$0x7] =	stream.linear.gather [spmem:s9], $0x800, $0x38;
	[tilespmem:$0x1EA00] =	vst v63  }
0xb4: {  	_ =	swait.ge [sflag:s20], $0x800  }
0xb5: {  	[sflag:s20] =	ssyncset.done $0x0  }
0xb6: {  	s10 =	sadd.s32 $0x0, s18;
	[sflag:s20] =	ssyncadd.s32 $0xFFFFF800  }
0xb7: {  	[hbm4b:s10+s2] =	stream.linear.scatter [tilespmem:s19], [sflag:$0x7], $0x800, $0x38;
	[tilespmem:$0x1EA00] =	vst v63  }
0xb8: {  	_ =	swait.ge [sflag:s20], $0x800  }
0xb9: {  	s11 =	simm.s32 $0x100;
	s13 =	smov.u32 s9;
	[sflag:s20] =	ssyncset.done $0x0  }
.LBB2_14:
0xba: {  	p0 =	sne.s32 s11, $0x2700;
	[sflag:s20] =	ssyncadd.s32 $0xFFFFF800;
	s13 =	sadd.s32 $0x800, s13  }
0xbb: {  	[tilespmem:s19], [sflag:$0x7] =	stream.linear.gather [spmem:s13], $0x800, $0x38;
	[tilespmem:$0x1EA00] =	vst v63  }
0xbc: {  	s10 =	smov.u32 s11;
	s11 =	sadd.s32 $0x100, s11;
	_ =	swait.ge [sflag:s20], $0x800  }
.Ltmp8:
0xbd: {  	[sflag:s20] =	ssyncset.done $0x0;
	(pc) =	sbr.rel @p0 .LBB2_14-.Ltmp8, $4  }
0xbe: {  	s10 =	sadd.s32 s10, s18;
	[sflag:s20] =	ssyncadd.s32 $0xFFFFF800  }
0xbf: {  	[hbm4b:s10+s2] =	stream.linear.scatter [tilespmem:s19], [sflag:$0x7], $0x800, $0x38;
	[tilespmem:$0x1EA00] =	vst v63  }
0xc0: {  	_ =	swait.ge [sflag:s20], $0x800  }
0xc1: {  	[sflag:s20] =	ssyncset.done $0x0  }
0xc2: {  	s11 =	rddreg [dreg:$0x9]  }
0xc3: {  	s10 =	rddreg [dreg:$0x8];
	s11 =	sadd.s32 $0x1, s11  }
0xc4: {  	p0 =	sne.s32 s11, s10  }
.Ltmp9:
0xc5: {  	_ = 	snop;
	(pc) =	sbr.rel @p0 .LBB2_1-.Ltmp9, $2  }
0xc6: {  	_ =	sdelay $0x2  }
0xc7: {  	[sflag:s20] =	ssyncadd.s32 $0xFFFFF800  }
0xc8: {  	_ =	sfence.sel $0x180000  }
0xc9: {  	[bflag:$0x0] =	sbarrier.arrive $0xFFFF  }
0xca: {  	_ =	strace $0x90000050  }
0xcb: {  	s0 =	stileid.u32;
	[bflag:$0x2] =	sbarrier.arrive $0xFFFF  }
0xcc: {  	p0 =	sne.s32 s0, $0x0;
	s0 =	rddreg [dreg:$0x2]  }
0xcd: {  	s0 =	sadd.s32 @!p0 $0x100000, s0  }
0xce: {  	[sflag:s0] =	ssyncadd.tile.s32 @!p0 $0x1;
	_ =	shalt  }
.Lfunc_end2:
_tile_overlayer_lowered:
.L_overlay_start_2:
0xcf: {  	(tag) =	ssettag $0x2  }
0xd0: {  	s0 =	rddreg [dreg:$0x0];
	s2 =	stileid.u32  }
0xd1: {  	s1 =	rddreg [dreg:$0x1];
	p0 =	sne.s32 s2, $0x0  }
0xd2: {  	s3 =	rddreg [dreg:$0x2];
	[bflag:$0x3] =	sbarrier.arrive $0xFFFF;
	s2 =	simm.s32 @!p0 $0x1C07  }
0xd3: {  	[timem:s3], [sflag:s2] =	dma.local @!p0 [hbm:s0], s1  }
0xd4: {  	s0 =	simm.s32 @!p0 $0x7  }
0xd5: {  	_ =	swait.ge @!p0 [sflag:s0], s1  }
0xd6: {  	s1 =	ssub.s32 @!p0 $0x0, s1;
	[sflag:s0] =	ssyncset.done @!p0 $0x0  }
0xd7: {  	[sflag:s0] =	ssyncadd.s32 @!p0 s1  }
0xd8: {  	[bflag:$0x3] =	sbarrier.arrive $0xFFFF  }
0xd9: {  	_ =	shalt  }

</sc_bundles>
